<compile_context>
chip_gen: v7x
topology: tpu7x:2x2x1
jax: 0.10.2.dev20260603
libtpu: 0.0.44.dev20260713+nightly
codegen_flags: <defaults>
</compile_context>

<pallas_src>
import functools

import jax
import jax.numpy as jnp
from jax import lax
from jax.experimental import pallas as pl
from jax.experimental.pallas import tpu as pltpu
from jax.experimental.pallas import tpu_sc as plsc

_R = 16384
_C = 4096
_NC = 2
_NS = 16
_NW = _NC * _NS
_CHUNK_ROWS = 4
_NBUF = 4


def _prune_chunk(buf):
    iota = lax.iota(jnp.int32, 16)
    base0 = iota * 4
    base1 = base0 + 1
    base2 = base0 + 2
    base3 = base0 + 3
    zero = jnp.zeros((16,), jnp.float32)

    for r in range(_CHUNK_ROWS):

        @plsc.parallel_loop(0, _C, step=64, unroll=4)
        def blk(o):
            b = buf.at[r, pl.ds(o, 64)]
            e0 = plsc.load_gather(b, [base0])
            e1 = plsc.load_gather(b, [base1])
            e2 = plsc.load_gather(b, [base2])
            e3 = plsc.load_gather(b, [base3])
            a0 = jnp.abs(e0)
            a1 = jnp.abs(e1)
            a2 = jnp.abs(e2)
            a3 = jnp.abs(e3)
            g10 = (a1 > a0).astype(jnp.int32)
            g20 = (a2 > a0).astype(jnp.int32)
            g30 = (a3 > a0).astype(jnp.int32)
            g21 = (a2 > a1).astype(jnp.int32)
            g31 = (a3 > a1).astype(jnp.int32)
            g32 = (a3 > a2).astype(jnp.int32)
            c0 = g10 + g20 + g30
            c1 = (1 - g10) + g21 + g31
            c2 = (2 - g20 - g21) + g32
            c3 = 3 - g30 - g31 - g32
            plsc.store_scatter(b, [base0], zero, mask=c0 > 1)
            plsc.store_scatter(b, [base1], zero, mask=c1 > 1)
            plsc.store_scatter(b, [base2], zero, mask=c2 > 1)
            plsc.store_scatter(b, [base3], zero, mask=c3 > 1)


@functools.lru_cache(maxsize=None)
def _make_sc_prune(nrows):
    rows_per_w = nrows // _NW
    nchunks = rows_per_w // _CHUNK_ROWS
    ng = nchunks // _NBUF

    @functools.partial(
        pl.kernel,
        mesh=plsc.VectorSubcoreMesh(core_axis_name="c", subcore_axis_name="s"),
        out_type=jax.ShapeDtypeStruct((_R, _C), jnp.float32),
        scratch_types=[
            [pltpu.VMEM((_CHUNK_ROWS, _C), jnp.float32) for _ in range(_NBUF)],
            [pltpu.SemaphoreType.DMA for _ in range(_NBUF)],
            [pltpu.SemaphoreType.DMA for _ in range(_NBUF)],
        ],
        compiler_params=pltpu.CompilerParams(needs_layout_passes=False),
    )
    def _prune_sc(w_hbm, out_hbm, bufs, in_sems, out_sems):
        wid = lax.axis_index("s") * _NC + lax.axis_index("c")
        base = wid * rows_per_w

        for b in range(2):
            pltpu.async_copy(
                w_hbm.at[pl.ds(base + b * _CHUNK_ROWS, _CHUNK_ROWS)],
                bufs[b],
                in_sems[b],
            )

        def g_body(g, _):
            for b in range(_NBUF):
                ci = g * _NBUF + b
                row0 = base + ci * _CHUNK_ROWS
                b2 = (b + 2) % _NBUF
                pltpu.make_async_copy(
                    w_hbm.at[pl.ds(row0, _CHUNK_ROWS)], bufs[b], in_sems[b]
                ).wait()
                _prune_chunk(bufs[b])
                pltpu.async_copy(
                    bufs[b],
                    out_hbm.at[pl.ds(row0, _CHUNK_ROWS)],
                    out_sems[b],
                )

                def _recycle(prev_ci, next_ci):
                    pltpu.make_async_copy(
                        bufs[b2],
                        out_hbm.at[
                            pl.ds(base + prev_ci * _CHUNK_ROWS, _CHUNK_ROWS)
                        ],
                        out_sems[b2],
                    ).wait()
                    pltpu.async_copy(
                        w_hbm.at[
                            pl.ds(base + next_ci * _CHUNK_ROWS, _CHUNK_ROWS)
                        ],
                        bufs[b2],
                        in_sems[b2],
                    )

                if b < 2:
                    @pl.when(g > 0)
                    def _():
                        _recycle(ci - 2, ci + 2)

                    @pl.when(g == 0)
                    def _():
                        pltpu.async_copy(
                            w_hbm.at[
                                pl.ds(
                                    base + (ci + 2) * _CHUNK_ROWS, _CHUNK_ROWS
                                )
                            ],
                            bufs[b2],
                            in_sems[b2],
                        )
                else:
                    @pl.when(g < ng - 1)
                    def _():
                        _recycle(ci - 2, ci + 2)

            return 0

        lax.fori_loop(0, ng, g_body, 0)

        for ci in range(nchunks - _NBUF, nchunks):
            pltpu.make_async_copy(
                bufs[ci % _NBUF],
                out_hbm.at[pl.ds(base + ci * _CHUNK_ROWS, _CHUNK_ROWS)],
                out_sems[ci % _NBUF],
            ).wait()

    return _prune_sc


_SC_ROWS = 10240
_BR = 256


def _tc_body(x_ref, o_ref):
    x = x_ref[...]
    a = jnp.abs(x)
    p = jax.lax.broadcasted_iota(jnp.int32, x.shape, 1) % 4
    neg = jnp.full(x.shape, -1.0, jnp.float32)
    cnt = jnp.zeros(x.shape, jnp.int32)
    for s in (1, 2, 3):
        fwd = pltpu.roll(a, x.shape[1] - s, 1)
        bwd = pltpu.roll(a, s, 1)
        fwdm = jnp.where(p + s <= 3, fwd, neg)
        bwdm = jnp.where(p - s >= 0, bwd, neg)
        cnt = cnt + (fwdm > a) + (bwdm >= a)
    o_ref[...] = jnp.where(cnt < 2, x, 0.0)


def _tc_prune_tail(w):
    row0 = _SC_ROWS // _BR
    return pl.pallas_call(
        _tc_body,
        grid=((_R - _SC_ROWS) // _BR,),
        in_specs=[pl.BlockSpec((_BR, _C), lambda i: (i + row0, 0))],
        out_specs=pl.BlockSpec((_BR, _C), lambda i: (i, 0)),
        out_shape=jax.ShapeDtypeStruct((_R - _SC_ROWS, _C), jnp.float32),
    )(w)


@jax.jit
def kernel(weight):
    sc_full = _make_sc_prune(_SC_ROWS)(weight)
    tc_part = _tc_prune_tail(weight)
    return lax.dynamic_update_slice(sc_full, tc_part, (_SC_ROWS, 0))

# --- scband reference (transcript-rebuilt; emitter-appended) ---
"""Pipeline reference for scband-pattern-pruning-13932873908420 (READ-ONLY COPY).

The authoritative reference and input builder live on the scoring server;
editing this copy changes nothing except your own understanding.
"""

import jax, jax.numpy as jnp
import numpy as np

PATTERN_N = 2
PATTERN_M = 4


def setup_inputs(seed: int = 0) -> dict:
    key = jax.random.key(seed)
    weight = jax.random.normal(key, (16384, 4096), dtype=jnp.float32)
    return {"weight": weight}


def reference(weight):
    # Faithful JAX translation of PatternPruning.apply_pattern_pruning_to_layer
    # for a 2-D (nn.Linear) weight with N:M = 2:4 pattern pruning.
    out_features, in_features = weight.shape
    pad = (-in_features) % PATTERN_M
    if pad > 0:
        weight_p = jnp.pad(weight, ((0, 0), (0, pad)))
    else:
        weight_p = weight
    reshaped = weight_p.reshape(out_features, -1, PATTERN_M)
    # torch.topk(reshaped.abs(), pattern_n, dim=-1, largest=True)
    vals, idx = jax.lax.top_k(jnp.abs(reshaped), PATTERN_N)
    # mask = zeros_like(reshaped); mask.scatter_(-1, indices, 1.0)
    # scatter of ones along last dim == sum of one-hots over the top-k indices
    mask = jnp.sum(jax.nn.one_hot(idx, PATTERN_M, dtype=reshaped.dtype), axis=-2)
    mask = jnp.minimum(mask, 1.0)  # guard (top_k indices are distinct, so no-op)
    reshaped_pruned = reshaped * mask
    pruned_weight = reshaped_pruned.reshape(out_features, -1)
    if pad > 0:
        pruned_weight = pruned_weight[:, :in_features]
    return pruned_weight

if __name__ == "__main__":
    import jax
    _d = setup_inputs()
    print(jax.jit(kernel)(*tuple(_d.values())))

</pallas_src>

<mosaic_0001>
#map = affine_map<(d0, d1) -> (0, 0)>
module attributes {stable_mosaic.version = 14 : i64} {
  func.func @_prune_sc(%arg0: i32, %arg1: i32, %arg2: memref<16384x4096xf32, #tpu.memory_space<hbm>>, %arg3: memref<16384x4096xf32, #tpu.memory_space<hbm>>, %arg4: memref<4x4096xf32, #tpu.memory_space<vmem>>, %arg5: memref<4x4096xf32, #tpu.memory_space<vmem>>, %arg6: memref<4x4096xf32, #tpu.memory_space<vmem>>, %arg7: memref<4x4096xf32, #tpu.memory_space<vmem>>, %arg8: memref<!tpu.dma_semaphore, #tpu.memory_space<semaphore_mem>>, %arg9: memref<!tpu.dma_semaphore, #tpu.memory_space<semaphore_mem>>, %arg10: memref<!tpu.dma_semaphore, #tpu.memory_space<semaphore_mem>>, %arg11: memref<!tpu.dma_semaphore, #tpu.memory_space<semaphore_mem>>, %arg12: memref<!tpu.dma_semaphore, #tpu.memory_space<semaphore_mem>>, %arg13: memref<!tpu.dma_semaphore, #tpu.memory_space<semaphore_mem>>, %arg14: memref<!tpu.dma_semaphore, #tpu.memory_space<semaphore_mem>>, %arg15: memref<!tpu.dma_semaphore, #tpu.memory_space<semaphore_mem>>) attributes {dimension_semantics = [#tpu.dimension_semantics<core_parallel>, #tpu.dimension_semantics<subcore_parallel>], iteration_bounds = array<i64: 2, 16>, scalar_prefetch = 0 : i64, scratch_operands = 12 : i64, tpu.core_type = #tpu.core_type<sc_vector_subcore>, window_params = [{transform_indices = #map}, {transform_indices = #map}]} {
    %mul3A = arith.constant 2 : i32
    %mul3A_0 = arith.muli %arg1, %mul3A : i32
    %add3A = arith.addi %mul3A_0, %arg0 : i32
    %mul3A_1 = arith.constant 320 : i32
    %mul3A_2 = arith.muli %add3A, %mul3A_1 : i32
    %add3A_3 = arith.constant 0 : i32
    %add3A_4 = arith.addi %mul3A_2, %add3A_3 : i32
    %dma_start3A = arith.constant 0 : i32
    %dma_start3A_5 = tpu.memref_slice %arg2[%add3A_4, %dma_start3A] : memref<16384x4096xf32, #tpu.memory_space<hbm>> -> memref<4x4096xf32, #tpu.memory_space<hbm>>
    %dma_start3A_6 = arith.constant 0 : i32
    %dma_start3A_7 = tpu.memref_slice %arg2[%add3A_4, %dma_start3A_6] : memref<16384x4096xf32, #tpu.memory_space<hbm>> -> memref<4x4096xf32, #tpu.memory_space<hbm>>
    tpu.enqueue_dma source(%dma_start3A_7 : memref<4x4096xf32, #tpu.memory_space<hbm>>) target(%arg4 : memref<4x4096xf32, #tpu.memory_space<vmem>>) target_semaphore(%arg8 : memref<!tpu.dma_semaphore, #tpu.memory_space<semaphore_mem>>)
    %add3A_8 = arith.constant 4 : i32
    %add3A_9 = arith.addi %mul3A_2, %add3A_8 : i32
    %dma_start3A_10 = arith.constant 0 : i32
    %dma_start3A_11 = tpu.memref_slice %arg2[%add3A_9, %dma_start3A_10] : memref<16384x4096xf32, #tpu.memory_space<hbm>> -> memref<4x4096xf32, #tpu.memory_space<hbm>>
    %dma_start3A_12 = arith.constant 0 : i32
    %dma_start3A_13 = tpu.memref_slice %arg2[%add3A_9, %dma_start3A_12] : memref<16384x4096xf32, #tpu.memory_space<hbm>> -> memref<4x4096xf32, #tpu.memory_space<hbm>>
    tpu.enqueue_dma source(%dma_start3A_13 : memref<4x4096xf32, #tpu.memory_space<hbm>>) target(%arg5 : memref<4x4096xf32, #tpu.memory_space<vmem>>) target_semaphore(%arg9 : memref<!tpu.dma_semaphore, #tpu.memory_space<semaphore_mem>>)
    %scan3A = arith.constant 0 : i32
    %scan3A_14 = arith.constant 0 : i32
    %scan3A_15 = arith.constant 20 : i32
    %scan3A_16 = arith.addi %scan3A_14, %scan3A_15 : i32
    %scan3A_17 = arith.constant 1 : i32
    %scan3A_18 = scf.for %scan3A_43 = %scan3A_14 to %scan3A_16 step %scan3A_17 iter_args(%scan3A_44 = %scan3A) -> (i32)  : i32 {
      %mul3A_45 = arith.constant 4 : i32
      %mul3A_46 = arith.muli %scan3A_43, %mul3A_45 : i32
      %add3A_47 = arith.constant 0 : i32
      %add3A_48 = arith.addi %mul3A_46, %add3A_47 : i32
      %mul3A_49 = arith.constant 4 : i32
      %mul3A_50 = arith.muli %add3A_48, %mul3A_49 : i32
      %add3A_51 = arith.addi %mul3A_2, %mul3A_50 : i32
      %dma_wait3A_52 = arith.constant 0 : i32
      %dma_wait3A_53 = tpu.memref_slice %arg2[%add3A_51, %dma_wait3A_52] : memref<16384x4096xf32, #tpu.memory_space<hbm>> -> memref<4x4096xf32, #tpu.memory_space<hbm>>
      %dma_wait3A_54 = arith.constant 0 : i32
      %dma_wait3A_55 = tpu.memref_slice %arg2[%add3A_51, %dma_wait3A_54] : memref<16384x4096xf32, #tpu.memory_space<hbm>> -> memref<4x4096xf32, #tpu.memory_space<hbm>>
      tpu.wait_dma2 semaphore(%arg8 : memref<!tpu.dma_semaphore, #tpu.memory_space<semaphore_mem>>) src(%dma_wait3A_55 : memref<4x4096xf32, #tpu.memory_space<hbm>>) dst(%arg4 : memref<4x4096xf32, #tpu.memory_space<vmem>>)
      %iota3A = tpu.iota {dimensions = array<i32: 0>} : vector<16xi32>
      %mul3A_56 = arith.constant 4 : i32
      %mul3A_57 = vector.broadcast %mul3A_56 : i32 to vector<16xi32>
      %mul3A_58 = arith.muli %iota3A, %mul3A_57 : vector<16xi32>
      %add3A_59 = arith.constant 1 : i32
      %add3A_60 = vector.broadcast %add3A_59 : i32 to vector<16xi32>
      %add3A_61 = arith.addi %mul3A_58, %add3A_60 : vector<16xi32>
      %add3A_62 = arith.constant 2 : i32
      %add3A_63 = vector.broadcast %add3A_62 : i32 to vector<16xi32>
      %add3A_64 = arith.addi %mul3A_58, %add3A_63 : vector<16xi32>
      %add3A_65 = arith.constant 3 : i32
      %add3A_66 = vector.broadcast %add3A_65 : i32 to vector<16xi32>
      %add3A_67 = arith.addi %mul3A_58, %add3A_66 : vector<16xi32>
      %broadcast_in_dim3A = arith.constant 0.000000e+00 : f32
      %broadcast_in_dim3A_68 = vector.broadcast %broadcast_in_dim3A : f32 to vector<16xf32>
      %parallel_loop3A = arith.constant 0 : i32
      %parallel_loop3A_69 = arith.constant 4096 : i32
      %parallel_loop3A_70 = arith.constant 64 : i32
      scf.for %parallel_loop3A_236 = %parallel_loop3A to %parallel_loop3A_69 step %parallel_loop3A_70  : i32 {
        %parallel_loop3A_237 = arith.constant 0 : i32
        %parallel_loop3A_238 = tpu.memref_slice %arg4[%parallel_loop3A_237, %parallel_loop3A_236] : memref<4x4096xf32, #tpu.memory_space<vmem>> -> memref<1x64xf32, #tpu.memory_space<vmem>>
        %parallel_loop3A_239 = tpu.memref_squeeze %parallel_loop3A_238 : memref<1x64xf32, #tpu.memory_space<vmem>> -> memref<64xf32, #tpu.memory_space<vmem>>
        %parallel_loop3A_240 = tpu.vector_load_idx %parallel_loop3A_239[%mul3A_58] : memref<64xf32, #tpu.memory_space<vmem>>[vector<16xi32>], vector<16xf32>,
        %parallel_loop3A_241 = arith.constant 0 : i32
        %parallel_loop3A_242 = tpu.memref_slice %arg4[%parallel_loop3A_241, %parallel_loop3A_236] : memref<4x4096xf32, #tpu.memory_space<vmem>> -> memref<1x64xf32, #tpu.memory_space<vmem>>
        %parallel_loop3A_243 = tpu.memref_squeeze %parallel_loop3A_242 : memref<1x64xf32, #tpu.memory_space<vmem>> -> memref<64xf32, #tpu.memory_space<vmem>>
        %parallel_loop3A_244 = tpu.vector_load_idx %parallel_loop3A_243[%add3A_61] : memref<64xf32, #tpu.memory_space<vmem>>[vector<16xi32>], vector<16xf32>,
        %parallel_loop3A_245 = arith.constant 0 : i32
        %parallel_loop3A_246 = tpu.memref_slice %arg4[%parallel_loop3A_245, %parallel_loop3A_236] : memref<4x4096xf32, #tpu.memory_space<vmem>> -> memref<1x64xf32, #tpu.memory_space<vmem>>
        %parallel_loop3A_247 = tpu.memref_squeeze %parallel_loop3A_246 : memref<1x64xf32, #tpu.memory_space<vmem>> -> memref<64xf32, #tpu.memory_space<vmem>>
        %parallel_loop3A_248 = tpu.vector_load_idx %parallel_loop3A_247[%add3A_64] : memref<64xf32, #tpu.memory_space<vmem>>[vector<16xi32>], vector<16xf32>,
        %parallel_loop3A_249 = arith.constant 0 : i32
        %parallel_loop3A_250 = tpu.memref_slice %arg4[%parallel_loop3A_249, %parallel_loop3A_236] : memref<4x4096xf32, #tpu.memory_space<vmem>> -> memref<1x64xf32, #tpu.memory_space<vmem>>
        %parallel_loop3A_251 = tpu.memref_squeeze %parallel_loop3A_250 : memref<1x64xf32, #tpu.memory_space<vmem>> -> memref<64xf32, #tpu.memory_space<vmem>>
        %parallel_loop3A_252 = tpu.vector_load_idx %parallel_loop3A_251[%add3A_67] : memref<64xf32, #tpu.memory_space<vmem>>[vector<16xi32>], vector<16xf32>,
        %parallel_loop3A_253 = math.absf %parallel_loop3A_240 : vector<16xf32>
        %parallel_loop3A_254 = math.absf %parallel_loop3A_244 : vector<16xf32>
        %parallel_loop3A_255 = math.absf %parallel_loop3A_248 : vector<16xf32>
        %parallel_loop3A_256 = math.absf %parallel_loop3A_252 : vector<16xf32>
        %parallel_loop3A_257 = arith.cmpf ogt, %parallel_loop3A_254, %parallel_loop3A_253 : vector<16xf32>
        %parallel_loop3A_258 = arith.extui %parallel_loop3A_257 : vector<16xi1> to vector<16xi32>
        %parallel_loop3A_259 = arith.cmpf ogt, %parallel_loop3A_255, %parallel_loop3A_253 : vector<16xf32>
        %parallel_loop3A_260 = arith.extui %parallel_loop3A_259 : vector<16xi1> to vector<16xi32>
        %parallel_loop3A_261 = arith.cmpf ogt, %parallel_loop3A_256, %parallel_loop3A_253 : vector<16xf32>
        %parallel_loop3A_262 = arith.extui %parallel_loop3A_261 : vector<16xi1> to vector<16xi32>
        %parallel_loop3A_263 = arith.cmpf ogt, %parallel_loop3A_255, %parallel_loop3A_254 : vector<16xf32>
        %parallel_loop3A_264 = arith.extui %parallel_loop3A_263 : vector<16xi1> to vector<16xi32>
        %parallel_loop3A_265 = arith.cmpf ogt, %parallel_loop3A_256, %parallel_loop3A_254 : vector<16xf32>
        %parallel_loop3A_266 = arith.extui %parallel_loop3A_265 : vector<16xi1> to vector<16xi32>
        %parallel_loop3A_267 = arith.cmpf ogt, %parallel_loop3A_256, %parallel_loop3A_255 : vector<16xf32>
        %parallel_loop3A_268 = arith.extui %parallel_loop3A_267 : vector<16xi1> to vector<16xi32>
        %parallel_loop3A_269 = arith.addi %parallel_loop3A_258, %parallel_loop3A_260 : vector<16xi32>
        %parallel_loop3A_270 = arith.addi %parallel_loop3A_269, %parallel_loop3A_262 : vector<16xi32>
        %parallel_loop3A_271 = arith.constant 1 : i32
        %parallel_loop3A_272 = vector.broadcast %parallel_loop3A_271 : i32 to vector<16xi32>
        %parallel_loop3A_273 = arith.subi %parallel_loop3A_272, %parallel_loop3A_258 : vector<16xi32>
        %parallel_loop3A_274 = arith.addi %parallel_loop3A_273, %parallel_loop3A_264 : vector<16xi32>
        %parallel_loop3A_275 = arith.addi %parallel_loop3A_274, %parallel_loop3A_266 : vector<16xi32>
        %parallel_loop3A_276 = arith.constant 2 : i32
        %parallel_loop3A_277 = vector.broadcast %parallel_loop3A_276 : i32 to vector<16xi32>
        %parallel_loop3A_278 = arith.subi %parallel_loop3A_277, %parallel_loop3A_260 : vector<16xi32>
        %parallel_loop3A_279 = arith.subi %parallel_loop3A_278, %parallel_loop3A_264 : vector<16xi32>
        %parallel_loop3A_280 = arith.addi %parallel_loop3A_279, %parallel_loop3A_268 : vector<16xi32>
        %parallel_loop3A_281 = arith.constant 3 : i32
        %parallel_loop3A_282 = vector.broadcast %parallel_loop3A_281 : i32 to vector<16xi32>
        %parallel_loop3A_283 = arith.subi %parallel_loop3A_282, %parallel_loop3A_262 : vector<16xi32>
        %parallel_loop3A_284 = arith.subi %parallel_loop3A_283, %parallel_loop3A_266 : vector<16xi32>
        %parallel_loop3A_285 = arith.subi %parallel_loop3A_284, %parallel_loop3A_268 : vector<16xi32>
        %parallel_loop3A_286 = arith.constant 1 : i32
        %parallel_loop3A_287 = vector.broadcast %parallel_loop3A_286 : i32 to vector<16xi32>
        %parallel_loop3A_288 = arith.cmpi sgt, %parallel_loop3A_270, %parallel_loop3A_287 : vector<16xi32>
        %parallel_loop3A_289 = arith.constant 0 : i32
        %parallel_loop3A_290 = tpu.memref_slice %arg4[%parallel_loop3A_289, %parallel_loop3A_236] : memref<4x4096xf32, #tpu.memory_space<vmem>> -> memref<1x64xf32, #tpu.memory_space<vmem>>
        %parallel_loop3A_291 = tpu.memref_squeeze %parallel_loop3A_290 : memref<1x64xf32, #tpu.memory_space<vmem>> -> memref<64xf32, #tpu.memory_space<vmem>>
        tpu.vector_store_idx %parallel_loop3A_291[%mul3A_58], %broadcast_in_dim3A_68 masked %parallel_loop3A_288 : memref<64xf32, #tpu.memory_space<vmem>>[vector<16xi32>], vector<16xf32>, vector<16xi1>
        %parallel_loop3A_292 = arith.constant 1 : i32
        %parallel_loop3A_293 = vector.broadcast %parallel_loop3A_292 : i32 to vector<16xi32>
        %parallel_loop3A_294 = arith.cmpi sgt, %parallel_loop3A_275, %parallel_loop3A_293 : vector<16xi32>
        %parallel_loop3A_295 = arith.constant 0 : i32
        %parallel_loop3A_296 = tpu.memref_slice %arg4[%parallel_loop3A_295, %parallel_loop3A_236] : memref<4x4096xf32, #tpu.memory_space<vmem>> -> memref<1x64xf32, #tpu.memory_space<vmem>>
        %parallel_loop3A_297 = tpu.memref_squeeze %parallel_loop3A_296 : memref<1x64xf32, #tpu.memory_space<vmem>> -> memref<64xf32, #tpu.memory_space<vmem>>
        tpu.vector_store_idx %parallel_loop3A_297[%add3A_61], %broadcast_in_dim3A_68 masked %parallel_loop3A_294 : memref<64xf32, #tpu.memory_space<vmem>>[vector<16xi32>], vector<16xf32>, vector<16xi1>
        %parallel_loop3A_298 = arith.constant 1 : i32
        %parallel_loop3A_299 = vector.broadcast %parallel_loop3A_298 : i32 to vector<16xi32>
        %parallel_loop3A_300 = arith.cmpi sgt, %parallel_loop3A_280, %parallel_loop3A_299 : vector<16xi32>
        %parallel_loop3A_301 = arith.constant 0 : i32
        %parallel_loop3A_302 = tpu.memref_slice %arg4[%parallel_loop3A_301, %parallel_loop3A_236] : memref<4x4096xf32, #tpu.memory_space<vmem>> -> memref<1x64xf32, #tpu.memory_space<vmem>>
        %parallel_loop3A_303 = tpu.memref_squeeze %parallel_loop3A_302 : memref<1x64xf32, #tpu.memory_space<vmem>> -> memref<64xf32, #tpu.memory_space<vmem>>
        tpu.vector_store_idx %parallel_loop3A_303[%add3A_64], %broadcast_in_dim3A_68 masked %parallel_loop3A_300 : memref<64xf32, #tpu.memory_space<vmem>>[vector<16xi32>], vector<16xf32>, vector<16xi1>
        %parallel_loop3A_304 = arith.constant 1 : i32
        %parallel_loop3A_305 = vector.broadcast %parallel_loop3A_304 : i32 to vector<16xi32>
        %parallel_loop3A_306 = arith.cmpi sgt, %parallel_loop3A_285, %parallel_loop3A_305 : vector<16xi32>
        %parallel_loop3A_307 = arith.constant 0 : i32
        %parallel_loop3A_308 = tpu.memref_slice %arg4[%parallel_loop3A_307, %parallel_loop3A_236] : memref<4x4096xf32, #tpu.memory_space<vmem>> -> memref<1x64xf32, #tpu.memory_space<vmem>>
        %parallel_loop3A_309 = tpu.memref_squeeze %parallel_loop3A_308 : memref<1x64xf32, #tpu.memory_space<vmem>> -> memref<64xf32, #tpu.memory_space<vmem>>
        tpu.vector_store_idx %parallel_loop3A_309[%add3A_67], %broadcast_in_dim3A_68 masked %parallel_loop3A_306 : memref<64xf32, #tpu.memory_space<vmem>>[vector<16xi32>], vector<16xf32>, vector<16xi1>
      } {sc.loop_unroll_factor = 4 : i64, sc.parallel_access}
      %parallel_loop3A_71 = arith.constant 0 : i32
      %parallel_loop3A_72 = arith.constant 4096 : i32
      %parallel_loop3A_73 = arith.constant 64 : i32
      scf.for %parallel_loop3A_236 = %parallel_loop3A_71 to %parallel_loop3A_72 step %parallel_loop3A_73  : i32 {
        %parallel_loop3A_237 = arith.constant 1 : i32
        %parallel_loop3A_238 = tpu.memref_slice %arg4[%parallel_loop3A_237, %parallel_loop3A_236] : memref<4x4096xf32, #tpu.memory_space<vmem>> -> memref<1x64xf32, #tpu.memory_space<vmem>>
        %parallel_loop3A_239 = tpu.memref_squeeze %parallel_loop3A_238 : memref<1x64xf32, #tpu.memory_space<vmem>> -> memref<64xf32, #tpu.memory_space<vmem>>
        %parallel_loop3A_240 = tpu.vector_load_idx %parallel_loop3A_239[%mul3A_58] : memref<64xf32, #tpu.memory_space<vmem>>[vector<16xi32>], vector<16xf32>,
        %parallel_loop3A_241 = arith.constant 1 : i32
        %parallel_loop3A_242 = tpu.memref_slice %arg4[%parallel_loop3A_241, %parallel_loop3A_236] : memref<4x4096xf32, #tpu.memory_space<vmem>> -> memref<1x64xf32, #tpu.memory_space<vmem>>
        %parallel_loop3A_243 = tpu.memref_squeeze %parallel_loop3A_242 : memref<1x64xf32, #tpu.memory_space<vmem>> -> memref<64xf32, #tpu.memory_space<vmem>>
        %parallel_loop3A_244 = tpu.vector_load_idx %parallel_loop3A_243[%add3A_61] : memref<64xf32, #tpu.memory_space<vmem>>[vector<16xi32>], vector<16xf32>,
        %parallel_loop3A_245 = arith.constant 1 : i32
        %parallel_loop3A_246 = tpu.memref_slice %arg4[%parallel_loop3A_245, %parallel_loop3A_236] : memref<4x4096xf32, #tpu.memory_space<vmem>> -> memref<1x64xf32, #tpu.memory_space<vmem>>
        %parallel_loop3A_247 = tpu.memref_squeeze %parallel_loop3A_246 : memref<1x64xf32, #tpu.memory_space<vmem>> -> memref<64xf32, #tpu.memory_space<vmem>>
        %parallel_loop3A_248 = tpu.vector_load_idx %parallel_loop3A_247[%add3A_64] : memref<64xf32, #tpu.memory_space<vmem>>[vector<16xi32>], vector<16xf32>,
        %parallel_loop3A_249 = arith.constant 1 : i32
        %parallel_loop3A_250 = tpu.memref_slice %arg4[%parallel_loop3A_249, %parallel_loop3A_236] : memref<4x4096xf32, #tpu.memory_space<vmem>> -> memref<1x64xf32, #tpu.memory_space<vmem>>
        %parallel_loop3A_251 = tpu.memref_squeeze %parallel_loop3A_250 : memref<1x64xf32, #tpu.memory_space<vmem>> -> memref<64xf32, #tpu.memory_space<vmem>>
        %parallel_loop3A_252 = tpu.vector_load_idx %parallel_loop3A_251[%add3A_67] : memref<64xf32, #tpu.memory_space<vmem>>[vector<16xi32>], vector<16xf32>,
        %parallel_loop3A_253 = math.absf %parallel_loop3A_240 : vector<16xf32>
        %parallel_loop3A_254 = math.absf %parallel_loop3A_244 : vector<16xf32>
        %parallel_loop3A_255 = math.absf %parallel_loop3A_248 : vector<16xf32>
        %parallel_loop3A_256 = math.absf %parallel_loop3A_252 : vector<16xf32>
        %parallel_loop3A_257 = arith.cmpf ogt, %parallel_loop3A_254, %parallel_loop3A_253 : vector<16xf32>
        %parallel_loop3A_258 = arith.extui %parallel_loop3A_257 : vector<16xi1> to vector<16xi32>
        %parallel_loop3A_259 = arith.cmpf ogt, %parallel_loop3A_255, %parallel_loop3A_253 : vector<16xf32>
        %parallel_loop3A_260 = arith.extui %parallel_loop3A_259 : vector<16xi1> to vector<16xi32>
        %parallel_loop3A_261 = arith.cmpf ogt, %parallel_loop3A_256, %parallel_loop3A_253 : vector<16xf32>
        %parallel_loop3A_262 = arith.extui %parallel_loop3A_261 : vector<16xi1> to vector<16xi32>
        %parallel_loop3A_263 = arith.cmpf ogt, %parallel_loop3A_255, %parallel_loop3A_254 : vector<16xf32>
        %parallel_loop3A_264 = arith.extui %parallel_loop3A_263 : vector<16xi1> to vector<16xi32>
        %parallel_loop3A_265 = arith.cmpf ogt, %parallel_loop3A_256, %parallel_loop3A_254 : vector<16xf32>
        %parallel_loop3A_266 = arith.extui %parallel_loop3A_265 : vector<16xi1> to vector<16xi32>
        %parallel_loop3A_267 = arith.cmpf ogt, %parallel_loop3A_256, %parallel_loop3A_255 : vector<16xf32>
        %parallel_loop3A_268 = arith.extui %parallel_loop3A_267 : vector<16xi1> to vector<16xi32>
        %parallel_loop3A_269 = arith.addi %parallel_loop3A_258, %parallel_loop3A_260 : vector<16xi32>
        %parallel_loop3A_270 = arith.addi %parallel_loop3A_269, %parallel_loop3A_262 : vector<16xi32>
        %parallel_loop3A_271 = arith.constant 1 : i32
        %parallel_loop3A_272 = vector.broadcast %parallel_loop3A_271 : i32 to vector<16xi32>
        %parallel_loop3A_273 = arith.subi %parallel_loop3A_272, %parallel_loop3A_258 : vector<16xi32>
        %parallel_loop3A_274 = arith.addi %parallel_loop3A_273, %parallel_loop3A_264 : vector<16xi32>
        %parallel_loop3A_275 = arith.addi %parallel_loop3A_274, %parallel_loop3A_266 : vector<16xi32>
        %parallel_loop3A_276 = arith.constant 2 : i32
        %parallel_loop3A_277 = vector.broadcast %parallel_loop3A_276 : i32 to vector<16xi32>
        %parallel_loop3A_278 = arith.subi %parallel_loop3A_277, %parallel_loop3A_260 : vector<16xi32>
        %parallel_loop3A_279 = arith.subi %parallel_loop3A_278, %parallel_loop3A_264 : vector<16xi32>
        %parallel_loop3A_280 = arith.addi %parallel_loop3A_279, %parallel_loop3A_268 : vector<16xi32>
        %parallel_loop3A_281 = arith.constant 3 : i32
        %parallel_loop3A_282 = vector.broadcast %parallel_loop3A_281 : i32 to vector<16xi32>
        %parallel_loop3A_283 = arith.subi %parallel_loop3A_282, %parallel_loop3A_262 : vector<16xi32>
        %parallel_loop3A_284 = arith.subi %parallel_loop3A_283, %parallel_loop3A_266 : vector<16xi32>
        %parallel_loop3A_285 = arith.subi %parallel_loop3A_284, %parallel_loop3A_268 : vector<16xi32>
        %parallel_loop3A_286 = arith.constant 1 : i32
        %parallel_loop3A_287 = vector.broadcast %parallel_loop3A_286 : i32 to vector<16xi32>
        %parallel_loop3A_288 = arith.cmpi sgt, %parallel_loop3A_270, %parallel_loop3A_287 : vector<16xi32>
        %parallel_loop3A_289 = arith.constant 1 : i32
        %parallel_loop3A_290 = tpu.memref_slice %arg4[%parallel_loop3A_289, %parallel_loop3A_236] : memref<4x4096xf32, #tpu.memory_space<vmem>> -> memref<1x64xf32, #tpu.memory_space<vmem>>
        %parallel_loop3A_291 = tpu.memref_squeeze %parallel_loop3A_290 : memref<1x64xf32, #tpu.memory_space<vmem>> -> memref<64xf32, #tpu.memory_space<vmem>>
        tpu.vector_store_idx %parallel_loop3A_291[%mul3A_58], %broadcast_in_dim3A_68 masked %parallel_loop3A_288 : memref<64xf32, #tpu.memory_space<vmem>>[vector<16xi32>], vector<16xf32>, vector<16xi1>
        %parallel_loop3A_292 = arith.constant 1 : i32
        %parallel_loop3A_293 = vector.broadcast %parallel_loop3A_292 : i32 to vector<16xi32>
        %parallel_loop3A_294 = arith.cmpi sgt, %parallel_loop3A_275, %parallel_loop3A_293 : vector<16xi32>
        %parallel_loop3A_295 = arith.constant 1 : i32
        %parallel_loop3A_296 = tpu.memref_slice %arg4[%parallel_loop3A_295, %parallel_loop3A_236] : memref<4x4096xf32, #tpu.memory_space<vmem>> -> memref<1x64xf32, #tpu.memory_space<vmem>>
        %parallel_loop3A_297 = tpu.memref_squeeze %parallel_loop3A_296 : memref<1x64xf32, #tpu.memory_space<vmem>> -> memref<64xf32, #tpu.memory_space<vmem>>
        tpu.vector_store_idx %parallel_loop3A_297[%add3A_61], %broadcast_in_dim3A_68 masked %parallel_loop3A_294 : memref<64xf32, #tpu.memory_space<vmem>>[vector<16xi32>], vector<16xf32>, vector<16xi1>
        %parallel_loop3A_298 = arith.constant 1 : i32
        %parallel_loop3A_299 = vector.broadcast %parallel_loop3A_298 : i32 to vector<16xi32>
        %parallel_loop3A_300 = arith.cmpi sgt, %parallel_loop3A_280, %parallel_loop3A_299 : vector<16xi32>
        %parallel_loop3A_301 = arith.constant 1 : i32
        %parallel_loop3A_302 = tpu.memref_slice %arg4[%parallel_loop3A_301, %parallel_loop3A_236] : memref<4x4096xf32, #tpu.memory_space<vmem>> -> memref<1x64xf32, #tpu.memory_space<vmem>>
        %parallel_loop3A_303 = tpu.memref_squeeze %parallel_loop3A_302 : memref<1x64xf32, #tpu.memory_space<vmem>> -> memref<64xf32, #tpu.memory_space<vmem>>
        tpu.vector_store_idx %parallel_loop3A_303[%add3A_64], %broadcast_in_dim3A_68 masked %parallel_loop3A_300 : memref<64xf32, #tpu.memory_space<vmem>>[vector<16xi32>], vector<16xf32>, vector<16xi1>
        %parallel_loop3A_304 = arith.constant 1 : i32
        %parallel_loop3A_305 = vector.broadcast %parallel_loop3A_304 : i32 to vector<16xi32>
        %parallel_loop3A_306 = arith.cmpi sgt, %parallel_loop3A_285, %parallel_loop3A_305 : vector<16xi32>
        %parallel_loop3A_307 = arith.constant 1 : i32
        %parallel_loop3A_308 = tpu.memref_slice %arg4[%parallel_loop3A_307, %parallel_loop3A_236] : memref<4x4096xf32, #tpu.memory_space<vmem>> -> memref<1x64xf32, #tpu.memory_space<vmem>>
        %parallel_loop3A_309 = tpu.memref_squeeze %parallel_loop3A_308 : memref<1x64xf32, #tpu.memory_space<vmem>> -> memref<64xf32, #tpu.memory_space<vmem>>
        tpu.vector_store_idx %parallel_loop3A_309[%add3A_67], %broadcast_in_dim3A_68 masked %parallel_loop3A_306 : memref<64xf32, #tpu.memory_space<vmem>>[vector<16xi32>], vector<16xf32>, vector<16xi1>
      } {sc.loop_unroll_factor = 4 : i64, sc.parallel_access}
      %parallel_loop3A_74 = arith.constant 0 : i32
      %parallel_loop3A_75 = arith.constant 4096 : i32
      %parallel_loop3A_76 = arith.constant 64 : i32
      scf.for %parallel_loop3A_236 = %parallel_loop3A_74 to %parallel_loop3A_75 step %parallel_loop3A_76  : i32 {
        %parallel_loop3A_237 = arith.constant 2 : i32
        %parallel_loop3A_238 = tpu.memref_slice %arg4[%parallel_loop3A_237, %parallel_loop3A_236] : memref<4x4096xf32, #tpu.memory_space<vmem>> -> memref<1x64xf32, #tpu.memory_space<vmem>>
        %parallel_loop3A_239 = tpu.memref_squeeze %parallel_loop3A_238 : memref<1x64xf32, #tpu.memory_space<vmem>> -> memref<64xf32, #tpu.memory_space<vmem>>
        %parallel_loop3A_240 = tpu.vector_load_idx %parallel_loop3A_239[%mul3A_58] : memref<64xf32, #tpu.memory_space<vmem>>[vector<16xi32>], vector<16xf32>,
        %parallel_loop3A_241 = arith.constant 2 : i32
        %parallel_loop3A_242 = tpu.memref_slice %arg4[%parallel_loop3A_241, %parallel_loop3A_236] : memref<4x4096xf32, #tpu.memory_space<vmem>> -> memref<1x64xf32, #tpu.memory_space<vmem>>
        %parallel_loop3A_243 = tpu.memref_squeeze %parallel_loop3A_242 : memref<1x64xf32, #tpu.memory_space<vmem>> -> memref<64xf32, #tpu.memory_space<vmem>>
        %parallel_loop3A_244 = tpu.vector_load_idx %parallel_loop3A_243[%add3A_61] : memref<64xf32, #tpu.memory_space<vmem>>[vector<16xi32>], vector<16xf32>,
        %parallel_loop3A_245 = arith.constant 2 : i32
        %parallel_loop3A_246 = tpu.memref_slice %arg4[%parallel_loop3A_245, %parallel_loop3A_236] : memref<4x4096xf32, #tpu.memory_space<vmem>> -> memref<1x64xf32, #tpu.memory_space<vmem>>
        %parallel_loop3A_247 = tpu.memref_squeeze %parallel_loop3A_246 : memref<1x64xf32, #tpu.memory_space<vmem>> -> memref<64xf32, #tpu.memory_space<vmem>>
        %parallel_loop3A_248 = tpu.vector_load_idx %parallel_loop3A_247[%add3A_64] : memref<64xf32, #tpu.memory_space<vmem>>[vector<16xi32>], vector<16xf32>,
        %parallel_loop3A_249 = arith.constant 2 : i32
        %parallel_loop3A_250 = tpu.memref_slice %arg4[%parallel_loop3A_249, %parallel_loop3A_236] : memref<4x4096xf32, #tpu.memory_space<vmem>> -> memref<1x64xf32, #tpu.memory_space<vmem>>
        %parallel_loop3A_251 = tpu.memref_squeeze %parallel_loop3A_250 : memref<1x64xf32, #tpu.memory_space<vmem>> -> memref<64xf32, #tpu.memory_space<vmem>>
        %parallel_loop3A_252 = tpu.vector_load_idx %parallel_loop3A_251[%add3A_67] : memref<64xf32, #tpu.memory_space<vmem>>[vector<16xi32>], vector<16xf32>,
        %parallel_loop3A_253 = math.absf %parallel_loop3A_240 : vector<16xf32>
        %parallel_loop3A_254 = math.absf %parallel_loop3A_244 : vector<16xf32>
        %parallel_loop3A_255 = math.absf %parallel_loop3A_248 : vector<16xf32>
        %parallel_loop3A_256 = math.absf %parallel_loop3A_252 : vector<16xf32>
        %parallel_loop3A_257 = arith.cmpf ogt, %parallel_loop3A_254, %parallel_loop3A_253 : vector<16xf32>
        %parallel_loop3A_258 = arith.extui %parallel_loop3A_257 : vector<16xi1> to vector<16xi32>
        %parallel_loop3A_259 = arith.cmpf ogt, %parallel_loop3A_255, %parallel_loop3A_253 : vector<16xf32>
        %parallel_loop3A_260 = arith.extui %parallel_loop3A_259 : vector<16xi1> to vector<16xi32>
        %parallel_loop3A_261 = arith.cmpf ogt, %parallel_loop3A_256, %parallel_loop3A_253 : vector<16xf32>
        %parallel_loop3A_262 = arith.extui %parallel_loop3A_261 : vector<16xi1> to vector<16xi32>
        %parallel_loop3A_263 = arith.cmpf ogt, %parallel_loop3A_255, %parallel_loop3A_254 : vector<16xf32>
        %parallel_loop3A_264 = arith.extui %parallel_loop3A_263 : vector<16xi1> to vector<16xi32>
        %parallel_loop3A_265 = arith.cmpf ogt, %parallel_loop3A_256, %parallel_loop3A_254 : vector<16xf32>
        %parallel_loop3A_266 = arith.extui %parallel_loop3A_265 : vector<16xi1> to vector<16xi32>
        %parallel_loop3A_267 = arith.cmpf ogt, %parallel_loop3A_256, %parallel_loop3A_255 : vector<16xf32>
        %parallel_loop3A_268 = arith.extui %parallel_loop3A_267 : vector<16xi1> to vector<16xi32>
        %parallel_loop3A_269 = arith.addi %parallel_loop3A_258, %parallel_loop3A_260 : vector<16xi32>
        %parallel_loop3A_270 = arith.addi %parallel_loop3A_269, %parallel_loop3A_262 : vector<16xi32>
        %parallel_loop3A_271 = arith.constant 1 : i32
        %parallel_loop3A_272 = vector.broadcast %parallel_loop3A_271 : i32 to vector<16xi32>
        %parallel_loop3A_273 = arith.subi %parallel_loop3A_272, %parallel_loop3A_258 : vector<16xi32>
        %parallel_loop3A_274 = arith.addi %parallel_loop3A_273, %parallel_loop3A_264 : vector<16xi32>
        %parallel_loop3A_275 = arith.addi %parallel_loop3A_274, %parallel_loop3A_266 : vector<16xi32>
        %parallel_loop3A_276 = arith.constant 2 : i32
        %parallel_loop3A_277 = vector.broadcast %parallel_loop3A_276 : i32 to vector<16xi32>
        %parallel_loop3A_278 = arith.subi %parallel_loop3A_277, %parallel_loop3A_260 : vector<16xi32>
        %parallel_loop3A_279 = arith.subi %parallel_loop3A_278, %parallel_loop3A_264 : vector<16xi32>
        %parallel_loop3A_280 = arith.addi %parallel_loop3A_279, %parallel_loop3A_268 : vector<16xi32>
        %parallel_loop3A_281 = arith.constant 3 : i32
        %parallel_loop3A_282 = vector.broadcast %parallel_loop3A_281 : i32 to vector<16xi32>
        %parallel_loop3A_283 = arith.subi %parallel_loop3A_282, %parallel_loop3A_262 : vector<16xi32>
        %parallel_loop3A_284 = arith.subi %parallel_loop3A_283, %parallel_loop3A_266 : vector<16xi32>
        %parallel_loop3A_285 = arith.subi %parallel_loop3A_284, %parallel_loop3A_268 : vector<16xi32>
        %parallel_loop3A_286 = arith.constant 1 : i32
        %parallel_loop3A_287 = vector.broadcast %parallel_loop3A_286 : i32 to vector<16xi32>
        %parallel_loop3A_288 = arith.cmpi sgt, %parallel_loop3A_270, %parallel_loop3A_287 : vector<16xi32>
        %parallel_loop3A_289 = arith.constant 2 : i32
        %parallel_loop3A_290 = tpu.memref_slice %arg4[%parallel_loop3A_289, %parallel_loop3A_236] : memref<4x4096xf32, #tpu.memory_space<vmem>> -> memref<1x64xf32, #tpu.memory_space<vmem>>
        %parallel_loop3A_291 = tpu.memref_squeeze %parallel_loop3A_290 : memref<1x64xf32, #tpu.memory_space<vmem>> -> memref<64xf32, #tpu.memory_space<vmem>>
        tpu.vector_store_idx %parallel_loop3A_291[%mul3A_58], %broadcast_in_dim3A_68 masked %parallel_loop3A_288 : memref<64xf32, #tpu.memory_space<vmem>>[vector<16xi32>], vector<16xf32>, vector<16xi1>
        %parallel_loop3A_292 = arith.constant 1 : i32
        %parallel_loop3A_293 = vector.broadcast %parallel_loop3A_292 : i32 to vector<16xi32>
        %parallel_loop3A_294 = arith.cmpi sgt, %parallel_loop3A_275, %parallel_loop3A_293 : vector<16xi32>
        %parallel_loop3A_295 = arith.constant 2 : i32
        %parallel_loop3A_296 = tpu.memref_slice %arg4[%parallel_loop3A_295, %parallel_loop3A_236] : memref<4x4096xf32, #tpu.memory_space<vmem>> -> memref<1x64xf32, #tpu.memory_space<vmem>>
        %parallel_loop3A_297 = tpu.memref_squeeze %parallel_loop3A_296 : memref<1x64xf32, #tpu.memory_space<vmem>> -> memref<64xf32, #tpu.memory_space<vmem>>
        tpu.vector_store_idx %parallel_loop3A_297[%add3A_61], %broadcast_in_dim3A_68 masked %parallel_loop3A_294 : memref<64xf32, #tpu.memory_space<vmem>>[vector<16xi32>], vector<16xf32>, vector<16xi1>
        %parallel_loop3A_298 = arith.constant 1 : i32
        %parallel_loop3A_299 = vector.broadcast %parallel_loop3A_298 : i32 to vector<16xi32>
        %parallel_loop3A_300 = arith.cmpi sgt, %parallel_loop3A_280, %parallel_loop3A_299 : vector<16xi32>
        %parallel_loop3A_301 = arith.constant 2 : i32
        %parallel_loop3A_302 = tpu.memref_slice %arg4[%parallel_loop3A_301, %parallel_loop3A_236] : memref<4x4096xf32, #tpu.memory_space<vmem>> -> memref<1x64xf32, #tpu.memory_space<vmem>>
        %parallel_loop3A_303 = tpu.memref_squeeze %parallel_loop3A_302 : memref<1x64xf32, #tpu.memory_space<vmem>> -> memref<64xf32, #tpu.memory_space<vmem>>
        tpu.vector_store_idx %parallel_loop3A_303[%add3A_64], %broadcast_in_dim3A_68 masked %parallel_loop3A_300 : memref<64xf32, #tpu.memory_space<vmem>>[vector<16xi32>], vector<16xf32>, vector<16xi1>
        %parallel_loop3A_304 = arith.constant 1 : i32
        %parallel_loop3A_305 = vector.broadcast %parallel_loop3A_304 : i32 to vector<16xi32>
        %parallel_loop3A_306 = arith.cmpi sgt, %parallel_loop3A_285, %parallel_loop3A_305 : vector<16xi32>
        %parallel_loop3A_307 = arith.constant 2 : i32
        %parallel_loop3A_308 = tpu.memref_slice %arg4[%parallel_loop3A_307, %parallel_loop3A_236] : memref<4x4096xf32, #tpu.memory_space<vmem>> -> memref<1x64xf32, #tpu.memory_space<vmem>>
        %parallel_loop3A_309 = tpu.memref_squeeze %parallel_loop3A_308 : memref<1x64xf32, #tpu.memory_space<vmem>> -> memref<64xf32, #tpu.memory_space<vmem>>
        tpu.vector_store_idx %parallel_loop3A_309[%add3A_67], %broadcast_in_dim3A_68 masked %parallel_loop3A_306 : memref<64xf32, #tpu.memory_space<vmem>>[vector<16xi32>], vector<16xf32>, vector<16xi1>
      } {sc.loop_unroll_factor = 4 : i64, sc.parallel_access}
      %parallel_loop3A_77 = arith.constant 0 : i32
      %parallel_loop3A_78 = arith.constant 4096 : i32
      %parallel_loop3A_79 = arith.constant 64 : i32
      scf.for %parallel_loop3A_236 = %parallel_loop3A_77 to %parallel_loop3A_78 step %parallel_loop3A_79  : i32 {
        %parallel_loop3A_237 = arith.constant 3 : i32
        %parallel_loop3A_238 = tpu.memref_slice %arg4[%parallel_loop3A_237, %parallel_loop3A_236] : memref<4x4096xf32, #tpu.memory_space<vmem>> -> memref<1x64xf32, #tpu.memory_space<vmem>>
        %parallel_loop3A_239 = tpu.memref_squeeze %parallel_loop3A_238 : memref<1x64xf32, #tpu.memory_space<vmem>> -> memref<64xf32, #tpu.memory_space<vmem>>
        %parallel_loop3A_240 = tpu.vector_load_idx %parallel_loop3A_239[%mul3A_58] : memref<64xf32, #tpu.memory_space<vmem>>[vector<16xi32>], vector<16xf32>,
        %parallel_loop3A_241 = arith.constant 3 : i32
        %parallel_loop3A_242 = tpu.memref_slice %arg4[%parallel_loop3A_241, %parallel_loop3A_236] : memref<4x4096xf32, #tpu.memory_space<vmem>> -> memref<1x64xf32, #tpu.memory_space<vmem>>
        %parallel_loop3A_243 = tpu.memref_squeeze %parallel_loop3A_242 : memref<1x64xf32, #tpu.memory_space<vmem>> -> memref<64xf32, #tpu.memory_space<vmem>>
        %parallel_loop3A_244 = tpu.vector_load_idx %parallel_loop3A_243[%add3A_61] : memref<64xf32, #tpu.memory_space<vmem>>[vector<16xi32>], vector<16xf32>,
        %parallel_loop3A_245 = arith.constant 3 : i32
        %parallel_loop3A_246 = tpu.memref_slice %arg4[%parallel_loop3A_245, %parallel_loop3A_236] : memref<4x4096xf32, #tpu.memory_space<vmem>> -> memref<1x64xf32, #tpu.memory_space<vmem>>
        %parallel_loop3A_247 = tpu.memref_squeeze %parallel_loop3A_246 : memref<1x64xf32, #tpu.memory_space<vmem>> -> memref<64xf32, #tpu.memory_space<vmem>>
        %parallel_loop3A_248 = tpu.vector_load_idx %parallel_loop3A_247[%add3A_64] : memref<64xf32, #tpu.memory_space<vmem>>[vector<16xi32>], vector<16xf32>,
        %parallel_loop3A_249 = arith.constant 3 : i32
        %parallel_loop3A_250 = tpu.memref_slice %arg4[%parallel_loop3A_249, %parallel_loop3A_236] : memref<4x4096xf32, #tpu.memory_space<vmem>> -> memref<1x64xf32, #tpu.memory_space<vmem>>
        %parallel_loop3A_251 = tpu.memref_squeeze %parallel_loop3A_250 : memref<1x64xf32, #tpu.memory_space<vmem>> -> memref<64xf32, #tpu.memory_space<vmem>>
        %parallel_loop3A_252 = tpu.vector_load_idx %parallel_loop3A_251[%add3A_67] : memref<64xf32, #tpu.memory_space<vmem>>[vector<16xi32>], vector<16xf32>,
        %parallel_loop3A_253 = math.absf %parallel_loop3A_240 : vector<16xf32>
        %parallel_loop3A_254 = math.absf %parallel_loop3A_244 : vector<16xf32>
        %parallel_loop3A_255 = math.absf %parallel_loop3A_248 : vector<16xf32>
        %parallel_loop3A_256 = math.absf %parallel_loop3A_252 : vector<16xf32>
        %parallel_loop3A_257 = arith.cmpf ogt, %parallel_loop3A_254, %parallel_loop3A_253 : vector<16xf32>
        %parallel_loop3A_258 = arith.extui %parallel_loop3A_257 : vector<16xi1> to vector<16xi32>
        %parallel_loop3A_259 = arith.cmpf ogt, %parallel_loop3A_255, %parallel_loop3A_253 : vector<16xf32>
        %parallel_loop3A_260 = arith.extui %parallel_loop3A_259 : vector<16xi1> to vector<16xi32>
        %parallel_loop3A_261 = arith.cmpf ogt, %parallel_loop3A_256, %parallel_loop3A_253 : vector<16xf32>
        %parallel_loop3A_262 = arith.extui %parallel_loop3A_261 : vector<16xi1> to vector<16xi32>
        %parallel_loop3A_263 = arith.cmpf ogt, %parallel_loop3A_255, %parallel_loop3A_254 : vector<16xf32>
        %parallel_loop3A_264 = arith.extui %parallel_loop3A_263 : vector<16xi1> to vector<16xi32>
        %parallel_loop3A_265 = arith.cmpf ogt, %parallel_loop3A_256, %parallel_loop3A_254 : vector<16xf32>
        %parallel_loop3A_266 = arith.extui %parallel_loop3A_265 : vector<16xi1> to vector<16xi32>
        %parallel_loop3A_267 = arith.cmpf ogt, %parallel_loop3A_256, %parallel_loop3A_255 : vector<16xf32>
        %parallel_loop3A_268 = arith.extui %parallel_loop3A_267 : vector<16xi1> to vector<16xi32>
        %parallel_loop3A_269 = arith.addi %parallel_loop3A_258, %parallel_loop3A_260 : vector<16xi32>
        %parallel_loop3A_270 = arith.addi %parallel_loop3A_269, %parallel_loop3A_262 : vector<16xi32>
        %parallel_loop3A_271 = arith.constant 1 : i32
        %parallel_loop3A_272 = vector.broadcast %parallel_loop3A_271 : i32 to vector<16xi32>
        %parallel_loop3A_273 = arith.subi %parallel_loop3A_272, %parallel_loop3A_258 : vector<16xi32>
        %parallel_loop3A_274 = arith.addi %parallel_loop3A_273, %parallel_loop3A_264 : vector<16xi32>
        %parallel_loop3A_275 = arith.addi %parallel_loop3A_274, %parallel_loop3A_266 : vector<16xi32>
        %parallel_loop3A_276 = arith.constant 2 : i32
        %parallel_loop3A_277 = vector.broadcast %parallel_loop3A_276 : i32 to vector<16xi32>
        %parallel_loop3A_278 = arith.subi %parallel_loop3A_277, %parallel_loop3A_260 : vector<16xi32>
        %parallel_loop3A_279 = arith.subi %parallel_loop3A_278, %parallel_loop3A_264 : vector<16xi32>
        %parallel_loop3A_280 = arith.addi %parallel_loop3A_279, %parallel_loop3A_268 : vector<16xi32>
        %parallel_loop3A_281 = arith.constant 3 : i32
        %parallel_loop3A_282 = vector.broadcast %parallel_loop3A_281 : i32 to vector<16xi32>
        %parallel_loop3A_283 = arith.subi %parallel_loop3A_282, %parallel_loop3A_262 : vector<16xi32>
        %parallel_loop3A_284 = arith.subi %parallel_loop3A_283, %parallel_loop3A_266 : vector<16xi32>
        %parallel_loop3A_285 = arith.subi %parallel_loop3A_284, %parallel_loop3A_268 : vector<16xi32>
        %parallel_loop3A_286 = arith.constant 1 : i32
        %parallel_loop3A_287 = vector.broadcast %parallel_loop3A_286 : i32 to vector<16xi32>
        %parallel_loop3A_288 = arith.cmpi sgt, %parallel_loop3A_270, %parallel_loop3A_287 : vector<16xi32>
        %parallel_loop3A_289 = arith.constant 3 : i32
        %parallel_loop3A_290 = tpu.memref_slice %arg4[%parallel_loop3A_289, %parallel_loop3A_236] : memref<4x4096xf32, #tpu.memory_space<vmem>> -> memref<1x64xf32, #tpu.memory_space<vmem>>
        %parallel_loop3A_291 = tpu.memref_squeeze %parallel_loop3A_290 : memref<1x64xf32, #tpu.memory_space<vmem>> -> memref<64xf32, #tpu.memory_space<vmem>>
        tpu.vector_store_idx %parallel_loop3A_291[%mul3A_58], %broadcast_in_dim3A_68 masked %parallel_loop3A_288 : memref<64xf32, #tpu.memory_space<vmem>>[vector<16xi32>], vector<16xf32>, vector<16xi1>
        %parallel_loop3A_292 = arith.constant 1 : i32
        %parallel_loop3A_293 = vector.broadcast %parallel_loop3A_292 : i32 to vector<16xi32>
        %parallel_loop3A_294 = arith.cmpi sgt, %parallel_loop3A_275, %parallel_loop3A_293 : vector<16xi32>
        %parallel_loop3A_295 = arith.constant 3 : i32
        %parallel_loop3A_296 = tpu.memref_slice %arg4[%parallel_loop3A_295, %parallel_loop3A_236] : memref<4x4096xf32, #tpu.memory_space<vmem>> -> memref<1x64xf32, #tpu.memory_space<vmem>>
        %parallel_loop3A_297 = tpu.memref_squeeze %parallel_loop3A_296 : memref<1x64xf32, #tpu.memory_space<vmem>> -> memref<64xf32, #tpu.memory_space<vmem>>
        tpu.vector_store_idx %parallel_loop3A_297[%add3A_61], %broadcast_in_dim3A_68 masked %parallel_loop3A_294 : memref<64xf32, #tpu.memory_space<vmem>>[vector<16xi32>], vector<16xf32>, vector<16xi1>
        %parallel_loop3A_298 = arith.constant 1 : i32
        %parallel_loop3A_299 = vector.broadcast %parallel_loop3A_298 : i32 to vector<16xi32>
        %parallel_loop3A_300 = arith.cmpi sgt, %parallel_loop3A_280, %parallel_loop3A_299 : vector<16xi32>
        %parallel_loop3A_301 = arith.constant 3 : i32
        %parallel_loop3A_302 = tpu.memref_slice %arg4[%parallel_loop3A_301, %parallel_loop3A_236] : memref<4x4096xf32, #tpu.memory_space<vmem>> -> memref<1x64xf32, #tpu.memory_space<vmem>>
        %parallel_loop3A_303 = tpu.memref_squeeze %parallel_loop3A_302 : memref<1x64xf32, #tpu.memory_space<vmem>> -> memref<64xf32, #tpu.memory_space<vmem>>
        tpu.vector_store_idx %parallel_loop3A_303[%add3A_64], %broadcast_in_dim3A_68 masked %parallel_loop3A_300 : memref<64xf32, #tpu.memory_space<vmem>>[vector<16xi32>], vector<16xf32>, vector<16xi1>
        %parallel_loop3A_304 = arith.constant 1 : i32
        %parallel_loop3A_305 = vector.broadcast %parallel_loop3A_304 : i32 to vector<16xi32>
        %parallel_loop3A_306 = arith.cmpi sgt, %parallel_loop3A_285, %parallel_loop3A_305 : vector<16xi32>
        %parallel_loop3A_307 = arith.constant 3 : i32
        %parallel_loop3A_308 = tpu.memref_slice %arg4[%parallel_loop3A_307, %parallel_loop3A_236] : memref<4x4096xf32, #tpu.memory_space<vmem>> -> memref<1x64xf32, #tpu.memory_space<vmem>>
        %parallel_loop3A_309 = tpu.memref_squeeze %parallel_loop3A_308 : memref<1x64xf32, #tpu.memory_space<vmem>> -> memref<64xf32, #tpu.memory_space<vmem>>
        tpu.vector_store_idx %parallel_loop3A_309[%add3A_67], %broadcast_in_dim3A_68 masked %parallel_loop3A_306 : memref<64xf32, #tpu.memory_space<vmem>>[vector<16xi32>], vector<16xf32>, vector<16xi1>
      } {sc.loop_unroll_factor = 4 : i64, sc.parallel_access}
      %dma_start3A_80 = arith.constant 0 : i32
      %dma_start3A_81 = tpu.memref_slice %arg3[%add3A_51, %dma_start3A_80] : memref<16384x4096xf32, #tpu.memory_space<hbm>> -> memref<4x4096xf32, #tpu.memory_space<hbm>>
      %dma_start3A_82 = arith.constant 0 : i32
      %dma_start3A_83 = tpu.memref_slice %arg3[%add3A_51, %dma_start3A_82] : memref<16384x4096xf32, #tpu.memory_space<hbm>> -> memref<4x4096xf32, #tpu.memory_space<hbm>>
      tpu.enqueue_dma source(%arg4 : memref<4x4096xf32, #tpu.memory_space<vmem>>) target(%dma_start3A_83 : memref<4x4096xf32, #tpu.memory_space<hbm>>) target_semaphore(%arg12 : memref<!tpu.dma_semaphore, #tpu.memory_space<semaphore_mem>>)
      %gt3A = arith.constant 0 : i32
      %gt3A_84 = arith.cmpi sgt, %scan3A_43, %gt3A : i32
      %convert_element_type3A = arith.extui %gt3A_84 : i1 to i32
      %cond3A = arith.constant 0 : i32
      %cond3A_85 = arith.cmpi ne, %convert_element_type3A, %cond3A : i32
      scf.if %cond3A_85 {
        %sub3A = arith.constant 2 : i32
        %sub3A_236 = arith.subi %add3A_48, %sub3A : i32
        %add3A_237 = arith.constant 2 : i32
        %add3A_238 = arith.addi %add3A_48, %add3A_237 : i32
        %mul3A_239 = arith.constant 4 : i32
        %mul3A_240 = arith.muli %sub3A_236, %mul3A_239 : i32
        %add3A_241 = arith.addi %mul3A_2, %mul3A_240 : i32
        %dma_wait3A_242 = arith.constant 0 : i32
        %dma_wait3A_243 = tpu.memref_slice %arg3[%add3A_241, %dma_wait3A_242] : memref<16384x4096xf32, #tpu.memory_space<hbm>> -> memref<4x4096xf32, #tpu.memory_space<hbm>>
        %dma_wait3A_244 = arith.constant 0 : i32
        %dma_wait3A_245 = tpu.memref_slice %arg3[%add3A_241, %dma_wait3A_244] : memref<16384x4096xf32, #tpu.memory_space<hbm>> -> memref<4x4096xf32, #tpu.memory_space<hbm>>
        tpu.wait_dma2 semaphore(%arg14 : memref<!tpu.dma_semaphore, #tpu.memory_space<semaphore_mem>>) src(%arg6 : memref<4x4096xf32, #tpu.memory_space<vmem>>) dst(%dma_wait3A_245 : memref<4x4096xf32, #tpu.memory_space<hbm>>)
        %mul3A_246 = arith.constant 4 : i32
        %mul3A_247 = arith.muli %add3A_238, %mul3A_246 : i32
        %add3A_248 = arith.addi %mul3A_2, %mul3A_247 : i32
        %dma_start3A_249 = arith.constant 0 : i32
        %dma_start3A_250 = tpu.memref_slice %arg2[%add3A_248, %dma_start3A_249] : memref<16384x4096xf32, #tpu.memory_space<hbm>> -> memref<4x4096xf32, #tpu.memory_space<hbm>>
        %dma_start3A_251 = arith.constant 0 : i32
        %dma_start3A_252 = tpu.memref_slice %arg2[%add3A_248, %dma_start3A_251] : memref<16384x4096xf32, #tpu.memory_space<hbm>> -> memref<4x4096xf32, #tpu.memory_space<hbm>>
        tpu.enqueue_dma source(%dma_start3A_252 : memref<4x4096xf32, #tpu.memory_space<hbm>>) target(%arg6 : memref<4x4096xf32, #tpu.memory_space<vmem>>) target_semaphore(%arg10 : memref<!tpu.dma_semaphore, #tpu.memory_space<semaphore_mem>>)
      } else {
      }
      %eq3A = arith.constant 0 : i32
      %eq3A_86 = arith.cmpi eq, %scan3A_43, %eq3A : i32
      %convert_element_type3A_87 = arith.extui %eq3A_86 : i1 to i32
      %cond3A_88 = arith.constant 0 : i32
      %cond3A_89 = arith.cmpi ne, %convert_element_type3A_87, %cond3A_88 : i32
      scf.if %cond3A_89 {
        %add3A_236 = arith.constant 2 : i32
        %add3A_237 = arith.addi %add3A_48, %add3A_236 : i32
        %mul3A_238 = arith.constant 4 : i32
        %mul3A_239 = arith.muli %add3A_237, %mul3A_238 : i32
        %add3A_240 = arith.addi %mul3A_2, %mul3A_239 : i32
        %dma_start3A_241 = arith.constant 0 : i32
        %dma_start3A_242 = tpu.memref_slice %arg2[%add3A_240, %dma_start3A_241] : memref<16384x4096xf32, #tpu.memory_space<hbm>> -> memref<4x4096xf32, #tpu.memory_space<hbm>>
        %dma_start3A_243 = arith.constant 0 : i32
        %dma_start3A_244 = tpu.memref_slice %arg2[%add3A_240, %dma_start3A_243] : memref<16384x4096xf32, #tpu.memory_space<hbm>> -> memref<4x4096xf32, #tpu.memory_space<hbm>>
        tpu.enqueue_dma source(%dma_start3A_244 : memref<4x4096xf32, #tpu.memory_space<hbm>>) target(%arg6 : memref<4x4096xf32, #tpu.memory_space<vmem>>) target_semaphore(%arg10 : memref<!tpu.dma_semaphore, #tpu.memory_space<semaphore_mem>>)
      } else {
      }
      %mul3A_90 = arith.constant 4 : i32
      %mul3A_91 = arith.muli %scan3A_43, %mul3A_90 : i32
      %add3A_92 = arith.constant 1 : i32
      %add3A_93 = arith.addi %mul3A_91, %add3A_92 : i32
      %mul3A_94 = arith.constant 4 : i32
      %mul3A_95 = arith.muli %add3A_93, %mul3A_94 : i32
      %add3A_96 = arith.addi %mul3A_2, %mul3A_95 : i32
      %dma_wait3A_97 = arith.constant 0 : i32
      %dma_wait3A_98 = tpu.memref_slice %arg2[%add3A_96, %dma_wait3A_97] : memref<16384x4096xf32, #tpu.memory_space<hbm>> -> memref<4x4096xf32, #tpu.memory_space<hbm>>
      %dma_wait3A_99 = arith.constant 0 : i32
      %dma_wait3A_100 = tpu.memref_slice %arg2[%add3A_96, %dma_wait3A_99] : memref<16384x4096xf32, #tpu.memory_space<hbm>> -> memref<4x4096xf32, #tpu.memory_space<hbm>>
      tpu.wait_dma2 semaphore(%arg9 : memref<!tpu.dma_semaphore, #tpu.memory_space<semaphore_mem>>) src(%dma_wait3A_100 : memref<4x4096xf32, #tpu.memory_space<hbm>>) dst(%arg5 : memref<4x4096xf32, #tpu.memory_space<vmem>>)
      %iota3A_101 = tpu.iota {dimensions = array<i32: 0>} : vector<16xi32>
      %mul3A_102 = arith.constant 4 : i32
      %mul3A_103 = vector.broadcast %mul3A_102 : i32 to vector<16xi32>
      %mul3A_104 = arith.muli %iota3A_101, %mul3A_103 : vector<16xi32>
      %add3A_105 = arith.constant 1 : i32
      %add3A_106 = vector.broadcast %add3A_105 : i32 to vector<16xi32>
      %add3A_107 = arith.addi %mul3A_104, %add3A_106 : vector<16xi32>
      %add3A_108 = arith.constant 2 : i32
      %add3A_109 = vector.broadcast %add3A_108 : i32 to vector<16xi32>
      %add3A_110 = arith.addi %mul3A_104, %add3A_109 : vector<16xi32>
      %add3A_111 = arith.constant 3 : i32
      %add3A_112 = vector.broadcast %add3A_111 : i32 to vector<16xi32>
      %add3A_113 = arith.addi %mul3A_104, %add3A_112 : vector<16xi32>
      %broadcast_in_dim3A_114 = arith.constant 0.000000e+00 : f32
      %broadcast_in_dim3A_115 = vector.broadcast %broadcast_in_dim3A_114 : f32 to vector<16xf32>
      %parallel_loop3A_116 = arith.constant 0 : i32
      %parallel_loop3A_117 = arith.constant 4096 : i32
      %parallel_loop3A_118 = arith.constant 64 : i32
      scf.for %parallel_loop3A_236 = %parallel_loop3A_116 to %parallel_loop3A_117 step %parallel_loop3A_118  : i32 {
        %parallel_loop3A_237 = arith.constant 0 : i32
        %parallel_loop3A_238 = tpu.memref_slice %arg5[%parallel_loop3A_237, %parallel_loop3A_236] : memref<4x4096xf32, #tpu.memory_space<vmem>> -> memref<1x64xf32, #tpu.memory_space<vmem>>
        %parallel_loop3A_239 = tpu.memref_squeeze %parallel_loop3A_238 : memref<1x64xf32, #tpu.memory_space<vmem>> -> memref<64xf32, #tpu.memory_space<vmem>>
        %parallel_loop3A_240 = tpu.vector_load_idx %parallel_loop3A_239[%mul3A_104] : memref<64xf32, #tpu.memory_space<vmem>>[vector<16xi32>], vector<16xf32>,
        %parallel_loop3A_241 = arith.constant 0 : i32
        %parallel_loop3A_242 = tpu.memref_slice %arg5[%parallel_loop3A_241, %parallel_loop3A_236] : memref<4x4096xf32, #tpu.memory_space<vmem>> -> memref<1x64xf32, #tpu.memory_space<vmem>>
        %parallel_loop3A_243 = tpu.memref_squeeze %parallel_loop3A_242 : memref<1x64xf32, #tpu.memory_space<vmem>> -> memref<64xf32, #tpu.memory_space<vmem>>
        %parallel_loop3A_244 = tpu.vector_load_idx %parallel_loop3A_243[%add3A_107] : memref<64xf32, #tpu.memory_space<vmem>>[vector<16xi32>], vector<16xf32>,
        %parallel_loop3A_245 = arith.constant 0 : i32
        %parallel_loop3A_246 = tpu.memref_slice %arg5[%parallel_loop3A_245, %parallel_loop3A_236] : memref<4x4096xf32, #tpu.memory_space<vmem>> -> memref<1x64xf32, #tpu.memory_space<vmem>>
        %parallel_loop3A_247 = tpu.memref_squeeze %parallel_loop3A_246 : memref<1x64xf32, #tpu.memory_space<vmem>> -> memref<64xf32, #tpu.memory_space<vmem>>
        %parallel_loop3A_248 = tpu.vector_load_idx %parallel_loop3A_247[%add3A_110] : memref<64xf32, #tpu.memory_space<vmem>>[vector<16xi32>], vector<16xf32>,
        %parallel_loop3A_249 = arith.constant 0 : i32
        %parallel_loop3A_250 = tpu.memref_slice %arg5[%parallel_loop3A_249, %parallel_loop3A_236] : memref<4x4096xf32, #tpu.memory_space<vmem>> -> memref<1x64xf32, #tpu.memory_space<vmem>>
        %parallel_loop3A_251 = tpu.memref_squeeze %parallel_loop3A_250 : memref<1x64xf32, #tpu.memory_space<vmem>> -> memref<64xf32, #tpu.memory_space<vmem>>
        %parallel_loop3A_252 = tpu.vector_load_idx %parallel_loop3A_251[%add3A_113] : memref<64xf32, #tpu.memory_space<vmem>>[vector<16xi32>], vector<16xf32>,
        %parallel_loop3A_253 = math.absf %parallel_loop3A_240 : vector<16xf32>
        %parallel_loop3A_254 = math.absf %parallel_loop3A_244 : vector<16xf32>
        %parallel_loop3A_255 = math.absf %parallel_loop3A_248 : vector<16xf32>
        %parallel_loop3A_256 = math.absf %parallel_loop3A_252 : vector<16xf32>
        %parallel_loop3A_257 = arith.cmpf ogt, %parallel_loop3A_254, %parallel_loop3A_253 : vector<16xf32>
        %parallel_loop3A_258 = arith.extui %parallel_loop3A_257 : vector<16xi1> to vector<16xi32>
        %parallel_loop3A_259 = arith.cmpf ogt, %parallel_loop3A_255, %parallel_loop3A_253 : vector<16xf32>
        %parallel_loop3A_260 = arith.extui %parallel_loop3A_259 : vector<16xi1> to vector<16xi32>
        %parallel_loop3A_261 = arith.cmpf ogt, %parallel_loop3A_256, %parallel_loop3A_253 : vector<16xf32>
        %parallel_loop3A_262 = arith.extui %parallel_loop3A_261 : vector<16xi1> to vector<16xi32>
        %parallel_loop3A_263 = arith.cmpf ogt, %parallel_loop3A_255, %parallel_loop3A_254 : vector<16xf32>
        %parallel_loop3A_264 = arith.extui %parallel_loop3A_263 : vector<16xi1> to vector<16xi32>
        %parallel_loop3A_265 = arith.cmpf ogt, %parallel_loop3A_256, %parallel_loop3A_254 : vector<16xf32>
        %parallel_loop3A_266 = arith.extui %parallel_loop3A_265 : vector<16xi1> to vector<16xi32>
        %parallel_loop3A_267 = arith.cmpf ogt, %parallel_loop3A_256, %parallel_loop3A_255 : vector<16xf32>
        %parallel_loop3A_268 = arith.extui %parallel_loop3A_267 : vector<16xi1> to vector<16xi32>
        %parallel_loop3A_269 = arith.addi %parallel_loop3A_258, %parallel_loop3A_260 : vector<16xi32>
        %parallel_loop3A_270 = arith.addi %parallel_loop3A_269, %parallel_loop3A_262 : vector<16xi32>
        %parallel_loop3A_271 = arith.constant 1 : i32
        %parallel_loop3A_272 = vector.broadcast %parallel_loop3A_271 : i32 to vector<16xi32>
        %parallel_loop3A_273 = arith.subi %parallel_loop3A_272, %parallel_loop3A_258 : vector<16xi32>
        %parallel_loop3A_274 = arith.addi %parallel_loop3A_273, %parallel_loop3A_264 : vector<16xi32>
        %parallel_loop3A_275 = arith.addi %parallel_loop3A_274, %parallel_loop3A_266 : vector<16xi32>
        %parallel_loop3A_276 = arith.constant 2 : i32
        %parallel_loop3A_277 = vector.broadcast %parallel_loop3A_276 : i32 to vector<16xi32>
        %parallel_loop3A_278 = arith.subi %parallel_loop3A_277, %parallel_loop3A_260 : vector<16xi32>
        %parallel_loop3A_279 = arith.subi %parallel_loop3A_278, %parallel_loop3A_264 : vector<16xi32>
        %parallel_loop3A_280 = arith.addi %parallel_loop3A_279, %parallel_loop3A_268 : vector<16xi32>
        %parallel_loop3A_281 = arith.constant 3 : i32
        %parallel_loop3A_282 = vector.broadcast %parallel_loop3A_281 : i32 to vector<16xi32>
        %parallel_loop3A_283 = arith.subi %parallel_loop3A_282, %parallel_loop3A_262 : vector<16xi32>
        %parallel_loop3A_284 = arith.subi %parallel_loop3A_283, %parallel_loop3A_266 : vector<16xi32>
        %parallel_loop3A_285 = arith.subi %parallel_loop3A_284, %parallel_loop3A_268 : vector<16xi32>
        %parallel_loop3A_286 = arith.constant 1 : i32
        %parallel_loop3A_287 = vector.broadcast %parallel_loop3A_286 : i32 to vector<16xi32>
        %parallel_loop3A_288 = arith.cmpi sgt, %parallel_loop3A_270, %parallel_loop3A_287 : vector<16xi32>
        %parallel_loop3A_289 = arith.constant 0 : i32
        %parallel_loop3A_290 = tpu.memref_slice %arg5[%parallel_loop3A_289, %parallel_loop3A_236] : memref<4x4096xf32, #tpu.memory_space<vmem>> -> memref<1x64xf32, #tpu.memory_space<vmem>>
        %parallel_loop3A_291 = tpu.memref_squeeze %parallel_loop3A_290 : memref<1x64xf32, #tpu.memory_space<vmem>> -> memref<64xf32, #tpu.memory_space<vmem>>
        tpu.vector_store_idx %parallel_loop3A_291[%mul3A_104], %broadcast_in_dim3A_115 masked %parallel_loop3A_288 : memref<64xf32, #tpu.memory_space<vmem>>[vector<16xi32>], vector<16xf32>, vector<16xi1>
        %parallel_loop3A_292 = arith.constant 1 : i32
        %parallel_loop3A_293 = vector.broadcast %parallel_loop3A_292 : i32 to vector<16xi32>
        %parallel_loop3A_294 = arith.cmpi sgt, %parallel_loop3A_275, %parallel_loop3A_293 : vector<16xi32>
        %parallel_loop3A_295 = arith.constant 0 : i32
        %parallel_loop3A_296 = tpu.memref_slice %arg5[%parallel_loop3A_295, %parallel_loop3A_236] : memref<4x4096xf32, #tpu.memory_space<vmem>> -> memref<1x64xf32, #tpu.memory_space<vmem>>
        %parallel_loop3A_297 = tpu.memref_squeeze %parallel_loop3A_296 : memref<1x64xf32, #tpu.memory_space<vmem>> -> memref<64xf32, #tpu.memory_space<vmem>>
        tpu.vector_store_idx %parallel_loop3A_297[%add3A_107], %broadcast_in_dim3A_115 masked %parallel_loop3A_294 : memref<64xf32, #tpu.memory_space<vmem>>[vector<16xi32>], vector<16xf32>, vector<16xi1>
        %parallel_loop3A_298 = arith.constant 1 : i32
        %parallel_loop3A_299 = vector.broadcast %parallel_loop3A_298 : i32 to vector<16xi32>
        %parallel_loop3A_300 = arith.cmpi sgt, %parallel_loop3A_280, %parallel_loop3A_299 : vector<16xi32>
        %parallel_loop3A_301 = arith.constant 0 : i32
        %parallel_loop3A_302 = tpu.memref_slice %arg5[%parallel_loop3A_301, %parallel_loop3A_236] : memref<4x4096xf32, #tpu.memory_space<vmem>> -> memref<1x64xf32, #tpu.memory_space<vmem>>
        %parallel_loop3A_303 = tpu.memref_squeeze %parallel_loop3A_302 : memref<1x64xf32, #tpu.memory_space<vmem>> -> memref<64xf32, #tpu.memory_space<vmem>>
        tpu.vector_store_idx %parallel_loop3A_303[%add3A_110], %broadcast_in_dim3A_115 masked %parallel_loop3A_300 : memref<64xf32, #tpu.memory_space<vmem>>[vector<16xi32>], vector<16xf32>, vector<16xi1>
        %parallel_loop3A_304 = arith.constant 1 : i32
        %parallel_loop3A_305 = vector.broadcast %parallel_loop3A_304 : i32 to vector<16xi32>
        %parallel_loop3A_306 = arith.cmpi sgt, %parallel_loop3A_285, %parallel_loop3A_305 : vector<16xi32>
        %parallel_loop3A_307 = arith.constant 0 : i32
        %parallel_loop3A_308 = tpu.memref_slice %arg5[%parallel_loop3A_307, %parallel_loop3A_236] : memref<4x4096xf32, #tpu.memory_space<vmem>> -> memref<1x64xf32, #tpu.memory_space<vmem>>
        %parallel_loop3A_309 = tpu.memref_squeeze %parallel_loop3A_308 : memref<1x64xf32, #tpu.memory_space<vmem>> -> memref<64xf32, #tpu.memory_space<vmem>>
        tpu.vector_store_idx %parallel_loop3A_309[%add3A_113], %broadcast_in_dim3A_115 masked %parallel_loop3A_306 : memref<64xf32, #tpu.memory_space<vmem>>[vector<16xi32>], vector<16xf32>, vector<16xi1>
      } {sc.loop_unroll_factor = 4 : i64, sc.parallel_access}
      %parallel_loop3A_119 = arith.constant 0 : i32
      %parallel_loop3A_120 = arith.constant 4096 : i32
      %parallel_loop3A_121 = arith.constant 64 : i32
      scf.for %parallel_loop3A_236 = %parallel_loop3A_119 to %parallel_loop3A_120 step %parallel_loop3A_121  : i32 {
        %parallel_loop3A_237 = arith.constant 1 : i32
        %parallel_loop3A_238 = tpu.memref_slice %arg5[%parallel_loop3A_237, %parallel_loop3A_236] : memref<4x4096xf32, #tpu.memory_space<vmem>> -> memref<1x64xf32, #tpu.memory_space<vmem>>
        %parallel_loop3A_239 = tpu.memref_squeeze %parallel_loop3A_238 : memref<1x64xf32, #tpu.memory_space<vmem>> -> memref<64xf32, #tpu.memory_space<vmem>>
        %parallel_loop3A_240 = tpu.vector_load_idx %parallel_loop3A_239[%mul3A_104] : memref<64xf32, #tpu.memory_space<vmem>>[vector<16xi32>], vector<16xf32>,
        %parallel_loop3A_241 = arith.constant 1 : i32
        %parallel_loop3A_242 = tpu.memref_slice %arg5[%parallel_loop3A_241, %parallel_loop3A_236] : memref<4x4096xf32, #tpu.memory_space<vmem>> -> memref<1x64xf32, #tpu.memory_space<vmem>>
        %parallel_loop3A_243 = tpu.memref_squeeze %parallel_loop3A_242 : memref<1x64xf32, #tpu.memory_space<vmem>> -> memref<64xf32, #tpu.memory_space<vmem>>
        %parallel_loop3A_244 = tpu.vector_load_idx %parallel_loop3A_243[%add3A_107] : memref<64xf32, #tpu.memory_space<vmem>>[vector<16xi32>], vector<16xf32>,
        %parallel_loop3A_245 = arith.constant 1 : i32
        %parallel_loop3A_246 = tpu.memref_slice %arg5[%parallel_loop3A_245, %parallel_loop3A_236] : memref<4x4096xf32, #tpu.memory_space<vmem>> -> memref<1x64xf32, #tpu.memory_space<vmem>>
        %parallel_loop3A_247 = tpu.memref_squeeze %parallel_loop3A_246 : memref<1x64xf32, #tpu.memory_space<vmem>> -> memref<64xf32, #tpu.memory_space<vmem>>
        %parallel_loop3A_248 = tpu.vector_load_idx %parallel_loop3A_247[%add3A_110] : memref<64xf32, #tpu.memory_space<vmem>>[vector<16xi32>], vector<16xf32>,
        %parallel_loop3A_249 = arith.constant 1 : i32
        %parallel_loop3A_250 = tpu.memref_slice %arg5[%parallel_loop3A_249, %parallel_loop3A_236] : memref<4x4096xf32, #tpu.memory_space<vmem>> -> memref<1x64xf32, #tpu.memory_space<vmem>>
        %parallel_loop3A_251 = tpu.memref_squeeze %parallel_loop3A_250 : memref<1x64xf32, #tpu.memory_space<vmem>> -> memref<64xf32, #tpu.memory_space<vmem>>
        %parallel_loop3A_252 = tpu.vector_load_idx %parallel_loop3A_251[%add3A_113] : memref<64xf32, #tpu.memory_space<vmem>>[vector<16xi32>], vector<16xf32>,
        %parallel_loop3A_253 = math.absf %parallel_loop3A_240 : vector<16xf32>
        %parallel_loop3A_254 = math.absf %parallel_loop3A_244 : vector<16xf32>
        %parallel_loop3A_255 = math.absf %parallel_loop3A_248 : vector<16xf32>
        %parallel_loop3A_256 = math.absf %parallel_loop3A_252 : vector<16xf32>
        %parallel_loop3A_257 = arith.cmpf ogt, %parallel_loop3A_254, %parallel_loop3A_253 : vector<16xf32>
        %parallel_loop3A_258 = arith.extui %parallel_loop3A_257 : vector<16xi1> to vector<16xi32>
        %parallel_loop3A_259 = arith.cmpf ogt, %parallel_loop3A_255, %parallel_loop3A_253 : vector<16xf32>
        %parallel_loop3A_260 = arith.extui %parallel_loop3A_259 : vector<16xi1> to vector<16xi32>
        %parallel_loop3A_261 = arith.cmpf ogt, %parallel_loop3A_256, %parallel_loop3A_253 : vector<16xf32>
        %parallel_loop3A_262 = arith.extui %parallel_loop3A_261 : vector<16xi1> to vector<16xi32>
        %parallel_loop3A_263 = arith.cmpf ogt, %parallel_loop3A_255, %parallel_loop3A_254 : vector<16xf32>
        %parallel_loop3A_264 = arith.extui %parallel_loop3A_263 : vector<16xi1> to vector<16xi32>
        %parallel_loop3A_265 = arith.cmpf ogt, %parallel_loop3A_256, %parallel_loop3A_254 : vector<16xf32>
        %parallel_loop3A_266 = arith.extui %parallel_loop3A_265 : vector<16xi1> to vector<16xi32>
        %parallel_loop3A_267 = arith.cmpf ogt, %parallel_loop3A_256, %parallel_loop3A_255 : vector<16xf32>
        %parallel_loop3A_268 = arith.extui %parallel_loop3A_267 : vector<16xi1> to vector<16xi32>
        %parallel_loop3A_269 = arith.addi %parallel_loop3A_258, %parallel_loop3A_260 : vector<16xi32>
        %parallel_loop3A_270 = arith.addi %parallel_loop3A_269, %parallel_loop3A_262 : vector<16xi32>
        %parallel_loop3A_271 = arith.constant 1 : i32
        %parallel_loop3A_272 = vector.broadcast %parallel_loop3A_271 : i32 to vector<16xi32>
        %parallel_loop3A_273 = arith.subi %parallel_loop3A_272, %parallel_loop3A_258 : vector<16xi32>
        %parallel_loop3A_274 = arith.addi %parallel_loop3A_273, %parallel_loop3A_264 : vector<16xi32>
        %parallel_loop3A_275 = arith.addi %parallel_loop3A_274, %parallel_loop3A_266 : vector<16xi32>
        %parallel_loop3A_276 = arith.constant 2 : i32
        %parallel_loop3A_277 = vector.broadcast %parallel_loop3A_276 : i32 to vector<16xi32>
        %parallel_loop3A_278 = arith.subi %parallel_loop3A_277, %parallel_loop3A_260 : vector<16xi32>
        %parallel_loop3A_279 = arith.subi %parallel_loop3A_278, %parallel_loop3A_264 : vector<16xi32>
        %parallel_loop3A_280 = arith.addi %parallel_loop3A_279, %parallel_loop3A_268 : vector<16xi32>
        %parallel_loop3A_281 = arith.constant 3 : i32
        %parallel_loop3A_282 = vector.broadcast %parallel_loop3A_281 : i32 to vector<16xi32>
        %parallel_loop3A_283 = arith.subi %parallel_loop3A_282, %parallel_loop3A_262 : vector<16xi32>
        %parallel_loop3A_284 = arith.subi %parallel_loop3A_283, %parallel_loop3A_266 : vector<16xi32>
        %parallel_loop3A_285 = arith.subi %parallel_loop3A_284, %parallel_loop3A_268 : vector<16xi32>
        %parallel_loop3A_286 = arith.constant 1 : i32
        %parallel_loop3A_287 = vector.broadcast %parallel_loop3A_286 : i32 to vector<16xi32>
        %parallel_loop3A_288 = arith.cmpi sgt, %parallel_loop3A_270, %parallel_loop3A_287 : vector<16xi32>
        %parallel_loop3A_289 = arith.constant 1 : i32
        %parallel_loop3A_290 = tpu.memref_slice %arg5[%parallel_loop3A_289, %parallel_loop3A_236] : memref<4x4096xf32, #tpu.memory_space<vmem>> -> memref<1x64xf32, #tpu.memory_space<vmem>>
        %parallel_loop3A_291 = tpu.memref_squeeze %parallel_loop3A_290 : memref<1x64xf32, #tpu.memory_space<vmem>> -> memref<64xf32, #tpu.memory_space<vmem>>
        tpu.vector_store_idx %parallel_loop3A_291[%mul3A_104], %broadcast_in_dim3A_115 masked %parallel_loop3A_288 : memref<64xf32, #tpu.memory_space<vmem>>[vector<16xi32>], vector<16xf32>, vector<16xi1>
        %parallel_loop3A_292 = arith.constant 1 : i32
        %parallel_loop3A_293 = vector.broadcast %parallel_loop3A_292 : i32 to vector<16xi32>
        %parallel_loop3A_294 = arith.cmpi sgt, %parallel_loop3A_275, %parallel_loop3A_293 : vector<16xi32>
        %parallel_loop3A_295 = arith.constant 1 : i32
        %parallel_loop3A_296 = tpu.memref_slice %arg5[%parallel_loop3A_295, %parallel_loop3A_236] : memref<4x4096xf32, #tpu.memory_space<vmem>> -> memref<1x64xf32, #tpu.memory_space<vmem>>
        %parallel_loop3A_297 = tpu.memref_squeeze %parallel_loop3A_296 : memref<1x64xf32, #tpu.memory_space<vmem>> -> memref<64xf32, #tpu.memory_space<vmem>>
        tpu.vector_store_idx %parallel_loop3A_297[%add3A_107], %broadcast_in_dim3A_115 masked %parallel_loop3A_294 : memref<64xf32, #tpu.memory_space<vmem>>[vector<16xi32>], vector<16xf32>, vector<16xi1>
        %parallel_loop3A_298 = arith.constant 1 : i32
        %parallel_loop3A_299 = vector.broadcast %parallel_loop3A_298 : i32 to vector<16xi32>
        %parallel_loop3A_300 = arith.cmpi sgt, %parallel_loop3A_280, %parallel_loop3A_299 : vector<16xi32>
        %parallel_loop3A_301 = arith.constant 1 : i32
        %parallel_loop3A_302 = tpu.memref_slice %arg5[%parallel_loop3A_301, %parallel_loop3A_236] : memref<4x4096xf32, #tpu.memory_space<vmem>> -> memref<1x64xf32, #tpu.memory_space<vmem>>
        %parallel_loop3A_303 = tpu.memref_squeeze %parallel_loop3A_302 : memref<1x64xf32, #tpu.memory_space<vmem>> -> memref<64xf32, #tpu.memory_space<vmem>>
        tpu.vector_store_idx %parallel_loop3A_303[%add3A_110], %broadcast_in_dim3A_115 masked %parallel_loop3A_300 : memref<64xf32, #tpu.memory_space<vmem>>[vector<16xi32>], vector<16xf32>, vector<16xi1>
        %parallel_loop3A_304 = arith.constant 1 : i32
        %parallel_loop3A_305 = vector.broadcast %parallel_loop3A_304 : i32 to vector<16xi32>
        %parallel_loop3A_306 = arith.cmpi sgt, %parallel_loop3A_285, %parallel_loop3A_305 : vector<16xi32>
        %parallel_loop3A_307 = arith.constant 1 : i32
        %parallel_loop3A_308 = tpu.memref_slice %arg5[%parallel_loop3A_307, %parallel_loop3A_236] : memref<4x4096xf32, #tpu.memory_space<vmem>> -> memref<1x64xf32, #tpu.memory_space<vmem>>
        %parallel_loop3A_309 = tpu.memref_squeeze %parallel_loop3A_308 : memref<1x64xf32, #tpu.memory_space<vmem>> -> memref<64xf32, #tpu.memory_space<vmem>>
        tpu.vector_store_idx %parallel_loop3A_309[%add3A_113], %broadcast_in_dim3A_115 masked %parallel_loop3A_306 : memref<64xf32, #tpu.memory_space<vmem>>[vector<16xi32>], vector<16xf32>, vector<16xi1>
      } {sc.loop_unroll_factor = 4 : i64, sc.parallel_access}
      %parallel_loop3A_122 = arith.constant 0 : i32
      %parallel_loop3A_123 = arith.constant 4096 : i32
      %parallel_loop3A_124 = arith.constant 64 : i32
      scf.for %parallel_loop3A_236 = %parallel_loop3A_122 to %parallel_loop3A_123 step %parallel_loop3A_124  : i32 {
        %parallel_loop3A_237 = arith.constant 2 : i32
        %parallel_loop3A_238 = tpu.memref_slice %arg5[%parallel_loop3A_237, %parallel_loop3A_236] : memref<4x4096xf32, #tpu.memory_space<vmem>> -> memref<1x64xf32, #tpu.memory_space<vmem>>
        %parallel_loop3A_239 = tpu.memref_squeeze %parallel_loop3A_238 : memref<1x64xf32, #tpu.memory_space<vmem>> -> memref<64xf32, #tpu.memory_space<vmem>>
        %parallel_loop3A_240 = tpu.vector_load_idx %parallel_loop3A_239[%mul3A_104] : memref<64xf32, #tpu.memory_space<vmem>>[vector<16xi32>], vector<16xf32>,
        %parallel_loop3A_241 = arith.constant 2 : i32
        %parallel_loop3A_242 = tpu.memref_slice %arg5[%parallel_loop3A_241, %parallel_loop3A_236] : memref<4x4096xf32, #tpu.memory_space<vmem>> -> memref<1x64xf32, #tpu.memory_space<vmem>>
        %parallel_loop3A_243 = tpu.memref_squeeze %parallel_loop3A_242 : memref<1x64xf32, #tpu.memory_space<vmem>> -> memref<64xf32, #tpu.memory_space<vmem>>
        %parallel_loop3A_244 = tpu.vector_load_idx %parallel_loop3A_243[%add3A_107] : memref<64xf32, #tpu.memory_space<vmem>>[vector<16xi32>], vector<16xf32>,
        %parallel_loop3A_245 = arith.constant 2 : i32
        %parallel_loop3A_246 = tpu.memref_slice %arg5[%parallel_loop3A_245, %parallel_loop3A_236] : memref<4x4096xf32, #tpu.memory_space<vmem>> -> memref<1x64xf32, #tpu.memory_space<vmem>>
        %parallel_loop3A_247 = tpu.memref_squeeze %parallel_loop3A_246 : memref<1x64xf32, #tpu.memory_space<vmem>> -> memref<64xf32, #tpu.memory_space<vmem>>
        %parallel_loop3A_248 = tpu.vector_load_idx %parallel_loop3A_247[%add3A_110] : memref<64xf32, #tpu.memory_space<vmem>>[vector<16xi32>], vector<16xf32>,
        %parallel_loop3A_249 = arith.constant 2 : i32
        %parallel_loop3A_250 = tpu.memref_slice %arg5[%parallel_loop3A_249, %parallel_loop3A_236] : memref<4x4096xf32, #tpu.memory_space<vmem>> -> memref<1x64xf32, #tpu.memory_space<vmem>>
        %parallel_loop3A_251 = tpu.memref_squeeze %parallel_loop3A_250 : memref<1x64xf32, #tpu.memory_space<vmem>> -> memref<64xf32, #tpu.memory_space<vmem>>
        %parallel_loop3A_252 = tpu.vector_load_idx %parallel_loop3A_251[%add3A_113] : memref<64xf32, #tpu.memory_space<vmem>>[vector<16xi32>], vector<16xf32>,
        %parallel_loop3A_253 = math.absf %parallel_loop3A_240 : vector<16xf32>
        %parallel_loop3A_254 = math.absf %parallel_loop3A_244 : vector<16xf32>
        %parallel_loop3A_255 = math.absf %parallel_loop3A_248 : vector<16xf32>
        %parallel_loop3A_256 = math.absf %parallel_loop3A_252 : vector<16xf32>
        %parallel_loop3A_257 = arith.cmpf ogt, %parallel_loop3A_254, %parallel_loop3A_253 : vector<16xf32>
        %parallel_loop3A_258 = arith.extui %parallel_loop3A_257 : vector<16xi1> to vector<16xi32>
        %parallel_loop3A_259 = arith.cmpf ogt, %parallel_loop3A_255, %parallel_loop3A_253 : vector<16xf32>
        %parallel_loop3A_260 = arith.extui %parallel_loop3A_259 : vector<16xi1> to vector<16xi32>
        %parallel_loop3A_261 = arith.cmpf ogt, %parallel_loop3A_256, %parallel_loop3A_253 : vector<16xf32>
        %parallel_loop3A_262 = arith.extui %parallel_loop3A_261 : vector<16xi1> to vector<16xi32>
        %parallel_loop3A_263 = arith.cmpf ogt, %parallel_loop3A_255, %parallel_loop3A_254 : vector<16xf32>
        %parallel_loop3A_264 = arith.extui %parallel_loop3A_263 : vector<16xi1> to vector<16xi32>
        %parallel_loop3A_265 = arith.cmpf ogt, %parallel_loop3A_256, %parallel_loop3A_254 : vector<16xf32>
        %parallel_loop3A_266 = arith.extui %parallel_loop3A_265 : vector<16xi1> to vector<16xi32>
        %parallel_loop3A_267 = arith.cmpf ogt, %parallel_loop3A_256, %parallel_loop3A_255 : vector<16xf32>
        %parallel_loop3A_268 = arith.extui %parallel_loop3A_267 : vector<16xi1> to vector<16xi32>
        %parallel_loop3A_269 = arith.addi %parallel_loop3A_258, %parallel_loop3A_260 : vector<16xi32>
        %parallel_loop3A_270 = arith.addi %parallel_loop3A_269, %parallel_loop3A_262 : vector<16xi32>
        %parallel_loop3A_271 = arith.constant 1 : i32
        %parallel_loop3A_272 = vector.broadcast %parallel_loop3A_271 : i32 to vector<16xi32>
        %parallel_loop3A_273 = arith.subi %parallel_loop3A_272, %parallel_loop3A_258 : vector<16xi32>
        %parallel_loop3A_274 = arith.addi %parallel_loop3A_273, %parallel_loop3A_264 : vector<16xi32>
        %parallel_loop3A_275 = arith.addi %parallel_loop3A_274, %parallel_loop3A_266 : vector<16xi32>
        %parallel_loop3A_276 = arith.constant 2 : i32
        %parallel_loop3A_277 = vector.broadcast %parallel_loop3A_276 : i32 to vector<16xi32>
        %parallel_loop3A_278 = arith.subi %parallel_loop3A_277, %parallel_loop3A_260 : vector<16xi32>
        %parallel_loop3A_279 = arith.subi %parallel_loop3A_278, %parallel_loop3A_264 : vector<16xi32>
        %parallel_loop3A_280 = arith.addi %parallel_loop3A_279, %parallel_loop3A_268 : vector<16xi32>
        %parallel_loop3A_281 = arith.constant 3 : i32
        %parallel_loop3A_282 = vector.broadcast %parallel_loop3A_281 : i32 to vector<16xi32>
        %parallel_loop3A_283 = arith.subi %parallel_loop3A_282, %parallel_loop3A_262 : vector<16xi32>
        %parallel_loop3A_284 = arith.subi %parallel_loop3A_283, %parallel_loop3A_266 : vector<16xi32>
        %parallel_loop3A_285 = arith.subi %parallel_loop3A_284, %parallel_loop3A_268 : vector<16xi32>
        %parallel_loop3A_286 = arith.constant 1 : i32
        %parallel_loop3A_287 = vector.broadcast %parallel_loop3A_286 : i32 to vector<16xi32>
        %parallel_loop3A_288 = arith.cmpi sgt, %parallel_loop3A_270, %parallel_loop3A_287 : vector<16xi32>
        %parallel_loop3A_289 = arith.constant 2 : i32
        %parallel_loop3A_290 = tpu.memref_slice %arg5[%parallel_loop3A_289, %parallel_loop3A_236] : memref<4x4096xf32, #tpu.memory_space<vmem>> -> memref<1x64xf32, #tpu.memory_space<vmem>>
        %parallel_loop3A_291 = tpu.memref_squeeze %parallel_loop3A_290 : memref<1x64xf32, #tpu.memory_space<vmem>> -> memref<64xf32, #tpu.memory_space<vmem>>
        tpu.vector_store_idx %parallel_loop3A_291[%mul3A_104], %broadcast_in_dim3A_115 masked %parallel_loop3A_288 : memref<64xf32, #tpu.memory_space<vmem>>[vector<16xi32>], vector<16xf32>, vector<16xi1>
        %parallel_loop3A_292 = arith.constant 1 : i32
        %parallel_loop3A_293 = vector.broadcast %parallel_loop3A_292 : i32 to vector<16xi32>
        %parallel_loop3A_294 = arith.cmpi sgt, %parallel_loop3A_275, %parallel_loop3A_293 : vector<16xi32>
        %parallel_loop3A_295 = arith.constant 2 : i32
        %parallel_loop3A_296 = tpu.memref_slice %arg5[%parallel_loop3A_295, %parallel_loop3A_236] : memref<4x4096xf32, #tpu.memory_space<vmem>> -> memref<1x64xf32, #tpu.memory_space<vmem>>
        %parallel_loop3A_297 = tpu.memref_squeeze %parallel_loop3A_296 : memref<1x64xf32, #tpu.memory_space<vmem>> -> memref<64xf32, #tpu.memory_space<vmem>>
        tpu.vector_store_idx %parallel_loop3A_297[%add3A_107], %broadcast_in_dim3A_115 masked %parallel_loop3A_294 : memref<64xf32, #tpu.memory_space<vmem>>[vector<16xi32>], vector<16xf32>, vector<16xi1>
        %parallel_loop3A_298 = arith.constant 1 : i32
        %parallel_loop3A_299 = vector.broadcast %parallel_loop3A_298 : i32 to vector<16xi32>
        %parallel_loop3A_300 = arith.cmpi sgt, %parallel_loop3A_280, %parallel_loop3A_299 : vector<16xi32>
        %parallel_loop3A_301 = arith.constant 2 : i32
        %parallel_loop3A_302 = tpu.memref_slice %arg5[%parallel_loop3A_301, %parallel_loop3A_236] : memref<4x4096xf32, #tpu.memory_space<vmem>> -> memref<1x64xf32, #tpu.memory_space<vmem>>
        %parallel_loop3A_303 = tpu.memref_squeeze %parallel_loop3A_302 : memref<1x64xf32, #tpu.memory_space<vmem>> -> memref<64xf32, #tpu.memory_space<vmem>>
        tpu.vector_store_idx %parallel_loop3A_303[%add3A_110], %broadcast_in_dim3A_115 masked %parallel_loop3A_300 : memref<64xf32, #tpu.memory_space<vmem>>[vector<16xi32>], vector<16xf32>, vector<16xi1>
        %parallel_loop3A_304 = arith.constant 1 : i32
        %parallel_loop3A_305 = vector.broadcast %parallel_loop3A_304 : i32 to vector<16xi32>
        %parallel_loop3A_306 = arith.cmpi sgt, %parallel_loop3A_285, %parallel_loop3A_305 : vector<16xi32>
        %parallel_loop3A_307 = arith.constant 2 : i32
        %parallel_loop3A_308 = tpu.memref_slice %arg5[%parallel_loop3A_307, %parallel_loop3A_236] : memref<4x4096xf32, #tpu.memory_space<vmem>> -> memref<1x64xf32, #tpu.memory_space<vmem>>
        %parallel_loop3A_309 = tpu.memref_squeeze %parallel_loop3A_308 : memref<1x64xf32, #tpu.memory_space<vmem>> -> memref<64xf32, #tpu.memory_space<vmem>>
        tpu.vector_store_idx %parallel_loop3A_309[%add3A_113], %broadcast_in_dim3A_115 masked %parallel_loop3A_306 : memref<64xf32, #tpu.memory_space<vmem>>[vector<16xi32>], vector<16xf32>, vector<16xi1>
      } {sc.loop_unroll_factor = 4 : i64, sc.parallel_access}
      %parallel_loop3A_125 = arith.constant 0 : i32
      %parallel_loop3A_126 = arith.constant 4096 : i32
      %parallel_loop3A_127 = arith.constant 64 : i32
      scf.for %parallel_loop3A_236 = %parallel_loop3A_125 to %parallel_loop3A_126 step %parallel_loop3A_127  : i32 {
        %parallel_loop3A_237 = arith.constant 3 : i32
        %parallel_loop3A_238 = tpu.memref_slice %arg5[%parallel_loop3A_237, %parallel_loop3A_236] : memref<4x4096xf32, #tpu.memory_space<vmem>> -> memref<1x64xf32, #tpu.memory_space<vmem>>
        %parallel_loop3A_239 = tpu.memref_squeeze %parallel_loop3A_238 : memref<1x64xf32, #tpu.memory_space<vmem>> -> memref<64xf32, #tpu.memory_space<vmem>>
        %parallel_loop3A_240 = tpu.vector_load_idx %parallel_loop3A_239[%mul3A_104] : memref<64xf32, #tpu.memory_space<vmem>>[vector<16xi32>], vector<16xf32>,
        %parallel_loop3A_241 = arith.constant 3 : i32
        %parallel_loop3A_242 = tpu.memref_slice %arg5[%parallel_loop3A_241, %parallel_loop3A_236] : memref<4x4096xf32, #tpu.memory_space<vmem>> -> memref<1x64xf32, #tpu.memory_space<vmem>>
        %parallel_loop3A_243 = tpu.memref_squeeze %parallel_loop3A_242 : memref<1x64xf32, #tpu.memory_space<vmem>> -> memref<64xf32, #tpu.memory_space<vmem>>
        %parallel_loop3A_244 = tpu.vector_load_idx %parallel_loop3A_243[%add3A_107] : memref<64xf32, #tpu.memory_space<vmem>>[vector<16xi32>], vector<16xf32>,
        %parallel_loop3A_245 = arith.constant 3 : i32
        %parallel_loop3A_246 = tpu.memref_slice %arg5[%parallel_loop3A_245, %parallel_loop3A_236] : memref<4x4096xf32, #tpu.memory_space<vmem>> -> memref<1x64xf32, #tpu.memory_space<vmem>>
        %parallel_loop3A_247 = tpu.memref_squeeze %parallel_loop3A_246 : memref<1x64xf32, #tpu.memory_space<vmem>> -> memref<64xf32, #tpu.memory_space<vmem>>
        %parallel_loop3A_248 = tpu.vector_load_idx %parallel_loop3A_247[%add3A_110] : memref<64xf32, #tpu.memory_space<vmem>>[vector<16xi32>], vector<16xf32>,
        %parallel_loop3A_249 = arith.constant 3 : i32
        %parallel_loop3A_250 = tpu.memref_slice %arg5[%parallel_loop3A_249, %parallel_loop3A_236] : memref<4x4096xf32, #tpu.memory_space<vmem>> -> memref<1x64xf32, #tpu.memory_space<vmem>>
        %parallel_loop3A_251 = tpu.memref_squeeze %parallel_loop3A_250 : memref<1x64xf32, #tpu.memory_space<vmem>> -> memref<64xf32, #tpu.memory_space<vmem>>
        %parallel_loop3A_252 = tpu.vector_load_idx %parallel_loop3A_251[%add3A_113] : memref<64xf32, #tpu.memory_space<vmem>>[vector<16xi32>], vector<16xf32>,
        %parallel_loop3A_253 = math.absf %parallel_loop3A_240 : vector<16xf32>
        %parallel_loop3A_254 = math.absf %parallel_loop3A_244 : vector<16xf32>
        %parallel_loop3A_255 = math.absf %parallel_loop3A_248 : vector<16xf32>
        %parallel_loop3A_256 = math.absf %parallel_loop3A_252 : vector<16xf32>
        %parallel_loop3A_257 = arith.cmpf ogt, %parallel_loop3A_254, %parallel_loop3A_253 : vector<16xf32>
        %parallel_loop3A_258 = arith.extui %parallel_loop3A_257 : vector<16xi1> to vector<16xi32>
        %parallel_loop3A_259 = arith.cmpf ogt, %parallel_loop3A_255, %parallel_loop3A_253 : vector<16xf32>
        %parallel_loop3A_260 = arith.extui %parallel_loop3A_259 : vector<16xi1> to vector<16xi32>
        %parallel_loop3A_261 = arith.cmpf ogt, %parallel_loop3A_256, %parallel_loop3A_253 : vector<16xf32>
        %parallel_loop3A_262 = arith.extui %parallel_loop3A_261 : vector<16xi1> to vector<16xi32>
        %parallel_loop3A_263 = arith.cmpf ogt, %parallel_loop3A_255, %parallel_loop3A_254 : vector<16xf32>
        %parallel_loop3A_264 = arith.extui %parallel_loop3A_263 : vector<16xi1> to vector<16xi32>
        %parallel_loop3A_265 = arith.cmpf ogt, %parallel_loop3A_256, %parallel_loop3A_254 : vector<16xf32>
        %parallel_loop3A_266 = arith.extui %parallel_loop3A_265 : vector<16xi1> to vector<16xi32>
        %parallel_loop3A_267 = arith.cmpf ogt, %parallel_loop3A_256, %parallel_loop3A_255 : vector<16xf32>
        %parallel_loop3A_268 = arith.extui %parallel_loop3A_267 : vector<16xi1> to vector<16xi32>
        %parallel_loop3A_269 = arith.addi %parallel_loop3A_258, %parallel_loop3A_260 : vector<16xi32>
        %parallel_loop3A_270 = arith.addi %parallel_loop3A_269, %parallel_loop3A_262 : vector<16xi32>
        %parallel_loop3A_271 = arith.constant 1 : i32
        %parallel_loop3A_272 = vector.broadcast %parallel_loop3A_271 : i32 to vector<16xi32>
        %parallel_loop3A_273 = arith.subi %parallel_loop3A_272, %parallel_loop3A_258 : vector<16xi32>
        %parallel_loop3A_274 = arith.addi %parallel_loop3A_273, %parallel_loop3A_264 : vector<16xi32>
        %parallel_loop3A_275 = arith.addi %parallel_loop3A_274, %parallel_loop3A_266 : vector<16xi32>
        %parallel_loop3A_276 = arith.constant 2 : i32
        %parallel_loop3A_277 = vector.broadcast %parallel_loop3A_276 : i32 to vector<16xi32>
        %parallel_loop3A_278 = arith.subi %parallel_loop3A_277, %parallel_loop3A_260 : vector<16xi32>
        %parallel_loop3A_279 = arith.subi %parallel_loop3A_278, %parallel_loop3A_264 : vector<16xi32>
        %parallel_loop3A_280 = arith.addi %parallel_loop3A_279, %parallel_loop3A_268 : vector<16xi32>
        %parallel_loop3A_281 = arith.constant 3 : i32
        %parallel_loop3A_282 = vector.broadcast %parallel_loop3A_281 : i32 to vector<16xi32>
        %parallel_loop3A_283 = arith.subi %parallel_loop3A_282, %parallel_loop3A_262 : vector<16xi32>
        %parallel_loop3A_284 = arith.subi %parallel_loop3A_283, %parallel_loop3A_266 : vector<16xi32>
        %parallel_loop3A_285 = arith.subi %parallel_loop3A_284, %parallel_loop3A_268 : vector<16xi32>
        %parallel_loop3A_286 = arith.constant 1 : i32
        %parallel_loop3A_287 = vector.broadcast %parallel_loop3A_286 : i32 to vector<16xi32>
        %parallel_loop3A_288 = arith.cmpi sgt, %parallel_loop3A_270, %parallel_loop3A_287 : vector<16xi32>
        %parallel_loop3A_289 = arith.constant 3 : i32
        %parallel_loop3A_290 = tpu.memref_slice %arg5[%parallel_loop3A_289, %parallel_loop3A_236] : memref<4x4096xf32, #tpu.memory_space<vmem>> -> memref<1x64xf32, #tpu.memory_space<vmem>>
        %parallel_loop3A_291 = tpu.memref_squeeze %parallel_loop3A_290 : memref<1x64xf32, #tpu.memory_space<vmem>> -> memref<64xf32, #tpu.memory_space<vmem>>
        tpu.vector_store_idx %parallel_loop3A_291[%mul3A_104], %broadcast_in_dim3A_115 masked %parallel_loop3A_288 : memref<64xf32, #tpu.memory_space<vmem>>[vector<16xi32>], vector<16xf32>, vector<16xi1>
        %parallel_loop3A_292 = arith.constant 1 : i32
        %parallel_loop3A_293 = vector.broadcast %parallel_loop3A_292 : i32 to vector<16xi32>
        %parallel_loop3A_294 = arith.cmpi sgt, %parallel_loop3A_275, %parallel_loop3A_293 : vector<16xi32>
        %parallel_loop3A_295 = arith.constant 3 : i32
        %parallel_loop3A_296 = tpu.memref_slice %arg5[%parallel_loop3A_295, %parallel_loop3A_236] : memref<4x4096xf32, #tpu.memory_space<vmem>> -> memref<1x64xf32, #tpu.memory_space<vmem>>
        %parallel_loop3A_297 = tpu.memref_squeeze %parallel_loop3A_296 : memref<1x64xf32, #tpu.memory_space<vmem>> -> memref<64xf32, #tpu.memory_space<vmem>>
        tpu.vector_store_idx %parallel_loop3A_297[%add3A_107], %broadcast_in_dim3A_115 masked %parallel_loop3A_294 : memref<64xf32, #tpu.memory_space<vmem>>[vector<16xi32>], vector<16xf32>, vector<16xi1>
        %parallel_loop3A_298 = arith.constant 1 : i32
        %parallel_loop3A_299 = vector.broadcast %parallel_loop3A_298 : i32 to vector<16xi32>
        %parallel_loop3A_300 = arith.cmpi sgt, %parallel_loop3A_280, %parallel_loop3A_299 : vector<16xi32>
        %parallel_loop3A_301 = arith.constant 3 : i32
        %parallel_loop3A_302 = tpu.memref_slice %arg5[%parallel_loop3A_301, %parallel_loop3A_236] : memref<4x4096xf32, #tpu.memory_space<vmem>> -> memref<1x64xf32, #tpu.memory_space<vmem>>
        %parallel_loop3A_303 = tpu.memref_squeeze %parallel_loop3A_302 : memref<1x64xf32, #tpu.memory_space<vmem>> -> memref<64xf32, #tpu.memory_space<vmem>>
        tpu.vector_store_idx %parallel_loop3A_303[%add3A_110], %broadcast_in_dim3A_115 masked %parallel_loop3A_300 : memref<64xf32, #tpu.memory_space<vmem>>[vector<16xi32>], vector<16xf32>, vector<16xi1>
        %parallel_loop3A_304 = arith.constant 1 : i32
        %parallel_loop3A_305 = vector.broadcast %parallel_loop3A_304 : i32 to vector<16xi32>
        %parallel_loop3A_306 = arith.cmpi sgt, %parallel_loop3A_285, %parallel_loop3A_305 : vector<16xi32>
        %parallel_loop3A_307 = arith.constant 3 : i32
        %parallel_loop3A_308 = tpu.memref_slice %arg5[%parallel_loop3A_307, %parallel_loop3A_236] : memref<4x4096xf32, #tpu.memory_space<vmem>> -> memref<1x64xf32, #tpu.memory_space<vmem>>
        %parallel_loop3A_309 = tpu.memref_squeeze %parallel_loop3A_308 : memref<1x64xf32, #tpu.memory_space<vmem>> -> memref<64xf32, #tpu.memory_space<vmem>>
        tpu.vector_store_idx %parallel_loop3A_309[%add3A_113], %broadcast_in_dim3A_115 masked %parallel_loop3A_306 : memref<64xf32, #tpu.memory_space<vmem>>[vector<16xi32>], vector<16xf32>, vector<16xi1>
      } {sc.loop_unroll_factor = 4 : i64, sc.parallel_access}
      %dma_start3A_128 = arith.constant 0 : i32
      %dma_start3A_129 = tpu.memref_slice %arg3[%add3A_96, %dma_start3A_128] : memref<16384x4096xf32, #tpu.memory_space<hbm>> -> memref<4x4096xf32, #tpu.memory_space<hbm>>
      %dma_start3A_130 = arith.constant 0 : i32
      %dma_start3A_131 = tpu.memref_slice %arg3[%add3A_96, %dma_start3A_130] : memref<16384x4096xf32, #tpu.memory_space<hbm>> -> memref<4x4096xf32, #tpu.memory_space<hbm>>
      tpu.enqueue_dma source(%arg5 : memref<4x4096xf32, #tpu.memory_space<vmem>>) target(%dma_start3A_131 : memref<4x4096xf32, #tpu.memory_space<hbm>>) target_semaphore(%arg13 : memref<!tpu.dma_semaphore, #tpu.memory_space<semaphore_mem>>)
      %gt3A_132 = arith.constant 0 : i32
      %gt3A_133 = arith.cmpi sgt, %scan3A_43, %gt3A_132 : i32
      %convert_element_type3A_134 = arith.extui %gt3A_133 : i1 to i32
      %cond3A_135 = arith.constant 0 : i32
      %cond3A_136 = arith.cmpi ne, %convert_element_type3A_134, %cond3A_135 : i32
      scf.if %cond3A_136 {
        %sub3A = arith.constant 2 : i32
        %sub3A_236 = arith.subi %add3A_93, %sub3A : i32
        %add3A_237 = arith.constant 2 : i32
        %add3A_238 = arith.addi %add3A_93, %add3A_237 : i32
        %mul3A_239 = arith.constant 4 : i32
        %mul3A_240 = arith.muli %sub3A_236, %mul3A_239 : i32
        %add3A_241 = arith.addi %mul3A_2, %mul3A_240 : i32
        %dma_wait3A_242 = arith.constant 0 : i32
        %dma_wait3A_243 = tpu.memref_slice %arg3[%add3A_241, %dma_wait3A_242] : memref<16384x4096xf32, #tpu.memory_space<hbm>> -> memref<4x4096xf32, #tpu.memory_space<hbm>>
        %dma_wait3A_244 = arith.constant 0 : i32
        %dma_wait3A_245 = tpu.memref_slice %arg3[%add3A_241, %dma_wait3A_244] : memref<16384x4096xf32, #tpu.memory_space<hbm>> -> memref<4x4096xf32, #tpu.memory_space<hbm>>
        tpu.wait_dma2 semaphore(%arg15 : memref<!tpu.dma_semaphore, #tpu.memory_space<semaphore_mem>>) src(%arg7 : memref<4x4096xf32, #tpu.memory_space<vmem>>) dst(%dma_wait3A_245 : memref<4x4096xf32, #tpu.memory_space<hbm>>)
        %mul3A_246 = arith.constant 4 : i32
        %mul3A_247 = arith.muli %add3A_238, %mul3A_246 : i32
        %add3A_248 = arith.addi %mul3A_2, %mul3A_247 : i32
        %dma_start3A_249 = arith.constant 0 : i32
        %dma_start3A_250 = tpu.memref_slice %arg2[%add3A_248, %dma_start3A_249] : memref<16384x4096xf32, #tpu.memory_space<hbm>> -> memref<4x4096xf32, #tpu.memory_space<hbm>>
        %dma_start3A_251 = arith.constant 0 : i32
        %dma_start3A_252 = tpu.memref_slice %arg2[%add3A_248, %dma_start3A_251] : memref<16384x4096xf32, #tpu.memory_space<hbm>> -> memref<4x4096xf32, #tpu.memory_space<hbm>>
        tpu.enqueue_dma source(%dma_start3A_252 : memref<4x4096xf32, #tpu.memory_space<hbm>>) target(%arg7 : memref<4x4096xf32, #tpu.memory_space<vmem>>) target_semaphore(%arg11 : memref<!tpu.dma_semaphore, #tpu.memory_space<semaphore_mem>>)
      } else {
      }
      %eq3A_137 = arith.constant 0 : i32
      %eq3A_138 = arith.cmpi eq, %scan3A_43, %eq3A_137 : i32
      %convert_element_type3A_139 = arith.extui %eq3A_138 : i1 to i32
      %cond3A_140 = arith.constant 0 : i32
      %cond3A_141 = arith.cmpi ne, %convert_element_type3A_139, %cond3A_140 : i32
      scf.if %cond3A_141 {
        %add3A_236 = arith.constant 2 : i32
        %add3A_237 = arith.addi %add3A_93, %add3A_236 : i32
        %mul3A_238 = arith.constant 4 : i32
        %mul3A_239 = arith.muli %add3A_237, %mul3A_238 : i32
        %add3A_240 = arith.addi %mul3A_2, %mul3A_239 : i32
        %dma_start3A_241 = arith.constant 0 : i32
        %dma_start3A_242 = tpu.memref_slice %arg2[%add3A_240, %dma_start3A_241] : memref<16384x4096xf32, #tpu.memory_space<hbm>> -> memref<4x4096xf32, #tpu.memory_space<hbm>>
        %dma_start3A_243 = arith.constant 0 : i32
        %dma_start3A_244 = tpu.memref_slice %arg2[%add3A_240, %dma_start3A_243] : memref<16384x4096xf32, #tpu.memory_space<hbm>> -> memref<4x4096xf32, #tpu.memory_space<hbm>>
        tpu.enqueue_dma source(%dma_start3A_244 : memref<4x4096xf32, #tpu.memory_space<hbm>>) target(%arg7 : memref<4x4096xf32, #tpu.memory_space<vmem>>) target_semaphore(%arg11 : memref<!tpu.dma_semaphore, #tpu.memory_space<semaphore_mem>>)
      } else {
      }
      %mul3A_142 = arith.constant 4 : i32
      %mul3A_143 = arith.muli %scan3A_43, %mul3A_142 : i32
      %add3A_144 = arith.constant 2 : i32
      %add3A_145 = arith.addi %mul3A_143, %add3A_144 : i32
      %mul3A_146 = arith.constant 4 : i32
      %mul3A_147 = arith.muli %add3A_145, %mul3A_146 : i32
      %add3A_148 = arith.addi %mul3A_2, %mul3A_147 : i32
      %dma_wait3A_149 = arith.constant 0 : i32
      %dma_wait3A_150 = tpu.memref_slice %arg2[%add3A_148, %dma_wait3A_149] : memref<16384x4096xf32, #tpu.memory_space<hbm>> -> memref<4x4096xf32, #tpu.memory_space<hbm>>
      %dma_wait3A_151 = arith.constant 0 : i32
      %dma_wait3A_152 = tpu.memref_slice %arg2[%add3A_148, %dma_wait3A_151] : memref<16384x4096xf32, #tpu.memory_space<hbm>> -> memref<4x4096xf32, #tpu.memory_space<hbm>>
      tpu.wait_dma2 semaphore(%arg10 : memref<!tpu.dma_semaphore, #tpu.memory_space<semaphore_mem>>) src(%dma_wait3A_152 : memref<4x4096xf32, #tpu.memory_space<hbm>>) dst(%arg6 : memref<4x4096xf32, #tpu.memory_space<vmem>>)
      %iota3A_153 = tpu.iota {dimensions = array<i32: 0>} : vector<16xi32>
      %mul3A_154 = arith.constant 4 : i32
      %mul3A_155 = vector.broadcast %mul3A_154 : i32 to vector<16xi32>
      %mul3A_156 = arith.muli %iota3A_153, %mul3A_155 : vector<16xi32>
      %add3A_157 = arith.constant 1 : i32
      %add3A_158 = vector.broadcast %add3A_157 : i32 to vector<16xi32>
      %add3A_159 = arith.addi %mul3A_156, %add3A_158 : vector<16xi32>
      %add3A_160 = arith.constant 2 : i32
      %add3A_161 = vector.broadcast %add3A_160 : i32 to vector<16xi32>
      %add3A_162 = arith.addi %mul3A_156, %add3A_161 : vector<16xi32>
      %add3A_163 = arith.constant 3 : i32
      %add3A_164 = vector.broadcast %add3A_163 : i32 to vector<16xi32>
      %add3A_165 = arith.addi %mul3A_156, %add3A_164 : vector<16xi32>
      %broadcast_in_dim3A_166 = arith.constant 0.000000e+00 : f32
      %broadcast_in_dim3A_167 = vector.broadcast %broadcast_in_dim3A_166 : f32 to vector<16xf32>
      %parallel_loop3A_168 = arith.constant 0 : i32
      %parallel_loop3A_169 = arith.constant 4096 : i32
      %parallel_loop3A_170 = arith.constant 64 : i32
      scf.for %parallel_loop3A_236 = %parallel_loop3A_168 to %parallel_loop3A_169 step %parallel_loop3A_170  : i32 {
        %parallel_loop3A_237 = arith.constant 0 : i32
        %parallel_loop3A_238 = tpu.memref_slice %arg6[%parallel_loop3A_237, %parallel_loop3A_236] : memref<4x4096xf32, #tpu.memory_space<vmem>> -> memref<1x64xf32, #tpu.memory_space<vmem>>
        %parallel_loop3A_239 = tpu.memref_squeeze %parallel_loop3A_238 : memref<1x64xf32, #tpu.memory_space<vmem>> -> memref<64xf32, #tpu.memory_space<vmem>>
        %parallel_loop3A_240 = tpu.vector_load_idx %parallel_loop3A_239[%mul3A_156] : memref<64xf32, #tpu.memory_space<vmem>>[vector<16xi32>], vector<16xf32>,
        %parallel_loop3A_241 = arith.constant 0 : i32
        %parallel_loop3A_242 = tpu.memref_slice %arg6[%parallel_loop3A_241, %parallel_loop3A_236] : memref<4x4096xf32, #tpu.memory_space<vmem>> -> memref<1x64xf32, #tpu.memory_space<vmem>>
        %parallel_loop3A_243 = tpu.memref_squeeze %parallel_loop3A_242 : memref<1x64xf32, #tpu.memory_space<vmem>> -> memref<64xf32, #tpu.memory_space<vmem>>
        %parallel_loop3A_244 = tpu.vector_load_idx %parallel_loop3A_243[%add3A_159] : memref<64xf32, #tpu.memory_space<vmem>>[vector<16xi32>], vector<16xf32>,
        %parallel_loop3A_245 = arith.constant 0 : i32
        %parallel_loop3A_246 = tpu.memref_slice %arg6[%parallel_loop3A_245, %parallel_loop3A_236] : memref<4x4096xf32, #tpu.memory_space<vmem>> -> memref<1x64xf32, #tpu.memory_space<vmem>>
        %parallel_loop3A_247 = tpu.memref_squeeze %parallel_loop3A_246 : memref<1x64xf32, #tpu.memory_space<vmem>> -> memref<64xf32, #tpu.memory_space<vmem>>
        %parallel_loop3A_248 = tpu.vector_load_idx %parallel_loop3A_247[%add3A_162] : memref<64xf32, #tpu.memory_space<vmem>>[vector<16xi32>], vector<16xf32>,
        %parallel_loop3A_249 = arith.constant 0 : i32
        %parallel_loop3A_250 = tpu.memref_slice %arg6[%parallel_loop3A_249, %parallel_loop3A_236] : memref<4x4096xf32, #tpu.memory_space<vmem>> -> memref<1x64xf32, #tpu.memory_space<vmem>>
        %parallel_loop3A_251 = tpu.memref_squeeze %parallel_loop3A_250 : memref<1x64xf32, #tpu.memory_space<vmem>> -> memref<64xf32, #tpu.memory_space<vmem>>
        %parallel_loop3A_252 = tpu.vector_load_idx %parallel_loop3A_251[%add3A_165] : memref<64xf32, #tpu.memory_space<vmem>>[vector<16xi32>], vector<16xf32>,
        %parallel_loop3A_253 = math.absf %parallel_loop3A_240 : vector<16xf32>
        %parallel_loop3A_254 = math.absf %parallel_loop3A_244 : vector<16xf32>
        %parallel_loop3A_255 = math.absf %parallel_loop3A_248 : vector<16xf32>
        %parallel_loop3A_256 = math.absf %parallel_loop3A_252 : vector<16xf32>
        %parallel_loop3A_257 = arith.cmpf ogt, %parallel_loop3A_254, %parallel_loop3A_253 : vector<16xf32>
        %parallel_loop3A_258 = arith.extui %parallel_loop3A_257 : vector<16xi1> to vector<16xi32>
        %parallel_loop3A_259 = arith.cmpf ogt, %parallel_loop3A_255, %parallel_loop3A_253 : vector<16xf32>
        %parallel_loop3A_260 = arith.extui %parallel_loop3A_259 : vector<16xi1> to vector<16xi32>
        %parallel_loop3A_261 = arith.cmpf ogt, %parallel_loop3A_256, %parallel_loop3A_253 : vector<16xf32>
        %parallel_loop3A_262 = arith.extui %parallel_loop3A_261 : vector<16xi1> to vector<16xi32>
        %parallel_loop3A_263 = arith.cmpf ogt, %parallel_loop3A_255, %parallel_loop3A_254 : vector<16xf32>
        %parallel_loop3A_264 = arith.extui %parallel_loop3A_263 : vector<16xi1> to vector<16xi32>
        %parallel_loop3A_265 = arith.cmpf ogt, %parallel_loop3A_256, %parallel_loop3A_254 : vector<16xf32>
        %parallel_loop3A_266 = arith.extui %parallel_loop3A_265 : vector<16xi1> to vector<16xi32>
        %parallel_loop3A_267 = arith.cmpf ogt, %parallel_loop3A_256, %parallel_loop3A_255 : vector<16xf32>
        %parallel_loop3A_268 = arith.extui %parallel_loop3A_267 : vector<16xi1> to vector<16xi32>
        %parallel_loop3A_269 = arith.addi %parallel_loop3A_258, %parallel_loop3A_260 : vector<16xi32>
        %parallel_loop3A_270 = arith.addi %parallel_loop3A_269, %parallel_loop3A_262 : vector<16xi32>
        %parallel_loop3A_271 = arith.constant 1 : i32
        %parallel_loop3A_272 = vector.broadcast %parallel_loop3A_271 : i32 to vector<16xi32>
        %parallel_loop3A_273 = arith.subi %parallel_loop3A_272, %parallel_loop3A_258 : vector<16xi32>
        %parallel_loop3A_274 = arith.addi %parallel_loop3A_273, %parallel_loop3A_264 : vector<16xi32>
        %parallel_loop3A_275 = arith.addi %parallel_loop3A_274, %parallel_loop3A_266 : vector<16xi32>
        %parallel_loop3A_276 = arith.constant 2 : i32
        %parallel_loop3A_277 = vector.broadcast %parallel_loop3A_276 : i32 to vector<16xi32>
        %parallel_loop3A_278 = arith.subi %parallel_loop3A_277, %parallel_loop3A_260 : vector<16xi32>
        %parallel_loop3A_279 = arith.subi %parallel_loop3A_278, %parallel_loop3A_264 : vector<16xi32>
        %parallel_loop3A_280 = arith.addi %parallel_loop3A_279, %parallel_loop3A_268 : vector<16xi32>
        %parallel_loop3A_281 = arith.constant 3 : i32
        %parallel_loop3A_282 = vector.broadcast %parallel_loop3A_281 : i32 to vector<16xi32>
        %parallel_loop3A_283 = arith.subi %parallel_loop3A_282, %parallel_loop3A_262 : vector<16xi32>
        %parallel_loop3A_284 = arith.subi %parallel_loop3A_283, %parallel_loop3A_266 : vector<16xi32>
        %parallel_loop3A_285 = arith.subi %parallel_loop3A_284, %parallel_loop3A_268 : vector<16xi32>
        %parallel_loop3A_286 = arith.constant 1 : i32
        %parallel_loop3A_287 = vector.broadcast %parallel_loop3A_286 : i32 to vector<16xi32>
        %parallel_loop3A_288 = arith.cmpi sgt, %parallel_loop3A_270, %parallel_loop3A_287 : vector<16xi32>
        %parallel_loop3A_289 = arith.constant 0 : i32
        %parallel_loop3A_290 = tpu.memref_slice %arg6[%parallel_loop3A_289, %parallel_loop3A_236] : memref<4x4096xf32, #tpu.memory_space<vmem>> -> memref<1x64xf32, #tpu.memory_space<vmem>>
        %parallel_loop3A_291 = tpu.memref_squeeze %parallel_loop3A_290 : memref<1x64xf32, #tpu.memory_space<vmem>> -> memref<64xf32, #tpu.memory_space<vmem>>
        tpu.vector_store_idx %parallel_loop3A_291[%mul3A_156], %broadcast_in_dim3A_167 masked %parallel_loop3A_288 : memref<64xf32, #tpu.memory_space<vmem>>[vector<16xi32>], vector<16xf32>, vector<16xi1>
        %parallel_loop3A_292 = arith.constant 1 : i32
        %parallel_loop3A_293 = vector.broadcast %parallel_loop3A_292 : i32 to vector<16xi32>
        %parallel_loop3A_294 = arith.cmpi sgt, %parallel_loop3A_275, %parallel_loop3A_293 : vector<16xi32>
        %parallel_loop3A_295 = arith.constant 0 : i32
        %parallel_loop3A_296 = tpu.memref_slice %arg6[%parallel_loop3A_295, %parallel_loop3A_236] : memref<4x4096xf32, #tpu.memory_space<vmem>> -> memref<1x64xf32, #tpu.memory_space<vmem>>
        %parallel_loop3A_297 = tpu.memref_squeeze %parallel_loop3A_296 : memref<1x64xf32, #tpu.memory_space<vmem>> -> memref<64xf32, #tpu.memory_space<vmem>>
        tpu.vector_store_idx %parallel_loop3A_297[%add3A_159], %broadcast_in_dim3A_167 masked %parallel_loop3A_294 : memref<64xf32, #tpu.memory_space<vmem>>[vector<16xi32>], vector<16xf32>, vector<16xi1>
        %parallel_loop3A_298 = arith.constant 1 : i32
        %parallel_loop3A_299 = vector.broadcast %parallel_loop3A_298 : i32 to vector<16xi32>
        %parallel_loop3A_300 = arith.cmpi sgt, %parallel_loop3A_280, %parallel_loop3A_299 : vector<16xi32>
        %parallel_loop3A_301 = arith.constant 0 : i32
        %parallel_loop3A_302 = tpu.memref_slice %arg6[%parallel_loop3A_301, %parallel_loop3A_236] : memref<4x4096xf32, #tpu.memory_space<vmem>> -> memref<1x64xf32, #tpu.memory_space<vmem>>
        %parallel_loop3A_303 = tpu.memref_squeeze %parallel_loop3A_302 : memref<1x64xf32, #tpu.memory_space<vmem>> -> memref<64xf32, #tpu.memory_space<vmem>>
        tpu.vector_store_idx %parallel_loop3A_303[%add3A_162], %broadcast_in_dim3A_167 masked %parallel_loop3A_300 : memref<64xf32, #tpu.memory_space<vmem>>[vector<16xi32>], vector<16xf32>, vector<16xi1>
        %parallel_loop3A_304 = arith.constant 1 : i32
        %parallel_loop3A_305 = vector.broadcast %parallel_loop3A_304 : i32 to vector<16xi32>
        %parallel_loop3A_306 = arith.cmpi sgt, %parallel_loop3A_285, %parallel_loop3A_305 : vector<16xi32>
        %parallel_loop3A_307 = arith.constant 0 : i32
        %parallel_loop3A_308 = tpu.memref_slice %arg6[%parallel_loop3A_307, %parallel_loop3A_236] : memref<4x4096xf32, #tpu.memory_space<vmem>> -> memref<1x64xf32, #tpu.memory_space<vmem>>
        %parallel_loop3A_309 = tpu.memref_squeeze %parallel_loop3A_308 : memref<1x64xf32, #tpu.memory_space<vmem>> -> memref<64xf32, #tpu.memory_space<vmem>>
        tpu.vector_store_idx %parallel_loop3A_309[%add3A_165], %broadcast_in_dim3A_167 masked %parallel_loop3A_306 : memref<64xf32, #tpu.memory_space<vmem>>[vector<16xi32>], vector<16xf32>, vector<16xi1>
      } {sc.loop_unroll_factor = 4 : i64, sc.parallel_access}
      %parallel_loop3A_171 = arith.constant 0 : i32
      %parallel_loop3A_172 = arith.constant 4096 : i32
      %parallel_loop3A_173 = arith.constant 64 : i32
      scf.for %parallel_loop3A_236 = %parallel_loop3A_171 to %parallel_loop3A_172 step %parallel_loop3A_173  : i32 {
        %parallel_loop3A_237 = arith.constant 1 : i32
        %parallel_loop3A_238 = tpu.memref_slice %arg6[%parallel_loop3A_237, %parallel_loop3A_236] : memref<4x4096xf32, #tpu.memory_space<vmem>> -> memref<1x64xf32, #tpu.memory_space<vmem>>
        %parallel_loop3A_239 = tpu.memref_squeeze %parallel_loop3A_238 : memref<1x64xf32, #tpu.memory_space<vmem>> -> memref<64xf32, #tpu.memory_space<vmem>>
        %parallel_loop3A_240 = tpu.vector_load_idx %parallel_loop3A_239[%mul3A_156] : memref<64xf32, #tpu.memory_space<vmem>>[vector<16xi32>], vector<16xf32>,
        %parallel_loop3A_241 = arith.constant 1 : i32
        %parallel_loop3A_242 = tpu.memref_slice %arg6[%parallel_loop3A_241, %parallel_loop3A_236] : memref<4x4096xf32, #tpu.memory_space<vmem>> -> memref<1x64xf32, #tpu.memory_space<vmem>>
        %parallel_loop3A_243 = tpu.memref_squeeze %parallel_loop3A_242 : memref<1x64xf32, #tpu.memory_space<vmem>> -> memref<64xf32, #tpu.memory_space<vmem>>
        %parallel_loop3A_244 = tpu.vector_load_idx %parallel_loop3A_243[%add3A_159] : memref<64xf32, #tpu.memory_space<vmem>>[vector<16xi32>], vector<16xf32>,
        %parallel_loop3A_245 = arith.constant 1 : i32
        %parallel_loop3A_246 = tpu.memref_slice %arg6[%parallel_loop3A_245, %parallel_loop3A_236] : memref<4x4096xf32, #tpu.memory_space<vmem>> -> memref<1x64xf32, #tpu.memory_space<vmem>>
        %parallel_loop3A_247 = tpu.memref_squeeze %parallel_loop3A_246 : memref<1x64xf32, #tpu.memory_space<vmem>> -> memref<64xf32, #tpu.memory_space<vmem>>
        %parallel_loop3A_248 = tpu.vector_load_idx %parallel_loop3A_247[%add3A_162] : memref<64xf32, #tpu.memory_space<vmem>>[vector<16xi32>], vector<16xf32>,
        %parallel_loop3A_249 = arith.constant 1 : i32
        %parallel_loop3A_250 = tpu.memref_slice %arg6[%parallel_loop3A_249, %parallel_loop3A_236] : memref<4x4096xf32, #tpu.memory_space<vmem>> -> memref<1x64xf32, #tpu.memory_space<vmem>>
        %parallel_loop3A_251 = tpu.memref_squeeze %parallel_loop3A_250 : memref<1x64xf32, #tpu.memory_space<vmem>> -> memref<64xf32, #tpu.memory_space<vmem>>
        %parallel_loop3A_252 = tpu.vector_load_idx %parallel_loop3A_251[%add3A_165] : memref<64xf32, #tpu.memory_space<vmem>>[vector<16xi32>], vector<16xf32>,
        %parallel_loop3A_253 = math.absf %parallel_loop3A_240 : vector<16xf32>
        %parallel_loop3A_254 = math.absf %parallel_loop3A_244 : vector<16xf32>
        %parallel_loop3A_255 = math.absf %parallel_loop3A_248 : vector<16xf32>
        %parallel_loop3A_256 = math.absf %parallel_loop3A_252 : vector<16xf32>
        %parallel_loop3A_257 = arith.cmpf ogt, %parallel_loop3A_254, %parallel_loop3A_253 : vector<16xf32>
        %parallel_loop3A_258 = arith.extui %parallel_loop3A_257 : vector<16xi1> to vector<16xi32>
        %parallel_loop3A_259 = arith.cmpf ogt, %parallel_loop3A_255, %parallel_loop3A_253 : vector<16xf32>
        %parallel_loop3A_260 = arith.extui %parallel_loop3A_259 : vector<16xi1> to vector<16xi32>
        %parallel_loop3A_261 = arith.cmpf ogt, %parallel_loop3A_256, %parallel_loop3A_253 : vector<16xf32>
        %parallel_loop3A_262 = arith.extui %parallel_loop3A_261 : vector<16xi1> to vector<16xi32>
        %parallel_loop3A_263 = arith.cmpf ogt, %parallel_loop3A_255, %parallel_loop3A_254 : vector<16xf32>
        %parallel_loop3A_264 = arith.extui %parallel_loop3A_263 : vector<16xi1> to vector<16xi32>
        %parallel_loop3A_265 = arith.cmpf ogt, %parallel_loop3A_256, %parallel_loop3A_254 : vector<16xf32>
        %parallel_loop3A_266 = arith.extui %parallel_loop3A_265 : vector<16xi1> to vector<16xi32>
        %parallel_loop3A_267 = arith.cmpf ogt, %parallel_loop3A_256, %parallel_loop3A_255 : vector<16xf32>
        %parallel_loop3A_268 = arith.extui %parallel_loop3A_267 : vector<16xi1> to vector<16xi32>
        %parallel_loop3A_269 = arith.addi %parallel_loop3A_258, %parallel_loop3A_260 : vector<16xi32>
        %parallel_loop3A_270 = arith.addi %parallel_loop3A_269, %parallel_loop3A_262 : vector<16xi32>
        %parallel_loop3A_271 = arith.constant 1 : i32
        %parallel_loop3A_272 = vector.broadcast %parallel_loop3A_271 : i32 to vector<16xi32>
        %parallel_loop3A_273 = arith.subi %parallel_loop3A_272, %parallel_loop3A_258 : vector<16xi32>
        %parallel_loop3A_274 = arith.addi %parallel_loop3A_273, %parallel_loop3A_264 : vector<16xi32>
        %parallel_loop3A_275 = arith.addi %parallel_loop3A_274, %parallel_loop3A_266 : vector<16xi32>
        %parallel_loop3A_276 = arith.constant 2 : i32
        %parallel_loop3A_277 = vector.broadcast %parallel_loop3A_276 : i32 to vector<16xi32>
        %parallel_loop3A_278 = arith.subi %parallel_loop3A_277, %parallel_loop3A_260 : vector<16xi32>
        %parallel_loop3A_279 = arith.subi %parallel_loop3A_278, %parallel_loop3A_264 : vector<16xi32>
        %parallel_loop3A_280 = arith.addi %parallel_loop3A_279, %parallel_loop3A_268 : vector<16xi32>
        %parallel_loop3A_281 = arith.constant 3 : i32
        %parallel_loop3A_282 = vector.broadcast %parallel_loop3A_281 : i32 to vector<16xi32>
        %parallel_loop3A_283 = arith.subi %parallel_loop3A_282, %parallel_loop3A_262 : vector<16xi32>
        %parallel_loop3A_284 = arith.subi %parallel_loop3A_283, %parallel_loop3A_266 : vector<16xi32>
        %parallel_loop3A_285 = arith.subi %parallel_loop3A_284, %parallel_loop3A_268 : vector<16xi32>
        %parallel_loop3A_286 = arith.constant 1 : i32
        %parallel_loop3A_287 = vector.broadcast %parallel_loop3A_286 : i32 to vector<16xi32>
        %parallel_loop3A_288 = arith.cmpi sgt, %parallel_loop3A_270, %parallel_loop3A_287 : vector<16xi32>
        %parallel_loop3A_289 = arith.constant 1 : i32
        %parallel_loop3A_290 = tpu.memref_slice %arg6[%parallel_loop3A_289, %parallel_loop3A_236] : memref<4x4096xf32, #tpu.memory_space<vmem>> -> memref<1x64xf32, #tpu.memory_space<vmem>>
        %parallel_loop3A_291 = tpu.memref_squeeze %parallel_loop3A_290 : memref<1x64xf32, #tpu.memory_space<vmem>> -> memref<64xf32, #tpu.memory_space<vmem>>
        tpu.vector_store_idx %parallel_loop3A_291[%mul3A_156], %broadcast_in_dim3A_167 masked %parallel_loop3A_288 : memref<64xf32, #tpu.memory_space<vmem>>[vector<16xi32>], vector<16xf32>, vector<16xi1>
        %parallel_loop3A_292 = arith.constant 1 : i32
        %parallel_loop3A_293 = vector.broadcast %parallel_loop3A_292 : i32 to vector<16xi32>
        %parallel_loop3A_294 = arith.cmpi sgt, %parallel_loop3A_275, %parallel_loop3A_293 : vector<16xi32>
        %parallel_loop3A_295 = arith.constant 1 : i32
        %parallel_loop3A_296 = tpu.memref_slice %arg6[%parallel_loop3A_295, %parallel_loop3A_236] : memref<4x4096xf32, #tpu.memory_space<vmem>> -> memref<1x64xf32, #tpu.memory_space<vmem>>
        %parallel_loop3A_297 = tpu.memref_squeeze %parallel_loop3A_296 : memref<1x64xf32, #tpu.memory_space<vmem>> -> memref<64xf32, #tpu.memory_space<vmem>>
        tpu.vector_store_idx %parallel_loop3A_297[%add3A_159], %broadcast_in_dim3A_167 masked %parallel_loop3A_294 : memref<64xf32, #tpu.memory_space<vmem>>[vector<16xi32>], vector<16xf32>, vector<16xi1>
        %parallel_loop3A_298 = arith.constant 1 : i32
        %parallel_loop3A_299 = vector.broadcast %parallel_loop3A_298 : i32 to vector<16xi32>
        %parallel_loop3A_300 = arith.cmpi sgt, %parallel_loop3A_280, %parallel_loop3A_299 : vector<16xi32>
        %parallel_loop3A_301 = arith.constant 1 : i32
        %parallel_loop3A_302 = tpu.memref_slice %arg6[%parallel_loop3A_301, %parallel_loop3A_236] : memref<4x4096xf32, #tpu.memory_space<vmem>> -> memref<1x64xf32, #tpu.memory_space<vmem>>
        %parallel_loop3A_303 = tpu.memref_squeeze %parallel_loop3A_302 : memref<1x64xf32, #tpu.memory_space<vmem>> -> memref<64xf32, #tpu.memory_space<vmem>>
        tpu.vector_store_idx %parallel_loop3A_303[%add3A_162], %broadcast_in_dim3A_167 masked %parallel_loop3A_300 : memref<64xf32, #tpu.memory_space<vmem>>[vector<16xi32>], vector<16xf32>, vector<16xi1>
        %parallel_loop3A_304 = arith.constant 1 : i32
        %parallel_loop3A_305 = vector.broadcast %parallel_loop3A_304 : i32 to vector<16xi32>
        %parallel_loop3A_306 = arith.cmpi sgt, %parallel_loop3A_285, %parallel_loop3A_305 : vector<16xi32>
        %parallel_loop3A_307 = arith.constant 1 : i32
        %parallel_loop3A_308 = tpu.memref_slice %arg6[%parallel_loop3A_307, %parallel_loop3A_236] : memref<4x4096xf32, #tpu.memory_space<vmem>> -> memref<1x64xf32, #tpu.memory_space<vmem>>
        %parallel_loop3A_309 = tpu.memref_squeeze %parallel_loop3A_308 : memref<1x64xf32, #tpu.memory_space<vmem>> -> memref<64xf32, #tpu.memory_space<vmem>>
        tpu.vector_store_idx %parallel_loop3A_309[%add3A_165], %broadcast_in_dim3A_167 masked %parallel_loop3A_306 : memref<64xf32, #tpu.memory_space<vmem>>[vector<16xi32>], vector<16xf32>, vector<16xi1>
      } {sc.loop_unroll_factor = 4 : i64, sc.parallel_access}
      %parallel_loop3A_174 = arith.constant 0 : i32
      %parallel_loop3A_175 = arith.constant 4096 : i32
      %parallel_loop3A_176 = arith.constant 64 : i32
      scf.for %parallel_loop3A_236 = %parallel_loop3A_174 to %parallel_loop3A_175 step %parallel_loop3A_176  : i32 {
        %parallel_loop3A_237 = arith.constant 2 : i32
        %parallel_loop3A_238 = tpu.memref_slice %arg6[%parallel_loop3A_237, %parallel_loop3A_236] : memref<4x4096xf32, #tpu.memory_space<vmem>> -> memref<1x64xf32, #tpu.memory_space<vmem>>
        %parallel_loop3A_239 = tpu.memref_squeeze %parallel_loop3A_238 : memref<1x64xf32, #tpu.memory_space<vmem>> -> memref<64xf32, #tpu.memory_space<vmem>>
        %parallel_loop3A_240 = tpu.vector_load_idx %parallel_loop3A_239[%mul3A_156] : memref<64xf32, #tpu.memory_space<vmem>>[vector<16xi32>], vector<16xf32>,
        %parallel_loop3A_241 = arith.constant 2 : i32
        %parallel_loop3A_242 = tpu.memref_slice %arg6[%parallel_loop3A_241, %parallel_loop3A_236] : memref<4x4096xf32, #tpu.memory_space<vmem>> -> memref<1x64xf32, #tpu.memory_space<vmem>>
        %parallel_loop3A_243 = tpu.memref_squeeze %parallel_loop3A_242 : memref<1x64xf32, #tpu.memory_space<vmem>> -> memref<64xf32, #tpu.memory_space<vmem>>
        %parallel_loop3A_244 = tpu.vector_load_idx %parallel_loop3A_243[%add3A_159] : memref<64xf32, #tpu.memory_space<vmem>>[vector<16xi32>], vector<16xf32>,
        %parallel_loop3A_245 = arith.constant 2 : i32
        %parallel_loop3A_246 = tpu.memref_slice %arg6[%parallel_loop3A_245, %parallel_loop3A_236] : memref<4x4096xf32, #tpu.memory_space<vmem>> -> memref<1x64xf32, #tpu.memory_space<vmem>>
        %parallel_loop3A_247 = tpu.memref_squeeze %parallel_loop3A_246 : memref<1x64xf32, #tpu.memory_space<vmem>> -> memref<64xf32, #tpu.memory_space<vmem>>
        %parallel_loop3A_248 = tpu.vector_load_idx %parallel_loop3A_247[%add3A_162] : memref<64xf32, #tpu.memory_space<vmem>>[vector<16xi32>], vector<16xf32>,
        %parallel_loop3A_249 = arith.constant 2 : i32
        %parallel_loop3A_250 = tpu.memref_slice %arg6[%parallel_loop3A_249, %parallel_loop3A_236] : memref<4x4096xf32, #tpu.memory_space<vmem>> -> memref<1x64xf32, #tpu.memory_space<vmem>>
        %parallel_loop3A_251 = tpu.memref_squeeze %parallel_loop3A_250 : memref<1x64xf32, #tpu.memory_space<vmem>> -> memref<64xf32, #tpu.memory_space<vmem>>
        %parallel_loop3A_252 = tpu.vector_load_idx %parallel_loop3A_251[%add3A_165] : memref<64xf32, #tpu.memory_space<vmem>>[vector<16xi32>], vector<16xf32>,
        %parallel_loop3A_253 = math.absf %parallel_loop3A_240 : vector<16xf32>
        %parallel_loop3A_254 = math.absf %parallel_loop3A_244 : vector<16xf32>
        %parallel_loop3A_255 = math.absf %parallel_loop3A_248 : vector<16xf32>
        %parallel_loop3A_256 = math.absf %parallel_loop3A_252 : vector<16xf32>
        %parallel_loop3A_257 = arith.cmpf ogt, %parallel_loop3A_254, %parallel_loop3A_253 : vector<16xf32>
        %parallel_loop3A_258 = arith.extui %parallel_loop3A_257 : vector<16xi1> to vector<16xi32>
        %parallel_loop3A_259 = arith.cmpf ogt, %parallel_loop3A_255, %parallel_loop3A_253 : vector<16xf32>
        %parallel_loop3A_260 = arith.extui %parallel_loop3A_259 : vector<16xi1> to vector<16xi32>
        %parallel_loop3A_261 = arith.cmpf ogt, %parallel_loop3A_256, %parallel_loop3A_253 : vector<16xf32>
        %parallel_loop3A_262 = arith.extui %parallel_loop3A_261 : vector<16xi1> to vector<16xi32>
        %parallel_loop3A_263 = arith.cmpf ogt, %parallel_loop3A_255, %parallel_loop3A_254 : vector<16xf32>
        %parallel_loop3A_264 = arith.extui %parallel_loop3A_263 : vector<16xi1> to vector<16xi32>
        %parallel_loop3A_265 = arith.cmpf ogt, %parallel_loop3A_256, %parallel_loop3A_254 : vector<16xf32>
        %parallel_loop3A_266 = arith.extui %parallel_loop3A_265 : vector<16xi1> to vector<16xi32>
        %parallel_loop3A_267 = arith.cmpf ogt, %parallel_loop3A_256, %parallel_loop3A_255 : vector<16xf32>
        %parallel_loop3A_268 = arith.extui %parallel_loop3A_267 : vector<16xi1> to vector<16xi32>
        %parallel_loop3A_269 = arith.addi %parallel_loop3A_258, %parallel_loop3A_260 : vector<16xi32>
        %parallel_loop3A_270 = arith.addi %parallel_loop3A_269, %parallel_loop3A_262 : vector<16xi32>
        %parallel_loop3A_271 = arith.constant 1 : i32
        %parallel_loop3A_272 = vector.broadcast %parallel_loop3A_271 : i32 to vector<16xi32>
        %parallel_loop3A_273 = arith.subi %parallel_loop3A_272, %parallel_loop3A_258 : vector<16xi32>
        %parallel_loop3A_274 = arith.addi %parallel_loop3A_273, %parallel_loop3A_264 : vector<16xi32>
        %parallel_loop3A_275 = arith.addi %parallel_loop3A_274, %parallel_loop3A_266 : vector<16xi32>
        %parallel_loop3A_276 = arith.constant 2 : i32
        %parallel_loop3A_277 = vector.broadcast %parallel_loop3A_276 : i32 to vector<16xi32>
        %parallel_loop3A_278 = arith.subi %parallel_loop3A_277, %parallel_loop3A_260 : vector<16xi32>
        %parallel_loop3A_279 = arith.subi %parallel_loop3A_278, %parallel_loop3A_264 : vector<16xi32>
        %parallel_loop3A_280 = arith.addi %parallel_loop3A_279, %parallel_loop3A_268 : vector<16xi32>
        %parallel_loop3A_281 = arith.constant 3 : i32
        %parallel_loop3A_282 = vector.broadcast %parallel_loop3A_281 : i32 to vector<16xi32>
        %parallel_loop3A_283 = arith.subi %parallel_loop3A_282, %parallel_loop3A_262 : vector<16xi32>
        %parallel_loop3A_284 = arith.subi %parallel_loop3A_283, %parallel_loop3A_266 : vector<16xi32>
        %parallel_loop3A_285 = arith.subi %parallel_loop3A_284, %parallel_loop3A_268 : vector<16xi32>
        %parallel_loop3A_286 = arith.constant 1 : i32
        %parallel_loop3A_287 = vector.broadcast %parallel_loop3A_286 : i32 to vector<16xi32>
        %parallel_loop3A_288 = arith.cmpi sgt, %parallel_loop3A_270, %parallel_loop3A_287 : vector<16xi32>
        %parallel_loop3A_289 = arith.constant 2 : i32
        %parallel_loop3A_290 = tpu.memref_slice %arg6[%parallel_loop3A_289, %parallel_loop3A_236] : memref<4x4096xf32, #tpu.memory_space<vmem>> -> memref<1x64xf32, #tpu.memory_space<vmem>>
        %parallel_loop3A_291 = tpu.memref_squeeze %parallel_loop3A_290 : memref<1x64xf32, #tpu.memory_space<vmem>> -> memref<64xf32, #tpu.memory_space<vmem>>
        tpu.vector_store_idx %parallel_loop3A_291[%mul3A_156], %broadcast_in_dim3A_167 masked %parallel_loop3A_288 : memref<64xf32, #tpu.memory_space<vmem>>[vector<16xi32>], vector<16xf32>, vector<16xi1>
        %parallel_loop3A_292 = arith.constant 1 : i32
        %parallel_loop3A_293 = vector.broadcast %parallel_loop3A_292 : i32 to vector<16xi32>
        %parallel_loop3A_294 = arith.cmpi sgt, %parallel_loop3A_275, %parallel_loop3A_293 : vector<16xi32>
        %parallel_loop3A_295 = arith.constant 2 : i32
        %parallel_loop3A_296 = tpu.memref_slice %arg6[%parallel_loop3A_295, %parallel_loop3A_236] : memref<4x4096xf32, #tpu.memory_space<vmem>> -> memref<1x64xf32, #tpu.memory_space<vmem>>
        %parallel_loop3A_297 = tpu.memref_squeeze %parallel_loop3A_296 : memref<1x64xf32, #tpu.memory_space<vmem>> -> memref<64xf32, #tpu.memory_space<vmem>>
        tpu.vector_store_idx %parallel_loop3A_297[%add3A_159], %broadcast_in_dim3A_167 masked %parallel_loop3A_294 : memref<64xf32, #tpu.memory_space<vmem>>[vector<16xi32>], vector<16xf32>, vector<16xi1>
        %parallel_loop3A_298 = arith.constant 1 : i32
        %parallel_loop3A_299 = vector.broadcast %parallel_loop3A_298 : i32 to vector<16xi32>
        %parallel_loop3A_300 = arith.cmpi sgt, %parallel_loop3A_280, %parallel_loop3A_299 : vector<16xi32>
        %parallel_loop3A_301 = arith.constant 2 : i32
        %parallel_loop3A_302 = tpu.memref_slice %arg6[%parallel_loop3A_301, %parallel_loop3A_236] : memref<4x4096xf32, #tpu.memory_space<vmem>> -> memref<1x64xf32, #tpu.memory_space<vmem>>
        %parallel_loop3A_303 = tpu.memref_squeeze %parallel_loop3A_302 : memref<1x64xf32, #tpu.memory_space<vmem>> -> memref<64xf32, #tpu.memory_space<vmem>>
        tpu.vector_store_idx %parallel_loop3A_303[%add3A_162], %broadcast_in_dim3A_167 masked %parallel_loop3A_300 : memref<64xf32, #tpu.memory_space<vmem>>[vector<16xi32>], vector<16xf32>, vector<16xi1>
        %parallel_loop3A_304 = arith.constant 1 : i32
        %parallel_loop3A_305 = vector.broadcast %parallel_loop3A_304 : i32 to vector<16xi32>
        %parallel_loop3A_306 = arith.cmpi sgt, %parallel_loop3A_285, %parallel_loop3A_305 : vector<16xi32>
        %parallel_loop3A_307 = arith.constant 2 : i32
        %parallel_loop3A_308 = tpu.memref_slice %arg6[%parallel_loop3A_307, %parallel_loop3A_236] : memref<4x4096xf32, #tpu.memory_space<vmem>> -> memref<1x64xf32, #tpu.memory_space<vmem>>
        %parallel_loop3A_309 = tpu.memref_squeeze %parallel_loop3A_308 : memref<1x64xf32, #tpu.memory_space<vmem>> -> memref<64xf32, #tpu.memory_space<vmem>>
        tpu.vector_store_idx %parallel_loop3A_309[%add3A_165], %broadcast_in_dim3A_167 masked %parallel_loop3A_306 : memref<64xf32, #tpu.memory_space<vmem>>[vector<16xi32>], vector<16xf32>, vector<16xi1>
      } {sc.loop_unroll_factor = 4 : i64, sc.parallel_access}
      %parallel_loop3A_177 = arith.constant 0 : i32
      %parallel_loop3A_178 = arith.constant 4096 : i32
      %parallel_loop3A_179 = arith.constant 64 : i32
      scf.for %parallel_loop3A_236 = %parallel_loop3A_177 to %parallel_loop3A_178 step %parallel_loop3A_179  : i32 {
        %parallel_loop3A_237 = arith.constant 3 : i32
        %parallel_loop3A_238 = tpu.memref_slice %arg6[%parallel_loop3A_237, %parallel_loop3A_236] : memref<4x4096xf32, #tpu.memory_space<vmem>> -> memref<1x64xf32, #tpu.memory_space<vmem>>
        %parallel_loop3A_239 = tpu.memref_squeeze %parallel_loop3A_238 : memref<1x64xf32, #tpu.memory_space<vmem>> -> memref<64xf32, #tpu.memory_space<vmem>>
        %parallel_loop3A_240 = tpu.vector_load_idx %parallel_loop3A_239[%mul3A_156] : memref<64xf32, #tpu.memory_space<vmem>>[vector<16xi32>], vector<16xf32>,
        %parallel_loop3A_241 = arith.constant 3 : i32
        %parallel_loop3A_242 = tpu.memref_slice %arg6[%parallel_loop3A_241, %parallel_loop3A_236] : memref<4x4096xf32, #tpu.memory_space<vmem>> -> memref<1x64xf32, #tpu.memory_space<vmem>>
        %parallel_loop3A_243 = tpu.memref_squeeze %parallel_loop3A_242 : memref<1x64xf32, #tpu.memory_space<vmem>> -> memref<64xf32, #tpu.memory_space<vmem>>
        %parallel_loop3A_244 = tpu.vector_load_idx %parallel_loop3A_243[%add3A_159] : memref<64xf32, #tpu.memory_space<vmem>>[vector<16xi32>], vector<16xf32>,
        %parallel_loop3A_245 = arith.constant 3 : i32
        %parallel_loop3A_246 = tpu.memref_slice %arg6[%parallel_loop3A_245, %parallel_loop3A_236] : memref<4x4096xf32, #tpu.memory_space<vmem>> -> memref<1x64xf32, #tpu.memory_space<vmem>>
        %parallel_loop3A_247 = tpu.memref_squeeze %parallel_loop3A_246 : memref<1x64xf32, #tpu.memory_space<vmem>> -> memref<64xf32, #tpu.memory_space<vmem>>
        %parallel_loop3A_248 = tpu.vector_load_idx %parallel_loop3A_247[%add3A_162] : memref<64xf32, #tpu.memory_space<vmem>>[vector<16xi32>], vector<16xf32>,
        %parallel_loop3A_249 = arith.constant 3 : i32
        %parallel_loop3A_250 = tpu.memref_slice %arg6[%parallel_loop3A_249, %parallel_loop3A_236] : memref<4x4096xf32, #tpu.memory_space<vmem>> -> memref<1x64xf32, #tpu.memory_space<vmem>>
        %parallel_loop3A_251 = tpu.memref_squeeze %parallel_loop3A_250 : memref<1x64xf32, #tpu.memory_space<vmem>> -> memref<64xf32, #tpu.memory_space<vmem>>
        %parallel_loop3A_252 = tpu.vector_load_idx %parallel_loop3A_251[%add3A_165] : memref<64xf32, #tpu.memory_space<vmem>>[vector<16xi32>], vector<16xf32>,
        %parallel_loop3A_253 = math.absf %parallel_loop3A_240 : vector<16xf32>
        %parallel_loop3A_254 = math.absf %parallel_loop3A_244 : vector<16xf32>
        %parallel_loop3A_255 = math.absf %parallel_loop3A_248 : vector<16xf32>
        %parallel_loop3A_256 = math.absf %parallel_loop3A_252 : vector<16xf32>
        %parallel_loop3A_257 = arith.cmpf ogt, %parallel_loop3A_254, %parallel_loop3A_253 : vector<16xf32>
        %parallel_loop3A_258 = arith.extui %parallel_loop3A_257 : vector<16xi1> to vector<16xi32>
        %parallel_loop3A_259 = arith.cmpf ogt, %parallel_loop3A_255, %parallel_loop3A_253 : vector<16xf32>
        %parallel_loop3A_260 = arith.extui %parallel_loop3A_259 : vector<16xi1> to vector<16xi32>
        %parallel_loop3A_261 = arith.cmpf ogt, %parallel_loop3A_256, %parallel_loop3A_253 : vector<16xf32>
        %parallel_loop3A_262 = arith.extui %parallel_loop3A_261 : vector<16xi1> to vector<16xi32>
        %parallel_loop3A_263 = arith.cmpf ogt, %parallel_loop3A_255, %parallel_loop3A_254 : vector<16xf32>
        %parallel_loop3A_264 = arith.extui %parallel_loop3A_263 : vector<16xi1> to vector<16xi32>
        %parallel_loop3A_265 = arith.cmpf ogt, %parallel_loop3A_256, %parallel_loop3A_254 : vector<16xf32>
        %parallel_loop3A_266 = arith.extui %parallel_loop3A_265 : vector<16xi1> to vector<16xi32>
        %parallel_loop3A_267 = arith.cmpf ogt, %parallel_loop3A_256, %parallel_loop3A_255 : vector<16xf32>
        %parallel_loop3A_268 = arith.extui %parallel_loop3A_267 : vector<16xi1> to vector<16xi32>
        %parallel_loop3A_269 = arith.addi %parallel_loop3A_258, %parallel_loop3A_260 : vector<16xi32>
        %parallel_loop3A_270 = arith.addi %parallel_loop3A_269, %parallel_loop3A_262 : vector<16xi32>
        %parallel_loop3A_271 = arith.constant 1 : i32
        %parallel_loop3A_272 = vector.broadcast %parallel_loop3A_271 : i32 to vector<16xi32>
        %parallel_loop3A_273 = arith.subi %parallel_loop3A_272, %parallel_loop3A_258 : vector<16xi32>
        %parallel_loop3A_274 = arith.addi %parallel_loop3A_273, %parallel_loop3A_264 : vector<16xi32>
        %parallel_loop3A_275 = arith.addi %parallel_loop3A_274, %parallel_loop3A_266 : vector<16xi32>
        %parallel_loop3A_276 = arith.constant 2 : i32
        %parallel_loop3A_277 = vector.broadcast %parallel_loop3A_276 : i32 to vector<16xi32>
        %parallel_loop3A_278 = arith.subi %parallel_loop3A_277, %parallel_loop3A_260 : vector<16xi32>
        %parallel_loop3A_279 = arith.subi %parallel_loop3A_278, %parallel_loop3A_264 : vector<16xi32>
        %parallel_loop3A_280 = arith.addi %parallel_loop3A_279, %parallel_loop3A_268 : vector<16xi32>
        %parallel_loop3A_281 = arith.constant 3 : i32
        %parallel_loop3A_282 = vector.broadcast %parallel_loop3A_281 : i32 to vector<16xi32>
        %parallel_loop3A_283 = arith.subi %parallel_loop3A_282, %parallel_loop3A_262 : vector<16xi32>
        %parallel_loop3A_284 = arith.subi %parallel_loop3A_283, %parallel_loop3A_266 : vector<16xi32>
        %parallel_loop3A_285 = arith.subi %parallel_loop3A_284, %parallel_loop3A_268 : vector<16xi32>
        %parallel_loop3A_286 = arith.constant 1 : i32
        %parallel_loop3A_287 = vector.broadcast %parallel_loop3A_286 : i32 to vector<16xi32>
        %parallel_loop3A_288 = arith.cmpi sgt, %parallel_loop3A_270, %parallel_loop3A_287 : vector<16xi32>
        %parallel_loop3A_289 = arith.constant 3 : i32
        %parallel_loop3A_290 = tpu.memref_slice %arg6[%parallel_loop3A_289, %parallel_loop3A_236] : memref<4x4096xf32, #tpu.memory_space<vmem>> -> memref<1x64xf32, #tpu.memory_space<vmem>>
        %parallel_loop3A_291 = tpu.memref_squeeze %parallel_loop3A_290 : memref<1x64xf32, #tpu.memory_space<vmem>> -> memref<64xf32, #tpu.memory_space<vmem>>
        tpu.vector_store_idx %parallel_loop3A_291[%mul3A_156], %broadcast_in_dim3A_167 masked %parallel_loop3A_288 : memref<64xf32, #tpu.memory_space<vmem>>[vector<16xi32>], vector<16xf32>, vector<16xi1>
        %parallel_loop3A_292 = arith.constant 1 : i32
        %parallel_loop3A_293 = vector.broadcast %parallel_loop3A_292 : i32 to vector<16xi32>
        %parallel_loop3A_294 = arith.cmpi sgt, %parallel_loop3A_275, %parallel_loop3A_293 : vector<16xi32>
        %parallel_loop3A_295 = arith.constant 3 : i32
        %parallel_loop3A_296 = tpu.memref_slice %arg6[%parallel_loop3A_295, %parallel_loop3A_236] : memref<4x4096xf32, #tpu.memory_space<vmem>> -> memref<1x64xf32, #tpu.memory_space<vmem>>
        %parallel_loop3A_297 = tpu.memref_squeeze %parallel_loop3A_296 : memref<1x64xf32, #tpu.memory_space<vmem>> -> memref<64xf32, #tpu.memory_space<vmem>>
        tpu.vector_store_idx %parallel_loop3A_297[%add3A_159], %broadcast_in_dim3A_167 masked %parallel_loop3A_294 : memref<64xf32, #tpu.memory_space<vmem>>[vector<16xi32>], vector<16xf32>, vector<16xi1>
        %parallel_loop3A_298 = arith.constant 1 : i32
        %parallel_loop3A_299 = vector.broadcast %parallel_loop3A_298 : i32 to vector<16xi32>
        %parallel_loop3A_300 = arith.cmpi sgt, %parallel_loop3A_280, %parallel_loop3A_299 : vector<16xi32>
        %parallel_loop3A_301 = arith.constant 3 : i32
        %parallel_loop3A_302 = tpu.memref_slice %arg6[%parallel_loop3A_301, %parallel_loop3A_236] : memref<4x4096xf32, #tpu.memory_space<vmem>> -> memref<1x64xf32, #tpu.memory_space<vmem>>
        %parallel_loop3A_303 = tpu.memref_squeeze %parallel_loop3A_302 : memref<1x64xf32, #tpu.memory_space<vmem>> -> memref<64xf32, #tpu.memory_space<vmem>>
        tpu.vector_store_idx %parallel_loop3A_303[%add3A_162], %broadcast_in_dim3A_167 masked %parallel_loop3A_300 : memref<64xf32, #tpu.memory_space<vmem>>[vector<16xi32>], vector<16xf32>, vector<16xi1>
        %parallel_loop3A_304 = arith.constant 1 : i32
        %parallel_loop3A_305 = vector.broadcast %parallel_loop3A_304 : i32 to vector<16xi32>
        %parallel_loop3A_306 = arith.cmpi sgt, %parallel_loop3A_285, %parallel_loop3A_305 : vector<16xi32>
        %parallel_loop3A_307 = arith.constant 3 : i32
        %parallel_loop3A_308 = tpu.memref_slice %arg6[%parallel_loop3A_307, %parallel_loop3A_236] : memref<4x4096xf32, #tpu.memory_space<vmem>> -> memref<1x64xf32, #tpu.memory_space<vmem>>
        %parallel_loop3A_309 = tpu.memref_squeeze %parallel_loop3A_308 : memref<1x64xf32, #tpu.memory_space<vmem>> -> memref<64xf32, #tpu.memory_space<vmem>>
        tpu.vector_store_idx %parallel_loop3A_309[%add3A_165], %broadcast_in_dim3A_167 masked %parallel_loop3A_306 : memref<64xf32, #tpu.memory_space<vmem>>[vector<16xi32>], vector<16xf32>, vector<16xi1>
      } {sc.loop_unroll_factor = 4 : i64, sc.parallel_access}
      %dma_start3A_180 = arith.constant 0 : i32
      %dma_start3A_181 = tpu.memref_slice %arg3[%add3A_148, %dma_start3A_180] : memref<16384x4096xf32, #tpu.memory_space<hbm>> -> memref<4x4096xf32, #tpu.memory_space<hbm>>
      %dma_start3A_182 = arith.constant 0 : i32
      %dma_start3A_183 = tpu.memref_slice %arg3[%add3A_148, %dma_start3A_182] : memref<16384x4096xf32, #tpu.memory_space<hbm>> -> memref<4x4096xf32, #tpu.memory_space<hbm>>
      tpu.enqueue_dma source(%arg6 : memref<4x4096xf32, #tpu.memory_space<vmem>>) target(%dma_start3A_183 : memref<4x4096xf32, #tpu.memory_space<hbm>>) target_semaphore(%arg14 : memref<!tpu.dma_semaphore, #tpu.memory_space<semaphore_mem>>)
      %lt3A = arith.constant 19 : i32
      %lt3A_184 = arith.cmpi slt, %scan3A_43, %lt3A : i32
      %convert_element_type3A_185 = arith.extui %lt3A_184 : i1 to i32
      %cond3A_186 = arith.constant 0 : i32
      %cond3A_187 = arith.cmpi ne, %convert_element_type3A_185, %cond3A_186 : i32
      scf.if %cond3A_187 {
        %sub3A = arith.constant 2 : i32
        %sub3A_236 = arith.subi %add3A_145, %sub3A : i32
        %add3A_237 = arith.constant 2 : i32
        %add3A_238 = arith.addi %add3A_145, %add3A_237 : i32
        %mul3A_239 = arith.constant 4 : i32
        %mul3A_240 = arith.muli %sub3A_236, %mul3A_239 : i32
        %add3A_241 = arith.addi %mul3A_2, %mul3A_240 : i32
        %dma_wait3A_242 = arith.constant 0 : i32
        %dma_wait3A_243 = tpu.memref_slice %arg3[%add3A_241, %dma_wait3A_242] : memref<16384x4096xf32, #tpu.memory_space<hbm>> -> memref<4x4096xf32, #tpu.memory_space<hbm>>
        %dma_wait3A_244 = arith.constant 0 : i32
        %dma_wait3A_245 = tpu.memref_slice %arg3[%add3A_241, %dma_wait3A_244] : memref<16384x4096xf32, #tpu.memory_space<hbm>> -> memref<4x4096xf32, #tpu.memory_space<hbm>>
        tpu.wait_dma2 semaphore(%arg12 : memref<!tpu.dma_semaphore, #tpu.memory_space<semaphore_mem>>) src(%arg4 : memref<4x4096xf32, #tpu.memory_space<vmem>>) dst(%dma_wait3A_245 : memref<4x4096xf32, #tpu.memory_space<hbm>>)
        %mul3A_246 = arith.constant 4 : i32
        %mul3A_247 = arith.muli %add3A_238, %mul3A_246 : i32
        %add3A_248 = arith.addi %mul3A_2, %mul3A_247 : i32
        %dma_start3A_249 = arith.constant 0 : i32
        %dma_start3A_250 = tpu.memref_slice %arg2[%add3A_248, %dma_start3A_249] : memref<16384x4096xf32, #tpu.memory_space<hbm>> -> memref<4x4096xf32, #tpu.memory_space<hbm>>
        %dma_start3A_251 = arith.constant 0 : i32
        %dma_start3A_252 = tpu.memref_slice %arg2[%add3A_248, %dma_start3A_251] : memref<16384x4096xf32, #tpu.memory_space<hbm>> -> memref<4x4096xf32, #tpu.memory_space<hbm>>
        tpu.enqueue_dma source(%dma_start3A_252 : memref<4x4096xf32, #tpu.memory_space<hbm>>) target(%arg4 : memref<4x4096xf32, #tpu.memory_space<vmem>>) target_semaphore(%arg8 : memref<!tpu.dma_semaphore, #tpu.memory_space<semaphore_mem>>)
      } else {
      }
      %mul3A_188 = arith.constant 4 : i32
      %mul3A_189 = arith.muli %scan3A_43, %mul3A_188 : i32
      %add3A_190 = arith.constant 3 : i32
      %add3A_191 = arith.addi %mul3A_189, %add3A_190 : i32
      %mul3A_192 = arith.constant 4 : i32
      %mul3A_193 = arith.muli %add3A_191, %mul3A_192 : i32
      %add3A_194 = arith.addi %mul3A_2, %mul3A_193 : i32
      %dma_wait3A_195 = arith.constant 0 : i32
      %dma_wait3A_196 = tpu.memref_slice %arg2[%add3A_194, %dma_wait3A_195] : memref<16384x4096xf32, #tpu.memory_space<hbm>> -> memref<4x4096xf32, #tpu.memory_space<hbm>>
      %dma_wait3A_197 = arith.constant 0 : i32
      %dma_wait3A_198 = tpu.memref_slice %arg2[%add3A_194, %dma_wait3A_197] : memref<16384x4096xf32, #tpu.memory_space<hbm>> -> memref<4x4096xf32, #tpu.memory_space<hbm>>
      tpu.wait_dma2 semaphore(%arg11 : memref<!tpu.dma_semaphore, #tpu.memory_space<semaphore_mem>>) src(%dma_wait3A_198 : memref<4x4096xf32, #tpu.memory_space<hbm>>) dst(%arg7 : memref<4x4096xf32, #tpu.memory_space<vmem>>)
      %iota3A_199 = tpu.iota {dimensions = array<i32: 0>} : vector<16xi32>
      %mul3A_200 = arith.constant 4 : i32
      %mul3A_201 = vector.broadcast %mul3A_200 : i32 to vector<16xi32>
      %mul3A_202 = arith.muli %iota3A_199, %mul3A_201 : vector<16xi32>
      %add3A_203 = arith.constant 1 : i32
      %add3A_204 = vector.broadcast %add3A_203 : i32 to vector<16xi32>
      %add3A_205 = arith.addi %mul3A_202, %add3A_204 : vector<16xi32>
      %add3A_206 = arith.constant 2 : i32
      %add3A_207 = vector.broadcast %add3A_206 : i32 to vector<16xi32>
      %add3A_208 = arith.addi %mul3A_202, %add3A_207 : vector<16xi32>
      %add3A_209 = arith.constant 3 : i32
      %add3A_210 = vector.broadcast %add3A_209 : i32 to vector<16xi32>
      %add3A_211 = arith.addi %mul3A_202, %add3A_210 : vector<16xi32>
      %broadcast_in_dim3A_212 = arith.constant 0.000000e+00 : f32
      %broadcast_in_dim3A_213 = vector.broadcast %broadcast_in_dim3A_212 : f32 to vector<16xf32>
      %parallel_loop3A_214 = arith.constant 0 : i32
      %parallel_loop3A_215 = arith.constant 4096 : i32
      %parallel_loop3A_216 = arith.constant 64 : i32
      scf.for %parallel_loop3A_236 = %parallel_loop3A_214 to %parallel_loop3A_215 step %parallel_loop3A_216  : i32 {
        %parallel_loop3A_237 = arith.constant 0 : i32
        %parallel_loop3A_238 = tpu.memref_slice %arg7[%parallel_loop3A_237, %parallel_loop3A_236] : memref<4x4096xf32, #tpu.memory_space<vmem>> -> memref<1x64xf32, #tpu.memory_space<vmem>>
        %parallel_loop3A_239 = tpu.memref_squeeze %parallel_loop3A_238 : memref<1x64xf32, #tpu.memory_space<vmem>> -> memref<64xf32, #tpu.memory_space<vmem>>
        %parallel_loop3A_240 = tpu.vector_load_idx %parallel_loop3A_239[%mul3A_202] : memref<64xf32, #tpu.memory_space<vmem>>[vector<16xi32>], vector<16xf32>,
        %parallel_loop3A_241 = arith.constant 0 : i32
        %parallel_loop3A_242 = tpu.memref_slice %arg7[%parallel_loop3A_241, %parallel_loop3A_236] : memref<4x4096xf32, #tpu.memory_space<vmem>> -> memref<1x64xf32, #tpu.memory_space<vmem>>
        %parallel_loop3A_243 = tpu.memref_squeeze %parallel_loop3A_242 : memref<1x64xf32, #tpu.memory_space<vmem>> -> memref<64xf32, #tpu.memory_space<vmem>>
        %parallel_loop3A_244 = tpu.vector_load_idx %parallel_loop3A_243[%add3A_205] : memref<64xf32, #tpu.memory_space<vmem>>[vector<16xi32>], vector<16xf32>,
        %parallel_loop3A_245 = arith.constant 0 : i32
        %parallel_loop3A_246 = tpu.memref_slice %arg7[%parallel_loop3A_245, %parallel_loop3A_236] : memref<4x4096xf32, #tpu.memory_space<vmem>> -> memref<1x64xf32, #tpu.memory_space<vmem>>
        %parallel_loop3A_247 = tpu.memref_squeeze %parallel_loop3A_246 : memref<1x64xf32, #tpu.memory_space<vmem>> -> memref<64xf32, #tpu.memory_space<vmem>>
        %parallel_loop3A_248 = tpu.vector_load_idx %parallel_loop3A_247[%add3A_208] : memref<64xf32, #tpu.memory_space<vmem>>[vector<16xi32>], vector<16xf32>,
        %parallel_loop3A_249 = arith.constant 0 : i32
        %parallel_loop3A_250 = tpu.memref_slice %arg7[%parallel_loop3A_249, %parallel_loop3A_236] : memref<4x4096xf32, #tpu.memory_space<vmem>> -> memref<1x64xf32, #tpu.memory_space<vmem>>
        %parallel_loop3A_251 = tpu.memref_squeeze %parallel_loop3A_250 : memref<1x64xf32, #tpu.memory_space<vmem>> -> memref<64xf32, #tpu.memory_space<vmem>>
        %parallel_loop3A_252 = tpu.vector_load_idx %parallel_loop3A_251[%add3A_211] : memref<64xf32, #tpu.memory_space<vmem>>[vector<16xi32>], vector<16xf32>,
        %parallel_loop3A_253 = math.absf %parallel_loop3A_240 : vector<16xf32>
        %parallel_loop3A_254 = math.absf %parallel_loop3A_244 : vector<16xf32>
        %parallel_loop3A_255 = math.absf %parallel_loop3A_248 : vector<16xf32>
        %parallel_loop3A_256 = math.absf %parallel_loop3A_252 : vector<16xf32>
        %parallel_loop3A_257 = arith.cmpf ogt, %parallel_loop3A_254, %parallel_loop3A_253 : vector<16xf32>
        %parallel_loop3A_258 = arith.extui %parallel_loop3A_257 : vector<16xi1> to vector<16xi32>
        %parallel_loop3A_259 = arith.cmpf ogt, %parallel_loop3A_255, %parallel_loop3A_253 : vector<16xf32>
        %parallel_loop3A_260 = arith.extui %parallel_loop3A_259 : vector<16xi1> to vector<16xi32>
        %parallel_loop3A_261 = arith.cmpf ogt, %parallel_loop3A_256, %parallel_loop3A_253 : vector<16xf32>
        %parallel_loop3A_262 = arith.extui %parallel_loop3A_261 : vector<16xi1> to vector<16xi32>
        %parallel_loop3A_263 = arith.cmpf ogt, %parallel_loop3A_255, %parallel_loop3A_254 : vector<16xf32>
        %parallel_loop3A_264 = arith.extui %parallel_loop3A_263 : vector<16xi1> to vector<16xi32>
        %parallel_loop3A_265 = arith.cmpf ogt, %parallel_loop3A_256, %parallel_loop3A_254 : vector<16xf32>
        %parallel_loop3A_266 = arith.extui %parallel_loop3A_265 : vector<16xi1> to vector<16xi32>
        %parallel_loop3A_267 = arith.cmpf ogt, %parallel_loop3A_256, %parallel_loop3A_255 : vector<16xf32>
        %parallel_loop3A_268 = arith.extui %parallel_loop3A_267 : vector<16xi1> to vector<16xi32>
        %parallel_loop3A_269 = arith.addi %parallel_loop3A_258, %parallel_loop3A_260 : vector<16xi32>
        %parallel_loop3A_270 = arith.addi %parallel_loop3A_269, %parallel_loop3A_262 : vector<16xi32>
        %parallel_loop3A_271 = arith.constant 1 : i32
        %parallel_loop3A_272 = vector.broadcast %parallel_loop3A_271 : i32 to vector<16xi32>
        %parallel_loop3A_273 = arith.subi %parallel_loop3A_272, %parallel_loop3A_258 : vector<16xi32>
        %parallel_loop3A_274 = arith.addi %parallel_loop3A_273, %parallel_loop3A_264 : vector<16xi32>
        %parallel_loop3A_275 = arith.addi %parallel_loop3A_274, %parallel_loop3A_266 : vector<16xi32>
        %parallel_loop3A_276 = arith.constant 2 : i32
        %parallel_loop3A_277 = vector.broadcast %parallel_loop3A_276 : i32 to vector<16xi32>
        %parallel_loop3A_278 = arith.subi %parallel_loop3A_277, %parallel_loop3A_260 : vector<16xi32>
        %parallel_loop3A_279 = arith.subi %parallel_loop3A_278, %parallel_loop3A_264 : vector<16xi32>
        %parallel_loop3A_280 = arith.addi %parallel_loop3A_279, %parallel_loop3A_268 : vector<16xi32>
        %parallel_loop3A_281 = arith.constant 3 : i32
        %parallel_loop3A_282 = vector.broadcast %parallel_loop3A_281 : i32 to vector<16xi32>
        %parallel_loop3A_283 = arith.subi %parallel_loop3A_282, %parallel_loop3A_262 : vector<16xi32>
        %parallel_loop3A_284 = arith.subi %parallel_loop3A_283, %parallel_loop3A_266 : vector<16xi32>
        %parallel_loop3A_285 = arith.subi %parallel_loop3A_284, %parallel_loop3A_268 : vector<16xi32>
        %parallel_loop3A_286 = arith.constant 1 : i32
        %parallel_loop3A_287 = vector.broadcast %parallel_loop3A_286 : i32 to vector<16xi32>
        %parallel_loop3A_288 = arith.cmpi sgt, %parallel_loop3A_270, %parallel_loop3A_287 : vector<16xi32>
        %parallel_loop3A_289 = arith.constant 0 : i32
        %parallel_loop3A_290 = tpu.memref_slice %arg7[%parallel_loop3A_289, %parallel_loop3A_236] : memref<4x4096xf32, #tpu.memory_space<vmem>> -> memref<1x64xf32, #tpu.memory_space<vmem>>
        %parallel_loop3A_291 = tpu.memref_squeeze %parallel_loop3A_290 : memref<1x64xf32, #tpu.memory_space<vmem>> -> memref<64xf32, #tpu.memory_space<vmem>>
        tpu.vector_store_idx %parallel_loop3A_291[%mul3A_202], %broadcast_in_dim3A_213 masked %parallel_loop3A_288 : memref<64xf32, #tpu.memory_space<vmem>>[vector<16xi32>], vector<16xf32>, vector<16xi1>
        %parallel_loop3A_292 = arith.constant 1 : i32
        %parallel_loop3A_293 = vector.broadcast %parallel_loop3A_292 : i32 to vector<16xi32>
        %parallel_loop3A_294 = arith.cmpi sgt, %parallel_loop3A_275, %parallel_loop3A_293 : vector<16xi32>
        %parallel_loop3A_295 = arith.constant 0 : i32
        %parallel_loop3A_296 = tpu.memref_slice %arg7[%parallel_loop3A_295, %parallel_loop3A_236] : memref<4x4096xf32, #tpu.memory_space<vmem>> -> memref<1x64xf32, #tpu.memory_space<vmem>>
        %parallel_loop3A_297 = tpu.memref_squeeze %parallel_loop3A_296 : memref<1x64xf32, #tpu.memory_space<vmem>> -> memref<64xf32, #tpu.memory_space<vmem>>
        tpu.vector_store_idx %parallel_loop3A_297[%add3A_205], %broadcast_in_dim3A_213 masked %parallel_loop3A_294 : memref<64xf32, #tpu.memory_space<vmem>>[vector<16xi32>], vector<16xf32>, vector<16xi1>
        %parallel_loop3A_298 = arith.constant 1 : i32
        %parallel_loop3A_299 = vector.broadcast %parallel_loop3A_298 : i32 to vector<16xi32>
        %parallel_loop3A_300 = arith.cmpi sgt, %parallel_loop3A_280, %parallel_loop3A_299 : vector<16xi32>
        %parallel_loop3A_301 = arith.constant 0 : i32
        %parallel_loop3A_302 = tpu.memref_slice %arg7[%parallel_loop3A_301, %parallel_loop3A_236] : memref<4x4096xf32, #tpu.memory_space<vmem>> -> memref<1x64xf32, #tpu.memory_space<vmem>>
        %parallel_loop3A_303 = tpu.memref_squeeze %parallel_loop3A_302 : memref<1x64xf32, #tpu.memory_space<vmem>> -> memref<64xf32, #tpu.memory_space<vmem>>
        tpu.vector_store_idx %parallel_loop3A_303[%add3A_208], %broadcast_in_dim3A_213 masked %parallel_loop3A_300 : memref<64xf32, #tpu.memory_space<vmem>>[vector<16xi32>], vector<16xf32>, vector<16xi1>
        %parallel_loop3A_304 = arith.constant 1 : i32
        %parallel_loop3A_305 = vector.broadcast %parallel_loop3A_304 : i32 to vector<16xi32>
        %parallel_loop3A_306 = arith.cmpi sgt, %parallel_loop3A_285, %parallel_loop3A_305 : vector<16xi32>
        %parallel_loop3A_307 = arith.constant 0 : i32
        %parallel_loop3A_308 = tpu.memref_slice %arg7[%parallel_loop3A_307, %parallel_loop3A_236] : memref<4x4096xf32, #tpu.memory_space<vmem>> -> memref<1x64xf32, #tpu.memory_space<vmem>>
        %parallel_loop3A_309 = tpu.memref_squeeze %parallel_loop3A_308 : memref<1x64xf32, #tpu.memory_space<vmem>> -> memref<64xf32, #tpu.memory_space<vmem>>
        tpu.vector_store_idx %parallel_loop3A_309[%add3A_211], %broadcast_in_dim3A_213 masked %parallel_loop3A_306 : memref<64xf32, #tpu.memory_space<vmem>>[vector<16xi32>], vector<16xf32>, vector<16xi1>
      } {sc.loop_unroll_factor = 4 : i64, sc.parallel_access}
      %parallel_loop3A_217 = arith.constant 0 : i32
      %parallel_loop3A_218 = arith.constant 4096 : i32
      %parallel_loop3A_219 = arith.constant 64 : i32
      scf.for %parallel_loop3A_236 = %parallel_loop3A_217 to %parallel_loop3A_218 step %parallel_loop3A_219  : i32 {
        %parallel_loop3A_237 = arith.constant 1 : i32
        %parallel_loop3A_238 = tpu.memref_slice %arg7[%parallel_loop3A_237, %parallel_loop3A_236] : memref<4x4096xf32, #tpu.memory_space<vmem>> -> memref<1x64xf32, #tpu.memory_space<vmem>>
        %parallel_loop3A_239 = tpu.memref_squeeze %parallel_loop3A_238 : memref<1x64xf32, #tpu.memory_space<vmem>> -> memref<64xf32, #tpu.memory_space<vmem>>
        %parallel_loop3A_240 = tpu.vector_load_idx %parallel_loop3A_239[%mul3A_202] : memref<64xf32, #tpu.memory_space<vmem>>[vector<16xi32>], vector<16xf32>,
        %parallel_loop3A_241 = arith.constant 1 : i32
        %parallel_loop3A_242 = tpu.memref_slice %arg7[%parallel_loop3A_241, %parallel_loop3A_236] : memref<4x4096xf32, #tpu.memory_space<vmem>> -> memref<1x64xf32, #tpu.memory_space<vmem>>
        %parallel_loop3A_243 = tpu.memref_squeeze %parallel_loop3A_242 : memref<1x64xf32, #tpu.memory_space<vmem>> -> memref<64xf32, #tpu.memory_space<vmem>>
        %parallel_loop3A_244 = tpu.vector_load_idx %parallel_loop3A_243[%add3A_205] : memref<64xf32, #tpu.memory_space<vmem>>[vector<16xi32>], vector<16xf32>,
        %parallel_loop3A_245 = arith.constant 1 : i32
        %parallel_loop3A_246 = tpu.memref_slice %arg7[%parallel_loop3A_245, %parallel_loop3A_236] : memref<4x4096xf32, #tpu.memory_space<vmem>> -> memref<1x64xf32, #tpu.memory_space<vmem>>
        %parallel_loop3A_247 = tpu.memref_squeeze %parallel_loop3A_246 : memref<1x64xf32, #tpu.memory_space<vmem>> -> memref<64xf32, #tpu.memory_space<vmem>>
        %parallel_loop3A_248 = tpu.vector_load_idx %parallel_loop3A_247[%add3A_208] : memref<64xf32, #tpu.memory_space<vmem>>[vector<16xi32>], vector<16xf32>,
        %parallel_loop3A_249 = arith.constant 1 : i32
        %parallel_loop3A_250 = tpu.memref_slice %arg7[%parallel_loop3A_249, %parallel_loop3A_236] : memref<4x4096xf32, #tpu.memory_space<vmem>> -> memref<1x64xf32, #tpu.memory_space<vmem>>
        %parallel_loop3A_251 = tpu.memref_squeeze %parallel_loop3A_250 : memref<1x64xf32, #tpu.memory_space<vmem>> -> memref<64xf32, #tpu.memory_space<vmem>>
        %parallel_loop3A_252 = tpu.vector_load_idx %parallel_loop3A_251[%add3A_211] : memref<64xf32, #tpu.memory_space<vmem>>[vector<16xi32>], vector<16xf32>,
        %parallel_loop3A_253 = math.absf %parallel_loop3A_240 : vector<16xf32>
        %parallel_loop3A_254 = math.absf %parallel_loop3A_244 : vector<16xf32>
        %parallel_loop3A_255 = math.absf %parallel_loop3A_248 : vector<16xf32>
        %parallel_loop3A_256 = math.absf %parallel_loop3A_252 : vector<16xf32>
        %parallel_loop3A_257 = arith.cmpf ogt, %parallel_loop3A_254, %parallel_loop3A_253 : vector<16xf32>
        %parallel_loop3A_258 = arith.extui %parallel_loop3A_257 : vector<16xi1> to vector<16xi32>
        %parallel_loop3A_259 = arith.cmpf ogt, %parallel_loop3A_255, %parallel_loop3A_253 : vector<16xf32>
        %parallel_loop3A_260 = arith.extui %parallel_loop3A_259 : vector<16xi1> to vector<16xi32>
        %parallel_loop3A_261 = arith.cmpf ogt, %parallel_loop3A_256, %parallel_loop3A_253 : vector<16xf32>
        %parallel_loop3A_262 = arith.extui %parallel_loop3A_261 : vector<16xi1> to vector<16xi32>
        %parallel_loop3A_263 = arith.cmpf ogt, %parallel_loop3A_255, %parallel_loop3A_254 : vector<16xf32>
        %parallel_loop3A_264 = arith.extui %parallel_loop3A_263 : vector<16xi1> to vector<16xi32>
        %parallel_loop3A_265 = arith.cmpf ogt, %parallel_loop3A_256, %parallel_loop3A_254 : vector<16xf32>
        %parallel_loop3A_266 = arith.extui %parallel_loop3A_265 : vector<16xi1> to vector<16xi32>
        %parallel_loop3A_267 = arith.cmpf ogt, %parallel_loop3A_256, %parallel_loop3A_255 : vector<16xf32>
        %parallel_loop3A_268 = arith.extui %parallel_loop3A_267 : vector<16xi1> to vector<16xi32>
        %parallel_loop3A_269 = arith.addi %parallel_loop3A_258, %parallel_loop3A_260 : vector<16xi32>
        %parallel_loop3A_270 = arith.addi %parallel_loop3A_269, %parallel_loop3A_262 : vector<16xi32>
        %parallel_loop3A_271 = arith.constant 1 : i32
        %parallel_loop3A_272 = vector.broadcast %parallel_loop3A_271 : i32 to vector<16xi32>
        %parallel_loop3A_273 = arith.subi %parallel_loop3A_272, %parallel_loop3A_258 : vector<16xi32>
        %parallel_loop3A_274 = arith.addi %parallel_loop3A_273, %parallel_loop3A_264 : vector<16xi32>
        %parallel_loop3A_275 = arith.addi %parallel_loop3A_274, %parallel_loop3A_266 : vector<16xi32>
        %parallel_loop3A_276 = arith.constant 2 : i32
        %parallel_loop3A_277 = vector.broadcast %parallel_loop3A_276 : i32 to vector<16xi32>
        %parallel_loop3A_278 = arith.subi %parallel_loop3A_277, %parallel_loop3A_260 : vector<16xi32>
        %parallel_loop3A_279 = arith.subi %parallel_loop3A_278, %parallel_loop3A_264 : vector<16xi32>
        %parallel_loop3A_280 = arith.addi %parallel_loop3A_279, %parallel_loop3A_268 : vector<16xi32>
        %parallel_loop3A_281 = arith.constant 3 : i32
        %parallel_loop3A_282 = vector.broadcast %parallel_loop3A_281 : i32 to vector<16xi32>
        %parallel_loop3A_283 = arith.subi %parallel_loop3A_282, %parallel_loop3A_262 : vector<16xi32>
        %parallel_loop3A_284 = arith.subi %parallel_loop3A_283, %parallel_loop3A_266 : vector<16xi32>
        %parallel_loop3A_285 = arith.subi %parallel_loop3A_284, %parallel_loop3A_268 : vector<16xi32>
        %parallel_loop3A_286 = arith.constant 1 : i32
        %parallel_loop3A_287 = vector.broadcast %parallel_loop3A_286 : i32 to vector<16xi32>
        %parallel_loop3A_288 = arith.cmpi sgt, %parallel_loop3A_270, %parallel_loop3A_287 : vector<16xi32>
        %parallel_loop3A_289 = arith.constant 1 : i32
        %parallel_loop3A_290 = tpu.memref_slice %arg7[%parallel_loop3A_289, %parallel_loop3A_236] : memref<4x4096xf32, #tpu.memory_space<vmem>> -> memref<1x64xf32, #tpu.memory_space<vmem>>
        %parallel_loop3A_291 = tpu.memref_squeeze %parallel_loop3A_290 : memref<1x64xf32, #tpu.memory_space<vmem>> -> memref<64xf32, #tpu.memory_space<vmem>>
        tpu.vector_store_idx %parallel_loop3A_291[%mul3A_202], %broadcast_in_dim3A_213 masked %parallel_loop3A_288 : memref<64xf32, #tpu.memory_space<vmem>>[vector<16xi32>], vector<16xf32>, vector<16xi1>
        %parallel_loop3A_292 = arith.constant 1 : i32
        %parallel_loop3A_293 = vector.broadcast %parallel_loop3A_292 : i32 to vector<16xi32>
        %parallel_loop3A_294 = arith.cmpi sgt, %parallel_loop3A_275, %parallel_loop3A_293 : vector<16xi32>
        %parallel_loop3A_295 = arith.constant 1 : i32
        %parallel_loop3A_296 = tpu.memref_slice %arg7[%parallel_loop3A_295, %parallel_loop3A_236] : memref<4x4096xf32, #tpu.memory_space<vmem>> -> memref<1x64xf32, #tpu.memory_space<vmem>>
        %parallel_loop3A_297 = tpu.memref_squeeze %parallel_loop3A_296 : memref<1x64xf32, #tpu.memory_space<vmem>> -> memref<64xf32, #tpu.memory_space<vmem>>
        tpu.vector_store_idx %parallel_loop3A_297[%add3A_205], %broadcast_in_dim3A_213 masked %parallel_loop3A_294 : memref<64xf32, #tpu.memory_space<vmem>>[vector<16xi32>], vector<16xf32>, vector<16xi1>
        %parallel_loop3A_298 = arith.constant 1 : i32
        %parallel_loop3A_299 = vector.broadcast %parallel_loop3A_298 : i32 to vector<16xi32>
        %parallel_loop3A_300 = arith.cmpi sgt, %parallel_loop3A_280, %parallel_loop3A_299 : vector<16xi32>
        %parallel_loop3A_301 = arith.constant 1 : i32
        %parallel_loop3A_302 = tpu.memref_slice %arg7[%parallel_loop3A_301, %parallel_loop3A_236] : memref<4x4096xf32, #tpu.memory_space<vmem>> -> memref<1x64xf32, #tpu.memory_space<vmem>>
        %parallel_loop3A_303 = tpu.memref_squeeze %parallel_loop3A_302 : memref<1x64xf32, #tpu.memory_space<vmem>> -> memref<64xf32, #tpu.memory_space<vmem>>
        tpu.vector_store_idx %parallel_loop3A_303[%add3A_208], %broadcast_in_dim3A_213 masked %parallel_loop3A_300 : memref<64xf32, #tpu.memory_space<vmem>>[vector<16xi32>], vector<16xf32>, vector<16xi1>
        %parallel_loop3A_304 = arith.constant 1 : i32
        %parallel_loop3A_305 = vector.broadcast %parallel_loop3A_304 : i32 to vector<16xi32>
        %parallel_loop3A_306 = arith.cmpi sgt, %parallel_loop3A_285, %parallel_loop3A_305 : vector<16xi32>
        %parallel_loop3A_307 = arith.constant 1 : i32
        %parallel_loop3A_308 = tpu.memref_slice %arg7[%parallel_loop3A_307, %parallel_loop3A_236] : memref<4x4096xf32, #tpu.memory_space<vmem>> -> memref<1x64xf32, #tpu.memory_space<vmem>>
        %parallel_loop3A_309 = tpu.memref_squeeze %parallel_loop3A_308 : memref<1x64xf32, #tpu.memory_space<vmem>> -> memref<64xf32, #tpu.memory_space<vmem>>
        tpu.vector_store_idx %parallel_loop3A_309[%add3A_211], %broadcast_in_dim3A_213 masked %parallel_loop3A_306 : memref<64xf32, #tpu.memory_space<vmem>>[vector<16xi32>], vector<16xf32>, vector<16xi1>
      } {sc.loop_unroll_factor = 4 : i64, sc.parallel_access}
      %parallel_loop3A_220 = arith.constant 0 : i32
      %parallel_loop3A_221 = arith.constant 4096 : i32
      %parallel_loop3A_222 = arith.constant 64 : i32
      scf.for %parallel_loop3A_236 = %parallel_loop3A_220 to %parallel_loop3A_221 step %parallel_loop3A_222  : i32 {
        %parallel_loop3A_237 = arith.constant 2 : i32
        %parallel_loop3A_238 = tpu.memref_slice %arg7[%parallel_loop3A_237, %parallel_loop3A_236] : memref<4x4096xf32, #tpu.memory_space<vmem>> -> memref<1x64xf32, #tpu.memory_space<vmem>>
        %parallel_loop3A_239 = tpu.memref_squeeze %parallel_loop3A_238 : memref<1x64xf32, #tpu.memory_space<vmem>> -> memref<64xf32, #tpu.memory_space<vmem>>
        %parallel_loop3A_240 = tpu.vector_load_idx %parallel_loop3A_239[%mul3A_202] : memref<64xf32, #tpu.memory_space<vmem>>[vector<16xi32>], vector<16xf32>,
        %parallel_loop3A_241 = arith.constant 2 : i32
        %parallel_loop3A_242 = tpu.memref_slice %arg7[%parallel_loop3A_241, %parallel_loop3A_236] : memref<4x4096xf32, #tpu.memory_space<vmem>> -> memref<1x64xf32, #tpu.memory_space<vmem>>
        %parallel_loop3A_243 = tpu.memref_squeeze %parallel_loop3A_242 : memref<1x64xf32, #tpu.memory_space<vmem>> -> memref<64xf32, #tpu.memory_space<vmem>>
        %parallel_loop3A_244 = tpu.vector_load_idx %parallel_loop3A_243[%add3A_205] : memref<64xf32, #tpu.memory_space<vmem>>[vector<16xi32>], vector<16xf32>,
        %parallel_loop3A_245 = arith.constant 2 : i32
        %parallel_loop3A_246 = tpu.memref_slice %arg7[%parallel_loop3A_245, %parallel_loop3A_236] : memref<4x4096xf32, #tpu.memory_space<vmem>> -> memref<1x64xf32, #tpu.memory_space<vmem>>
        %parallel_loop3A_247 = tpu.memref_squeeze %parallel_loop3A_246 : memref<1x64xf32, #tpu.memory_space<vmem>> -> memref<64xf32, #tpu.memory_space<vmem>>
        %parallel_loop3A_248 = tpu.vector_load_idx %parallel_loop3A_247[%add3A_208] : memref<64xf32, #tpu.memory_space<vmem>>[vector<16xi32>], vector<16xf32>,
        %parallel_loop3A_249 = arith.constant 2 : i32
        %parallel_loop3A_250 = tpu.memref_slice %arg7[%parallel_loop3A_249, %parallel_loop3A_236] : memref<4x4096xf32, #tpu.memory_space<vmem>> -> memref<1x64xf32, #tpu.memory_space<vmem>>
        %parallel_loop3A_251 = tpu.memref_squeeze %parallel_loop3A_250 : memref<1x64xf32, #tpu.memory_space<vmem>> -> memref<64xf32, #tpu.memory_space<vmem>>
        %parallel_loop3A_252 = tpu.vector_load_idx %parallel_loop3A_251[%add3A_211] : memref<64xf32, #tpu.memory_space<vmem>>[vector<16xi32>], vector<16xf32>,
        %parallel_loop3A_253 = math.absf %parallel_loop3A_240 : vector<16xf32>
        %parallel_loop3A_254 = math.absf %parallel_loop3A_244 : vector<16xf32>
        %parallel_loop3A_255 = math.absf %parallel_loop3A_248 : vector<16xf32>
        %parallel_loop3A_256 = math.absf %parallel_loop3A_252 : vector<16xf32>
        %parallel_loop3A_257 = arith.cmpf ogt, %parallel_loop3A_254, %parallel_loop3A_253 : vector<16xf32>
        %parallel_loop3A_258 = arith.extui %parallel_loop3A_257 : vector<16xi1> to vector<16xi32>
        %parallel_loop3A_259 = arith.cmpf ogt, %parallel_loop3A_255, %parallel_loop3A_253 : vector<16xf32>
        %parallel_loop3A_260 = arith.extui %parallel_loop3A_259 : vector<16xi1> to vector<16xi32>
        %parallel_loop3A_261 = arith.cmpf ogt, %parallel_loop3A_256, %parallel_loop3A_253 : vector<16xf32>
        %parallel_loop3A_262 = arith.extui %parallel_loop3A_261 : vector<16xi1> to vector<16xi32>
        %parallel_loop3A_263 = arith.cmpf ogt, %parallel_loop3A_255, %parallel_loop3A_254 : vector<16xf32>
        %parallel_loop3A_264 = arith.extui %parallel_loop3A_263 : vector<16xi1> to vector<16xi32>
        %parallel_loop3A_265 = arith.cmpf ogt, %parallel_loop3A_256, %parallel_loop3A_254 : vector<16xf32>
        %parallel_loop3A_266 = arith.extui %parallel_loop3A_265 : vector<16xi1> to vector<16xi32>
        %parallel_loop3A_267 = arith.cmpf ogt, %parallel_loop3A_256, %parallel_loop3A_255 : vector<16xf32>
        %parallel_loop3A_268 = arith.extui %parallel_loop3A_267 : vector<16xi1> to vector<16xi32>
        %parallel_loop3A_269 = arith.addi %parallel_loop3A_258, %parallel_loop3A_260 : vector<16xi32>
        %parallel_loop3A_270 = arith.addi %parallel_loop3A_269, %parallel_loop3A_262 : vector<16xi32>
        %parallel_loop3A_271 = arith.constant 1 : i32
        %parallel_loop3A_272 = vector.broadcast %parallel_loop3A_271 : i32 to vector<16xi32>
        %parallel_loop3A_273 = arith.subi %parallel_loop3A_272, %parallel_loop3A_258 : vector<16xi32>
        %parallel_loop3A_274 = arith.addi %parallel_loop3A_273, %parallel_loop3A_264 : vector<16xi32>
        %parallel_loop3A_275 = arith.addi %parallel_loop3A_274, %parallel_loop3A_266 : vector<16xi32>
        %parallel_loop3A_276 = arith.constant 2 : i32
        %parallel_loop3A_277 = vector.broadcast %parallel_loop3A_276 : i32 to vector<16xi32>
        %parallel_loop3A_278 = arith.subi %parallel_loop3A_277, %parallel_loop3A_260 : vector<16xi32>
        %parallel_loop3A_279 = arith.subi %parallel_loop3A_278, %parallel_loop3A_264 : vector<16xi32>
        %parallel_loop3A_280 = arith.addi %parallel_loop3A_279, %parallel_loop3A_268 : vector<16xi32>
        %parallel_loop3A_281 = arith.constant 3 : i32
        %parallel_loop3A_282 = vector.broadcast %parallel_loop3A_281 : i32 to vector<16xi32>
        %parallel_loop3A_283 = arith.subi %parallel_loop3A_282, %parallel_loop3A_262 : vector<16xi32>
        %parallel_loop3A_284 = arith.subi %parallel_loop3A_283, %parallel_loop3A_266 : vector<16xi32>
        %parallel_loop3A_285 = arith.subi %parallel_loop3A_284, %parallel_loop3A_268 : vector<16xi32>
        %parallel_loop3A_286 = arith.constant 1 : i32
        %parallel_loop3A_287 = vector.broadcast %parallel_loop3A_286 : i32 to vector<16xi32>
        %parallel_loop3A_288 = arith.cmpi sgt, %parallel_loop3A_270, %parallel_loop3A_287 : vector<16xi32>
        %parallel_loop3A_289 = arith.constant 2 : i32
        %parallel_loop3A_290 = tpu.memref_slice %arg7[%parallel_loop3A_289, %parallel_loop3A_236] : memref<4x4096xf32, #tpu.memory_space<vmem>> -> memref<1x64xf32, #tpu.memory_space<vmem>>
        %parallel_loop3A_291 = tpu.memref_squeeze %parallel_loop3A_290 : memref<1x64xf32, #tpu.memory_space<vmem>> -> memref<64xf32, #tpu.memory_space<vmem>>
        tpu.vector_store_idx %parallel_loop3A_291[%mul3A_202], %broadcast_in_dim3A_213 masked %parallel_loop3A_288 : memref<64xf32, #tpu.memory_space<vmem>>[vector<16xi32>], vector<16xf32>, vector<16xi1>
        %parallel_loop3A_292 = arith.constant 1 : i32
        %parallel_loop3A_293 = vector.broadcast %parallel_loop3A_292 : i32 to vector<16xi32>
        %parallel_loop3A_294 = arith.cmpi sgt, %parallel_loop3A_275, %parallel_loop3A_293 : vector<16xi32>
        %parallel_loop3A_295 = arith.constant 2 : i32
        %parallel_loop3A_296 = tpu.memref_slice %arg7[%parallel_loop3A_295, %parallel_loop3A_236] : memref<4x4096xf32, #tpu.memory_space<vmem>> -> memref<1x64xf32, #tpu.memory_space<vmem>>
        %parallel_loop3A_297 = tpu.memref_squeeze %parallel_loop3A_296 : memref<1x64xf32, #tpu.memory_space<vmem>> -> memref<64xf32, #tpu.memory_space<vmem>>
        tpu.vector_store_idx %parallel_loop3A_297[%add3A_205], %broadcast_in_dim3A_213 masked %parallel_loop3A_294 : memref<64xf32, #tpu.memory_space<vmem>>[vector<16xi32>], vector<16xf32>, vector<16xi1>
        %parallel_loop3A_298 = arith.constant 1 : i32
        %parallel_loop3A_299 = vector.broadcast %parallel_loop3A_298 : i32 to vector<16xi32>
        %parallel_loop3A_300 = arith.cmpi sgt, %parallel_loop3A_280, %parallel_loop3A_299 : vector<16xi32>
        %parallel_loop3A_301 = arith.constant 2 : i32
        %parallel_loop3A_302 = tpu.memref_slice %arg7[%parallel_loop3A_301, %parallel_loop3A_236] : memref<4x4096xf32, #tpu.memory_space<vmem>> -> memref<1x64xf32, #tpu.memory_space<vmem>>
        %parallel_loop3A_303 = tpu.memref_squeeze %parallel_loop3A_302 : memref<1x64xf32, #tpu.memory_space<vmem>> -> memref<64xf32, #tpu.memory_space<vmem>>
        tpu.vector_store_idx %parallel_loop3A_303[%add3A_208], %broadcast_in_dim3A_213 masked %parallel_loop3A_300 : memref<64xf32, #tpu.memory_space<vmem>>[vector<16xi32>], vector<16xf32>, vector<16xi1>
        %parallel_loop3A_304 = arith.constant 1 : i32
        %parallel_loop3A_305 = vector.broadcast %parallel_loop3A_304 : i32 to vector<16xi32>
        %parallel_loop3A_306 = arith.cmpi sgt, %parallel_loop3A_285, %parallel_loop3A_305 : vector<16xi32>
        %parallel_loop3A_307 = arith.constant 2 : i32
        %parallel_loop3A_308 = tpu.memref_slice %arg7[%parallel_loop3A_307, %parallel_loop3A_236] : memref<4x4096xf32, #tpu.memory_space<vmem>> -> memref<1x64xf32, #tpu.memory_space<vmem>>
        %parallel_loop3A_309 = tpu.memref_squeeze %parallel_loop3A_308 : memref<1x64xf32, #tpu.memory_space<vmem>> -> memref<64xf32, #tpu.memory_space<vmem>>
        tpu.vector_store_idx %parallel_loop3A_309[%add3A_211], %broadcast_in_dim3A_213 masked %parallel_loop3A_306 : memref<64xf32, #tpu.memory_space<vmem>>[vector<16xi32>], vector<16xf32>, vector<16xi1>
      } {sc.loop_unroll_factor = 4 : i64, sc.parallel_access}
      %parallel_loop3A_223 = arith.constant 0 : i32
      %parallel_loop3A_224 = arith.constant 4096 : i32
      %parallel_loop3A_225 = arith.constant 64 : i32
      scf.for %parallel_loop3A_236 = %parallel_loop3A_223 to %parallel_loop3A_224 step %parallel_loop3A_225  : i32 {
        %parallel_loop3A_237 = arith.constant 3 : i32
        %parallel_loop3A_238 = tpu.memref_slice %arg7[%parallel_loop3A_237, %parallel_loop3A_236] : memref<4x4096xf32, #tpu.memory_space<vmem>> -> memref<1x64xf32, #tpu.memory_space<vmem>>
        %parallel_loop3A_239 = tpu.memref_squeeze %parallel_loop3A_238 : memref<1x64xf32, #tpu.memory_space<vmem>> -> memref<64xf32, #tpu.memory_space<vmem>>
        %parallel_loop3A_240 = tpu.vector_load_idx %parallel_loop3A_239[%mul3A_202] : memref<64xf32, #tpu.memory_space<vmem>>[vector<16xi32>], vector<16xf32>,
        %parallel_loop3A_241 = arith.constant 3 : i32
        %parallel_loop3A_242 = tpu.memref_slice %arg7[%parallel_loop3A_241, %parallel_loop3A_236] : memref<4x4096xf32, #tpu.memory_space<vmem>> -> memref<1x64xf32, #tpu.memory_space<vmem>>
        %parallel_loop3A_243 = tpu.memref_squeeze %parallel_loop3A_242 : memref<1x64xf32, #tpu.memory_space<vmem>> -> memref<64xf32, #tpu.memory_space<vmem>>
        %parallel_loop3A_244 = tpu.vector_load_idx %parallel_loop3A_243[%add3A_205] : memref<64xf32, #tpu.memory_space<vmem>>[vector<16xi32>], vector<16xf32>,
        %parallel_loop3A_245 = arith.constant 3 : i32
        %parallel_loop3A_246 = tpu.memref_slice %arg7[%parallel_loop3A_245, %parallel_loop3A_236] : memref<4x4096xf32, #tpu.memory_space<vmem>> -> memref<1x64xf32, #tpu.memory_space<vmem>>
        %parallel_loop3A_247 = tpu.memref_squeeze %parallel_loop3A_246 : memref<1x64xf32, #tpu.memory_space<vmem>> -> memref<64xf32, #tpu.memory_space<vmem>>
        %parallel_loop3A_248 = tpu.vector_load_idx %parallel_loop3A_247[%add3A_208] : memref<64xf32, #tpu.memory_space<vmem>>[vector<16xi32>], vector<16xf32>,
        %parallel_loop3A_249 = arith.constant 3 : i32
        %parallel_loop3A_250 = tpu.memref_slice %arg7[%parallel_loop3A_249, %parallel_loop3A_236] : memref<4x4096xf32, #tpu.memory_space<vmem>> -> memref<1x64xf32, #tpu.memory_space<vmem>>
        %parallel_loop3A_251 = tpu.memref_squeeze %parallel_loop3A_250 : memref<1x64xf32, #tpu.memory_space<vmem>> -> memref<64xf32, #tpu.memory_space<vmem>>
        %parallel_loop3A_252 = tpu.vector_load_idx %parallel_loop3A_251[%add3A_211] : memref<64xf32, #tpu.memory_space<vmem>>[vector<16xi32>], vector<16xf32>,
        %parallel_loop3A_253 = math.absf %parallel_loop3A_240 : vector<16xf32>
        %parallel_loop3A_254 = math.absf %parallel_loop3A_244 : vector<16xf32>
        %parallel_loop3A_255 = math.absf %parallel_loop3A_248 : vector<16xf32>
        %parallel_loop3A_256 = math.absf %parallel_loop3A_252 : vector<16xf32>
        %parallel_loop3A_257 = arith.cmpf ogt, %parallel_loop3A_254, %parallel_loop3A_253 : vector<16xf32>
        %parallel_loop3A_258 = arith.extui %parallel_loop3A_257 : vector<16xi1> to vector<16xi32>
        %parallel_loop3A_259 = arith.cmpf ogt, %parallel_loop3A_255, %parallel_loop3A_253 : vector<16xf32>
        %parallel_loop3A_260 = arith.extui %parallel_loop3A_259 : vector<16xi1> to vector<16xi32>
        %parallel_loop3A_261 = arith.cmpf ogt, %parallel_loop3A_256, %parallel_loop3A_253 : vector<16xf32>
        %parallel_loop3A_262 = arith.extui %parallel_loop3A_261 : vector<16xi1> to vector<16xi32>
        %parallel_loop3A_263 = arith.cmpf ogt, %parallel_loop3A_255, %parallel_loop3A_254 : vector<16xf32>
        %parallel_loop3A_264 = arith.extui %parallel_loop3A_263 : vector<16xi1> to vector<16xi32>
        %parallel_loop3A_265 = arith.cmpf ogt, %parallel_loop3A_256, %parallel_loop3A_254 : vector<16xf32>
        %parallel_loop3A_266 = arith.extui %parallel_loop3A_265 : vector<16xi1> to vector<16xi32>
        %parallel_loop3A_267 = arith.cmpf ogt, %parallel_loop3A_256, %parallel_loop3A_255 : vector<16xf32>
        %parallel_loop3A_268 = arith.extui %parallel_loop3A_267 : vector<16xi1> to vector<16xi32>
        %parallel_loop3A_269 = arith.addi %parallel_loop3A_258, %parallel_loop3A_260 : vector<16xi32>
        %parallel_loop3A_270 = arith.addi %parallel_loop3A_269, %parallel_loop3A_262 : vector<16xi32>
        %parallel_loop3A_271 = arith.constant 1 : i32
        %parallel_loop3A_272 = vector.broadcast %parallel_loop3A_271 : i32 to vector<16xi32>
        %parallel_loop3A_273 = arith.subi %parallel_loop3A_272, %parallel_loop3A_258 : vector<16xi32>
        %parallel_loop3A_274 = arith.addi %parallel_loop3A_273, %parallel_loop3A_264 : vector<16xi32>
        %parallel_loop3A_275 = arith.addi %parallel_loop3A_274, %parallel_loop3A_266 : vector<16xi32>
        %parallel_loop3A_276 = arith.constant 2 : i32
        %parallel_loop3A_277 = vector.broadcast %parallel_loop3A_276 : i32 to vector<16xi32>
        %parallel_loop3A_278 = arith.subi %parallel_loop3A_277, %parallel_loop3A_260 : vector<16xi32>
        %parallel_loop3A_279 = arith.subi %parallel_loop3A_278, %parallel_loop3A_264 : vector<16xi32>
        %parallel_loop3A_280 = arith.addi %parallel_loop3A_279, %parallel_loop3A_268 : vector<16xi32>
        %parallel_loop3A_281 = arith.constant 3 : i32
        %parallel_loop3A_282 = vector.broadcast %parallel_loop3A_281 : i32 to vector<16xi32>
        %parallel_loop3A_283 = arith.subi %parallel_loop3A_282, %parallel_loop3A_262 : vector<16xi32>
        %parallel_loop3A_284 = arith.subi %parallel_loop3A_283, %parallel_loop3A_266 : vector<16xi32>
        %parallel_loop3A_285 = arith.subi %parallel_loop3A_284, %parallel_loop3A_268 : vector<16xi32>
        %parallel_loop3A_286 = arith.constant 1 : i32
        %parallel_loop3A_287 = vector.broadcast %parallel_loop3A_286 : i32 to vector<16xi32>
        %parallel_loop3A_288 = arith.cmpi sgt, %parallel_loop3A_270, %parallel_loop3A_287 : vector<16xi32>
        %parallel_loop3A_289 = arith.constant 3 : i32
        %parallel_loop3A_290 = tpu.memref_slice %arg7[%parallel_loop3A_289, %parallel_loop3A_236] : memref<4x4096xf32, #tpu.memory_space<vmem>> -> memref<1x64xf32, #tpu.memory_space<vmem>>
        %parallel_loop3A_291 = tpu.memref_squeeze %parallel_loop3A_290 : memref<1x64xf32, #tpu.memory_space<vmem>> -> memref<64xf32, #tpu.memory_space<vmem>>
        tpu.vector_store_idx %parallel_loop3A_291[%mul3A_202], %broadcast_in_dim3A_213 masked %parallel_loop3A_288 : memref<64xf32, #tpu.memory_space<vmem>>[vector<16xi32>], vector<16xf32>, vector<16xi1>
        %parallel_loop3A_292 = arith.constant 1 : i32
        %parallel_loop3A_293 = vector.broadcast %parallel_loop3A_292 : i32 to vector<16xi32>
        %parallel_loop3A_294 = arith.cmpi sgt, %parallel_loop3A_275, %parallel_loop3A_293 : vector<16xi32>
        %parallel_loop3A_295 = arith.constant 3 : i32
        %parallel_loop3A_296 = tpu.memref_slice %arg7[%parallel_loop3A_295, %parallel_loop3A_236] : memref<4x4096xf32, #tpu.memory_space<vmem>> -> memref<1x64xf32, #tpu.memory_space<vmem>>
        %parallel_loop3A_297 = tpu.memref_squeeze %parallel_loop3A_296 : memref<1x64xf32, #tpu.memory_space<vmem>> -> memref<64xf32, #tpu.memory_space<vmem>>
        tpu.vector_store_idx %parallel_loop3A_297[%add3A_205], %broadcast_in_dim3A_213 masked %parallel_loop3A_294 : memref<64xf32, #tpu.memory_space<vmem>>[vector<16xi32>], vector<16xf32>, vector<16xi1>
        %parallel_loop3A_298 = arith.constant 1 : i32
        %parallel_loop3A_299 = vector.broadcast %parallel_loop3A_298 : i32 to vector<16xi32>
        %parallel_loop3A_300 = arith.cmpi sgt, %parallel_loop3A_280, %parallel_loop3A_299 : vector<16xi32>
        %parallel_loop3A_301 = arith.constant 3 : i32
        %parallel_loop3A_302 = tpu.memref_slice %arg7[%parallel_loop3A_301, %parallel_loop3A_236] : memref<4x4096xf32, #tpu.memory_space<vmem>> -> memref<1x64xf32, #tpu.memory_space<vmem>>
        %parallel_loop3A_303 = tpu.memref_squeeze %parallel_loop3A_302 : memref<1x64xf32, #tpu.memory_space<vmem>> -> memref<64xf32, #tpu.memory_space<vmem>>
        tpu.vector_store_idx %parallel_loop3A_303[%add3A_208], %broadcast_in_dim3A_213 masked %parallel_loop3A_300 : memref<64xf32, #tpu.memory_space<vmem>>[vector<16xi32>], vector<16xf32>, vector<16xi1>
        %parallel_loop3A_304 = arith.constant 1 : i32
        %parallel_loop3A_305 = vector.broadcast %parallel_loop3A_304 : i32 to vector<16xi32>
        %parallel_loop3A_306 = arith.cmpi sgt, %parallel_loop3A_285, %parallel_loop3A_305 : vector<16xi32>
        %parallel_loop3A_307 = arith.constant 3 : i32
        %parallel_loop3A_308 = tpu.memref_slice %arg7[%parallel_loop3A_307, %parallel_loop3A_236] : memref<4x4096xf32, #tpu.memory_space<vmem>> -> memref<1x64xf32, #tpu.memory_space<vmem>>
        %parallel_loop3A_309 = tpu.memref_squeeze %parallel_loop3A_308 : memref<1x64xf32, #tpu.memory_space<vmem>> -> memref<64xf32, #tpu.memory_space<vmem>>
        tpu.vector_store_idx %parallel_loop3A_309[%add3A_211], %broadcast_in_dim3A_213 masked %parallel_loop3A_306 : memref<64xf32, #tpu.memory_space<vmem>>[vector<16xi32>], vector<16xf32>, vector<16xi1>
      } {sc.loop_unroll_factor = 4 : i64, sc.parallel_access}
      %dma_start3A_226 = arith.constant 0 : i32
      %dma_start3A_227 = tpu.memref_slice %arg3[%add3A_194, %dma_start3A_226] : memref<16384x4096xf32, #tpu.memory_space<hbm>> -> memref<4x4096xf32, #tpu.memory_space<hbm>>
      %dma_start3A_228 = arith.constant 0 : i32
      %dma_start3A_229 = tpu.memref_slice %arg3[%add3A_194, %dma_start3A_228] : memref<16384x4096xf32, #tpu.memory_space<hbm>> -> memref<4x4096xf32, #tpu.memory_space<hbm>>
      tpu.enqueue_dma source(%arg7 : memref<4x4096xf32, #tpu.memory_space<vmem>>) target(%dma_start3A_229 : memref<4x4096xf32, #tpu.memory_space<hbm>>) target_semaphore(%arg15 : memref<!tpu.dma_semaphore, #tpu.memory_space<semaphore_mem>>)
      %lt3A_230 = arith.constant 19 : i32
      %lt3A_231 = arith.cmpi slt, %scan3A_43, %lt3A_230 : i32
      %convert_element_type3A_232 = arith.extui %lt3A_231 : i1 to i32
      %cond3A_233 = arith.constant 0 : i32
      %cond3A_234 = arith.cmpi ne, %convert_element_type3A_232, %cond3A_233 : i32
      scf.if %cond3A_234 {
        %sub3A = arith.constant 2 : i32
        %sub3A_236 = arith.subi %add3A_191, %sub3A : i32
        %add3A_237 = arith.constant 2 : i32
        %add3A_238 = arith.addi %add3A_191, %add3A_237 : i32
        %mul3A_239 = arith.constant 4 : i32
        %mul3A_240 = arith.muli %sub3A_236, %mul3A_239 : i32
        %add3A_241 = arith.addi %mul3A_2, %mul3A_240 : i32
        %dma_wait3A_242 = arith.constant 0 : i32
        %dma_wait3A_243 = tpu.memref_slice %arg3[%add3A_241, %dma_wait3A_242] : memref<16384x4096xf32, #tpu.memory_space<hbm>> -> memref<4x4096xf32, #tpu.memory_space<hbm>>
        %dma_wait3A_244 = arith.constant 0 : i32
        %dma_wait3A_245 = tpu.memref_slice %arg3[%add3A_241, %dma_wait3A_244] : memref<16384x4096xf32, #tpu.memory_space<hbm>> -> memref<4x4096xf32, #tpu.memory_space<hbm>>
        tpu.wait_dma2 semaphore(%arg13 : memref<!tpu.dma_semaphore, #tpu.memory_space<semaphore_mem>>) src(%arg5 : memref<4x4096xf32, #tpu.memory_space<vmem>>) dst(%dma_wait3A_245 : memref<4x4096xf32, #tpu.memory_space<hbm>>)
        %mul3A_246 = arith.constant 4 : i32
        %mul3A_247 = arith.muli %add3A_238, %mul3A_246 : i32
        %add3A_248 = arith.addi %mul3A_2, %mul3A_247 : i32
        %dma_start3A_249 = arith.constant 0 : i32
        %dma_start3A_250 = tpu.memref_slice %arg2[%add3A_248, %dma_start3A_249] : memref<16384x4096xf32, #tpu.memory_space<hbm>> -> memref<4x4096xf32, #tpu.memory_space<hbm>>
        %dma_start3A_251 = arith.constant 0 : i32
        %dma_start3A_252 = tpu.memref_slice %arg2[%add3A_248, %dma_start3A_251] : memref<16384x4096xf32, #tpu.memory_space<hbm>> -> memref<4x4096xf32, #tpu.memory_space<hbm>>
        tpu.enqueue_dma source(%dma_start3A_252 : memref<4x4096xf32, #tpu.memory_space<hbm>>) target(%arg5 : memref<4x4096xf32, #tpu.memory_space<vmem>>) target_semaphore(%arg9 : memref<!tpu.dma_semaphore, #tpu.memory_space<semaphore_mem>>)
      } else {
      }
      %scan3A_235 = arith.constant 0 : i32
      scf.yield %scan3A_235 : i32
    }
    %scan3A_19 = arith.constant 20 : i32
    %add3A_20 = arith.constant 304 : i32
    %add3A_21 = arith.addi %mul3A_2, %add3A_20 : i32
    %dma_wait3A = arith.constant 0 : i32
    %dma_wait3A_22 = tpu.memref_slice %arg3[%add3A_21, %dma_wait3A] : memref<16384x4096xf32, #tpu.memory_space<hbm>> -> memref<4x4096xf32, #tpu.memory_space<hbm>>
    %dma_wait3A_23 = arith.constant 0 : i32
    %dma_wait3A_24 = tpu.memref_slice %arg3[%add3A_21, %dma_wait3A_23] : memref<16384x4096xf32, #tpu.memory_space<hbm>> -> memref<4x4096xf32, #tpu.memory_space<hbm>>
    tpu.wait_dma2 semaphore(%arg12 : memref<!tpu.dma_semaphore, #tpu.memory_space<semaphore_mem>>) src(%arg4 : memref<4x4096xf32, #tpu.memory_space<vmem>>) dst(%dma_wait3A_24 : memref<4x4096xf32, #tpu.memory_space<hbm>>)
    %add3A_25 = arith.constant 308 : i32
    %add3A_26 = arith.addi %mul3A_2, %add3A_25 : i32
    %dma_wait3A_27 = arith.constant 0 : i32
    %dma_wait3A_28 = tpu.memref_slice %arg3[%add3A_26, %dma_wait3A_27] : memref<16384x4096xf32, #tpu.memory_space<hbm>> -> memref<4x4096xf32, #tpu.memory_space<hbm>>
    %dma_wait3A_29 = arith.constant 0 : i32
    %dma_wait3A_30 = tpu.memref_slice %arg3[%add3A_26, %dma_wait3A_29] : memref<16384x4096xf32, #tpu.memory_space<hbm>> -> memref<4x4096xf32, #tpu.memory_space<hbm>>
    tpu.wait_dma2 semaphore(%arg13 : memref<!tpu.dma_semaphore, #tpu.memory_space<semaphore_mem>>) src(%arg5 : memref<4x4096xf32, #tpu.memory_space<vmem>>) dst(%dma_wait3A_30 : memref<4x4096xf32, #tpu.memory_space<hbm>>)
    %add3A_31 = arith.constant 312 : i32
    %add3A_32 = arith.addi %mul3A_2, %add3A_31 : i32
    %dma_wait3A_33 = arith.constant 0 : i32
    %dma_wait3A_34 = tpu.memref_slice %arg3[%add3A_32, %dma_wait3A_33] : memref<16384x4096xf32, #tpu.memory_space<hbm>> -> memref<4x4096xf32, #tpu.memory_space<hbm>>
    %dma_wait3A_35 = arith.constant 0 : i32
    %dma_wait3A_36 = tpu.memref_slice %arg3[%add3A_32, %dma_wait3A_35] : memref<16384x4096xf32, #tpu.memory_space<hbm>> -> memref<4x4096xf32, #tpu.memory_space<hbm>>
    tpu.wait_dma2 semaphore(%arg14 : memref<!tpu.dma_semaphore, #tpu.memory_space<semaphore_mem>>) src(%arg6 : memref<4x4096xf32, #tpu.memory_space<vmem>>) dst(%dma_wait3A_36 : memref<4x4096xf32, #tpu.memory_space<hbm>>)
    %add3A_37 = arith.constant 316 : i32
    %add3A_38 = arith.addi %mul3A_2, %add3A_37 : i32
    %dma_wait3A_39 = arith.constant 0 : i32
    %dma_wait3A_40 = tpu.memref_slice %arg3[%add3A_38, %dma_wait3A_39] : memref<16384x4096xf32, #tpu.memory_space<hbm>> -> memref<4x4096xf32, #tpu.memory_space<hbm>>
    %dma_wait3A_41 = arith.constant 0 : i32
    %dma_wait3A_42 = tpu.memref_slice %arg3[%add3A_38, %dma_wait3A_41] : memref<16384x4096xf32, #tpu.memory_space<hbm>> -> memref<4x4096xf32, #tpu.memory_space<hbm>>
    tpu.wait_dma2 semaphore(%arg15 : memref<!tpu.dma_semaphore, #tpu.memory_space<semaphore_mem>>) src(%arg7 : memref<4x4096xf32, #tpu.memory_space<vmem>>) dst(%dma_wait3A_42 : memref<4x4096xf32, #tpu.memory_space<hbm>>)
    return
  }
}

module attributes {stable_mosaic.version = 14 : i64} {
  func.func @_tc_body(%arg0: i32, %arg1: memref<256x4096xf32, #tpu.memory_space<vmem>>, %arg2: memref<256x4096xf32, #tpu.memory_space<vmem>>) attributes {dimension_semantics = [#tpu.dimension_semantics<arbitrary>], iteration_bounds = array<i64: 24>, scalar_prefetch = 0 : i64, scratch_operands = 0 : i64, tpu.core_type = #tpu.core_type<tc>, window_params = [{transform_indices = @transform_0, window_bounds = array<i64: 256, 4096>}, {transform_indices = @transform_1, window_bounds = array<i64: 256, 4096>}]} {
    %get3A = arith.constant 0 : index
    %get3A_0 = arith.constant 0 : index
    %get3A_1 = vector.load %arg1[%get3A, %get3A_0] : memref<256x4096xf32, #tpu.memory_space<vmem>>, vector<256x4096xf32>
    %abs3A = math.absf %get3A_1 : vector<256x4096xf32>
    %iota3A = tpu.iota {dimensions = array<i32: 1>} : vector<256x4096xi32>
    %jit3A = arith.constant 4 : i32
    %eq3A = arith.constant 0 : i32
    %eq3A_2 = arith.cmpi eq, %jit3A, %eq3A : i32
    %jit3A_3 = arith.constant 1 : i32
    %select_n3A = arith.select %eq3A_2, %jit3A_3, %jit3A : i32
    %rem3A = vector.broadcast %select_n3A : i32 to vector<256x4096xi32>
    %rem3A_4 = arith.remsi %iota3A, %rem3A : vector<256x4096xi32>
    %ne3A = arith.constant 0 : i32
    %ne3A_5 = vector.broadcast %ne3A : i32 to vector<256x4096xi32>
    %ne3A_6 = arith.cmpi ne, %rem3A_4, %ne3A_5 : vector<256x4096xi32>
    %lt3A = arith.constant 0 : i32
    %lt3A_7 = vector.broadcast %lt3A : i32 to vector<256x4096xi32>
    %lt3A_8 = arith.cmpi slt, %rem3A_4, %lt3A_7 : vector<256x4096xi32>
    %lt3A_9 = arith.constant 0 : i32
    %lt3A_10 = arith.cmpi slt, %select_n3A, %lt3A_9 : i32
    %ne3A_11 = vector.broadcast %lt3A_10 : i1 to vector<256x4096xi1>
    %ne3A_12 = vector.broadcast %ne3A_11 : vector<256x4096xi1> to vector<256x4096xi1>
    %ne3A_13 = arith.xori %lt3A_8, %ne3A_12 : vector<256x4096xi1>
    %and3A = arith.andi %ne3A_13, %ne3A_6 : vector<256x4096xi1>
    %add3A = vector.broadcast %select_n3A : i32 to vector<256x4096xi32>
    %add3A_14 = arith.addi %rem3A_4, %add3A : vector<256x4096xi32>
    %select_n3A_15 = arith.select %and3A, %add3A_14, %rem3A_4 : vector<256x4096xi1>, vector<256x4096xi32>
    %broadcast_in_dim3A = arith.constant -1.000000e+00 : f32
    %broadcast_in_dim3A_16 = vector.broadcast %broadcast_in_dim3A : f32 to vector<256x4096xf32>
    %broadcast_in_dim3A_17 = arith.constant 0 : i32
    %broadcast_in_dim3A_18 = vector.broadcast %broadcast_in_dim3A_17 : i32 to vector<256x4096xi32>
    %roll3A = arith.constant 4095 : i32
    %roll3A_19 = tpu.dynamic_rotate %abs3A by %roll3A dim 1 : vector<256x4096xf32>, i32 -> vector<256x4096xf32>
    %roll3A_20 = arith.constant 1 : i32
    %roll3A_21 = tpu.dynamic_rotate %abs3A by %roll3A_20 dim 1 : vector<256x4096xf32>, i32 -> vector<256x4096xf32>
    %add3A_22 = arith.constant 1 : i32
    %add3A_23 = vector.broadcast %add3A_22 : i32 to vector<256x4096xi32>
    %add3A_24 = arith.addi %select_n3A_15, %add3A_23 : vector<256x4096xi32>
    %le3A = arith.constant 3 : i32
    %le3A_25 = vector.broadcast %le3A : i32 to vector<256x4096xi32>
    %le3A_26 = arith.cmpi sle, %add3A_24, %le3A_25 : vector<256x4096xi32>
    %select_n3A_27 = arith.select %le3A_26, %roll3A_19, %broadcast_in_dim3A_16 : vector<256x4096xi1>, vector<256x4096xf32>
    %sub3A = arith.constant 1 : i32
    %sub3A_28 = vector.broadcast %sub3A : i32 to vector<256x4096xi32>
    %sub3A_29 = arith.subi %select_n3A_15, %sub3A_28 : vector<256x4096xi32>
    %ge3A = arith.constant 0 : i32
    %ge3A_30 = vector.broadcast %ge3A : i32 to vector<256x4096xi32>
    %ge3A_31 = arith.cmpi sge, %sub3A_29, %ge3A_30 : vector<256x4096xi32>
    %select_n3A_32 = arith.select %ge3A_31, %roll3A_21, %broadcast_in_dim3A_16 : vector<256x4096xi1>, vector<256x4096xf32>
    %gt3A = arith.cmpf ogt, %select_n3A_27, %abs3A : vector<256x4096xf32>
    %convert_element_type3A = arith.extui %gt3A : vector<256x4096xi1> to vector<256x4096xi32>
    %add3A_33 = arith.addi %broadcast_in_dim3A_18, %convert_element_type3A : vector<256x4096xi32>
    %ge3A_34 = arith.cmpf oge, %select_n3A_32, %abs3A : vector<256x4096xf32>
    %convert_element_type3A_35 = arith.extui %ge3A_34 : vector<256x4096xi1> to vector<256x4096xi32>
    %add3A_36 = arith.addi %add3A_33, %convert_element_type3A_35 : vector<256x4096xi32>
    %roll3A_37 = arith.constant 4094 : i32
    %roll3A_38 = tpu.dynamic_rotate %abs3A by %roll3A_37 dim 1 : vector<256x4096xf32>, i32 -> vector<256x4096xf32>
    %roll3A_39 = arith.constant 2 : i32
    %roll3A_40 = tpu.dynamic_rotate %abs3A by %roll3A_39 dim 1 : vector<256x4096xf32>, i32 -> vector<256x4096xf32>
    %add3A_41 = arith.constant 2 : i32
    %add3A_42 = vector.broadcast %add3A_41 : i32 to vector<256x4096xi32>
    %add3A_43 = arith.addi %select_n3A_15, %add3A_42 : vector<256x4096xi32>
    %le3A_44 = arith.constant 3 : i32
    %le3A_45 = vector.broadcast %le3A_44 : i32 to vector<256x4096xi32>
    %le3A_46 = arith.cmpi sle, %add3A_43, %le3A_45 : vector<256x4096xi32>
    %select_n3A_47 = arith.select %le3A_46, %roll3A_38, %broadcast_in_dim3A_16 : vector<256x4096xi1>, vector<256x4096xf32>
    %sub3A_48 = arith.constant 2 : i32
    %sub3A_49 = vector.broadcast %sub3A_48 : i32 to vector<256x4096xi32>
    %sub3A_50 = arith.subi %select_n3A_15, %sub3A_49 : vector<256x4096xi32>
    %ge3A_51 = arith.constant 0 : i32
    %ge3A_52 = vector.broadcast %ge3A_51 : i32 to vector<256x4096xi32>
    %ge3A_53 = arith.cmpi sge, %sub3A_50, %ge3A_52 : vector<256x4096xi32>
    %select_n3A_54 = arith.select %ge3A_53, %roll3A_40, %broadcast_in_dim3A_16 : vector<256x4096xi1>, vector<256x4096xf32>
    %gt3A_55 = arith.cmpf ogt, %select_n3A_47, %abs3A : vector<256x4096xf32>
    %convert_element_type3A_56 = arith.extui %gt3A_55 : vector<256x4096xi1> to vector<256x4096xi32>
    %add3A_57 = arith.addi %add3A_36, %convert_element_type3A_56 : vector<256x4096xi32>
    %ge3A_58 = arith.cmpf oge, %select_n3A_54, %abs3A : vector<256x4096xf32>
    %convert_element_type3A_59 = arith.extui %ge3A_58 : vector<256x4096xi1> to vector<256x4096xi32>
    %add3A_60 = arith.addi %add3A_57, %convert_element_type3A_59 : vector<256x4096xi32>
    %roll3A_61 = arith.constant 4093 : i32
    %roll3A_62 = tpu.dynamic_rotate %abs3A by %roll3A_61 dim 1 : vector<256x4096xf32>, i32 -> vector<256x4096xf32>
    %roll3A_63 = arith.constant 3 : i32
    %roll3A_64 = tpu.dynamic_rotate %abs3A by %roll3A_63 dim 1 : vector<256x4096xf32>, i32 -> vector<256x4096xf32>
    %add3A_65 = arith.constant 3 : i32
    %add3A_66 = vector.broadcast %add3A_65 : i32 to vector<256x4096xi32>
    %add3A_67 = arith.addi %select_n3A_15, %add3A_66 : vector<256x4096xi32>
    %le3A_68 = arith.constant 3 : i32
    %le3A_69 = vector.broadcast %le3A_68 : i32 to vector<256x4096xi32>
    %le3A_70 = arith.cmpi sle, %add3A_67, %le3A_69 : vector<256x4096xi32>
    %select_n3A_71 = arith.select %le3A_70, %roll3A_62, %broadcast_in_dim3A_16 : vector<256x4096xi1>, vector<256x4096xf32>
    %sub3A_72 = arith.constant 3 : i32
    %sub3A_73 = vector.broadcast %sub3A_72 : i32 to vector<256x4096xi32>
    %sub3A_74 = arith.subi %select_n3A_15, %sub3A_73 : vector<256x4096xi32>
    %ge3A_75 = arith.constant 0 : i32
    %ge3A_76 = vector.broadcast %ge3A_75 : i32 to vector<256x4096xi32>
    %ge3A_77 = arith.cmpi sge, %sub3A_74, %ge3A_76 : vector<256x4096xi32>
    %select_n3A_78 = arith.select %ge3A_77, %roll3A_64, %broadcast_in_dim3A_16 : vector<256x4096xi1>, vector<256x4096xf32>
    %gt3A_79 = arith.cmpf ogt, %select_n3A_71, %abs3A : vector<256x4096xf32>
    %convert_element_type3A_80 = arith.extui %gt3A_79 : vector<256x4096xi1> to vector<256x4096xi32>
    %add3A_81 = arith.addi %add3A_60, %convert_element_type3A_80 : vector<256x4096xi32>
    %ge3A_82 = arith.cmpf oge, %select_n3A_78, %abs3A : vector<256x4096xf32>
    %convert_element_type3A_83 = arith.extui %ge3A_82 : vector<256x4096xi1> to vector<256x4096xi32>
    %add3A_84 = arith.addi %add3A_81, %convert_element_type3A_83 : vector<256x4096xi32>
    %lt3A_85 = arith.constant 2 : i32
    %lt3A_86 = vector.broadcast %lt3A_85 : i32 to vector<256x4096xi32>
    %lt3A_87 = arith.cmpi slt, %add3A_84, %lt3A_86 : vector<256x4096xi32>
    %jit3A_88 = arith.constant 0.000000e+00 : f32
    %broadcast_in_dim3A_89 = vector.broadcast %jit3A_88 : f32 to vector<256x4096xf32>
    %select_n3A_90 = arith.select %lt3A_87, %get3A_1, %broadcast_in_dim3A_89 : vector<256x4096xi1>, vector<256x4096xf32>
    %swap3A = arith.constant 0 : index
    %swap3A_91 = arith.constant 0 : index
    %swap3A_92 = vector.load %arg2[%swap3A, %swap3A_91] : memref<256x4096xf32, #tpu.memory_space<vmem>>, vector<256x4096xf32>
    tpu.vector_store %arg2[%swap3A, %swap3A_91], %select_n3A_90 {strides = array<i32>} : memref<256x4096xf32, #tpu.memory_space<vmem>>, vector<256x4096xf32>,
    return
  }
  func.func @transform_0(%arg0: i32) -> (i32, i32) {
    %add3A = arith.constant 40 : i32
    %add3A_0 = arith.addi %arg0, %add3A : i32
    %c0_i32 = arith.constant 0 : i32
    %c0_i32_1 = arith.constant 0 : i32
    return %add3A_0, %c0_i32 : i32, i32
  }
  func.func @transform_1(%arg0: i32) -> (i32, i32) {
    %c0_i32 = arith.constant 0 : i32
    %c0_i32_0 = arith.constant 0 : i32
    return %arg0, %c0_i32 : i32, i32
  }
}

</mosaic_0001>

<sc_bundles>
// kernel: kernel.4.cloned.1.call-start
scs
__scs_entry_jumppad:
0x0: {  	(pc) =	sbr.rel $0x88, $3  }
0x1: {  	(tag) =	ssettag $0x0;
	lr =	simm.s32 $0x1  }
0x2: {  	[smem:$0x3FA0] =	sst lr;
	_ =	strace $0xD0000000  }
0x3: {  	_ = 	snop  }
0x4: {  	_ = 	snop  }
0x5: {  	_ = 	snop  }
0x6: {  	_ = 	snop  }
0x7: {  	_ = 	snop  }
__scs_overlays_trampoline_lowered:
0x8: {  	[smem:$0x3FAF] =	sst s0  }
0x9: {  	[smem:$0x3FB0] =	sst s1  }
0xa: {  	[smem:$0x3FB1] =	sst s2  }
0xb: {  	[smem:$0x3FB2] =	sst s3  }
0xc: {  	[smem:$0x3FB3] =	sst s4  }
0xd: {  	[smem:$0x3FB4] =	sst s5  }
0xe: {  	[smem:$0x3FB5] =	sst s6  }
0xf: {  	[smem:$0x3FB6] =	sst s7  }
0x10: {  	[smem:$0x3FB7] =	sst s8  }
0x11: {  	[smem:$0x3FB8] =	sst s9;
	s0 =	simm.s32 @!p0 $0x0  }
0x12: {  	s1 =	sld [smem:$0x3F9E];
	s0 =	simm.s32 @p0 $0x1  }
0x13: {  	[smem:$0x3FB9] =	sst s0;
	s0 =	simm.s32 @!p1 $0x0  }
0x14: {  	s2 =	sld [smem:$0x3F9D];
	s0 =	simm.s32 @p1 $0x1  }
0x15: {  	[smem:$0x3FBA] =	sst s0;
	s0 =	simm.s32 @!p2 $0x0  }
0x16: {  	s3 =	sld [smem:$0x3FDB];
	s0 =	simm.s32 @p2 $0x1  }
0x17: {  	s4 =	simm.s32 $0x1BF5;
	[smem:$0x3FBC] =	sst s0  }
0x18: {  	s0 =	sld [smem:$0x3F9F];
	_ =	swait.ge [sflag:s4], $0x0  }
0x19: {  	s7 =	sld [smem:$0x3FA0]  }
0x1a: {  	s8 =	sadd.s32 $0xFFFFE003, lr  }
0x1b: {  	s9 =	sadd.s32 $0xFFFFFEF7, lr;
	s5 =	simm.s32 $0xFFFFFFFF;
	p2 =	slt.u32 s8, $0xFFFFF086  }
0x1c: {  	p1 =	slt.u32 s9, $0xF7A;
	s5 =	simm.s32 @!p2 $0x0  }
0x1d: {  	s5 =	simm.s32 @p1 $0x1;
	p0 =	seq.s32 s7, s2  }
0x1e: {  	s7 =	smul.u32 @!p0 $0xF7A, s2;
	p2 =	seq.s32 @!p0 s5, $0x0  }
0x1f: {  	s9 =	smul.u32 $0xF7A, s1;
	s8 =	simm.s32 @!p0 $0x1BF5;
	p2 =	por !p2, p0  }
0x20: {  	[sflag:s8] =	ssyncset.s32 @!p0 $0xFFFFF086;
	s6 =	sadd.s32 @!p0 s3, s7;
	s7 =	simm.s32 @!p0 $0x108  }
0x21: {  	s3 =	sadd.s32 s3, s9;
	s6 =	sadd.s32 @!p0 $0x88, s6;
	s7 =	simm.s32 @p2 $0x1082  }
0x22: {  	[simem:s7], [sflag:s8] =	dma.local @!p0 [hbm:s6], $0xF7A  }
0x23: {  	s9 =	sor.u32 $0xD0000000, s2;
	s6 =	simm.s32 $0x108;
	_ =	swait.ge @!p0 [sflag:s8], $0x0  }
0x24: {  	s3 =	sadd.s32 $0x88, s3;
	s6 =	simm.s32 @!p1 $0x1082;
	[sflag:s4] =	ssyncset.s32 $0xFFFFF086  }
0x25: {  	[simem:s6], [sflag:s4] =	dma.local [hbm:s3], $0xF7A  }
0x26: {  	[smem:$0x3FA0] =	sst s1;
	(tag) =	ssettag s2;
	_ =	strace s9  }
0x27: {  	s1 =	sld [smem:$0x3FB0]  }
0x28: {  	s2 =	sld [smem:$0x3FB1]  }
0x29: {  	s4 =	sld [smem:$0x3FB3]  }
0x2a: {  	p0 =	seq.s32 s5, $0x0;
	s5 =	sld [smem:$0x3FB4]  }
0x2b: {  	s6 =	sld [smem:$0x3FB5]  }
0x2c: {  	s7 =	sld [smem:$0x3FB6]  }
0x2d: {  	s3 =	simm.s32 $0x108;
	s8 =	sld [smem:$0x3FB7]  }
0x2e: {  	s3 =	simm.s32 @!p0 $0x1082;
	s9 =	sld [smem:$0x3FB8]  }
0x2f: {  	lr =	sadd.s32 s0, s3;
	s0 =	sld [smem:$0x3FAF]  }
0x30: {  	s3 =	sld [smem:$0x3FB2]  }
0x31: {  	[smem:$0x3FBB] =	sst s10  }
0x32: {  	s10 =	sld [smem:$0x3FB9];
	_ =	sdelay $0x3  }
0x33: {  	p0 =	seq.s32 s10, $0x1;
	s10 =	sld [smem:$0x3FBB];
	_ =	sdelay $0x3  }
0x34: {  	[smem:$0x3FBB] =	sst s10  }
0x35: {  	s10 =	sld [smem:$0x3FBA];
	_ =	sdelay $0x3  }
0x36: {  	p1 =	seq.s32 s10, $0x1;
	s10 =	sld [smem:$0x3FBB];
	_ =	sdelay $0x3  }
0x37: {  	[smem:$0x3FBB] =	sst s10  }
0x38: {  	s10 =	sld [smem:$0x3FBC]  }
0x39: {  	_ = 	snop;
	(pc) =	sbr.ind lr, $3  }
0x3a: {  	_ = 	snop  }
0x3b: {  	_ = 	snop  }
0x3c: {  	p2 =	seq.s32 s10, $0x1;
	s10 =	sld [smem:$0x3FBB]  }
0x3d: {  	_ =	shalt  }
0x3e: {  	_ =	shalt  }
0x3f: {  	_ =	shalt  }
0x40: {  	_ =	shalt  }
0x41: {  	_ =	shalt  }
0x42: {  	_ =	shalt  }
0x43: {  	_ =	shalt  }
0x44: {  	_ =	shalt  }
0x45: {  	_ =	shalt  }
0x46: {  	_ =	shalt  }
0x47: {  	_ =	shalt  }
0x48: {  	_ =	shalt  }
0x49: {  	_ =	shalt  }
0x4a: {  	_ =	shalt  }
0x4b: {  	_ =	shalt  }
0x4c: {  	_ =	shalt  }
0x4d: {  	_ =	shalt  }
0x4e: {  	_ =	shalt  }
0x4f: {  	_ =	shalt  }
0x50: {  	_ =	shalt  }
0x51: {  	_ =	shalt  }
0x52: {  	_ =	shalt  }
0x53: {  	_ =	shalt  }
0x54: {  	_ =	shalt  }
0x55: {  	_ =	shalt  }
0x56: {  	_ =	shalt  }
0x57: {  	_ =	shalt  }
0x58: {  	_ =	shalt  }
0x59: {  	_ =	shalt  }
0x5a: {  	_ =	shalt  }
0x5b: {  	_ =	shalt  }
0x5c: {  	_ =	shalt  }
0x5d: {  	_ =	shalt  }
0x5e: {  	_ =	shalt  }
0x5f: {  	_ =	shalt  }
0x60: {  	_ =	shalt  }
0x61: {  	_ =	shalt  }
0x62: {  	_ =	shalt  }
0x63: {  	_ =	shalt  }
0x64: {  	_ =	shalt  }
0x65: {  	_ =	shalt  }
0x66: {  	_ =	shalt  }
0x67: {  	_ =	shalt  }
0x68: {  	_ =	shalt  }
0x69: {  	_ =	shalt  }
0x6a: {  	_ =	shalt  }
0x6b: {  	_ =	shalt  }
0x6c: {  	_ =	shalt  }
0x6d: {  	_ =	shalt  }
0x6e: {  	_ =	shalt  }
0x6f: {  	_ =	shalt  }
0x70: {  	_ =	shalt  }
0x71: {  	_ =	shalt  }
0x72: {  	_ =	shalt  }
0x73: {  	_ =	shalt  }
0x74: {  	_ =	shalt  }
0x75: {  	_ =	shalt  }
0x76: {  	_ =	shalt  }
0x77: {  	_ =	shalt  }
0x78: {  	_ =	shalt  }
0x79: {  	_ =	shalt  }
0x7a: {  	_ =	shalt  }
0x7b: {  	_ =	shalt  }
0x7c: {  	_ =	shalt  }
0x7d: {  	_ =	shalt  }
0x7e: {  	_ =	shalt  }
0x7f: {  	_ =	shalt  }
0x80: {  	_ =	shalt  }
0x81: {  	_ =	shalt  }
0x82: {  	_ =	shalt  }
0x83: {  	_ =	shalt  }
0x84: {  	_ =	shalt  }
0x85: {  	_ =	shalt  }
0x86: {  	_ =	shalt  }
0x87: {  	_ =	shalt  }
.Lfunc_end0:
.L_simem_size_0:
called_computation_lowered:
.L_overlay_start_0:
0x88: {  	s2 =	sld [smem:$0x3FD9]  }
0x89: {  	s3 =	sld [smem:$0x3FFE];
	_ =	sdelay $0x1  }
0x8a: {  	s1 =	srdreg.scid  }
0x8b: {  	s0 =	sand.u32 $0x1, s1  }
0x8c: {  	s18 =	sshll.u32 s0, $0xA;
	s2 =	sadd.s32 s3, s2  }
0x8d: {  	s2 =	sadd.s32 s2, s18  }
0x8e: {  	[smem:$0x3FC7] =	sst s2  }
0x8f: {  	_ = 	snop  }
0x90: {  	s2 =	sld [smem:$0x3FC9]  }
0x91: {  	s19 =	sld [smem:$0x3FD0];
	(tm) =	ssettm $0x1  }
0x92: {  	s4 =	sld [smem:$0x3FFB];
	_ =	sdelay $0x3  }
0x93: {  	_ =	strace s4  }
0x94: {  	s4 =	sld [smem:$0x3FFC];
	_ =	sdelay $0x3  }
0x95: {  	_ =	strace s4  }
0x96: {  	s4 =	sld [smem:$0x3FFD];
	_ =	sdelay $0x3  }
0x97: {  	_ =	strace s4  }
0x98: {  	_ =	strace $0x8FFFFFFF  }
0x99: {  	s20 =	sld [smem:$0x3FDB];
	_ =	sdelay $0x1  }
0x9a: {  	s5 =	simm.s32 $_scs_section_size  }
0x9b: {  	s6 =	simm.s32 $_size__tile_overlayer_lowered;
	s7 =	simm.s32 $_tile_overlayer_lowered  }
0x9c: {  	s23 =	simm.s32 $0x1BFF;
	s22 =	sshll.u32 s7, $0x1;
	s4 =	sadd.s32 s5, s20  }
0x9d: {  	s8 =	simm.s32 $0x0;
	s21 =	sshll.u32 s6, $0x1;
	s6 =	sadd.s32 s22, s4  }
0x9e: {  	[timem:s8], [sflag:s23] =	dma.local [hbm:s6], s21  }
0x9f: {  	_ =	swait.ge [sflag:s23], s21  }
0xa0: {  	s5 =	ssub.s32 $0x0, s21;
	[sflag:s23] =	ssyncset.done $0x0  }
0xa1: {  	[sflag:s23] =	ssyncadd.s32 s5;
	_ =	sdelay $0x1  }
0xa2: {  	s24 =	simm.s32 $0x1B8B  }
0xa3: {  	_ =	swait.ge [sflag:s24], $0x1  }
0xa4: {  	[sflag:s24] =	ssyncset.done $0x0  }
0xa5: {  	s25 =	simm.s32 $0x1B8E;
	[sflag:s24] =	ssyncadd.s32 $0xFFFFFFFF  }
0xa6: {  	s26 =	simm.s32 $execute0_lowered;
	[smem:$0x3FD2] =	sst s25  }
0xa7: {  	s5 =	sshll.u32 s26, $0x1;
	_ =	strace $0x80000046;
	[dreg:$0x1] =	wrdreg $0xFFFFFFFF  }
0xa8: {  	s28 =	simm.s32 $_size_execute0_lowered;
	s4 =	sadd.s32 s4, s5;
	[dreg:$0x0] =	wrdreg $0x0  }
0xa9: {  	s5 =	sshll.u32 s28, $0x1;
	[dreg:$0x2] =	wrdreg s4  }
0xaa: {  	[dreg:$0x3] =	wrdreg s5  }
0xab: {  	[dreg:$0x4] =	wrdreg $0xC0  }
0xac: {  	_ =	task [dreg:s8], $0x5FFFF  }
0xad: {  	[dreg:$0x1] =	wrdreg $0xFFFFFFFF  }
0xae: {  	[dreg:$0x0] =	wrdreg $0x60  }
0xaf: {  	[dreg:$0x2] =	wrdreg s2  }
0xb0: {  	[dreg:$0x3] =	wrdreg s19  }
0xb1: {  	[dreg:$0x4] =	wrdreg $0x9  }
0xb2: {  	_ =	task.clear_ibuf [dreg:s8], $0x5FFFF;
	_ =	strace $0x90000046  }
0xb3: {  	s29 =	simm.s32 $0x9;
	_ =	strace $0x80000048  }
0xb4: {  	_ =	swait.ge [sflag:s29], $0x1  }
0xb5: {  	[sflag:s29] =	ssyncadd.s32 $0xFFFFFFFF  }
0xb6: {  	_ =	strace $0x90000048  }
0xb7: {  	_ =	sfence  }
0xb8: {  	s30 =	sld [smem:$0x0];
	_ =	sdelay $0x2  }
0xb9: {  	s31 =	sshll.u32 s1, $0xD;
	s1 =	sshrl.u32 s1, $0x2  }
0xba: {  	s3 =	sand.u32 $0x4000, s31;
	s1 =	sadd.s32 s1, s30  }
0xbb: {  	s0 =	sor.u32 s3, s0;
	s1 =	sshll.u32 s1, $0x11  }
0xbc: {  	s0 =	sor.u32 s1, s0  }
0xbd: {  	s0 =	sadd.s32 $0x8F2B, s0  }
0xbe: {  	[sflag:s0] =	ssyncadd.remote.s32 $0x1  }
0xbf: {  	_ =	sfence.sel $0xFFFF  }
0xc0: {  	[dreg:$0x0] =	wrdreg $0xFFFFFFFF;
	(pc) =	sbr.abs _section_cstart, $3  }
0xc1: {  	[dreg:$0x1] =	wrdreg $0xFFFFFFFF  }
0xc2: {  	_ =	task.clear_ibuf [dreg:s8], $0x2FFFF;
	_ =	strace $0x9FFFFFFF  }
0xc3: {  	(tm) =	ssettm $0x7FFFFFFF  }
tec
execute0_lowered:
.L_overlay_start_1:
0x0: {  	(tag) =	ssettag $0x1  }
0x1: {  	s2 =	rddreg [dreg:$0x0]  }
0x2: {  	s3 =	rddreg [dreg:$0x1];
	s0 =	srdreg.scid  }
0x3: {  	s1 =	stileid.u32;
	s4 =	simm.s32 $0x0;
	s16 =	simm.s32 $0x200  }
0x4: {  	s17 =	simm.s32 $0x400;
	s18 =	simm.s32 $0x4000;
	s19 =	simm.s32 $0x1  }
0x5: {  	s20 =	simm.s32 $0x8000;
	s21 =	simm.s32 $0x2;
	s22 =	simm.s32 $0xC000  }
0x6: {  	s23 =	simm.s32 $0x3;
	s24 =	simm.s32 $0x4;
	s26 =	simm.s32 $0x6  }
0x7: {  	s28 =	simm.s32 $0x7;
	s0 =	sand.u32 $0x1, s0;
	s1 =	sshll.u32 s1, $0x1  }
0x8: {  	v0 =	vlaneseq.u32;
	s29 =	simm.s32 $0x8;
	s30 =	simm.s32 $0x0;
	s1 =	sor.u32 s0, s1  }
0x9: {  	[smem:$0x7FF] =	sst s4;
	s6 =	sadd.s32 $0x40, s2;
	v0 =	vmul.u32 $0x4, v0;
	s7 =	smul.u32 $0x28000, s1  }
0xa: {  	s12 =	sadd.s32 $0x40, s3;
	s0 =	ssub.s32 $0x2, s0;
	s5 =	smul.u32 $0x140, s1  }
.Ltmp0:
0xb: {  	_ =	strace $0x80000047;
	s8 =	sshrl.u32 s0, $0x1;
	v2 =	vor.u32 $0x2, v0;
	(pc) =	sbr.rel .LBB2_1-.Ltmp0, $4  }
0xc: {  	s9 =	smul.u32 $0x140000, s1;
	v3 =	vor.u32 $0x3, v0;
	s31 =	sadd.s32 s2, s7;
	s7 =	sadd.s32 s7, s6  }
0xd: {  	v1 =	vor.u32 $0x1, v0;
	s0 =	ssub.s32 s0, s8;
	s10 =	sor.u32 $0x8, s5;
	[dreg:$0x4] =	wrdreg s7  }
0xe: {  	v4 =	vimm.s32 $0x0;
	s14 =	sor.u32 $0x10, s5;
	s0 =	smax.u32 s0, $0x1;
	[dreg:$0x3] =	wrdreg s31  }
0xf: {  	v5 =	vimm.s32 $0x2;
	v6 =	vimm.s32 $0x3;
	v7 =	vimm.f32 $0.0e+00;
	s11 =	sadd.s32 $0x1000, s31;
	s13 =	sadd.s32 $0x1040, s31;
	[dreg:$0x5] =	wrdreg s0  }
.LBB2_36:
0x10: {  	s0 =	simm.s32 $0x5  }
0x11: {  	_ =	swait.ge [sflag:s0], $0x4000  }
0x12: {  	[sflag:s0] =	ssyncset.done $0x0  }
0x13: {  	[sflag:s0] =	ssyncadd.s32 $0xFFFFC000  }
0x14: {  	_ =	swait.ge [sflag:s26], $0x4000  }
0x15: {  	[sflag:s26] =	ssyncset.done $0x0  }
0x16: {  	[sflag:s26] =	ssyncadd.s32 $0xFFFFC000  }
0x17: {  	_ =	swait.ge [sflag:s28], $0x4000  }
0x18: {  	[sflag:s28] =	ssyncset.done $0x0  }
0x19: {  	[sflag:s28] =	ssyncadd.s32 $0xFFFFC000  }
0x1a: {  	_ =	swait.ge [sflag:s29], $0x4000  }
0x1b: {  	s30 =	sadd.s32 $0x1, s30;
	s31 =	rddreg [dreg:$0x5]  }
0x1c: {  	p0 =	sne.s32 s30, s31  }
.Ltmp1:
0x1d: {  	_ = 	snop;
	(pc) =	sbr.rel @!p0 .LBB2_37-.Ltmp1, $3  }
0x1e: {  	_ =	sdelay $0x1  }
0x1f: {  	[sflag:s29] =	ssyncset.done $0x0  }
0x20: {  	[sflag:s29] =	ssyncadd.s32 $0xFFFFC000  }
.LBB2_1:
0x21: {  	s0 =	rddreg [dreg:$0x3]  }
0x22: {  	[tilespmem:s4], [sflag:$0x1] =	stream.strided.gather [hbm4b:s0+s16], $0x4000, s17, s16, $0x38;
	[tilespmem:$0x10000] =	vst v63  }
0x23: {  	s25 =	rddreg [dreg:$0x4];
	s31 =	simm.s32 $0x0  }
0x24: {  	[tilespmem:s18], [sflag:$0x2] =	stream.strided.gather [hbm4b:s25+s16], $0x4000, s17, s16, $0x38;
	[tilespmem:$0x10000] =	vst v63  }
.LBB2_2:
0x25: {  	_ = 	snop  }
0x26: {  	_ =	swait.ge [sflag:s19], $0x4000  }
0x27: {  	[sflag:s19] =	ssyncset.done $0x0  }
0x28: {  	s0 =	simm.s32 $0x240;
	[sflag:s19] =	ssyncadd.s32 $0xFFFFC000  }
0x29: {  	v8 =	vld.idx.msk [tilespmem:v0+s0+$0xFFFFFDC0], $0xffff  }
0x2a: {  	v9 =	vld.idx.msk [tilespmem:v3+s0+$0xFFFFFE00], $0xffff  }
0x2b: {  	v10 =	vld.idx.msk [tilespmem:v3+s0+$0xFFFFFFC0], $0xffff  }
0x2c: {  	v11 =	vld.idx.msk [tilespmem:v2+s0+$0xFFFFFFC0], $0xffff  }
0x2d: {  	v12 =	vld.idx.msk [tilespmem:v0+s0+$0xFFFFFFC0], $0xffff  }
0x2e: {  	v15 =	vld.idx.msk [tilespmem:v2+s0+$0xFFFFFE00], $0xffff  }
0x2f: {  	v18 =	vld.idx.msk [tilespmem:v1+s0+$0xFFFFFE00], $0xffff  }
0x30: {  	v16 =	vld.idx.msk [tilespmem:v1+s0+$0xFFFFFFC0], $0xffff  }
0x31: {  	v20 =	vld.idx.msk [tilespmem:v0+s0+$0xFFFFFE00], $0xffff  }
0x32: {  	v23 =	vld.idx.msk [tilespmem:v3+s0+$0xFFFFFDC0], $0xffff  }
0x33: {  	v24 =	vld.idx.msk [tilespmem:v2+s0+$0xFFFFFDC0], $0xffff  }
0x34: {  	v27 =	vld.idx.msk [tilespmem:v0+s0+$0x0], $0xffff  }
0x35: {  	v25 =	vld.idx.msk [tilespmem:v1+s0+$0x0], $0xffff  }
0x36: {  	v19 =	vand.u32 $0x7FFFFFFF, v8;
	v21 =	vand.u32 $0x7FFFFFFF, v10;
	v11 =	vand.u32 $0x7FFFFFFF, v11  }
0x37: {  	v22 =	vand.u32 $0x7FFFFFFF, v9;
	v13 =	vand.u32 $0x7FFFFFFF, v12;
	v26 =	vand.u32 $0x7FFFFFFF, v15  }
0x38: {  	v16 =	vand.u32 $0x7FFFFFFF, v16;
	v20 =	vand.u32 $0x7FFFFFFF, v20;
	v28 =	vand.u32 $0x7FFFFFFF, v18  }
0x39: {  	v18 =	vand.u32 $0x7FFFFFFF, v23;
	v23 =	vand.u32 $0x7FFFFFFF, v24;
	v27 =	vand.u32 $0x7FFFFFFF, v27  }
0x3a: {  	v17 =	vld.idx.msk [tilespmem:v1+s0+$0xFFFFFDC0], $0xffff;
	v25 =	vand.u32 $0x7FFFFFFF, v25;
	vm1 =	vgt.f32 v21, v11;
	vm0 =	vgt.f32 v11, v13  }
0x3b: {  	vm2 =	vgt.f32 v21, v13;
	vm3 =	vgt.f32 v22, v26;
	vm7 =	vgt.f32 v23, v19  }
0x3c: {  	vm4 =	vgt.f32 v18, v23;
	vm5 =	vgt.f32 v18, v19;
	vm9 =	vgt.f32 v25, v27  }
0x3d: {  	vm10 =	vgt.f32 v22, v28;
	v8 =	vsel vm1, $0x1, v4;
	v14 =	vsel vm0, $0x1, v4  }
0x3e: {  	v12 =	vsel vm2, $0x1, v4;
	v9 =	vsel vm2, $0x2, v6;
	v10 =	vsel vm0, $0x1, v5  }
0x3f: {  	vm0 =	vgt.f32 v21, v16;
	vm2 =	vgt.f32 v28, v20;
	v21 =	vand.u32 $0x7FFFFFFF, v17  }
0x40: {  	v17 =	vsel vm3, $0x1, v4;
	v29 =	vsel vm3, $0xFFFFFFFF, v4;
	vm3 =	vgt.f32 v26, v20  }
0x41: {  	v31 =	vsel vm7, $0x1, v5;
	v32 =	vsel vm9, $0x1, v4;
	v35 =	vsel vm10, $0xFFFFFFFF, v4  }
0x42: {  	v24 =	vld.idx.msk [tilespmem:v2+s0+$0x0], $0xffff;
	v37 =	vsel vm7, $0x1, v4;
	v60 =	vsel vm5, $0x2, v6;
	v15 =	vsel vm0, $0x1, v4  }
0x43: {  	vm6 =	vgt.f32 v18, v21;
	vm8 =	vgt.f32 v23, v21;
	v18 =	vsel vm3, $0x1, v5  }
0x44: {  	v30 =	vsel vm3, $0x1, v4;
	vm3 =	vmneg vm9;
	v29 =	vadd.s32 v29, v35  }
0x45: {  	v33 =	vld.idx.msk [tilespmem:v3+s0+$0x0], $0xffff;
	vm9 =	vgt.f32 v22, v20;
	v20 =	vsel vm5, $0x1, v4;
	v23 =	vsel vm8, $0xFFFFFFFF, v4  }
0x46: {  	v34 =	vsel vm8, $0x1, v4;
	vm8 =	vgt.f32 v21, v19;
	v21 =	vsel vm4, $0x1, v4  }
0x47: {  	v19 =	vsel vm3, $0x1, v4;
	v24 =	vand.u32 $0x7FFFFFFF, v24;
	v36 =	vsel vm8, $0x1, v4  }
0x48: {  	vm3 =	vmneg vm8;
	v22 =	vadd.s32 v23, v31;
	v23 =	vsel vm10, $0x1, v4  }
0x49: {  	v56 =	vadd.s32 v36, v37;
	v57 =	vsel vm3, $0x1, v4;
	vm3 =	vgt.f32 v26, v28  }
0x4a: {  	v26 =	vand.u32 $0x7FFFFFFF, v33;
	v22 =	vadd.s32 v21, v22;
	v21 =	vsel vm6, $0x1, v4  }
0x4b: {  	vm12 =	vgt.f32 v24, v27;
	vm15 =	vgt.f32 v24, v25;
	v28 =	vsel vm3, $0x1, v4  }
0x4c: {  	vm7 =	vgt.f32 v26, v25;
	v31 =	vadd.s32 v57, v34;
	vm11 =	vgt.f32 v26, v27  }
0x4d: {  	v20 =	vadd.s32 v20, v56;
	v25 =	vsel vm6, $0xFFFFFFFF, v4;
	vm6 =	vgt.f32 v26, v24  }
0x4e: {  	v24 =	vsel vm12, $0x1, v5;
	v26 =	vsel vm4, $0xFFFFFFFF, v4;
	v27 =	vsel vm15, $0xFFFFFFFF, v4  }
0x4f: {  	v31 =	vadd.s32 v21, v31;
	v21 =	vsel vm3, $0xFFFFFFFF, v4;
	v58 =	vsel vm7, $0xFFFFFFFF, v4  }
0x50: {  	vm3 =	vgt.u32 v22, $0x1;
	v22 =	vsel vm11, $0x1, v4;
	v59 =	vsel vm6, $0xFFFFFFFF, v4  }
0x51: {  	v25 =	vadd.s32 v26, v25;
	v26 =	vsel vm12, $0x1, v4;
	v24 =	vadd.s32 v27, v24  }
0x52: {  	vm5 =	vgt.u32 v20, $0x1;
	v20 =	vsel vm9, $0x2, v6;
	v27 =	vsel vm11, $0x2, v6  }
0x53: {  	v62 =	vsel vm6, $0x1, v4;
	vm8 =	vgt.u32 v31, $0x1;
	v25 =	vadd.s32 v60, v25  }
0x54: {  	v26 =	vadd.s32 v32, v26;
	v20 =	vadd.s32 v20, v29;
	v63 =	vadd.s32 v62, v24  }
0x55: {  	v24 =	vadd.s32 v59, v58;
	vm4 =	vgt.u32 v25, $0x1;
	v25 =	vadd.s32 v22, v26  }
0x56: {  	v26 =	vsel vm2, $0x1, v4;
	vm2 =	vmneg vm2;
	vm6 =	vgt.u32 v25, $0x1  }
0x57: {  	v22 =	vsel vm9, $0x1, v4;
	v27 =	vadd.s32 v27, v24;
	v61 =	vsel vm2, $0x1, v4  }
0x58: {  	v24 =	vadd.s32 v26, v30;
	vm2 =	vgt.u32 v27, $0x1;
	v25 =	vadd.s32 v61, v28  }
0x59: {  	v26 =	vsel vm15, $0x1, v4;
	v25 =	vadd.s32 v23, v25;
	v23 =	vsel vm1, $0xFFFFFFFF, v4;
	[tilespmem:v0+s0+$0xFFFFFDC0] =	vst.idx.msk vm5, v7  }
0x5a: {  	s8 =	simm.s32 $0x0;
	s7 =	simm.s32 $0x640;
	vm1 =	vgt.u32 v25, $0x1;
	v25 =	vsel vm7, $0x1, v4;
	vm5 =	vgt.u32 v63, $0x1;
	[tilespmem:v1+s0+$0xFFFFFDC0] =	vst.idx.msk vm8, v7  }
.LBB2_3:
0x5b: {  	v27 =	vld.idx.msk [tilespmem:v0+s7+$0xFFFFFDC0], $0xffff;
	s8 =	sadd.s32 $0x100, s8;
	[tilespmem:v2+s0+$0xFFFFFDC0] =	vst.idx.msk vm3, v7;
	v18 =	vadd.s32 v21, v18;
	v19 =	vadd.s32 v19, v26;
	s1 =	simm.s32 $0x2C0  }
0x5c: {  	v21 =	vld.idx.msk [tilespmem:v3+s7+$0xFFFFFE00], $0xffff;
	p0 =	slt.u32 s8, $0xF00;
	v17 =	vadd.s32 v17, v18;
	v18 =	vadd.s32 v25, v19;
	[tilespmem:v0+s0+$0x0] =	vst.idx.msk vm6, v7  }
0x5d: {  	vm3 =	vgt.f32 v16, v13;
	vm7 =	vgt.f32 v11, v16;
	v19 =	vld.idx.msk [tilespmem:v1+s7+$0xFFFFFDC0], $0xffff;
	vm6 =	vgt.u32 v18, $0x1  }
0x5e: {  	v11 =	vsel vm3, $0x1, v4;
	v13 =	vsel vm7, $0x1, v4;
	v18 =	vld.idx.msk [tilespmem:v2+s7+$0xFFFFFDC0], $0xffff;
	[tilespmem:v3+s0+$0xFFFFFDC0] =	vst.idx.msk vm4, v7;
	vm4 =	vmneg vm3  }
0x5f: {  	v11 =	vadd.s32 v11, v14;
	vm3 =	vgt.u32 v17, $0x1;
	v16 =	vld.idx.msk [tilespmem:v3+s7+$0xFFFFFFC0], $0xffff;
	v14 =	vsel vm4, $0x1, v4  }
0x60: {  	v25 =	vsel vm0, $0xFFFFFFFF, v4;
	v11 =	vadd.s32 v12, v11;
	v17 =	vld.idx.msk [tilespmem:v2+s7+$0xFFFFFFC0], $0xffff;
	v12 =	vadd.s32 v14, v13  }
0x61: {  	vm9 =	vgt.u32 v11, $0x1;
	v26 =	vand.u32 $0x7FFFFFFF, v27;
	v13 =	vld.idx.msk [tilespmem:v0+s7+$0xFFFFFFC0], $0xffff;
	v12 =	vadd.s32 v15, v12  }
0x62: {  	v11 =	vadd.s32 v22, v24;
	v14 =	vsel vm7, $0xFFFFFFFF, v4;
	v15 =	vld.idx.msk [tilespmem:v2+s7+$0xFFFFFE00], $0xffff;
	vm0 =	vgt.u32 v12, $0x1  }
0x63: {  	vm8 =	vgt.u32 v11, $0x1;
	v11 =	vadd.s32 v23, v25;
	v10 =	vadd.s32 v14, v10;
	v22 =	vld.idx.msk [tilespmem:v1+s7+$0xFFFFFE00], $0xffff  }
0x64: {  	v9 =	vadd.s32 v9, v11;
	v8 =	vadd.s32 v8, v10;
	v23 =	vld.idx.msk [tilespmem:v1+s7+$0xFFFFFFC0], $0xffff;
	[tilespmem:v1+s0+$0x0] =	vst.idx.msk vm6, v7  }
0x65: {  	v21 =	vand.u32 $0x7FFFFFFF, v21;
	v25 =	vand.u32 $0x7FFFFFFF, v16;
	vm6 =	vgt.u32 v8, $0x1;
	v24 =	vld.idx.msk [tilespmem:v0+s7+$0xFFFFFE00], $0xffff;
	[tilespmem:v2+s0+$0x0] =	vst.idx.msk vm5, v7  }
0x66: {  	vm4 =	vgt.u32 v9, $0x1;
	v11 =	vand.u32 $0x7FFFFFFF, v17;
	v27 =	vld.idx.msk [tilespmem:v3+s7+$0xFFFFFDC0], $0xffff;
	[tilespmem:v3+s0+$0x0] =	vst.idx.msk vm2, v7  }
0x67: {  	vm7 =	vgt.u32 v20, $0x1;
	v13 =	vand.u32 $0x7FFFFFFF, v13;
	vm2 =	vgt.f32 v25, v11;
	v28 =	vld.idx.msk [tilespmem:v3+s7+$0x0], $0xffff;
	[tilespmem:v0+s0+$0xFFFFFFC0] =	vst.idx.msk vm9, v7  }
0x68: {  	vm5 =	vgt.f32 v11, v13;
	vm9 =	vgt.f32 v25, v13;
	v8 =	vsel vm2, $0x1, v4;
	v20 =	vld.idx.msk [tilespmem:v2+s7+$0x0], $0xffff  }
0x69: {  	v14 =	vsel vm5, $0x1, v4;
	v12 =	vsel vm9, $0x1, v4;
	v9 =	vsel vm9, $0x2, v6;
	v29 =	vld.idx.msk [tilespmem:v1+s7+$0x0], $0xffff;
	[tilespmem:v0+s0+$0xFFFFFE00] =	vst.idx.msk vm8, v7  }
0x6a: {  	v30 =	vand.u32 $0x7FFFFFFF, v15;
	v10 =	vsel vm5, $0x1, v5;
	v16 =	vand.u32 $0x7FFFFFFF, v23;
	v23 =	vld.idx.msk [tilespmem:v0+s7+$0x0], $0xffff;
	[tilespmem:v1+s0+$0xFFFFFFC0] =	vst.idx.msk vm0, v7  }
0x6b: {  	v22 =	vand.u32 $0x7FFFFFFF, v22;
	v24 =	vand.u32 $0x7FFFFFFF, v24;
	vm0 =	vgt.f32 v25, v16;
	[tilespmem:v1+s0+$0xFFFFFE00] =	vst.idx.msk vm1, v7  }
0x6c: {  	v25 =	vand.u32 $0x7FFFFFFF, v27;
	vm1 =	vgt.f32 v22, v24;
	v15 =	vsel vm0, $0x1, v4;
	[tilespmem:v2+s0+$0xFFFFFFC0] =	vst.idx.msk vm6, v7  }
0x6d: {  	v19 =	vand.u32 $0x7FFFFFFF, v19;
	v18 =	vand.u32 $0x7FFFFFFF, v18;
	vm8 =	vgt.f32 v21, v30;
	[tilespmem:v2+s0+$0xFFFFFE00] =	vst.idx.msk vm3, v7  }
0x6e: {  	v17 =	vsel vm8, $0x1, v4;
	vm5 =	vgt.f32 v25, v18;
	vm3 =	vgt.f32 v18, v26;
	[tilespmem:v3+s0+$0xFFFFFFC0] =	vst.idx.msk vm4, v7  }
0x6f: {  	vm6 =	vgt.f32 v25, v19;
	vm4 =	vgt.f32 v25, v26;
	v25 =	vsel vm8, $0xFFFFFFFF, v4;
	[tilespmem:v3+s0+$0xFFFFFE00] =	vst.idx.msk vm7, v7;
	s0 =	smov.u32 s7  }
0x70: {  	v27 =	vand.u32 $0x7FFFFFFF, v29;
	vm7 =	vgt.f32 v30, v24;
	v23 =	vand.u32 $0x7FFFFFFF, v23  }
0x71: {  	vm8 =	vgt.f32 v18, v19;
	v18 =	vsel vm7, $0x1, v5;
	vm9 =	vgt.f32 v27, v23  }
0x72: {  	v29 =	vsel vm8, $0xFFFFFFFF, v4;
	v31 =	vsel vm7, $0x1, v4;
	vm7 =	vmneg vm9  }
0x73: {  	vm10 =	vgt.f32 v21, v22;
	v32 =	vsel vm3, $0x1, v5;
	v33 =	vsel vm9, $0x1, v4  }
0x74: {  	v35 =	vsel vm10, $0xFFFFFFFF, v4;
	v20 =	vand.u32 $0x7FFFFFFF, v20;
	v34 =	vsel vm8, $0x1, v4  }
0x75: {  	vm8 =	vgt.f32 v19, v26;
	v26 =	vsel vm5, $0x1, v4;
	v19 =	vsel vm7, $0x1, v4  }
0x76: {  	v37 =	vsel vm3, $0x1, v4;
	v25 =	vadd.s32 v25, v35;
	v36 =	vsel vm8, $0x1, v4  }
0x77: {  	vm3 =	vmneg vm8;
	v35 =	vadd.s32 v36, v37;
	vm9 =	vgt.f32 v21, v24  }
0x78: {  	v24 =	vsel vm4, $0x1, v4;
	v21 =	vadd.s32 v29, v32;
	v29 =	vsel vm10, $0x1, v4  }
0x79: {  	v32 =	vsel vm3, $0x1, v4;
	vm3 =	vgt.f32 v30, v22;
	v22 =	vand.u32 $0x7FFFFFFF, v28  }
0x7a: {  	v26 =	vadd.s32 v26, v21;
	v28 =	vsel vm3, $0x1, v4;
	vm7 =	vgt.f32 v22, v27  }
0x7b: {  	v21 =	vsel vm6, $0x1, v4;
	v30 =	vadd.s32 v32, v34;
	vm11 =	vgt.f32 v22, v23  }
0x7c: {  	v30 =	vadd.s32 v21, v30;
	v21 =	vsel vm3, $0xFFFFFFFF, v4;
	v32 =	vsel vm7, $0xFFFFFFFF, v4  }
0x7d: {  	vm12 =	vgt.f32 v20, v23;
	v24 =	vadd.s32 v24, v35;
	vm8 =	vgt.u32 v30, $0x1  }
0x7e: {  	vm10 =	vgt.f32 v20, v27;
	vm3 =	vgt.u32 v26, $0x1;
	v23 =	vsel vm11, $0x1, v4  }
0x7f: {  	v26 =	vsel vm6, $0xFFFFFFFF, v4;
	vm6 =	vgt.f32 v22, v20;
	v20 =	vsel vm12, $0x1, v5  }
0x80: {  	v27 =	vsel vm10, $0xFFFFFFFF, v4;
	v22 =	vsel vm5, $0xFFFFFFFF, v4;
	v30 =	vsel vm6, $0xFFFFFFFF, v4  }
0x81: {  	v34 =	vsel vm4, $0x2, v6;
	v22 =	vadd.s32 v22, v26;
	v26 =	vsel vm12, $0x1, v4  }
0x82: {  	v27 =	vadd.s32 v27, v20;
	v22 =	vadd.s32 v34, v22;
	v26 =	vadd.s32 v33, v26  }
0x83: {  	vm5 =	vgt.u32 v24, $0x1;
	vm4 =	vgt.u32 v22, $0x1;
	v23 =	vadd.s32 v23, v26  }
0x84: {  	v24 =	vsel vm1, $0x1, v4;
	v20 =	vsel vm9, $0x2, v6;
	v22 =	vsel vm9, $0x1, v4  }
0x85: {  	vm1 =	vmneg vm1;
	v20 =	vadd.s32 v20, v25;
	v25 =	vsel vm11, $0x2, v6  }
.Ltmp2:
0x86: {  	v33 =	vsel vm6, $0x1, v4;
	v26 =	vsel vm1, $0x1, v4;
	vm6 =	vgt.u32 v23, $0x1;
	(pc) =	sbr.rel @p0 .LBB2_3-.Ltmp2, $4  }
0x87: {  	v27 =	vadd.s32 v33, v27;
	v23 =	vadd.s32 v26, v28;
	v26 =	vadd.s32 v30, v32  }
0x88: {  	v28 =	vadd.s32 v29, v23;
	v23 =	vsel vm2, $0xFFFFFFFF, v4;
	v25 =	vadd.s32 v25, v26  }
0x89: {  	v24 =	vadd.s32 v24, v31;
	vm1 =	vgt.u32 v28, $0x1;
	vm2 =	vgt.u32 v25, $0x1;
	[tilespmem:v0+s7+$0xFFFFFDC0] =	vst.idx.msk vm5, v7  }
0x8a: {  	v26 =	vsel vm10, $0x1, v4;
	v25 =	vsel vm7, $0x1, v4;
	vm5 =	vgt.u32 v27, $0x1;
	s7 =	sadd.s32 $0x400, s7;
	[tilespmem:v1+s0+$0xFFFFFDC0] =	vst.idx.msk vm8, v7  }
0x8b: {  	v19 =	vadd.s32 v19, v26  }
0x8c: {  	vm7 =	vgt.f32 v16, v13;
	v19 =	vadd.s32 v25, v19  }
0x8d: {  	v13 =	vsel vm7, $0x1, v4;
	vm8 =	vgt.u32 v19, $0x1  }
0x8e: {  	vm9 =	vgt.f32 v11, v16;
	vm7 =	vmneg vm7;
	v11 =	vadd.s32 v13, v14  }
0x8f: {  	v13 =	vsel vm7, $0x1, v4;
	v14 =	vsel vm9, $0x1, v4;
	v11 =	vadd.s32 v12, v11  }
0x90: {  	[tilespmem:v2+s0+$0xFFFFFDC0] =	vst.idx.msk vm3, v7;
	v12 =	vadd.s32 v13, v14;
	vm3 =	vgt.u32 v11, $0x1;
	v11 =	vadd.s32 v22, v24  }
0x91: {  	[tilespmem:v0+s0+$0x0] =	vst.idx.msk vm6, v7;
	v13 =	vsel vm9, $0xFFFFFFFF, v4;
	v12 =	vadd.s32 v15, v12;
	vm6 =	vgt.u32 v11, $0x1  }
0x92: {  	[tilespmem:v3+s0+$0xFFFFFDC0] =	vst.idx.msk vm4, v7;
	v10 =	vadd.s32 v13, v10;
	vm4 =	vgt.u32 v12, $0x1  }
0x93: {  	v11 =	vsel vm0, $0xFFFFFFFF, v4;
	v12 =	vadd.s32 v21, v18;
	v8 =	vadd.s32 v8, v10;
	[tilespmem:v1+s0+$0x0] =	vst.idx.msk vm8, v7  }
0x94: {  	v10 =	vadd.s32 v17, v12;
	v11 =	vadd.s32 v23, v11;
	vm0 =	vgt.u32 v8, $0x1;
	[tilespmem:v2+s0+$0x0] =	vst.idx.msk vm5, v7  }
0x95: {  	v8 =	vadd.s32 v9, v11;
	vm5 =	vgt.u32 v10, $0x1;
	[tilespmem:v3+s0+$0x0] =	vst.idx.msk vm2, v7  }
0x96: {  	vm2 =	vgt.u32 v8, $0x1;
	[tilespmem:v0+s0+$0xFFFFFFC0] =	vst.idx.msk vm3, v7  }
0x97: {  	vm3 =	vgt.u32 v20, $0x1;
	[tilespmem:v0+s0+$0xFFFFFE00] =	vst.idx.msk vm6, v7  }
0x98: {  	[tilespmem:v1+s0+$0xFFFFFFC0] =	vst.idx.msk vm4, v7  }
0x99: {  	[tilespmem:v1+s0+$0xFFFFFE00] =	vst.idx.msk vm1, v7  }
0x9a: {  	[tilespmem:v2+s0+$0xFFFFFFC0] =	vst.idx.msk vm0, v7  }
0x9b: {  	[tilespmem:v2+s0+$0xFFFFFE00] =	vst.idx.msk vm5, v7  }
0x9c: {  	[tilespmem:v3+s0+$0xFFFFFFC0] =	vst.idx.msk vm2, v7  }
0x9d: {  	[tilespmem:v3+s0+$0xFFFFFE00] =	vst.idx.msk vm3, v7  }
0x9e: {  	v8 =	vld.idx.msk [tilespmem:v0+s1+$0xFFFFFDC0], $0xffff  }
0x9f: {  	v9 =	vld.idx.msk [tilespmem:v3+s1+$0xFFFFFFC0], $0xffff  }
0xa0: {  	v10 =	vld.idx.msk [tilespmem:v3+s1+$0xFFFFFE00], $0xffff  }
0xa1: {  	v11 =	vld.idx.msk [tilespmem:v3+s1+$0xFFFFFDC0], $0xffff  }
0xa2: {  	v12 =	vld.idx.msk [tilespmem:v2+s1+$0x0], $0xffff  }
0xa3: {  	v13 =	vld.idx.msk [tilespmem:v2+s1+$0xFFFFFDC0], $0xffff  }
0xa4: {  	v14 =	vld.idx.msk [tilespmem:v2+s1+$0xFFFFFE00], $0xffff  }
0xa5: {  	v15 =	vld.idx.msk [tilespmem:v0+s1+$0xFFFFFFC0], $0xffff  }
0xa6: {  	v16 =	vld.idx.msk [tilespmem:v1+s1+$0xFFFFFE00], $0xffff  }
0xa7: {  	v20 =	vld.idx.msk [tilespmem:v2+s1+$0xFFFFFFC0], $0xffff  }
0xa8: {  	v22 =	vld.idx.msk [tilespmem:v1+s1+$0xFFFFFFC0], $0xffff  }
0xa9: {  	v24 =	vld.idx.msk [tilespmem:v1+s1+$0x0], $0xffff  }
0xaa: {  	v17 =	vand.u32 $0x7FFFFFFF, v8  }
0xab: {  	v18 =	vand.u32 $0x7FFFFFFF, v11;
	v19 =	vand.u32 $0x7FFFFFFF, v9;
	v21 =	vand.u32 $0x7FFFFFFF, v10  }
0xac: {  	v23 =	vand.u32 $0x7FFFFFFF, v14;
	v12 =	vand.u32 $0x7FFFFFFF, v12;
	v13 =	vand.u32 $0x7FFFFFFF, v13  }
0xad: {  	v25 =	vand.u32 $0x7FFFFFFF, v15;
	v16 =	vand.u32 $0x7FFFFFFF, v16;
	v20 =	vand.u32 $0x7FFFFFFF, v20  }
0xae: {  	v22 =	vand.u32 $0x7FFFFFFF, v22;
	v24 =	vand.u32 $0x7FFFFFFF, v24;
	vm2 =	vgt.f32 v18, v17  }
0xaf: {  	vm0 =	vgt.f32 v21, v23;
	vm4 =	vgt.f32 v18, v13;
	vm5 =	vgt.f32 v19, v25  }
0xb0: {  	v11 =	vld.idx.msk [tilespmem:v0+s1+$0xFFFFFE00], $0xffff;
	vm6 =	vgt.f32 v13, v17;
	vm3 =	vgt.f32 v19, v22;
	vm7 =	vgt.f32 v19, v20  }
0xb1: {  	v14 =	vld.idx.msk [tilespmem:v0+s1+$0x0], $0xffff;
	v10 =	vsel vm2, $0x2, v6;
	v8 =	vsel vm0, $0xFFFFFFFF, v4;
	v9 =	vsel vm0, $0x1, v4  }
0xb2: {  	v15 =	vld.idx.msk [tilespmem:v3+s1+$0x0], $0xffff;
	v27 =	vsel vm4, $0xFFFFFFFF, v4;
	v28 =	vsel vm2, $0x1, v4;
	vm2 =	vgt.f32 v22, v25  }
0xb3: {  	v30 =	vsel vm6, $0x1, v4;
	v32 =	vsel vm6, $0x1, v5;
	v59 =	vsel vm3, $0x1, v4  }
0xb4: {  	v60 =	vsel vm3, $0xFFFFFFFF, v4;
	vm3 =	vgt.f32 v21, v16;
	v61 =	vsel vm7, $0x1, v4  }
0xb5: {  	v44 =	vsel vm7, $0xFFFFFFFF, v4;
	v31 =	vsel vm2, $0x1, v4;
	vm2 =	vmneg vm2  }
0xb6: {  	v62 =	vsel vm5, $0x2, v6;
	v33 =	vsel vm2, $0x1, v4;
	v26 =	vand.u32 $0x7FFFFFFF, v11  }
0xb7: {  	v29 =	vld.idx.msk [tilespmem:v1+s1+$0xFFFFFDC0], $0xffff;
	v14 =	vand.u32 $0x7FFFFFFF, v14;
	v11 =	vsel vm4, $0x1, v4;
	v34 =	vand.u32 $0x7FFFFFFF, v15  }
0xb8: {  	vm8 =	vgt.f32 v16, v26;
	vm13 =	vgt.f32 v21, v26;
	vm6 =	vgt.f32 v24, v14  }
0xb9: {  	vm4 =	vgt.f32 v12, v14;
	vm10 =	vgt.f32 v23, v26;
	vm2 =	vmneg vm6  }
0xba: {  	v35 =	vsel vm4, $0x1, v4;
	v37 =	vsel vm4, $0x1, v5;
	vm4 =	vgt.f32 v34, v12  }
0xbb: {  	v43 =	vsel vm6, $0x1, v4;
	v36 =	vsel vm2, $0x1, v4;
	vm2 =	vgt.f32 v12, v24  }
0xbc: {  	v12 =	vand.u32 $0x7FFFFFFF, v29;
	v38 =	vsel vm4, $0x1, v4;
	v15 =	vsel vm4, $0xFFFFFFFF, v4  }
0xbd: {  	vm4 =	vgt.f32 v34, v14;
	v58 =	vsel vm2, $0xFFFFFFFF, v4;
	v39 =	vsel vm2, $0x1, v4  }
0xbe: {  	vm2 =	vgt.f32 v13, v12;
	v40 =	vsel vm4, $0x1, v4;
	v14 =	vsel vm4, $0x2, v6  }
0xbf: {  	vm4 =	vgt.f32 v20, v22;
	v13 =	vsel vm2, $0x1, v4;
	v22 =	vsel vm2, $0xFFFFFFFF, v4  }
0xc0: {  	vm2 =	vgt.f32 v20, v25;
	v25 =	vsel vm4, $0x1, v4;
	v41 =	vsel vm4, $0xFFFFFFFF, v4  }
0xc1: {  	vm4 =	vgt.f32 v18, v12;
	v29 =	vadd.s32 v58, v37;
	v19 =	vsel vm2, $0x1, v4  }
0xc2: {  	v42 =	vsel vm2, $0x1, v5;
	vm2 =	vgt.f32 v12, v17;
	v26 =	vsel vm4, $0xFFFFFFFF, v4  }
0xc3: {  	v25 =	vadd.s32 v33, v25;
	v17 =	vsel vm2, $0x1, v4;
	vm2 =	vmneg vm2  }
0xc4: {  	v12 =	vadd.s32 v31, v19;
	v19 =	vsel vm5, $0x1, v4;
	v18 =	vsel vm2, $0x1, v4  }
0xc5: {  	vm2 =	vgt.f32 v34, v24;
	v12 =	vadd.s32 v19, v12;
	v24 =	vadd.s32 v17, v30  }
0xc6: {  	v21 =	vadd.s32 v22, v32;
	vm6 =	vgt.u32 v12, $0x1;
	v12 =	vadd.s32 v28, v24  }
0xc7: {  	v22 =	vsel vm3, $0x1, v4;
	v25 =	vadd.s32 v59, v25;
	vm5 =	vgt.u32 v12, $0x1  }
0xc8: {  	v17 =	vsel vm4, $0x1, v4;
	vm4 =	vgt.f32 v23, v16;
	v16 =	vadd.s32 v36, v39  }
0xc9: {  	v19 =	vsel vm2, $0x1, v4;
	v20 =	vsel vm2, $0xFFFFFFFF, v4;
	v24 =	vadd.s32 v27, v26  }
0xca: {  	v23 =	vadd.s32 v19, v16;
	v16 =	vadd.s32 v43, v35;
	v19 =	vadd.s32 v41, v42  }
0xcb: {  	v12 =	vsel vm13, $0x1, v4;
	v26 =	vadd.s32 v61, v19;
	v19 =	vadd.s32 v44, v60  }
0xcc: {  	v63 =	vadd.s32 v40, v16;
	v16 =	vsel vm8, $0x1, v4;
	v19 =	vadd.s32 v62, v19;
	[tilespmem:v0+s1+$0xFFFFFFC0] =	vst.idx.msk vm6, v7  }
0xcd: {  	s7 =	simm.s32 $0x0;
	s8 =	simm.s32 $0x6C0;
	vm6 =	vgt.u32 v63, $0x1;
	[tilespmem:v0+s1+$0xFFFFFDC0] =	vst.idx.msk vm5, v7;
	vm5 =	vgt.u32 v26, $0x1;
	v26 =	vadd.s32 v38, v29  }
.LBB2_5:
0xce: {  	v24 =	vadd.s32 v10, v24  }
0xcf: {  	vm9 =	vgt.u32 v25, $0x1;
	vm7 =	vgt.u32 v26, $0x1;
	vm8 =	vmneg vm8  }
0xd0: {  	v27 =	vld.idx.msk [tilespmem:v0+s8+$0xFFFFFDC0], $0xffff;
	v25 =	vsel vm4, $0xFFFFFFFF, v4;
	vm1 =	vgt.u32 v23, $0x1;
	v26 =	vsel vm10, $0x1, v4  }
0xd1: {  	v10 =	vld.idx.msk [tilespmem:v3+s8+$0xFFFFFFC0], $0xffff;
	v28 =	vsel vm4, $0x1, v4;
	v52 =	vsel vm10, $0x1, v5;
	v29 =	vsel vm8, $0x1, v4  }
0xd2: {  	v30 =	vld.idx.msk [tilespmem:v3+s8+$0xFFFFFDC0], $0xffff;
	v13 =	vadd.s32 v18, v13;
	v16 =	vadd.s32 v16, v26;
	v26 =	vadd.s32 v29, v28  }
0xd3: {  	v23 =	vld.idx.msk [tilespmem:v3+s8+$0xFFFFFE00], $0xffff;
	v12 =	vadd.s32 v12, v16;
	v16 =	vadd.s32 v22, v26;
	v22 =	vadd.s32 v25, v52  }
0xd4: {  	v53 =	vld.idx.msk [tilespmem:v2+s8+$0x0], $0xffff;
	vm11 =	vgt.u32 v12, $0x1;
	v12 =	vadd.s32 v15, v20;
	v9 =	vadd.s32 v9, v22  }
0xd5: {  	v25 =	vld.idx.msk [tilespmem:v2+s8+$0xFFFFFDC0], $0xffff;
	vm8 =	vgt.u32 v16, $0x1;
	v15 =	vand.u32 $0x7FFFFFFF, v27;
	vm4 =	vgt.u32 v9, $0x1  }
0xd6: {  	v20 =	vld.idx.msk [tilespmem:v2+s8+$0xFFFFFE00], $0xffff;
	v22 =	vand.u32 $0x7FFFFFFF, v10;
	v10 =	vadd.s32 v11, v21;
	v11 =	vadd.s32 v14, v12  }
0xd7: {  	[tilespmem:v0+s1+$0x0] =	vst.idx.msk vm6, v7;
	v16 =	vld.idx.msk [tilespmem:v0+s8+$0xFFFFFE00], $0xffff;
	vm10 =	vgt.u32 v10, $0x1;
	vm12 =	vgt.u32 v11, $0x1;
	v11 =	vand.u32 $0x7FFFFFFF, v30  }
0xd8: {  	v12 =	vld.idx.msk [tilespmem:v1+s8+$0xFFFFFE00], $0xffff;
	[tilespmem:v1+s1+$0xFFFFFFC0] =	vst.idx.msk vm9, v7;
	v10 =	vadd.s32 v17, v13;
	v13 =	vsel vm3, $0xFFFFFFFF, v4;
	vm9 =	vgt.u32 v19, $0x1  }
0xd9: {  	v17 =	vand.u32 $0x7FFFFFFF, v23;
	[tilespmem:v1+s1+$0x0] =	vst.idx.msk vm1, v7;
	v9 =	vld.idx.msk [tilespmem:v0+s8+$0xFFFFFFC0], $0xffff;
	vm2 =	vgt.f32 v11, v15;
	vm6 =	vgt.u32 v10, $0x1  }
0xda: {  	v14 =	vld.idx.msk [tilespmem:v2+s8+$0xFFFFFFC0], $0xffff;
	v10 =	vsel vm13, $0x2, v6;
	v8 =	vadd.s32 v8, v13;
	[tilespmem:v2+s1+$0x0] =	vst.idx.msk vm7, v7;
	vm7 =	vgt.u32 v24, $0x1  }
0xdb: {  	[tilespmem:v2+s1+$0xFFFFFFC0] =	vst.idx.msk vm5, v7;
	v13 =	vld.idx.msk [tilespmem:v1+s8+$0xFFFFFDC0], $0xffff;
	v19 =	vand.u32 $0x7FFFFFFF, v20;
	v20 =	vand.u32 $0x7FFFFFFF, v53;
	v8 =	vadd.s32 v10, v8  }
0xdc: {  	v18 =	vld.idx.msk [tilespmem:v1+s8+$0xFFFFFFC0], $0xffff;
	v10 =	vsel vm2, $0x2, v6;
	v23 =	vand.u32 $0x7FFFFFFF, v25;
	v33 =	vsel vm2, $0x1, v4  }
0xdd: {  	vm0 =	vgt.f32 v17, v19;
	[tilespmem:v0+s1+$0xFFFFFE00] =	vst.idx.msk vm11, v7;
	vm11 =	vgt.u32 v8, $0x1;
	vm3 =	vgt.f32 v11, v23  }
0xde: {  	v25 =	vld.idx.msk [tilespmem:v0+s8+$0x0], $0xffff;
	v26 =	vand.u32 $0x7FFFFFFF, v16;
	v16 =	vimm.s32 $0x0;
	v8 =	vsel vm0, $0xFFFFFFFF, v4  }
0xdf: {  	v21 =	vld.idx.msk [tilespmem:v1+s8+$0x0], $0xffff;
	[tilespmem:v1+s1+$0xFFFFFE00] =	vst.idx.msk vm8, v7;
	v27 =	vand.u32 $0x7FFFFFFF, v12;
	v12 =	vimm.s32 $0x0;
	v54 =	vsel vm3, $0xFFFFFFFF, v4  }
0xe0: {  	vm5 =	vgt.f32 v17, v26;
	[tilespmem:v2+s1+$0xFFFFFE00] =	vst.idx.msk vm4, v7;
	vm4 =	vgt.f32 v19, v27;
	v24 =	vand.u32 $0x7FFFFFFF, v9  }
0xe1: {  	[tilespmem:v3+s1+$0x0] =	vst.idx.msk vm12, v7;
	v9 =	vsel vm0, $0x1, v4;
	v14 =	vand.u32 $0x7FFFFFFF, v14;
	vm12 =	vgt.f32 v23, v15  }
0xe2: {  	v13 =	vand.u32 $0x7FFFFFFF, v13;
	[tilespmem:v1+s1+$0xFFFFFDC0] =	vst.idx.msk vm6, v7;
	vm6 =	vgt.f32 v27, v26;
	vm0 =	vgt.f32 v22, v24  }
0xe3: {  	v18 =	vand.u32 $0x7FFFFFFF, v18;
	v25 =	vand.u32 $0x7FFFFFFF, v25;
	vm8 =	vgt.f32 v14, v24  }
0xe4: {  	v21 =	vand.u32 $0x7FFFFFFF, v21;
	v31 =	vsel vm12, $0x1, v4;
	vm13 =	vgt.f32 v23, v13  }
0xe5: {  	[tilespmem:v3+s1+$0xFFFFFFC0] =	vst.idx.msk vm9, v7;
	v12 =	vsel vm0, $0xFFFFFFFF, v12;
	vm1 =	vgt.f32 v22, v18;
	vm14 =	vgt.f32 v20, v25  }
0xe6: {  	[tilespmem:v2+s1+$0xFFFFFDC0] =	vst.idx.msk vm10, v7;
	v32 =	vsel vm0, $0x1, v4;
	vm9 =	vgt.f32 v14, v18;
	vm10 =	vgt.f32 v18, v24  }
0xe7: {  	vm0 =	vgt.f32 v19, v26;
	v18 =	vimm.s32 $0x0;
	v19 =	vsel vm8, $0x1, v4  }
0xe8: {  	v24 =	vsel vm12, $0x1, v5;
	vm12 =	vgt.f32 v13, v15;
	v60 =	vsel vm8, $0x1, v5  }
0xe9: {  	vm8 =	vmmov vm6;
	[tilespmem:$0x1FFF0] =	vst v12;
	v12 =	vsel vm5, $0x1, v4;
	v16 =	vsel vm1, $0xFFFFFFFF, v16  }
0xea: {  	[tilespmem:v3+s1+$0xFFFFFDC0] =	vst.idx.msk vm7, v7;
	v56 =	vsel vm1, $0x1, v4;
	vm7 =	vgt.f32 v22, v14;
	v18 =	vsel vm0, $0xFFFFFFFF, v18  }
0xeb: {  	[tilespmem:v3+s1+$0xFFFFFE00] =	vst.idx.msk vm11, v7;
	vm15 =	vmneg vm10;
	vm11 =	vgt.f32 v21, v25;
	vm0 =	vgt.f32 v20, v21  }
0xec: {  	v55 =	vld.idx.msk [tilespmem:v3+s8+$0x0], $0xffff;
	v15 =	vsel vm9, $0x1, v4;
	v59 =	vsel vm9, $0xFFFFFFFF, v4;
	[tilespmem:$0x1FFE0] =	vst v16;
	v16 =	vsel vm6, $0x1, v4  }
0xed: {  	[tilespmem:$0x1FFD0] =	vst v18;
	v18 =	vsel vm10, $0x1, v4;
	vm10 =	vgt.f32 v11, v13;
	v11 =	vsel vm3, $0x1, v4  }
0xee: {  	vm1 =	vmneg vm11;
	v23 =	vsel vm0, $0x1, v4;
	v18 =	vadd.s32 v18, v19  }
0xef: {  	v34 =	vsel vm11, $0x1, v4;
	v63 =	vsel vm7, $0xFFFFFFFF, v4;
	v13 =	vadd.s32 v32, v18  }
0xf0: {  	v19 =	vsel vm14, $0x1, v4;
	v61 =	vsel vm10, $0xFFFFFFFF, v4;
	vm3 =	vgt.u32 v13, $0x1  }
0xf1: {  	v14 =	vand.u32 $0x7FFFFFFF, v55;
	v18 =	vsel vm15, $0x1, v4;
	v19 =	vadd.s32 v34, v19  }
0xf2: {  	v13 =	vsel vm0, $0xFFFFFFFF, v4;
	vm2 =	vgt.f32 v14, v20;
	vm15 =	vgt.f32 v14, v21  }
0xf3: {  	v26 =	vadd.s32 v18, v15;
	v18 =	vsel vm1, $0x1, v4;
	v15 =	vsel vm14, $0x1, v5  }
0xf4: {  	vm1 =	vgt.f32 v14, v25;
	v20 =	vsel vm12, $0x1, v4;
	v25 =	vsel vm7, $0x1, v4  }
0xf5: {  	v57 =	vsel vm2, $0x1, v4;
	v58 =	vadd.s32 v13, v15;
	v20 =	vadd.s32 v20, v31  }
0xf6: {  	v21 =	vsel vm1, $0x1, v4;
	[tilespmem:v0+s8+$0xFFFFFFC0] =	vst.idx.msk vm3, v7;
	vm3 =	vgt.f32 v17, v27;
	v17 =	vadd.s32 v33, v20  }
0xf7: {  	v35 =	vld [tilespmem:$0x1FFD0];
	v31 =	vadd.s32 v59, v60;
	v27 =	vsel vm13, $0xFFFFFFFF, v4;
	vm0 =	vgt.u32 v17, $0x1  }
0xf8: {  	v19 =	vadd.s32 v21, v19;
	v21 =	vadd.s32 v27, v24;
	v27 =	vadd.s32 v25, v31;
	v25 =	vld [tilespmem:$0x1FFE0]  }
0xf9: {  	v15 =	vsel vm2, $0xFFFFFFFF, v4;
	v14 =	vsel vm1, $0x2, v6;
	vm6 =	vgt.u32 v19, $0x1;
	v19 =	vld [tilespmem:$0x1FFF0]  }
0xfa: {  	s7 =	sadd.s32 $0x100, s7;
	v13 =	vsel vm13, $0x1, v4;
	v18 =	vadd.s32 v18, v23;
	vm1 =	vmneg vm12  }
0xfb: {  	p0 =	slt.u32 s7, $0xF00;
	vm13 =	vmmov vm5;
	v20 =	vsel vm15, $0x1, v4;
	v22 =	vsel vm3, $0x1, v4  }
.Ltmp3:
0xfc: {  	v17 =	vsel vm10, $0x1, v4;
	v23 =	vadd.s32 v20, v18;
	v18 =	vsel vm1, $0x1, v4;
	(pc) =	sbr.rel @p0 .LBB2_5-.Ltmp3, $4  }
0xfd: {  	v20 =	vsel vm15, $0xFFFFFFFF, v4;
	vm10 =	vnez.u8 v35;
	[tilespmem:v0+s8+$0xFFFFFDC0] =	vst.idx.msk vm0, v7;
	vm0 =	vnez.u8 v25  }
0xfe: {  	v24 =	vadd.s32 v54, v61;
	v62 =	vsel vm0, $0xFFFFFFFF, v4;
	vm0 =	vnez.u8 v19  }
0xff: {  	v25 =	vadd.s32 v56, v26;
	v19 =	vsel vm0, $0x2, v6;
	v26 =	vadd.s32 v63, v62  }
0x100: {  	s0 =	simm.s32 $0x340;
	s1 =	smov.u32 s8;
	vm5 =	vgt.u32 v27, $0x1;
	s8 =	sadd.s32 $0x400, s8;
	v19 =	vadd.s32 v19, v26;
	v26 =	vadd.s32 v57, v58  }
0x101: {  	vm0 =	vgt.u32 v25, $0x1  }
0x102: {  	v10 =	vadd.s32 v10, v24;
	vm1 =	vgt.u32 v26, $0x1;
	vm7 =	vgt.u32 v23, $0x1  }
0x103: {  	vm2 =	vmneg vm8;
	v24 =	vsel vm4, $0xFFFFFFFF, v4;
	v25 =	vsel vm10, $0x1, v4  }
0x104: {  	v23 =	vsel vm4, $0x1, v4;
	v15 =	vadd.s32 v15, v20;
	v13 =	vadd.s32 v18, v13  }
0x105: {  	v11 =	vadd.s32 v11, v21;
	v16 =	vadd.s32 v16, v25;
	v13 =	vadd.s32 v17, v13  }
0x106: {  	[tilespmem:v0+s1+$0x0] =	vst.idx.msk vm6, v7;
	v25 =	vsel vm2, $0x1, v4;
	v12 =	vadd.s32 v12, v16;
	vm6 =	vgt.u32 v13, $0x1  }
0x107: {  	v16 =	vadd.s32 v25, v23;
	vm2 =	vgt.u32 v12, $0x1;
	v12 =	vadd.s32 v14, v15;
	[tilespmem:v1+s1+$0xFFFFFFC0] =	vst.idx.msk vm0, v7  }
0x108: {  	v14 =	vadd.s32 v22, v16;
	vm0 =	vgt.u32 v12, $0x1;
	v12 =	vsel vm10, $0x1, v5;
	[tilespmem:v1+s1+$0x0] =	vst.idx.msk vm7, v7  }
0x109: {  	vm4 =	vgt.u32 v14, $0x1;
	v12 =	vadd.s32 v24, v12;
	[tilespmem:v2+s1+$0xFFFFFFC0] =	vst.idx.msk vm5, v7;
	vm5 =	vgt.u32 v11, $0x1  }
0x10a: {  	v11 =	vsel vm3, $0xFFFFFFFF, v4;
	[tilespmem:v2+s1+$0x0] =	vst.idx.msk vm1, v7;
	vm1 =	vgt.u32 v10, $0x1;
	v9 =	vadd.s32 v9, v12  }
0x10b: {  	v8 =	vadd.s32 v8, v11;
	vm3 =	vgt.u32 v9, $0x1;
	v9 =	vsel vm13, $0x2, v6  }
0x10c: {  	[tilespmem:v1+s1+$0xFFFFFDC0] =	vst.idx.msk vm6, v7;
	v8 =	vadd.s32 v9, v8  }
0x10d: {  	[tilespmem:v0+s1+$0xFFFFFE00] =	vst.idx.msk vm2, v7;
	vm2 =	vgt.u32 v8, $0x1  }
0x10e: {  	[tilespmem:v3+s1+$0x0] =	vst.idx.msk vm0, v7;
	vm0 =	vgt.u32 v19, $0x1  }
0x10f: {  	[tilespmem:v1+s1+$0xFFFFFE00] =	vst.idx.msk vm4, v7  }
0x110: {  	[tilespmem:v2+s1+$0xFFFFFDC0] =	vst.idx.msk vm5, v7  }
0x111: {  	[tilespmem:v3+s1+$0xFFFFFDC0] =	vst.idx.msk vm1, v7  }
0x112: {  	[tilespmem:v2+s1+$0xFFFFFE00] =	vst.idx.msk vm3, v7  }
0x113: {  	[tilespmem:v3+s1+$0xFFFFFE00] =	vst.idx.msk vm2, v7  }
0x114: {  	[tilespmem:v3+s1+$0xFFFFFFC0] =	vst.idx.msk vm0, v7  }
0x115: {  	v8 =	vld.idx.msk [tilespmem:v0+s0+$0xFFFFFDC0], $0xffff  }
0x116: {  	v9 =	vld.idx.msk [tilespmem:v3+s0+$0xFFFFFE00], $0xffff  }
0x117: {  	v10 =	vld.idx.msk [tilespmem:v3+s0+$0xFFFFFFC0], $0xffff  }
0x118: {  	v11 =	vld.idx.msk [tilespmem:v2+s0+$0xFFFFFFC0], $0xffff  }
0x119: {  	v12 =	vld.idx.msk [tilespmem:v0+s0+$0xFFFFFFC0], $0xffff  }
0x11a: {  	v15 =	vld.idx.msk [tilespmem:v2+s0+$0xFFFFFE00], $0xffff  }
0x11b: {  	v18 =	vld.idx.msk [tilespmem:v1+s0+$0xFFFFFE00], $0xffff  }
0x11c: {  	v16 =	vld.idx.msk [tilespmem:v1+s0+$0xFFFFFFC0], $0xffff  }
0x11d: {  	v20 =	vld.idx.msk [tilespmem:v0+s0+$0xFFFFFE00], $0xffff  }
0x11e: {  	v23 =	vld.idx.msk [tilespmem:v3+s0+$0xFFFFFDC0], $0xffff  }
0x11f: {  	v24 =	vld.idx.msk [tilespmem:v2+s0+$0xFFFFFDC0], $0xffff  }
0x120: {  	v27 =	vld.idx.msk [tilespmem:v0+s0+$0x0], $0xffff  }
0x121: {  	v25 =	vld.idx.msk [tilespmem:v1+s0+$0x0], $0xffff  }
0x122: {  	v19 =	vand.u32 $0x7FFFFFFF, v8;
	v21 =	vand.u32 $0x7FFFFFFF, v10;
	v11 =	vand.u32 $0x7FFFFFFF, v11  }
0x123: {  	v22 =	vand.u32 $0x7FFFFFFF, v9;
	v13 =	vand.u32 $0x7FFFFFFF, v12;
	v26 =	vand.u32 $0x7FFFFFFF, v15  }
0x124: {  	v16 =	vand.u32 $0x7FFFFFFF, v16;
	v20 =	vand.u32 $0x7FFFFFFF, v20;
	v28 =	vand.u32 $0x7FFFFFFF, v18  }
0x125: {  	v18 =	vand.u32 $0x7FFFFFFF, v23;
	v23 =	vand.u32 $0x7FFFFFFF, v24;
	v27 =	vand.u32 $0x7FFFFFFF, v27  }
0x126: {  	v17 =	vld.idx.msk [tilespmem:v1+s0+$0xFFFFFDC0], $0xffff;
	v25 =	vand.u32 $0x7FFFFFFF, v25;
	vm1 =	vgt.f32 v21, v11;
	vm0 =	vgt.f32 v11, v13  }
0x127: {  	vm2 =	vgt.f32 v21, v13;
	vm3 =	vgt.f32 v22, v26;
	vm7 =	vgt.f32 v23, v19  }
0x128: {  	vm4 =	vgt.f32 v18, v23;
	vm5 =	vgt.f32 v18, v19;
	vm9 =	vgt.f32 v25, v27  }
0x129: {  	vm14 =	vgt.f32 v22, v28;
	v8 =	vsel vm1, $0x1, v4;
	v14 =	vsel vm0, $0x1, v4  }
0x12a: {  	v12 =	vsel vm2, $0x1, v4;
	v9 =	vsel vm2, $0x2, v6;
	v10 =	vsel vm0, $0x1, v5  }
0x12b: {  	vm0 =	vgt.f32 v21, v16;
	vm2 =	vgt.f32 v28, v20;
	v21 =	vand.u32 $0x7FFFFFFF, v17  }
0x12c: {  	v17 =	vsel vm3, $0x1, v4;
	v29 =	vsel vm3, $0xFFFFFFFF, v4;
	vm3 =	vgt.f32 v26, v20  }
0x12d: {  	v31 =	vsel vm7, $0x1, v5;
	v32 =	vsel vm9, $0x1, v4;
	v35 =	vsel vm14, $0xFFFFFFFF, v4  }
0x12e: {  	v24 =	vld.idx.msk [tilespmem:v2+s0+$0x0], $0xffff;
	v37 =	vsel vm7, $0x1, v4;
	v60 =	vsel vm5, $0x2, v6;
	v15 =	vsel vm0, $0x1, v4  }
0x12f: {  	vm6 =	vgt.f32 v18, v21;
	vm8 =	vgt.f32 v23, v21;
	v18 =	vsel vm3, $0x1, v5  }
0x130: {  	v30 =	vsel vm3, $0x1, v4;
	vm3 =	vmneg vm9;
	v29 =	vadd.s32 v29, v35  }
0x131: {  	v33 =	vld.idx.msk [tilespmem:v3+s0+$0x0], $0xffff;
	vm9 =	vgt.f32 v22, v20;
	v20 =	vsel vm5, $0x1, v4;
	v23 =	vsel vm8, $0xFFFFFFFF, v4  }
0x132: {  	v34 =	vsel vm8, $0x1, v4;
	vm8 =	vgt.f32 v21, v19;
	v21 =	vsel vm4, $0x1, v4  }
0x133: {  	v19 =	vsel vm3, $0x1, v4;
	v24 =	vand.u32 $0x7FFFFFFF, v24;
	v36 =	vsel vm8, $0x1, v4  }
0x134: {  	vm3 =	vmneg vm8;
	v22 =	vadd.s32 v23, v31;
	v23 =	vsel vm14, $0x1, v4  }
0x135: {  	v56 =	vadd.s32 v36, v37;
	v57 =	vsel vm3, $0x1, v4;
	vm3 =	vgt.f32 v26, v28  }
0x136: {  	v26 =	vand.u32 $0x7FFFFFFF, v33;
	v22 =	vadd.s32 v21, v22;
	v21 =	vsel vm6, $0x1, v4  }
0x137: {  	vm12 =	vgt.f32 v24, v27;
	vm15 =	vgt.f32 v24, v25;
	v28 =	vsel vm3, $0x1, v4  }
0x138: {  	vm7 =	vgt.f32 v26, v25;
	v31 =	vadd.s32 v57, v34;
	vm11 =	vgt.f32 v26, v27  }
0x139: {  	v20 =	vadd.s32 v20, v56;
	v25 =	vsel vm6, $0xFFFFFFFF, v4;
	vm6 =	vgt.f32 v26, v24  }
0x13a: {  	v24 =	vsel vm12, $0x1, v5;
	v26 =	vsel vm4, $0xFFFFFFFF, v4;
	v27 =	vsel vm15, $0xFFFFFFFF, v4  }
0x13b: {  	v31 =	vadd.s32 v21, v31;
	v21 =	vsel vm3, $0xFFFFFFFF, v4;
	v58 =	vsel vm7, $0xFFFFFFFF, v4  }
0x13c: {  	vm3 =	vgt.u32 v22, $0x1;
	v22 =	vsel vm11, $0x1, v4;
	v59 =	vsel vm6, $0xFFFFFFFF, v4  }
0x13d: {  	v25 =	vadd.s32 v26, v25;
	v26 =	vsel vm12, $0x1, v4;
	v24 =	vadd.s32 v27, v24  }
0x13e: {  	vm5 =	vgt.u32 v20, $0x1;
	v20 =	vsel vm9, $0x2, v6;
	v27 =	vsel vm11, $0x2, v6  }
0x13f: {  	v62 =	vsel vm6, $0x1, v4;
	vm8 =	vgt.u32 v31, $0x1;
	v25 =	vadd.s32 v60, v25  }
0x140: {  	v26 =	vadd.s32 v32, v26;
	v20 =	vadd.s32 v20, v29;
	v63 =	vadd.s32 v62, v24  }
0x141: {  	v24 =	vadd.s32 v59, v58;
	vm4 =	vgt.u32 v25, $0x1;
	v25 =	vadd.s32 v22, v26  }
0x142: {  	v26 =	vsel vm2, $0x1, v4;
	vm2 =	vmneg vm2;
	vm6 =	vgt.u32 v25, $0x1  }
0x143: {  	v22 =	vsel vm9, $0x1, v4;
	v27 =	vadd.s32 v27, v24;
	v61 =	vsel vm2, $0x1, v4  }
0x144: {  	v24 =	vadd.s32 v26, v30;
	vm2 =	vgt.u32 v27, $0x1;
	v25 =	vadd.s32 v61, v28  }
0x145: {  	v26 =	vsel vm15, $0x1, v4;
	v25 =	vadd.s32 v23, v25;
	v23 =	vsel vm1, $0xFFFFFFFF, v4;
	[tilespmem:v0+s0+$0xFFFFFDC0] =	vst.idx.msk vm5, v7  }
0x146: {  	s8 =	simm.s32 $0x0;
	s7 =	simm.s32 $0x740;
	vm1 =	vgt.u32 v25, $0x1;
	v25 =	vsel vm7, $0x1, v4;
	vm5 =	vgt.u32 v63, $0x1;
	[tilespmem:v1+s0+$0xFFFFFDC0] =	vst.idx.msk vm8, v7  }
.LBB2_7:
0x147: {  	v27 =	vld.idx.msk [tilespmem:v0+s7+$0xFFFFFDC0], $0xffff;
	s8 =	sadd.s32 $0x100, s8;
	[tilespmem:v2+s0+$0xFFFFFDC0] =	vst.idx.msk vm3, v7;
	v18 =	vadd.s32 v21, v18;
	v19 =	vadd.s32 v19, v26;
	s1 =	simm.s32 $0x3C0  }
0x148: {  	v21 =	vld.idx.msk [tilespmem:v3+s7+$0xFFFFFE00], $0xffff;
	p0 =	slt.u32 s8, $0xF00;
	v17 =	vadd.s32 v17, v18;
	v18 =	vadd.s32 v25, v19;
	[tilespmem:v0+s0+$0x0] =	vst.idx.msk vm6, v7  }
0x149: {  	vm3 =	vgt.f32 v16, v13;
	vm7 =	vgt.f32 v11, v16;
	v19 =	vld.idx.msk [tilespmem:v1+s7+$0xFFFFFDC0], $0xffff;
	vm6 =	vgt.u32 v18, $0x1  }
0x14a: {  	v11 =	vsel vm3, $0x1, v4;
	v13 =	vsel vm7, $0x1, v4;
	v18 =	vld.idx.msk [tilespmem:v2+s7+$0xFFFFFDC0], $0xffff;
	[tilespmem:v3+s0+$0xFFFFFDC0] =	vst.idx.msk vm4, v7;
	vm4 =	vmneg vm3  }
0x14b: {  	v11 =	vadd.s32 v11, v14;
	vm3 =	vgt.u32 v17, $0x1;
	v16 =	vld.idx.msk [tilespmem:v3+s7+$0xFFFFFFC0], $0xffff;
	v14 =	vsel vm4, $0x1, v4  }
0x14c: {  	v25 =	vsel vm0, $0xFFFFFFFF, v4;
	v11 =	vadd.s32 v12, v11;
	v17 =	vld.idx.msk [tilespmem:v2+s7+$0xFFFFFFC0], $0xffff;
	v12 =	vadd.s32 v14, v13  }
0x14d: {  	vm9 =	vgt.u32 v11, $0x1;
	v26 =	vand.u32 $0x7FFFFFFF, v27;
	v13 =	vld.idx.msk [tilespmem:v0+s7+$0xFFFFFFC0], $0xffff;
	v12 =	vadd.s32 v15, v12  }
0x14e: {  	v11 =	vadd.s32 v22, v24;
	v14 =	vsel vm7, $0xFFFFFFFF, v4;
	v15 =	vld.idx.msk [tilespmem:v2+s7+$0xFFFFFE00], $0xffff;
	vm0 =	vgt.u32 v12, $0x1  }
0x14f: {  	vm8 =	vgt.u32 v11, $0x1;
	v11 =	vadd.s32 v23, v25;
	v10 =	vadd.s32 v14, v10;
	v22 =	vld.idx.msk [tilespmem:v1+s7+$0xFFFFFE00], $0xffff  }
0x150: {  	v9 =	vadd.s32 v9, v11;
	v8 =	vadd.s32 v8, v10;
	v23 =	vld.idx.msk [tilespmem:v1+s7+$0xFFFFFFC0], $0xffff;
	[tilespmem:v1+s0+$0x0] =	vst.idx.msk vm6, v7  }
0x151: {  	v21 =	vand.u32 $0x7FFFFFFF, v21;
	v25 =	vand.u32 $0x7FFFFFFF, v16;
	vm6 =	vgt.u32 v8, $0x1;
	v24 =	vld.idx.msk [tilespmem:v0+s7+$0xFFFFFE00], $0xffff;
	[tilespmem:v2+s0+$0x0] =	vst.idx.msk vm5, v7  }
0x152: {  	vm4 =	vgt.u32 v9, $0x1;
	v11 =	vand.u32 $0x7FFFFFFF, v17;
	v27 =	vld.idx.msk [tilespmem:v3+s7+$0xFFFFFDC0], $0xffff;
	[tilespmem:v3+s0+$0x0] =	vst.idx.msk vm2, v7  }
0x153: {  	vm7 =	vgt.u32 v20, $0x1;
	v13 =	vand.u32 $0x7FFFFFFF, v13;
	vm2 =	vgt.f32 v25, v11;
	v28 =	vld.idx.msk [tilespmem:v3+s7+$0x0], $0xffff;
	[tilespmem:v0+s0+$0xFFFFFFC0] =	vst.idx.msk vm9, v7  }
0x154: {  	vm5 =	vgt.f32 v11, v13;
	vm9 =	vgt.f32 v25, v13;
	v8 =	vsel vm2, $0x1, v4;
	v20 =	vld.idx.msk [tilespmem:v2+s7+$0x0], $0xffff  }
0x155: {  	v14 =	vsel vm5, $0x1, v4;
	v12 =	vsel vm9, $0x1, v4;
	v9 =	vsel vm9, $0x2, v6;
	v29 =	vld.idx.msk [tilespmem:v1+s7+$0x0], $0xffff;
	[tilespmem:v0+s0+$0xFFFFFE00] =	vst.idx.msk vm8, v7  }
0x156: {  	v30 =	vand.u32 $0x7FFFFFFF, v15;
	v10 =	vsel vm5, $0x1, v5;
	v16 =	vand.u32 $0x7FFFFFFF, v23;
	v23 =	vld.idx.msk [tilespmem:v0+s7+$0x0], $0xffff;
	[tilespmem:v1+s0+$0xFFFFFFC0] =	vst.idx.msk vm0, v7  }
0x157: {  	v22 =	vand.u32 $0x7FFFFFFF, v22;
	v24 =	vand.u32 $0x7FFFFFFF, v24;
	vm0 =	vgt.f32 v25, v16;
	[tilespmem:v1+s0+$0xFFFFFE00] =	vst.idx.msk vm1, v7  }
0x158: {  	v25 =	vand.u32 $0x7FFFFFFF, v27;
	vm1 =	vgt.f32 v22, v24;
	v15 =	vsel vm0, $0x1, v4;
	[tilespmem:v2+s0+$0xFFFFFFC0] =	vst.idx.msk vm6, v7  }
0x159: {  	v19 =	vand.u32 $0x7FFFFFFF, v19;
	v18 =	vand.u32 $0x7FFFFFFF, v18;
	vm8 =	vgt.f32 v21, v30;
	[tilespmem:v2+s0+$0xFFFFFE00] =	vst.idx.msk vm3, v7  }
0x15a: {  	v17 =	vsel vm8, $0x1, v4;
	vm5 =	vgt.f32 v25, v18;
	vm3 =	vgt.f32 v18, v26;
	[tilespmem:v3+s0+$0xFFFFFFC0] =	vst.idx.msk vm4, v7  }
0x15b: {  	vm6 =	vgt.f32 v25, v19;
	vm4 =	vgt.f32 v25, v26;
	v25 =	vsel vm8, $0xFFFFFFFF, v4;
	[tilespmem:v3+s0+$0xFFFFFE00] =	vst.idx.msk vm7, v7;
	s0 =	smov.u32 s7  }
0x15c: {  	v27 =	vand.u32 $0x7FFFFFFF, v29;
	vm7 =	vgt.f32 v30, v24;
	v23 =	vand.u32 $0x7FFFFFFF, v23  }
0x15d: {  	vm8 =	vgt.f32 v18, v19;
	v18 =	vsel vm7, $0x1, v5;
	vm9 =	vgt.f32 v27, v23  }
0x15e: {  	v29 =	vsel vm8, $0xFFFFFFFF, v4;
	v31 =	vsel vm7, $0x1, v4;
	vm7 =	vmneg vm9  }
0x15f: {  	vm10 =	vgt.f32 v21, v22;
	v32 =	vsel vm3, $0x1, v5;
	v33 =	vsel vm9, $0x1, v4  }
0x160: {  	v35 =	vsel vm10, $0xFFFFFFFF, v4;
	v20 =	vand.u32 $0x7FFFFFFF, v20;
	v34 =	vsel vm8, $0x1, v4  }
0x161: {  	vm8 =	vgt.f32 v19, v26;
	v26 =	vsel vm5, $0x1, v4;
	v19 =	vsel vm7, $0x1, v4  }
0x162: {  	v37 =	vsel vm3, $0x1, v4;
	v25 =	vadd.s32 v25, v35;
	v36 =	vsel vm8, $0x1, v4  }
0x163: {  	vm3 =	vmneg vm8;
	v35 =	vadd.s32 v36, v37;
	vm9 =	vgt.f32 v21, v24  }
0x164: {  	v24 =	vsel vm4, $0x1, v4;
	v21 =	vadd.s32 v29, v32;
	v29 =	vsel vm10, $0x1, v4  }
0x165: {  	v32 =	vsel vm3, $0x1, v4;
	vm3 =	vgt.f32 v30, v22;
	v22 =	vand.u32 $0x7FFFFFFF, v28  }
0x166: {  	v26 =	vadd.s32 v26, v21;
	v28 =	vsel vm3, $0x1, v4;
	vm7 =	vgt.f32 v22, v27  }
0x167: {  	v21 =	vsel vm6, $0x1, v4;
	v30 =	vadd.s32 v32, v34;
	vm11 =	vgt.f32 v22, v23  }
0x168: {  	v30 =	vadd.s32 v21, v30;
	v21 =	vsel vm3, $0xFFFFFFFF, v4;
	v32 =	vsel vm7, $0xFFFFFFFF, v4  }
0x169: {  	vm12 =	vgt.f32 v20, v23;
	v24 =	vadd.s32 v24, v35;
	vm8 =	vgt.u32 v30, $0x1  }
0x16a: {  	vm10 =	vgt.f32 v20, v27;
	vm3 =	vgt.u32 v26, $0x1;
	v23 =	vsel vm11, $0x1, v4  }
0x16b: {  	v26 =	vsel vm6, $0xFFFFFFFF, v4;
	vm6 =	vgt.f32 v22, v20;
	v20 =	vsel vm12, $0x1, v5  }
0x16c: {  	v27 =	vsel vm10, $0xFFFFFFFF, v4;
	v22 =	vsel vm5, $0xFFFFFFFF, v4;
	v30 =	vsel vm6, $0xFFFFFFFF, v4  }
0x16d: {  	v34 =	vsel vm4, $0x2, v6;
	v22 =	vadd.s32 v22, v26;
	v26 =	vsel vm12, $0x1, v4  }
0x16e: {  	v27 =	vadd.s32 v27, v20;
	v22 =	vadd.s32 v34, v22;
	v26 =	vadd.s32 v33, v26  }
0x16f: {  	vm5 =	vgt.u32 v24, $0x1;
	vm4 =	vgt.u32 v22, $0x1;
	v23 =	vadd.s32 v23, v26  }
0x170: {  	v24 =	vsel vm1, $0x1, v4;
	v20 =	vsel vm9, $0x2, v6;
	v22 =	vsel vm9, $0x1, v4  }
0x171: {  	vm1 =	vmneg vm1;
	v20 =	vadd.s32 v20, v25;
	v25 =	vsel vm11, $0x2, v6  }
.Ltmp4:
0x172: {  	v33 =	vsel vm6, $0x1, v4;
	v26 =	vsel vm1, $0x1, v4;
	vm6 =	vgt.u32 v23, $0x1;
	(pc) =	sbr.rel @p0 .LBB2_7-.Ltmp4, $4  }
0x173: {  	v27 =	vadd.s32 v33, v27;
	v23 =	vadd.s32 v26, v28;
	v26 =	vadd.s32 v30, v32  }
0x174: {  	v28 =	vadd.s32 v29, v23;
	v23 =	vsel vm2, $0xFFFFFFFF, v4;
	v25 =	vadd.s32 v25, v26  }
0x175: {  	v24 =	vadd.s32 v24, v31;
	vm1 =	vgt.u32 v28, $0x1;
	vm2 =	vgt.u32 v25, $0x1;
	[tilespmem:v0+s7+$0xFFFFFDC0] =	vst.idx.msk vm5, v7  }
0x176: {  	v26 =	vsel vm10, $0x1, v4;
	v25 =	vsel vm7, $0x1, v4;
	vm5 =	vgt.u32 v27, $0x1;
	s7 =	sadd.s32 $0x400, s7;
	[tilespmem:v1+s0+$0xFFFFFDC0] =	vst.idx.msk vm8, v7  }
0x177: {  	v19 =	vadd.s32 v19, v26  }
0x178: {  	vm7 =	vgt.f32 v16, v13;
	v19 =	vadd.s32 v25, v19  }
0x179: {  	v13 =	vsel vm7, $0x1, v4;
	vm8 =	vgt.u32 v19, $0x1  }
0x17a: {  	vm9 =	vgt.f32 v11, v16;
	vm7 =	vmneg vm7;
	v11 =	vadd.s32 v13, v14  }
0x17b: {  	v13 =	vsel vm9, $0x1, v4;
	v14 =	vsel vm7, $0x1, v4;
	v11 =	vadd.s32 v12, v11  }
0x17c: {  	[tilespmem:v2+s0+$0xFFFFFDC0] =	vst.idx.msk vm3, v7;
	v12 =	vadd.s32 v14, v13;
	vm3 =	vgt.u32 v11, $0x1;
	v11 =	vadd.s32 v22, v24  }
0x17d: {  	[tilespmem:v0+s0+$0x0] =	vst.idx.msk vm6, v7;
	v13 =	vsel vm9, $0xFFFFFFFF, v4;
	v12 =	vadd.s32 v15, v12;
	vm6 =	vgt.u32 v11, $0x1  }
0x17e: {  	[tilespmem:v3+s0+$0xFFFFFDC0] =	vst.idx.msk vm4, v7;
	v10 =	vadd.s32 v13, v10;
	vm4 =	vgt.u32 v12, $0x1  }
0x17f: {  	v11 =	vadd.s32 v21, v18;
	v12 =	vsel vm0, $0xFFFFFFFF, v4;
	v8 =	vadd.s32 v8, v10;
	[tilespmem:v1+s0+$0x0] =	vst.idx.msk vm8, v7  }
0x180: {  	v10 =	vadd.s32 v17, v11;
	v11 =	vadd.s32 v23, v12;
	vm0 =	vgt.u32 v8, $0x1;
	[tilespmem:v2+s0+$0x0] =	vst.idx.msk vm5, v7  }
0x181: {  	v8 =	vadd.s32 v9, v11;
	vm5 =	vgt.u32 v10, $0x1;
	[tilespmem:v3+s0+$0x0] =	vst.idx.msk vm2, v7  }
0x182: {  	vm2 =	vgt.u32 v8, $0x1;
	[tilespmem:v0+s0+$0xFFFFFFC0] =	vst.idx.msk vm3, v7  }
0x183: {  	vm3 =	vgt.u32 v20, $0x1;
	[tilespmem:v0+s0+$0xFFFFFE00] =	vst.idx.msk vm6, v7  }
0x184: {  	[tilespmem:v1+s0+$0xFFFFFFC0] =	vst.idx.msk vm4, v7  }
0x185: {  	[tilespmem:v1+s0+$0xFFFFFE00] =	vst.idx.msk vm1, v7  }
0x186: {  	[tilespmem:v2+s0+$0xFFFFFFC0] =	vst.idx.msk vm0, v7  }
0x187: {  	[tilespmem:v2+s0+$0xFFFFFE00] =	vst.idx.msk vm5, v7  }
0x188: {  	[tilespmem:v3+s0+$0xFFFFFFC0] =	vst.idx.msk vm2, v7  }
0x189: {  	[tilespmem:v3+s0+$0xFFFFFE00] =	vst.idx.msk vm3, v7  }
0x18a: {  	v8 =	vld.idx.msk [tilespmem:v0+s1+$0xFFFFFDC0], $0xffff  }
0x18b: {  	v9 =	vld.idx.msk [tilespmem:v3+s1+$0xFFFFFFC0], $0xffff  }
0x18c: {  	v10 =	vld.idx.msk [tilespmem:v3+s1+$0xFFFFFE00], $0xffff  }
0x18d: {  	v11 =	vld.idx.msk [tilespmem:v3+s1+$0xFFFFFDC0], $0xffff  }
0x18e: {  	v12 =	vld.idx.msk [tilespmem:v2+s1+$0x0], $0xffff  }
0x18f: {  	v13 =	vld.idx.msk [tilespmem:v2+s1+$0xFFFFFDC0], $0xffff  }
0x190: {  	v14 =	vld.idx.msk [tilespmem:v2+s1+$0xFFFFFE00], $0xffff  }
0x191: {  	v15 =	vld.idx.msk [tilespmem:v2+s1+$0xFFFFFFC0], $0xffff  }
0x192: {  	v16 =	vld.idx.msk [tilespmem:v1+s1+$0xFFFFFE00], $0xffff  }
0x193: {  	v17 =	vld.idx.msk [tilespmem:v0+s1+$0xFFFFFFC0], $0xffff  }
0x194: {  	v18 =	vld.idx.msk [tilespmem:v0+s1+$0xFFFFFE00], $0xffff  }
0x195: {  	v32 =	vld.idx.msk [tilespmem:v0+s1+$0x0], $0xffff  }
0x196: {  	v19 =	vand.u32 $0x7FFFFFFF, v8  }
0x197: {  	v20 =	vand.u32 $0x7FFFFFFF, v9;
	v21 =	vand.u32 $0x7FFFFFFF, v11;
	v22 =	vand.u32 $0x7FFFFFFF, v10  }
0x198: {  	v23 =	vand.u32 $0x7FFFFFFF, v12;
	v15 =	vand.u32 $0x7FFFFFFF, v15;
	v14 =	vand.u32 $0x7FFFFFFF, v14  }
0x199: {  	v16 =	vand.u32 $0x7FFFFFFF, v16;
	v47 =	vand.u32 $0x7FFFFFFF, v13;
	v13 =	vand.u32 $0x7FFFFFFF, v17  }
0x19a: {  	v49 =	vand.u32 $0x7FFFFFFF, v18;
	v32 =	vand.u32 $0x7FFFFFFF, v32;
	vm2 =	vgt.f32 v20, v15  }
0x19b: {  	vm5 =	vgt.f32 v22, v16;
	vm0 =	vgt.f32 v22, v14;
	vm7 =	vgt.f32 v16, v49  }
0x19c: {  	v8 =	vld.idx.msk [tilespmem:v1+s1+$0xFFFFFFC0], $0xffff;
	vm1 =	vgt.f32 v20, v13;
	vm3 =	vgt.f32 v21, v47;
	vm10 =	vgt.f32 v47, v19  }
0x19d: {  	v9 =	vld.idx.msk [tilespmem:v1+s1+$0xFFFFFDC0], $0xffff;
	vm13 =	vgt.f32 v14, v16;
	vm11 =	vgt.f32 v14, v49;
	v17 =	vsel vm5, $0xFFFFFFFF, v4  }
0x19e: {  	v48 =	vsel vm2, $0xFFFFFFFF, v4;
	v18 =	vsel vm0, $0xFFFFFFFF, v4;
	v10 =	vsel vm1, $0x1, v4  }
0x19f: {  	vm6 =	vmneg vm7;
	v12 =	vsel vm10, $0x1, v5;
	v30 =	vsel vm10, $0x1, v4  }
0x1a0: {  	v16 =	vld.idx.msk [tilespmem:v1+s1+$0x0], $0xffff;
	v31 =	vsel vm1, $0x2, v6;
	v50 =	vsel vm7, $0x1, v4;
	v34 =	vsel vm5, $0x1, v4  }
0x1a1: {  	v35 =	vsel vm2, $0x1, v4;
	v62 =	vsel vm3, $0xFFFFFFFF, v4;
	v36 =	vsel vm6, $0x1, v4  }
0x1a2: {  	vm6 =	vgt.f32 v23, v32;
	v27 =	vand.u32 $0x7FFFFFFF, v8;
	v28 =	vand.u32 $0x7FFFFFFF, v9  }
0x1a3: {  	v8 =	vsel vm0, $0x1, v4;
	v9 =	vsel vm3, $0x1, v4;
	vm0 =	vgt.f32 v15, v13  }
0x1a4: {  	vm8 =	vgt.f32 v28, v19;
	vm1 =	vgt.f32 v27, v13;
	vm7 =	vgt.f32 v21, v28  }
0x1a5: {  	v51 =	vand.u32 $0x7FFFFFFF, v16;
	v13 =	vsel vm13, $0xFFFFFFFF, v4;
	vm9 =	vgt.f32 v20, v27  }
0x1a6: {  	v20 =	vsel vm13, $0x1, v4;
	v55 =	vsel vm0, $0x1, v5;
	vm4 =	vmneg vm8  }
0x1a7: {  	vm12 =	vgt.f32 v23, v51;
	vm5 =	vgt.f32 v51, v32;
	v57 =	vadd.s32 v36, v20  }
0x1a8: {  	v60 =	vsel vm7, $0xFFFFFFFF, v4;
	v11 =	vsel vm4, $0x1, v4;
	vm4 =	vgt.f32 v21, v19  }
0x1a9: {  	v29 =	vld.idx.msk [tilespmem:v3+s1+$0x0], $0xffff;
	v19 =	vsel vm8, $0x1, v4;
	v53 =	vsel vm5, $0x1, v4;
	vm2 =	vmneg vm5  }
0x1aa: {  	v21 =	vsel vm6, $0x1, v5;
	v56 =	vsel vm12, $0x1, v4;
	v24 =	vadd.s32 v34, v57  }
0x1ab: {  	v33 =	vsel vm4, $0x1, v4;
	v19 =	vadd.s32 v19, v30;
	v54 =	vsel vm2, $0x1, v4  }
0x1ac: {  	vm2 =	vgt.f32 v15, v27;
	v15 =	vadd.s32 v18, v17;
	v18 =	vsel vm9, $0xFFFFFFFF, v4  }
0x1ad: {  	v17 =	vimm.s32 $0x0;
	v63 =	vsel vm4, $0x2, v6;
	v14 =	vadd.s32 v33, v19  }
0x1ae: {  	v19 =	vand.u32 $0x7FFFFFFF, v29;
	v17 =	vsel vm1, $0xFFFFFFFF, v17;
	v25 =	vadd.s32 v48, v18  }
0x1af: {  	v18 =	vsel vm12, $0xFFFFFFFF, v4;
	vm12 =	vmmov vm11;
	vm11 =	vmmov vm2  }
0x1b0: {  	vm8 =	vgt.u32 v14, $0x1;
	v14 =	vsel vm0, $0x1, v4;
	vm10 =	vgt.f32 v19, v23  }
0x1b1: {  	v23 =	vsel vm6, $0x1, v4;
	vm5 =	vgt.f32 v19, v51;
	vm0 =	vgt.f32 v19, v32  }
0x1b2: {  	[tilespmem:$0x1FFC0] =	vst v17;
	v17 =	vsel vm1, $0x1, v4;
	vm6 =	vgt.f32 v22, v49;
	v22 =	vsel vm12, $0x1, v4  }
0x1b3: {  	v16 =	vsel vm10, $0x1, v4;
	v52 =	vsel vm10, $0xFFFFFFFF, v4;
	vm10 =	vgt.f32 v47, v28  }
0x1b4: {  	v19 =	vadd.s32 v53, v23;
	v23 =	vsel vm2, $0xFFFFFFFF, v4;
	v20 =	vsel vm0, $0x1, v4  }
0x1b5: {  	v58 =	vsel vm0, $0x2, v6;
	v59 =	vsel vm5, $0x1, v4;
	v28 =	vadd.s32 v54, v56  }
0x1b6: {  	v61 =	vsel vm5, $0xFFFFFFFF, v4;
	v23 =	vadd.s32 v23, v55;
	v27 =	vadd.s32 v59, v28  }
0x1b7: {  	v32 =	vadd.s32 v52, v61;
	v28 =	vadd.s32 v62, v60;
	vm3 =	vgt.u32 v27, $0x1  }
0x1b8: {  	v26 =	vadd.s32 v58, v32;
	v27 =	vadd.s32 v63, v28;
	v23 =	vadd.s32 v35, v23  }
0x1b9: {  	vm13 =	vgt.u32 v26, $0x1;
	vm2 =	vgt.u32 v27, $0x1;
	vm4 =	vgt.u32 v23, $0x1  }
0x1ba: {  	s7 =	simm.s32 $0x7C0;
	s0 =	simm.s32 $0x0;
	v23 =	vadd.s32 v50, v22;
	v22 =	vadd.s32 v31, v25;
	[tilespmem:v0+s1+$0xFFFFFDC0] =	vst.idx.msk vm8, v7;
	vm8 =	vgt.u32 v24, $0x1  }
.LBB2_9:
0x1bb: {  	v25 =	vsel vm10, $0x1, v4  }
0x1bc: {  	v24 =	vld.idx.msk [tilespmem:v0+s7+$0xFFFFFDC0], $0xffff;
	v26 =	vsel vm6, $0x2, v6;
	v18 =	vadd.s32 v18, v21;
	v27 =	vsel vm12, $0x1, v5  }
0x1bd: {  	v21 =	vld.idx.msk [tilespmem:v3+s7+$0xFFFFFFC0], $0xffff;
	v14 =	vadd.s32 v17, v14;
	v17 =	vsel vm7, $0x1, v4;
	v15 =	vadd.s32 v26, v15  }
0x1be: {  	v16 =	vadd.s32 v16, v18;
	v18 =	vld.idx.msk [tilespmem:v3+s7+$0xFFFFFE00], $0xffff;
	v13 =	vadd.s32 v13, v27;
	v10 =	vadd.s32 v10, v14  }
0x1bf: {  	v14 =	vsel vm10, $0xFFFFFFFF, v4;
	vm1 =	vgt.u32 v16, $0x1;
	v16 =	vld.idx.msk [tilespmem:v3+s7+$0xFFFFFDC0], $0xffff;
	v8 =	vadd.s32 v8, v13  }
0x1c0: {  	v13 =	vld.idx.msk [tilespmem:v2+s7+$0x0], $0xffff;
	vm14 =	vgt.u32 v10, $0x1;
	v12 =	vadd.s32 v14, v12;
	v14 =	vadd.s32 v20, v19  }
0x1c1: {  	v10 =	vld.idx.msk [tilespmem:v2+s7+$0xFFFFFDC0], $0xffff;
	vm0 =	vgt.u32 v15, $0x1;
	vm12 =	vgt.u32 v14, $0x1;
	v14 =	vimm.s32 $0x0  }
0x1c2: {  	vm7 =	vmmov vm4;
	v11 =	vadd.s32 v11, v25;
	v15 =	vld.idx.msk [tilespmem:v0+s7+$0xFFFFFE00], $0xffff;
	v14 =	vsel vm0, $0xFFFFFFFF, v14  }
0x1c3: {  	vm4 =	vmmov vm13;
	v11 =	vadd.s32 v17, v11;
	v9 =	vadd.s32 v9, v12;
	[tilespmem:$0x1FF90] =	vst v14;
	v14 =	vld [tilespmem:$0x1FFC0]  }
0x1c4: {  	vm15 =	vgt.u32 v11, $0x1;
	vm10 =	vgt.u32 v8, $0x1;
	v8 =	vsel vm9, $0x1, v4;
	v12 =	vld.idx.msk [tilespmem:v0+s7+$0xFFFFFFC0], $0xffff  }
0x1c5: {  	v19 =	vld.idx.msk [tilespmem:v2+s7+$0xFFFFFE00], $0xffff;
	vm9 =	vgt.u32 v22, $0x1;
	v20 =	vand.u32 $0x7FFFFFFF, v21;
	v21 =	vsel vm6, $0x1, v4  }
0x1c6: {  	vm13 =	vgt.u32 v9, $0x1;
	v17 =	vand.u32 $0x7FFFFFFF, v24;
	v21 =	vadd.s32 v21, v23;
	v23 =	vld.idx.msk [tilespmem:v1+s7+$0xFFFFFDC0], $0xffff  }
0x1c7: {  	v11 =	vld.idx.msk [tilespmem:v2+s7+$0xFFFFFFC0], $0xffff;
	v46 =	vand.u32 $0x7FFFFFFF, v18;
	v16 =	vand.u32 $0x7FFFFFFF, v16;
	v47 =	vand.u32 $0x7FFFFFFF, v13  }
0x1c8: {  	v9 =	vld.idx.msk [tilespmem:v1+s7+$0xFFFFFE00], $0xffff;
	v29 =	vand.u32 $0x7FFFFFFF, v15;
	[tilespmem:v0+s1+$0xFFFFFFC0] =	vst.idx.msk vm14, v7;
	vm14 =	vgt.u32 v21, $0x1;
	vm0 =	vnez.u8 v14  }
0x1c9: {  	v48 =	vand.u32 $0x7FFFFFFF, v12;
	v12 =	vimm.s32 $0x0;
	v18 =	vld.idx.msk [tilespmem:v1+s7+$0xFFFFFFC0], $0xffff;
	vm0 =	vmneg vm0  }
0x1ca: {  	[tilespmem:v1+s1+$0xFFFFFDC0] =	vst.idx.msk vm15, v7;
	vm15 =	vgt.f32 v20, v48;
	v14 =	vsel vm11, $0x1, v4;
	v22 =	vsel vm0, $0x1, v4  }
0x1cb: {  	v21 =	vld.idx.msk [tilespmem:v0+s7+$0x0], $0xffff;
	[tilespmem:v0+s1+$0x0] =	vst.idx.msk vm12, v7;
	v32 =	vsel vm15, $0x2, v6;
	v23 =	vand.u32 $0x7FFFFFFF, v23;
	v13 =	vadd.s32 v22, v14  }
0x1cc: {  	[tilespmem:v2+s1+$0xFFFFFDC0] =	vst.idx.msk vm13, v7;
	v14 =	vand.u32 $0x7FFFFFFF, v19;
	v19 =	vand.u32 $0x7FFFFFFF, v11;
	v22 =	vand.u32 $0x7FFFFFFF, v10  }
0x1cd: {  	[tilespmem:v1+s1+$0x0] =	vst.idx.msk vm3, v7;
	v10 =	vsel vm15, $0x1, v4;
	v8 =	vadd.s32 v8, v13;
	v13 =	vand.u32 $0x7FFFFFFF, v9  }
0x1ce: {  	vm6 =	vgt.f32 v20, v19;
	vm13 =	vgt.f32 v46, v14;
	v18 =	vand.u32 $0x7FFFFFFF, v18;
	[tilespmem:v0+s1+$0xFFFFFE00] =	vst.idx.msk vm14, v7  }
0x1cf: {  	vm14 =	vgt.f32 v23, v17;
	vm11 =	vgt.f32 v16, v22;
	vm3 =	vgt.f32 v22, v17  }
0x1d0: {  	vm12 =	vgt.f32 v14, v29;
	vm0 =	vgt.u32 v8, $0x1;
	vm5 =	vgt.f32 v46, v13  }
0x1d1: {  	[tilespmem:v3+s1+$0xFFFFFDC0] =	vst.idx.msk vm2, v7;
	v28 =	vsel vm6, $0xFFFFFFFF, v4;
	v15 =	vsel vm13, $0xFFFFFFFF, v4;
	vm2 =	vgt.f32 v13, v29  }
0x1d2: {  	[tilespmem:v2+s1+$0x0] =	vst.idx.msk vm1, v7;
	v8 =	vimm.s32 $0x0;
	vm1 =	vmneg vm14;
	v9 =	vsel vm11, $0x1, v4  }
0x1d3: {  	[tilespmem:v1+s1+$0xFFFFFE00] =	vst.idx.msk vm8, v7;
	vm8 =	vgt.f32 v16, v17;
	v17 =	vsel vm3, $0x1, v4;
	v53 =	vsel vm12, $0x1, v4  }
0x1d4: {  	v30 =	vld.idx.msk [tilespmem:v3+s7+$0x0], $0xffff;
	v54 =	vsel vm6, $0x1, v4;
	vm6 =	vgt.f32 v46, v29;
	v49 =	vsel vm5, $0xFFFFFFFF, v4  }
0x1d5: {  	v31 =	vld.idx.msk [tilespmem:v1+s7+$0x0], $0xffff;
	v8 =	vsel vm11, $0xFFFFFFFF, v8;
	v11 =	vsel vm1, $0x1, v4;
	vm1 =	vmneg vm2  }
0x1d6: {  	v33 =	vsel vm8, $0x1, v4;
	[tilespmem:v2+s1+$0xFFFFFE00] =	vst.idx.msk vm10, v7;
	v50 =	vsel vm2, $0x1, v4;
	vm10 =	vgt.f32 v22, v23  }
0x1d7: {  	vm11 =	vgt.f32 v19, v18;
	v52 =	vsel vm5, $0x1, v4;
	v63 =	vsel vm8, $0x2, v6  }
0x1d8: {  	[tilespmem:$0x1FFB0] =	vst v8;
	v8 =	vsel vm13, $0x1, v4;
	vm13 =	vgt.f32 v14, v13;
	v13 =	vsel vm14, $0x1, v4  }
0x1d9: {  	v12 =	vsel vm1, $0xFFFFFFFF, v12;
	vm1 =	vgt.f32 v18, v48;
	v13 =	vadd.s32 v13, v17  }
0x1da: {  	v51 =	vand.u32 $0x7FFFFFFF, v31;
	v30 =	vand.u32 $0x7FFFFFFF, v30;
	v13 =	vadd.s32 v33, v13  }
0x1db: {  	v15 =	vadd.s32 v15, v49;
	v57 =	vsel vm11, $0xFFFFFFFF, v4;
	vm15 =	vgt.u32 v13, $0x1;
	v13 =	vld [tilespmem:$0x1FF90]  }
0x1dc: {  	[tilespmem:$0x1FFA0] =	vst v12;
	v12 =	vsel vm3, $0x1, v5;
	vm3 =	vgt.f32 v19, v48;
	vm14 =	vgt.f32 v47, v51  }
0x1dd: {  	[tilespmem:v3+s1+$0x0] =	vst.idx.msk vm4, v7;
	v17 =	vsel vm1, $0x1, v4;
	vm4 =	vgt.f32 v30, v51;
	v19 =	vand.u32 $0x7FFFFFFF, v21  }
0x1de: {  	v56 =	vsel vm13, $0x1, v4;
	v14 =	vsel vm3, $0x1, v4;
	vm2 =	vgt.f32 v47, v19  }
0x1df: {  	v58 =	vsel vm3, $0x1, v5;
	v59 =	vsel vm14, $0x1, v4;
	v60 =	vsel vm4, $0x1, v4;
	[tilespmem:v1+s1+$0xFFFFFFC0] =	vst.idx.msk vm0, v7  }
0x1e0: {  	v35 =	vsel vm4, $0xFFFFFFFF, v4;
	v29 =	vadd.s32 v57, v58;
	[tilespmem:v2+s1+$0xFFFFFFC0] =	vst.idx.msk vm7, v7;
	vm0 =	vnez.u8 v13  }
0x1e1: {  	v21 =	vsel vm2, $0x1, v4;
	v27 =	vadd.s32 v54, v29;
	[tilespmem:v3+s1+$0xFFFFFFC0] =	vst.idx.msk vm9, v7;
	vm9 =	vgt.f32 v20, v18  }
0x1e2: {  	vm7 =	vgt.f32 v16, v23;
	v16 =	vimm.s32 $0x0;
	v20 =	vsel vm9, $0xFFFFFFFF, v4  }
0x1e3: {  	vm4 =	vgt.u32 v27, $0x1;
	v16 =	vsel vm1, $0xFFFFFFFF, v16;
	v22 =	vadd.s32 v28, v20;
	v20 =	vld [tilespmem:$0x1FFA0]  }
0x1e4: {  	vm1 =	vgt.f32 v51, v19;
	v18 =	vsel vm14, $0xFFFFFFFF, v4;
	v61 =	vsel vm7, $0xFFFFFFFF, v4  }
0x1e5: {  	v62 =	vld [tilespmem:$0x1FFB0];
	[tilespmem:v0+s7+$0xFFFFFDC0] =	vst.idx.msk vm15, v7;
	vm15 =	vgt.f32 v30, v19;
	v19 =	vsel vm1, $0x1, v4;
	v22 =	vadd.s32 v32, v22  }
0x1e6: {  	v13 =	vsel vm13, $0xFFFFFFFF, v4;
	v19 =	vadd.s32 v19, v21;
	[tilespmem:v3+s1+$0xFFFFFE00] =	vst.idx.msk vm0, v7;
	vm0 =	vgt.f32 v30, v47  }
0x1e7: {  	[tilespmem:$0x1FFC0] =	vst v16;
	v16 =	vsel vm0, $0x1, v4;
	v23 =	vsel vm0, $0xFFFFFFFF, v4;
	vm0 =	vmneg vm1  }
0x1e8: {  	s0 =	sadd.s32 $0x100, s0;
	v21 =	vsel vm2, $0x1, v5;
	v55 =	vsel vm0, $0x1, v4;
	vm0 =	vnez.u8 v20  }
0x1e9: {  	p0 =	slt.u32 s0, $0xF00;
	v34 =	vsel vm15, $0x2, v6;
	v23 =	vadd.s32 v23, v35;
	v20 =	vsel vm0, $0x1, v4  }
.Ltmp5:
0x1ea: {  	v28 =	vadd.s32 v55, v59;
	vm0 =	vnez.u8 v62;
	v23 =	vadd.s32 v34, v23;
	(pc) =	sbr.rel @p0 .LBB2_9-.Ltmp5, $4  }
0x1eb: {  	v24 =	vadd.s32 v20, v56;
	v20 =	vsel vm15, $0x1, v4;
	v30 =	vsel vm0, $0xFFFFFFFF, v4  }
0x1ec: {  	v28 =	vadd.s32 v60, v28;
	vm13 =	vgt.u32 v23, $0x1;
	v30 =	vadd.s32 v30, v61  }
0x1ed: {  	vm3 =	vgt.u32 v28, $0x1;
	v24 =	vadd.s32 v52, v24;
	v28 =	vadd.s32 v63, v30  }
0x1ee: {  	s1 =	smov.u32 s7;
	s7 =	sadd.s32 $0x400, s7;
	v23 =	vadd.s32 v50, v53;
	vm8 =	vgt.u32 v24, $0x1;
	vm2 =	vgt.u32 v28, $0x1  }
0x1ef: {  	v24 =	vsel vm10, $0x1, v4;
	v14 =	vadd.s32 v17, v14;
	v17 =	vsel vm7, $0x1, v4  }
0x1f0: {  	v10 =	vadd.s32 v10, v14;
	v11 =	vadd.s32 v11, v24;
	v14 =	vsel vm10, $0xFFFFFFFF, v4  }
0x1f1: {  	vm0 =	vgt.u32 v10, $0x1;
	v10 =	vadd.s32 v17, v11;
	v11 =	vadd.s32 v14, v12  }
0x1f2: {  	v9 =	vadd.s32 v9, v11;
	v11 =	vld [tilespmem:$0x1FFC0]  }
0x1f3: {  	v12 =	vadd.s32 v20, v19;
	vm1 =	vgt.u32 v10, $0x1  }
0x1f4: {  	vm5 =	vgt.u32 v12, $0x1  }
0x1f5: {  	vm7 =	vgt.u32 v9, $0x1  }
0x1f6: {  	v9 =	vadd.s32 v18, v21  }
0x1f7: {  	v10 =	vsel vm6, $0x1, v4;
	v9 =	vadd.s32 v16, v9;
	vm14 =	vnez.u8 v11  }
0x1f8: {  	v10 =	vadd.s32 v10, v23;
	vm15 =	vgt.u32 v9, $0x1;
	[tilespmem:v0+s1+$0xFFFFFFC0] =	vst.idx.msk vm0, v7;
	vm10 =	vmneg vm14  }
0x1f9: {  	v11 =	vsel vm11, $0x1, v4;
	vm0 =	vgt.u32 v10, $0x1;
	[tilespmem:v1+s1+$0xFFFFFDC0] =	vst.idx.msk vm1, v7;
	v12 =	vsel vm10, $0x1, v4  }
0x1fa: {  	v9 =	vsel vm9, $0x1, v4;
	[tilespmem:v0+s1+$0x0] =	vst.idx.msk vm5, v7;
	v10 =	vadd.s32 v12, v11  }
0x1fb: {  	[tilespmem:v2+s1+$0xFFFFFDC0] =	vst.idx.msk vm7, v7;
	v9 =	vadd.s32 v9, v10;
	v10 =	vsel vm12, $0x1, v5  }
0x1fc: {  	[tilespmem:v1+s1+$0x0] =	vst.idx.msk vm3, v7;
	vm1 =	vgt.u32 v9, $0x1;
	v9 =	vadd.s32 v13, v10  }
0x1fd: {  	[tilespmem:v3+s1+$0xFFFFFDC0] =	vst.idx.msk vm2, v7;
	v8 =	vadd.s32 v8, v9  }
0x1fe: {  	[tilespmem:v2+s1+$0x0] =	vst.idx.msk vm15, v7;
	v9 =	vsel vm6, $0x2, v6;
	vm2 =	vgt.u32 v8, $0x1  }
0x1ff: {  	[tilespmem:v0+s1+$0xFFFFFE00] =	vst.idx.msk vm0, v7;
	vm0 =	vgt.u32 v22, $0x1;
	v8 =	vadd.s32 v9, v15  }
0x200: {  	[tilespmem:v3+s1+$0x0] =	vst.idx.msk vm13, v7;
	vm3 =	vgt.u32 v8, $0x1  }
0x201: {  	[tilespmem:v1+s1+$0xFFFFFE00] =	vst.idx.msk vm8, v7  }
0x202: {  	[tilespmem:v1+s1+$0xFFFFFFC0] =	vst.idx.msk vm1, v7  }
0x203: {  	s0 =	sshll.u32 s31, $0x10;
	[tilespmem:v2+s1+$0xFFFFFFC0] =	vst.idx.msk vm4, v7  }
0x204: {  	s0 =	sadd.s32 s9, s0;
	[tilespmem:v2+s1+$0xFFFFFE00] =	vst.idx.msk vm2, v7  }
0x205: {  	s0 =	sshrl.u32 s0, $0x3;
	[tilespmem:v3+s1+$0xFFFFFFC0] =	vst.idx.msk vm0, v7  }
0x206: {  	s0 =	sadd.s32 s3, s0;
	[tilespmem:v3+s1+$0xFFFFFE00] =	vst.idx.msk vm3, v7  }
0x207: {  	[hbm4b:s0+s16] =	stream.strided.scatter [tilespmem:s4], [sflag:$0x5], $0x4000, s17, s16, $0x38;
	[tilespmem:$0x10000] =	vst v63  }
0x208: {  	p0 =	seq.s32 s31, $0x0;
	s0 =	sshll.u32 s31, $0x4  }
0x209: {  	s1 =	sadd.s32 @!p0 s0, s10  }
0x20a: {  	s7 =	simm.s32 @!p0 $0x7;
	s1 =	sshll.u32 @!p0 s1, $0x9  }
0x20b: {  	_ =	swait.ge @!p0 [sflag:s7], $0x4000;
	s1 =	sand.u32 @!p0 $0x1FFFF000, s1  }
0x20c: {  	[sflag:s7] =	ssyncset.done @!p0 $0x0;
	s8 =	sadd.s32 @!p0 s2, s1  }
0x20d: {  	[sflag:s7] =	ssyncadd.s32 @!p0 $0xFFFFC000;
	s8 =	smov.u32 @p0 s11  }
0x20e: {  	[tilespmem:s20], [sflag:$0x3] =	stream.strided.gather [hbm4b:s8+s16], $0x4000, s17, s16, $0x38;
	[tilespmem:$0x10000] =	vst v63  }
0x20f: {  	_ =	swait.ge [sflag:s21], $0x4000  }
0x210: {  	[sflag:s21] =	ssyncset.done $0x0  }
0x211: {  	s8 =	simm.s32 $0x4240;
	[sflag:s21] =	ssyncadd.s32 $0xFFFFC000  }
0x212: {  	v8 =	vld.idx.msk [tilespmem:v0+s8+$0xFFFFFDC0], $0xffff  }
0x213: {  	v9 =	vld.idx.msk [tilespmem:v3+s8+$0xFFFFFE00], $0xffff  }
0x214: {  	v10 =	vld.idx.msk [tilespmem:v3+s8+$0xFFFFFFC0], $0xffff  }
0x215: {  	v11 =	vld.idx.msk [tilespmem:v2+s8+$0xFFFFFFC0], $0xffff  }
0x216: {  	v12 =	vld.idx.msk [tilespmem:v0+s8+$0xFFFFFFC0], $0xffff  }
0x217: {  	v15 =	vld.idx.msk [tilespmem:v2+s8+$0xFFFFFE00], $0xffff  }
0x218: {  	v18 =	vld.idx.msk [tilespmem:v1+s8+$0xFFFFFE00], $0xffff  }
0x219: {  	v16 =	vld.idx.msk [tilespmem:v1+s8+$0xFFFFFFC0], $0xffff  }
0x21a: {  	v20 =	vld.idx.msk [tilespmem:v0+s8+$0xFFFFFE00], $0xffff  }
0x21b: {  	v23 =	vld.idx.msk [tilespmem:v3+s8+$0xFFFFFDC0], $0xffff  }
0x21c: {  	v24 =	vld.idx.msk [tilespmem:v2+s8+$0xFFFFFDC0], $0xffff  }
0x21d: {  	v27 =	vld.idx.msk [tilespmem:v0+s8+$0x0], $0xffff  }
0x21e: {  	v25 =	vld.idx.msk [tilespmem:v1+s8+$0x0], $0xffff  }
0x21f: {  	v19 =	vand.u32 $0x7FFFFFFF, v8;
	v21 =	vand.u32 $0x7FFFFFFF, v10;
	v11 =	vand.u32 $0x7FFFFFFF, v11  }
0x220: {  	v22 =	vand.u32 $0x7FFFFFFF, v9;
	v13 =	vand.u32 $0x7FFFFFFF, v12;
	v26 =	vand.u32 $0x7FFFFFFF, v15  }
0x221: {  	v16 =	vand.u32 $0x7FFFFFFF, v16;
	v20 =	vand.u32 $0x7FFFFFFF, v20;
	v28 =	vand.u32 $0x7FFFFFFF, v18  }
0x222: {  	v18 =	vand.u32 $0x7FFFFFFF, v23;
	v23 =	vand.u32 $0x7FFFFFFF, v24;
	v27 =	vand.u32 $0x7FFFFFFF, v27  }
0x223: {  	v25 =	vand.u32 $0x7FFFFFFF, v25;
	vm1 =	vgt.f32 v21, v11;
	vm0 =	vgt.f32 v11, v13  }
0x224: {  	v17 =	vld.idx.msk [tilespmem:v1+s8+$0xFFFFFDC0], $0xffff;
	vm2 =	vgt.f32 v21, v13;
	vm3 =	vgt.f32 v22, v26;
	vm7 =	vgt.f32 v23, v19  }
0x225: {  	vm4 =	vgt.f32 v18, v23;
	vm5 =	vgt.f32 v18, v19;
	vm13 =	vgt.f32 v25, v27  }
0x226: {  	vm14 =	vgt.f32 v22, v28;
	vm9 =	vgt.f32 v22, v20;
	v8 =	vsel vm1, $0x1, v4  }
0x227: {  	v14 =	vsel vm0, $0x1, v4;
	v12 =	vsel vm2, $0x1, v4;
	v9 =	vsel vm2, $0x2, v6  }
0x228: {  	v10 =	vsel vm0, $0x1, v5;
	vm0 =	vgt.f32 v21, v16;
	vm2 =	vgt.f32 v28, v20  }
0x229: {  	v21 =	vand.u32 $0x7FFFFFFF, v17;
	v17 =	vsel vm3, $0x1, v4;
	v29 =	vsel vm3, $0xFFFFFFFF, v4  }
0x22a: {  	vm3 =	vgt.f32 v26, v20;
	v31 =	vsel vm7, $0x1, v5;
	v32 =	vsel vm13, $0x1, v4  }
0x22b: {  	v24 =	vld.idx.msk [tilespmem:v2+s8+$0x0], $0xffff;
	v35 =	vsel vm14, $0xFFFFFFFF, v4;
	v37 =	vsel vm7, $0x1, v4;
	v20 =	vsel vm5, $0x1, v4  }
0x22c: {  	v60 =	vsel vm5, $0x2, v6;
	v15 =	vsel vm0, $0x1, v4;
	vm6 =	vgt.f32 v18, v21  }
0x22d: {  	vm8 =	vgt.f32 v23, v21;
	v18 =	vsel vm3, $0x1, v5;
	v30 =	vsel vm3, $0x1, v4  }
0x22e: {  	v33 =	vld.idx.msk [tilespmem:v3+s8+$0x0], $0xffff;
	vm3 =	vmneg vm13;
	v29 =	vadd.s32 v29, v35;
	v23 =	vsel vm8, $0xFFFFFFFF, v4  }
0x22f: {  	v34 =	vsel vm8, $0x1, v4;
	vm8 =	vgt.f32 v21, v19;
	v21 =	vsel vm4, $0x1, v4  }
0x230: {  	v19 =	vsel vm3, $0x1, v4;
	v24 =	vand.u32 $0x7FFFFFFF, v24;
	v36 =	vsel vm8, $0x1, v4  }
0x231: {  	vm3 =	vmneg vm8;
	v22 =	vadd.s32 v23, v31;
	v23 =	vsel vm14, $0x1, v4  }
0x232: {  	v56 =	vadd.s32 v36, v37;
	v57 =	vsel vm3, $0x1, v4;
	vm3 =	vgt.f32 v26, v28  }
0x233: {  	v26 =	vand.u32 $0x7FFFFFFF, v33;
	v22 =	vadd.s32 v21, v22;
	v21 =	vsel vm6, $0x1, v4  }
0x234: {  	vm12 =	vgt.f32 v24, v27;
	vm15 =	vgt.f32 v24, v25;
	v28 =	vsel vm3, $0x1, v4  }
0x235: {  	vm7 =	vgt.f32 v26, v25;
	v31 =	vadd.s32 v57, v34;
	vm11 =	vgt.f32 v26, v27  }
0x236: {  	v20 =	vadd.s32 v20, v56;
	v25 =	vsel vm6, $0xFFFFFFFF, v4;
	vm6 =	vgt.f32 v26, v24  }
0x237: {  	v24 =	vsel vm12, $0x1, v5;
	v26 =	vsel vm4, $0xFFFFFFFF, v4;
	v27 =	vsel vm15, $0xFFFFFFFF, v4  }
0x238: {  	v31 =	vadd.s32 v21, v31;
	v21 =	vsel vm3, $0xFFFFFFFF, v4;
	v58 =	vsel vm7, $0xFFFFFFFF, v4  }
0x239: {  	vm3 =	vgt.u32 v22, $0x1;
	v22 =	vsel vm11, $0x1, v4;
	v59 =	vsel vm6, $0xFFFFFFFF, v4  }
0x23a: {  	v25 =	vadd.s32 v26, v25;
	v26 =	vsel vm12, $0x1, v4;
	v24 =	vadd.s32 v27, v24  }
0x23b: {  	vm5 =	vgt.u32 v20, $0x1;
	v20 =	vsel vm9, $0x2, v6;
	v27 =	vsel vm11, $0x2, v6  }
0x23c: {  	v62 =	vsel vm6, $0x1, v4;
	vm8 =	vgt.u32 v31, $0x1;
	v25 =	vadd.s32 v60, v25  }
0x23d: {  	v26 =	vadd.s32 v32, v26;
	v20 =	vadd.s32 v20, v29;
	v63 =	vadd.s32 v62, v24  }
0x23e: {  	v24 =	vadd.s32 v59, v58;
	vm4 =	vgt.u32 v25, $0x1;
	v25 =	vadd.s32 v22, v26  }
0x23f: {  	v26 =	vsel vm2, $0x1, v4;
	vm2 =	vmneg vm2;
	vm6 =	vgt.u32 v25, $0x1  }
0x240: {  	v22 =	vsel vm9, $0x1, v4;
	v27 =	vadd.s32 v27, v24;
	v61 =	vsel vm2, $0x1, v4  }
0x241: {  	v24 =	vadd.s32 v26, v30;
	vm2 =	vgt.u32 v27, $0x1;
	v25 =	vadd.s32 v61, v28  }
0x242: {  	v26 =	vsel vm15, $0x1, v4;
	v25 =	vadd.s32 v23, v25;
	v23 =	vsel vm1, $0xFFFFFFFF, v4;
	[tilespmem:v0+s8+$0xFFFFFDC0] =	vst.idx.msk vm5, v7  }
0x243: {  	s25 =	simm.s32 $0x4640;
	s7 =	simm.s32 $0x0;
	vm1 =	vgt.u32 v25, $0x1;
	v25 =	vsel vm7, $0x1, v4;
	vm5 =	vgt.u32 v63, $0x1;
	[tilespmem:v1+s8+$0xFFFFFDC0] =	vst.idx.msk vm8, v7  }
.LBB2_11:
0x244: {  	v27 =	vld.idx.msk [tilespmem:v0+s25+$0xFFFFFDC0], $0xffff;
	s7 =	sadd.s32 $0x100, s7;
	[tilespmem:v2+s8+$0xFFFFFDC0] =	vst.idx.msk vm3, v7;
	v18 =	vadd.s32 v21, v18;
	v19 =	vadd.s32 v19, v26;
	s15 =	simm.s32 $0x42C0  }
0x245: {  	v21 =	vld.idx.msk [tilespmem:v3+s25+$0xFFFFFE00], $0xffff;
	p1 =	slt.u32 s7, $0xF00;
	v17 =	vadd.s32 v17, v18;
	v18 =	vadd.s32 v25, v19;
	[tilespmem:v0+s8+$0x0] =	vst.idx.msk vm6, v7  }
0x246: {  	vm3 =	vgt.f32 v16, v13;
	vm7 =	vgt.f32 v11, v16;
	v19 =	vld.idx.msk [tilespmem:v1+s25+$0xFFFFFDC0], $0xffff;
	vm6 =	vgt.u32 v18, $0x1  }
0x247: {  	v11 =	vsel vm3, $0x1, v4;
	v13 =	vsel vm7, $0x1, v4;
	v18 =	vld.idx.msk [tilespmem:v2+s25+$0xFFFFFDC0], $0xffff;
	[tilespmem:v3+s8+$0xFFFFFDC0] =	vst.idx.msk vm4, v7;
	vm4 =	vmneg vm3  }
0x248: {  	v11 =	vadd.s32 v11, v14;
	vm3 =	vgt.u32 v17, $0x1;
	v16 =	vld.idx.msk [tilespmem:v3+s25+$0xFFFFFFC0], $0xffff;
	v14 =	vsel vm4, $0x1, v4  }
0x249: {  	v25 =	vsel vm0, $0xFFFFFFFF, v4;
	v11 =	vadd.s32 v12, v11;
	v17 =	vld.idx.msk [tilespmem:v2+s25+$0xFFFFFFC0], $0xffff;
	v12 =	vadd.s32 v14, v13  }
0x24a: {  	vm9 =	vgt.u32 v11, $0x1;
	v26 =	vand.u32 $0x7FFFFFFF, v27;
	v13 =	vld.idx.msk [tilespmem:v0+s25+$0xFFFFFFC0], $0xffff;
	v12 =	vadd.s32 v15, v12  }
0x24b: {  	v11 =	vadd.s32 v22, v24;
	v14 =	vsel vm7, $0xFFFFFFFF, v4;
	v15 =	vld.idx.msk [tilespmem:v2+s25+$0xFFFFFE00], $0xffff;
	vm0 =	vgt.u32 v12, $0x1  }
0x24c: {  	vm8 =	vgt.u32 v11, $0x1;
	v11 =	vadd.s32 v23, v25;
	v10 =	vadd.s32 v14, v10;
	v22 =	vld.idx.msk [tilespmem:v1+s25+$0xFFFFFE00], $0xffff  }
0x24d: {  	v9 =	vadd.s32 v9, v11;
	v8 =	vadd.s32 v8, v10;
	v23 =	vld.idx.msk [tilespmem:v1+s25+$0xFFFFFFC0], $0xffff;
	[tilespmem:v1+s8+$0x0] =	vst.idx.msk vm6, v7  }
0x24e: {  	v21 =	vand.u32 $0x7FFFFFFF, v21;
	v25 =	vand.u32 $0x7FFFFFFF, v16;
	vm6 =	vgt.u32 v8, $0x1;
	v24 =	vld.idx.msk [tilespmem:v0+s25+$0xFFFFFE00], $0xffff;
	[tilespmem:v2+s8+$0x0] =	vst.idx.msk vm5, v7  }
0x24f: {  	vm4 =	vgt.u32 v9, $0x1;
	v11 =	vand.u32 $0x7FFFFFFF, v17;
	v27 =	vld.idx.msk [tilespmem:v3+s25+$0xFFFFFDC0], $0xffff;
	[tilespmem:v3+s8+$0x0] =	vst.idx.msk vm2, v7  }
0x250: {  	vm7 =	vgt.u32 v20, $0x1;
	v13 =	vand.u32 $0x7FFFFFFF, v13;
	vm2 =	vgt.f32 v25, v11;
	v28 =	vld.idx.msk [tilespmem:v3+s25+$0x0], $0xffff;
	[tilespmem:v0+s8+$0xFFFFFFC0] =	vst.idx.msk vm9, v7  }
0x251: {  	vm5 =	vgt.f32 v11, v13;
	vm9 =	vgt.f32 v25, v13;
	v8 =	vsel vm2, $0x1, v4;
	v20 =	vld.idx.msk [tilespmem:v2+s25+$0x0], $0xffff  }
0x252: {  	v14 =	vsel vm5, $0x1, v4;
	v12 =	vsel vm9, $0x1, v4;
	v9 =	vsel vm9, $0x2, v6;
	v29 =	vld.idx.msk [tilespmem:v1+s25+$0x0], $0xffff;
	[tilespmem:v0+s8+$0xFFFFFE00] =	vst.idx.msk vm8, v7  }
0x253: {  	v30 =	vand.u32 $0x7FFFFFFF, v15;
	v10 =	vsel vm5, $0x1, v5;
	v16 =	vand.u32 $0x7FFFFFFF, v23;
	v23 =	vld.idx.msk [tilespmem:v0+s25+$0x0], $0xffff;
	[tilespmem:v1+s8+$0xFFFFFFC0] =	vst.idx.msk vm0, v7  }
0x254: {  	v22 =	vand.u32 $0x7FFFFFFF, v22;
	v24 =	vand.u32 $0x7FFFFFFF, v24;
	vm0 =	vgt.f32 v25, v16;
	[tilespmem:v1+s8+$0xFFFFFE00] =	vst.idx.msk vm1, v7  }
0x255: {  	v25 =	vand.u32 $0x7FFFFFFF, v27;
	vm1 =	vgt.f32 v22, v24;
	v15 =	vsel vm0, $0x1, v4;
	[tilespmem:v2+s8+$0xFFFFFFC0] =	vst.idx.msk vm6, v7  }
0x256: {  	v19 =	vand.u32 $0x7FFFFFFF, v19;
	v18 =	vand.u32 $0x7FFFFFFF, v18;
	vm8 =	vgt.f32 v21, v30;
	[tilespmem:v2+s8+$0xFFFFFE00] =	vst.idx.msk vm3, v7  }
0x257: {  	v17 =	vsel vm8, $0x1, v4;
	vm5 =	vgt.f32 v25, v18;
	vm3 =	vgt.f32 v18, v26;
	[tilespmem:v3+s8+$0xFFFFFFC0] =	vst.idx.msk vm4, v7  }
0x258: {  	vm6 =	vgt.f32 v25, v19;
	vm4 =	vgt.f32 v25, v26;
	v25 =	vsel vm8, $0xFFFFFFFF, v4;
	[tilespmem:v3+s8+$0xFFFFFE00] =	vst.idx.msk vm7, v7;
	s8 =	smov.u32 s25  }
0x259: {  	v27 =	vand.u32 $0x7FFFFFFF, v29;
	vm7 =	vgt.f32 v30, v24;
	v23 =	vand.u32 $0x7FFFFFFF, v23  }
0x25a: {  	vm8 =	vgt.f32 v18, v19;
	v18 =	vsel vm7, $0x1, v5;
	vm9 =	vgt.f32 v27, v23  }
0x25b: {  	v29 =	vsel vm8, $0xFFFFFFFF, v4;
	v31 =	vsel vm7, $0x1, v4;
	vm7 =	vmneg vm9  }
0x25c: {  	vm10 =	vgt.f32 v21, v22;
	v32 =	vsel vm3, $0x1, v5;
	v33 =	vsel vm9, $0x1, v4  }
0x25d: {  	v35 =	vsel vm10, $0xFFFFFFFF, v4;
	v20 =	vand.u32 $0x7FFFFFFF, v20;
	v34 =	vsel vm8, $0x1, v4  }
0x25e: {  	vm8 =	vgt.f32 v19, v26;
	v26 =	vsel vm5, $0x1, v4;
	v19 =	vsel vm7, $0x1, v4  }
0x25f: {  	v37 =	vsel vm3, $0x1, v4;
	v25 =	vadd.s32 v25, v35;
	v36 =	vsel vm8, $0x1, v4  }
0x260: {  	vm3 =	vmneg vm8;
	v35 =	vadd.s32 v36, v37;
	vm9 =	vgt.f32 v21, v24  }
0x261: {  	v24 =	vsel vm4, $0x1, v4;
	v21 =	vadd.s32 v29, v32;
	v29 =	vsel vm10, $0x1, v4  }
0x262: {  	v32 =	vsel vm3, $0x1, v4;
	vm3 =	vgt.f32 v30, v22;
	v22 =	vand.u32 $0x7FFFFFFF, v28  }
0x263: {  	v26 =	vadd.s32 v26, v21;
	v28 =	vsel vm3, $0x1, v4;
	vm7 =	vgt.f32 v22, v27  }
0x264: {  	v21 =	vsel vm6, $0x1, v4;
	v30 =	vadd.s32 v32, v34;
	vm11 =	vgt.f32 v22, v23  }
0x265: {  	v30 =	vadd.s32 v21, v30;
	v21 =	vsel vm3, $0xFFFFFFFF, v4;
	v32 =	vsel vm7, $0xFFFFFFFF, v4  }
0x266: {  	vm12 =	vgt.f32 v20, v23;
	v24 =	vadd.s32 v24, v35;
	vm8 =	vgt.u32 v30, $0x1  }
0x267: {  	vm10 =	vgt.f32 v20, v27;
	vm3 =	vgt.u32 v26, $0x1;
	v23 =	vsel vm11, $0x1, v4  }
0x268: {  	v26 =	vsel vm6, $0xFFFFFFFF, v4;
	vm6 =	vgt.f32 v22, v20;
	v20 =	vsel vm12, $0x1, v5  }
0x269: {  	v27 =	vsel vm10, $0xFFFFFFFF, v4;
	v22 =	vsel vm5, $0xFFFFFFFF, v4;
	v30 =	vsel vm6, $0xFFFFFFFF, v4  }
0x26a: {  	v34 =	vsel vm4, $0x2, v6;
	v22 =	vadd.s32 v22, v26;
	v26 =	vsel vm12, $0x1, v4  }
0x26b: {  	v27 =	vadd.s32 v27, v20;
	v22 =	vadd.s32 v34, v22;
	v26 =	vadd.s32 v33, v26  }
0x26c: {  	vm5 =	vgt.u32 v24, $0x1;
	vm4 =	vgt.u32 v22, $0x1;
	v23 =	vadd.s32 v23, v26  }
0x26d: {  	v24 =	vsel vm1, $0x1, v4;
	v20 =	vsel vm9, $0x2, v6;
	v22 =	vsel vm9, $0x1, v4  }
0x26e: {  	vm1 =	vmneg vm1;
	v20 =	vadd.s32 v20, v25;
	v25 =	vsel vm11, $0x2, v6  }
.Ltmp6:
0x26f: {  	v33 =	vsel vm6, $0x1, v4;
	v26 =	vsel vm1, $0x1, v4;
	vm6 =	vgt.u32 v23, $0x1;
	(pc) =	sbr.rel @p1 .LBB2_11-.Ltmp6, $4  }
0x270: {  	v27 =	vadd.s32 v33, v27;
	v23 =	vadd.s32 v26, v28;
	v26 =	vadd.s32 v30, v32  }
0x271: {  	v28 =	vadd.s32 v29, v23;
	v23 =	vsel vm2, $0xFFFFFFFF, v4;
	v25 =	vadd.s32 v25, v26  }
0x272: {  	v24 =	vadd.s32 v24, v31;
	vm1 =	vgt.u32 v28, $0x1;
	vm2 =	vgt.u32 v25, $0x1;
	[tilespmem:v0+s25+$0xFFFFFDC0] =	vst.idx.msk vm5, v7  }
0x273: {  	v26 =	vsel vm10, $0x1, v4;
	v25 =	vsel vm7, $0x1, v4;
	vm5 =	vgt.u32 v27, $0x1;
	s25 =	sadd.s32 $0x400, s25;
	[tilespmem:v1+s8+$0xFFFFFDC0] =	vst.idx.msk vm8, v7  }
0x274: {  	v19 =	vadd.s32 v19, v26  }
0x275: {  	vm7 =	vgt.f32 v16, v13;
	v19 =	vadd.s32 v25, v19  }
0x276: {  	v13 =	vsel vm7, $0x1, v4;
	vm8 =	vgt.u32 v19, $0x1  }
0x277: {  	vm9 =	vgt.f32 v11, v16;
	vm7 =	vmneg vm7;
	v11 =	vadd.s32 v13, v14  }
0x278: {  	v13 =	vsel vm7, $0x1, v4;
	v14 =	vsel vm9, $0x1, v4;
	v11 =	vadd.s32 v12, v11  }
0x279: {  	[tilespmem:v2+s8+$0xFFFFFDC0] =	vst.idx.msk vm3, v7;
	v12 =	vadd.s32 v13, v14;
	vm3 =	vgt.u32 v11, $0x1;
	v11 =	vadd.s32 v22, v24  }
0x27a: {  	[tilespmem:v0+s8+$0x0] =	vst.idx.msk vm6, v7;
	v13 =	vsel vm9, $0xFFFFFFFF, v4;
	v12 =	vadd.s32 v15, v12;
	vm6 =	vgt.u32 v11, $0x1  }
0x27b: {  	[tilespmem:v3+s8+$0xFFFFFDC0] =	vst.idx.msk vm4, v7;
	v10 =	vadd.s32 v13, v10;
	vm4 =	vgt.u32 v12, $0x1  }
0x27c: {  	v11 =	vsel vm0, $0xFFFFFFFF, v4;
	v12 =	vadd.s32 v21, v18;
	v8 =	vadd.s32 v8, v10;
	[tilespmem:v1+s8+$0x0] =	vst.idx.msk vm8, v7  }
0x27d: {  	v10 =	vadd.s32 v17, v12;
	v11 =	vadd.s32 v23, v11;
	vm0 =	vgt.u32 v8, $0x1;
	[tilespmem:v2+s8+$0x0] =	vst.idx.msk vm5, v7  }
0x27e: {  	v8 =	vadd.s32 v9, v11;
	vm5 =	vgt.u32 v10, $0x1;
	[tilespmem:v3+s8+$0x0] =	vst.idx.msk vm2, v7  }
0x27f: {  	vm2 =	vgt.u32 v8, $0x1;
	[tilespmem:v0+s8+$0xFFFFFFC0] =	vst.idx.msk vm3, v7  }
0x280: {  	vm3 =	vgt.u32 v20, $0x1;
	[tilespmem:v0+s8+$0xFFFFFE00] =	vst.idx.msk vm6, v7  }
0x281: {  	[tilespmem:v1+s8+$0xFFFFFFC0] =	vst.idx.msk vm4, v7  }
0x282: {  	[tilespmem:v1+s8+$0xFFFFFE00] =	vst.idx.msk vm1, v7  }
0x283: {  	[tilespmem:v2+s8+$0xFFFFFFC0] =	vst.idx.msk vm0, v7  }
0x284: {  	[tilespmem:v2+s8+$0xFFFFFE00] =	vst.idx.msk vm5, v7  }
0x285: {  	[tilespmem:v3+s8+$0xFFFFFFC0] =	vst.idx.msk vm2, v7  }
0x286: {  	[tilespmem:v3+s8+$0xFFFFFE00] =	vst.idx.msk vm3, v7  }
0x287: {  	v8 =	vld.idx.msk [tilespmem:v0+s15+$0xFFFFFDC0], $0xffff  }
0x288: {  	v9 =	vld.idx.msk [tilespmem:v3+s15+$0xFFFFFFC0], $0xffff  }
0x289: {  	v10 =	vld.idx.msk [tilespmem:v3+s15+$0xFFFFFE00], $0xffff  }
0x28a: {  	v11 =	vld.idx.msk [tilespmem:v3+s15+$0xFFFFFDC0], $0xffff  }
0x28b: {  	v12 =	vld.idx.msk [tilespmem:v2+s15+$0x0], $0xffff  }
0x28c: {  	v13 =	vld.idx.msk [tilespmem:v2+s15+$0xFFFFFDC0], $0xffff  }
0x28d: {  	v14 =	vld.idx.msk [tilespmem:v2+s15+$0xFFFFFE00], $0xffff  }
0x28e: {  	v15 =	vld.idx.msk [tilespmem:v0+s15+$0xFFFFFFC0], $0xffff  }
0x28f: {  	v16 =	vld.idx.msk [tilespmem:v1+s15+$0xFFFFFE00], $0xffff  }
0x290: {  	v20 =	vld.idx.msk [tilespmem:v2+s15+$0xFFFFFFC0], $0xffff  }
0x291: {  	v22 =	vld.idx.msk [tilespmem:v1+s15+$0xFFFFFFC0], $0xffff  }
0x292: {  	v24 =	vld.idx.msk [tilespmem:v1+s15+$0x0], $0xffff  }
0x293: {  	v17 =	vand.u32 $0x7FFFFFFF, v8  }
0x294: {  	v18 =	vand.u32 $0x7FFFFFFF, v11;
	v19 =	vand.u32 $0x7FFFFFFF, v9;
	v21 =	vand.u32 $0x7FFFFFFF, v10  }
0x295: {  	v23 =	vand.u32 $0x7FFFFFFF, v14;
	v12 =	vand.u32 $0x7FFFFFFF, v12;
	v13 =	vand.u32 $0x7FFFFFFF, v13  }
0x296: {  	v25 =	vand.u32 $0x7FFFFFFF, v15;
	v16 =	vand.u32 $0x7FFFFFFF, v16;
	v20 =	vand.u32 $0x7FFFFFFF, v20  }
0x297: {  	v22 =	vand.u32 $0x7FFFFFFF, v22;
	v24 =	vand.u32 $0x7FFFFFFF, v24;
	vm2 =	vgt.f32 v18, v17  }
0x298: {  	vm0 =	vgt.f32 v21, v23;
	vm4 =	vgt.f32 v18, v13;
	vm5 =	vgt.f32 v19, v25  }
0x299: {  	v11 =	vld.idx.msk [tilespmem:v0+s15+$0xFFFFFE00], $0xffff;
	vm6 =	vgt.f32 v13, v17;
	vm3 =	vgt.f32 v19, v22;
	vm7 =	vgt.f32 v19, v20  }
0x29a: {  	v14 =	vld.idx.msk [tilespmem:v0+s15+$0x0], $0xffff;
	v10 =	vsel vm2, $0x2, v6;
	v8 =	vsel vm0, $0xFFFFFFFF, v4;
	v9 =	vsel vm0, $0x1, v4  }
0x29b: {  	v15 =	vld.idx.msk [tilespmem:v3+s15+$0x0], $0xffff;
	v27 =	vsel vm4, $0xFFFFFFFF, v4;
	v28 =	vsel vm2, $0x1, v4;
	vm2 =	vgt.f32 v22, v25  }
0x29c: {  	v30 =	vsel vm6, $0x1, v4;
	v32 =	vsel vm6, $0x1, v5;
	v59 =	vsel vm3, $0x1, v4  }
0x29d: {  	v60 =	vsel vm3, $0xFFFFFFFF, v4;
	vm3 =	vgt.f32 v21, v16;
	v61 =	vsel vm7, $0x1, v4  }
0x29e: {  	v44 =	vsel vm7, $0xFFFFFFFF, v4;
	v31 =	vsel vm2, $0x1, v4;
	vm2 =	vmneg vm2  }
0x29f: {  	v62 =	vsel vm5, $0x2, v6;
	v33 =	vsel vm2, $0x1, v4;
	v26 =	vand.u32 $0x7FFFFFFF, v11  }
0x2a0: {  	v29 =	vld.idx.msk [tilespmem:v1+s15+$0xFFFFFDC0], $0xffff;
	v14 =	vand.u32 $0x7FFFFFFF, v14;
	v11 =	vsel vm4, $0x1, v4;
	v34 =	vand.u32 $0x7FFFFFFF, v15  }
0x2a1: {  	vm8 =	vgt.f32 v16, v26;
	vm13 =	vgt.f32 v21, v26;
	vm6 =	vgt.f32 v24, v14  }
0x2a2: {  	vm4 =	vgt.f32 v12, v14;
	vm10 =	vgt.f32 v23, v26;
	vm2 =	vmneg vm6  }
0x2a3: {  	v35 =	vsel vm4, $0x1, v4;
	v37 =	vsel vm4, $0x1, v5;
	vm4 =	vgt.f32 v34, v12  }
0x2a4: {  	v43 =	vsel vm6, $0x1, v4;
	v36 =	vsel vm2, $0x1, v4;
	vm2 =	vgt.f32 v12, v24  }
0x2a5: {  	v12 =	vand.u32 $0x7FFFFFFF, v29;
	v38 =	vsel vm4, $0x1, v4;
	v15 =	vsel vm4, $0xFFFFFFFF, v4  }
0x2a6: {  	vm4 =	vgt.f32 v34, v14;
	v58 =	vsel vm2, $0xFFFFFFFF, v4;
	v39 =	vsel vm2, $0x1, v4  }
0x2a7: {  	vm2 =	vgt.f32 v13, v12;
	v40 =	vsel vm4, $0x1, v4;
	v14 =	vsel vm4, $0x2, v6  }
0x2a8: {  	vm4 =	vgt.f32 v20, v22;
	v13 =	vsel vm2, $0x1, v4;
	v22 =	vsel vm2, $0xFFFFFFFF, v4  }
0x2a9: {  	vm2 =	vgt.f32 v20, v25;
	v25 =	vsel vm4, $0x1, v4;
	v41 =	vsel vm4, $0xFFFFFFFF, v4  }
0x2aa: {  	vm4 =	vgt.f32 v18, v12;
	v29 =	vadd.s32 v58, v37;
	v19 =	vsel vm2, $0x1, v4  }
0x2ab: {  	v42 =	vsel vm2, $0x1, v5;
	vm2 =	vgt.f32 v12, v17;
	v26 =	vsel vm4, $0xFFFFFFFF, v4  }
0x2ac: {  	v25 =	vadd.s32 v33, v25;
	v17 =	vsel vm2, $0x1, v4;
	vm2 =	vmneg vm2  }
0x2ad: {  	v12 =	vadd.s32 v31, v19;
	v19 =	vsel vm5, $0x1, v4;
	v18 =	vsel vm2, $0x1, v4  }
0x2ae: {  	vm2 =	vgt.f32 v34, v24;
	v12 =	vadd.s32 v19, v12;
	v24 =	vadd.s32 v17, v30  }
0x2af: {  	v21 =	vadd.s32 v22, v32;
	vm6 =	vgt.u32 v12, $0x1;
	v12 =	vadd.s32 v28, v24  }
0x2b0: {  	v22 =	vsel vm3, $0x1, v4;
	v25 =	vadd.s32 v59, v25;
	vm5 =	vgt.u32 v12, $0x1  }
0x2b1: {  	v17 =	vsel vm4, $0x1, v4;
	vm4 =	vgt.f32 v23, v16;
	v16 =	vadd.s32 v36, v39  }
0x2b2: {  	v19 =	vsel vm2, $0x1, v4;
	v20 =	vsel vm2, $0xFFFFFFFF, v4;
	v24 =	vadd.s32 v27, v26  }
0x2b3: {  	v23 =	vadd.s32 v19, v16;
	v16 =	vadd.s32 v43, v35;
	v19 =	vadd.s32 v41, v42  }
0x2b4: {  	v12 =	vsel vm13, $0x1, v4;
	v26 =	vadd.s32 v61, v19;
	v19 =	vadd.s32 v44, v60  }
0x2b5: {  	v63 =	vadd.s32 v40, v16;
	v16 =	vsel vm8, $0x1, v4;
	v19 =	vadd.s32 v62, v19;
	[tilespmem:v0+s15+$0xFFFFFFC0] =	vst.idx.msk vm6, v7  }
0x2b6: {  	s7 =	simm.s32 $0x0;
	s25 =	simm.s32 $0x46C0;
	vm6 =	vgt.u32 v63, $0x1;
	[tilespmem:v0+s15+$0xFFFFFDC0] =	vst.idx.msk vm5, v7;
	vm5 =	vgt.u32 v26, $0x1;
	v26 =	vadd.s32 v38, v29  }
.LBB2_13:
0x2b7: {  	v24 =	vadd.s32 v10, v24  }
0x2b8: {  	vm9 =	vgt.u32 v25, $0x1;
	vm7 =	vgt.u32 v26, $0x1;
	vm8 =	vmneg vm8  }
0x2b9: {  	v27 =	vld.idx.msk [tilespmem:v0+s25+$0xFFFFFDC0], $0xffff;
	v25 =	vsel vm4, $0xFFFFFFFF, v4;
	vm1 =	vgt.u32 v23, $0x1;
	v26 =	vsel vm10, $0x1, v4  }
0x2ba: {  	v10 =	vld.idx.msk [tilespmem:v3+s25+$0xFFFFFFC0], $0xffff;
	v28 =	vsel vm4, $0x1, v4;
	v52 =	vsel vm10, $0x1, v5;
	v29 =	vsel vm8, $0x1, v4  }
0x2bb: {  	v30 =	vld.idx.msk [tilespmem:v3+s25+$0xFFFFFDC0], $0xffff;
	v13 =	vadd.s32 v18, v13;
	v16 =	vadd.s32 v16, v26;
	v26 =	vadd.s32 v29, v28  }
0x2bc: {  	v23 =	vld.idx.msk [tilespmem:v3+s25+$0xFFFFFE00], $0xffff;
	v12 =	vadd.s32 v12, v16;
	v16 =	vadd.s32 v22, v26;
	v22 =	vadd.s32 v25, v52  }
0x2bd: {  	v53 =	vld.idx.msk [tilespmem:v2+s25+$0x0], $0xffff;
	vm11 =	vgt.u32 v12, $0x1;
	v12 =	vadd.s32 v15, v20;
	v9 =	vadd.s32 v9, v22  }
0x2be: {  	v25 =	vld.idx.msk [tilespmem:v2+s25+$0xFFFFFDC0], $0xffff;
	vm8 =	vgt.u32 v16, $0x1;
	v15 =	vand.u32 $0x7FFFFFFF, v27;
	vm4 =	vgt.u32 v9, $0x1  }
0x2bf: {  	v20 =	vld.idx.msk [tilespmem:v2+s25+$0xFFFFFE00], $0xffff;
	v22 =	vand.u32 $0x7FFFFFFF, v10;
	v10 =	vadd.s32 v11, v21;
	v11 =	vadd.s32 v14, v12  }
0x2c0: {  	[tilespmem:v0+s15+$0x0] =	vst.idx.msk vm6, v7;
	v16 =	vld.idx.msk [tilespmem:v0+s25+$0xFFFFFE00], $0xffff;
	vm10 =	vgt.u32 v10, $0x1;
	vm12 =	vgt.u32 v11, $0x1;
	v11 =	vand.u32 $0x7FFFFFFF, v30  }
0x2c1: {  	v12 =	vld.idx.msk [tilespmem:v1+s25+$0xFFFFFE00], $0xffff;
	[tilespmem:v1+s15+$0xFFFFFFC0] =	vst.idx.msk vm9, v7;
	v10 =	vadd.s32 v17, v13;
	v13 =	vsel vm3, $0xFFFFFFFF, v4;
	vm9 =	vgt.u32 v19, $0x1  }
0x2c2: {  	v17 =	vand.u32 $0x7FFFFFFF, v23;
	[tilespmem:v1+s15+$0x0] =	vst.idx.msk vm1, v7;
	v9 =	vld.idx.msk [tilespmem:v0+s25+$0xFFFFFFC0], $0xffff;
	vm2 =	vgt.f32 v11, v15;
	vm6 =	vgt.u32 v10, $0x1  }
0x2c3: {  	v14 =	vld.idx.msk [tilespmem:v2+s25+$0xFFFFFFC0], $0xffff;
	v10 =	vsel vm13, $0x2, v6;
	v8 =	vadd.s32 v8, v13;
	[tilespmem:v2+s15+$0x0] =	vst.idx.msk vm7, v7;
	vm7 =	vgt.u32 v24, $0x1  }
0x2c4: {  	[tilespmem:v2+s15+$0xFFFFFFC0] =	vst.idx.msk vm5, v7;
	v13 =	vld.idx.msk [tilespmem:v1+s25+$0xFFFFFDC0], $0xffff;
	v19 =	vand.u32 $0x7FFFFFFF, v20;
	v20 =	vand.u32 $0x7FFFFFFF, v53;
	v8 =	vadd.s32 v10, v8  }
0x2c5: {  	v18 =	vld.idx.msk [tilespmem:v1+s25+$0xFFFFFFC0], $0xffff;
	v10 =	vsel vm2, $0x2, v6;
	v23 =	vand.u32 $0x7FFFFFFF, v25;
	v33 =	vsel vm2, $0x1, v4  }
0x2c6: {  	vm0 =	vgt.f32 v17, v19;
	[tilespmem:v0+s15+$0xFFFFFE00] =	vst.idx.msk vm11, v7;
	vm11 =	vgt.u32 v8, $0x1;
	vm3 =	vgt.f32 v11, v23  }
0x2c7: {  	v25 =	vld.idx.msk [tilespmem:v0+s25+$0x0], $0xffff;
	v26 =	vand.u32 $0x7FFFFFFF, v16;
	v16 =	vimm.s32 $0x0;
	v8 =	vsel vm0, $0xFFFFFFFF, v4  }
0x2c8: {  	v21 =	vld.idx.msk [tilespmem:v1+s25+$0x0], $0xffff;
	[tilespmem:v1+s15+$0xFFFFFE00] =	vst.idx.msk vm8, v7;
	v27 =	vand.u32 $0x7FFFFFFF, v12;
	v12 =	vimm.s32 $0x0;
	v54 =	vsel vm3, $0xFFFFFFFF, v4  }
0x2c9: {  	vm5 =	vgt.f32 v17, v26;
	[tilespmem:v2+s15+$0xFFFFFE00] =	vst.idx.msk vm4, v7;
	vm4 =	vgt.f32 v19, v27;
	v24 =	vand.u32 $0x7FFFFFFF, v9  }
0x2ca: {  	[tilespmem:v3+s15+$0x0] =	vst.idx.msk vm12, v7;
	v9 =	vsel vm0, $0x1, v4;
	v14 =	vand.u32 $0x7FFFFFFF, v14;
	vm12 =	vgt.f32 v23, v15  }
0x2cb: {  	v13 =	vand.u32 $0x7FFFFFFF, v13;
	[tilespmem:v1+s15+$0xFFFFFDC0] =	vst.idx.msk vm6, v7;
	vm6 =	vgt.f32 v27, v26;
	vm0 =	vgt.f32 v22, v24  }
0x2cc: {  	v18 =	vand.u32 $0x7FFFFFFF, v18;
	v25 =	vand.u32 $0x7FFFFFFF, v25;
	vm8 =	vgt.f32 v14, v24  }
0x2cd: {  	v21 =	vand.u32 $0x7FFFFFFF, v21;
	v31 =	vsel vm12, $0x1, v4;
	vm13 =	vgt.f32 v23, v13  }
0x2ce: {  	[tilespmem:v3+s15+$0xFFFFFFC0] =	vst.idx.msk vm9, v7;
	v12 =	vsel vm0, $0xFFFFFFFF, v12;
	vm1 =	vgt.f32 v22, v18;
	vm14 =	vgt.f32 v20, v25  }
0x2cf: {  	[tilespmem:v2+s15+$0xFFFFFDC0] =	vst.idx.msk vm10, v7;
	v32 =	vsel vm0, $0x1, v4;
	vm9 =	vgt.f32 v14, v18;
	vm10 =	vgt.f32 v18, v24  }
0x2d0: {  	vm0 =	vgt.f32 v19, v26;
	v18 =	vimm.s32 $0x0;
	v19 =	vsel vm8, $0x1, v4  }
0x2d1: {  	v24 =	vsel vm12, $0x1, v5;
	vm12 =	vgt.f32 v13, v15;
	v60 =	vsel vm8, $0x1, v5  }
0x2d2: {  	vm8 =	vmmov vm6;
	[tilespmem:$0x1FF80] =	vst v12;
	v12 =	vsel vm5, $0x1, v4;
	v16 =	vsel vm1, $0xFFFFFFFF, v16  }
0x2d3: {  	[tilespmem:v3+s15+$0xFFFFFDC0] =	vst.idx.msk vm7, v7;
	v56 =	vsel vm1, $0x1, v4;
	vm7 =	vgt.f32 v22, v14;
	v18 =	vsel vm0, $0xFFFFFFFF, v18  }
0x2d4: {  	[tilespmem:v3+s15+$0xFFFFFE00] =	vst.idx.msk vm11, v7;
	vm15 =	vmneg vm10;
	vm11 =	vgt.f32 v21, v25;
	vm0 =	vgt.f32 v20, v21  }
0x2d5: {  	v55 =	vld.idx.msk [tilespmem:v3+s25+$0x0], $0xffff;
	v15 =	vsel vm9, $0x1, v4;
	v59 =	vsel vm9, $0xFFFFFFFF, v4;
	[tilespmem:$0x1FF70] =	vst v16;
	v16 =	vsel vm6, $0x1, v4  }
0x2d6: {  	[tilespmem:$0x1FF60] =	vst v18;
	v18 =	vsel vm10, $0x1, v4;
	vm10 =	vgt.f32 v11, v13;
	v11 =	vsel vm3, $0x1, v4  }
0x2d7: {  	vm1 =	vmneg vm11;
	v23 =	vsel vm0, $0x1, v4;
	v18 =	vadd.s32 v18, v19  }
0x2d8: {  	v34 =	vsel vm11, $0x1, v4;
	v63 =	vsel vm7, $0xFFFFFFFF, v4;
	v13 =	vadd.s32 v32, v18  }
0x2d9: {  	v19 =	vsel vm14, $0x1, v4;
	v61 =	vsel vm10, $0xFFFFFFFF, v4;
	vm3 =	vgt.u32 v13, $0x1  }
0x2da: {  	v14 =	vand.u32 $0x7FFFFFFF, v55;
	v18 =	vsel vm15, $0x1, v4;
	v19 =	vadd.s32 v34, v19  }
0x2db: {  	v13 =	vsel vm0, $0xFFFFFFFF, v4;
	vm2 =	vgt.f32 v14, v20;
	vm15 =	vgt.f32 v14, v21  }
0x2dc: {  	v26 =	vadd.s32 v18, v15;
	v18 =	vsel vm1, $0x1, v4;
	v15 =	vsel vm14, $0x1, v5  }
0x2dd: {  	vm1 =	vgt.f32 v14, v25;
	v20 =	vsel vm12, $0x1, v4;
	v25 =	vsel vm7, $0x1, v4  }
0x2de: {  	v57 =	vsel vm2, $0x1, v4;
	v58 =	vadd.s32 v13, v15;
	v20 =	vadd.s32 v20, v31  }
0x2df: {  	v21 =	vsel vm1, $0x1, v4;
	[tilespmem:v0+s25+$0xFFFFFFC0] =	vst.idx.msk vm3, v7;
	vm3 =	vgt.f32 v17, v27;
	v17 =	vadd.s32 v33, v20  }
0x2e0: {  	v35 =	vld [tilespmem:$0x1FF60];
	v31 =	vadd.s32 v59, v60;
	v27 =	vsel vm13, $0xFFFFFFFF, v4;
	vm0 =	vgt.u32 v17, $0x1  }
0x2e1: {  	v19 =	vadd.s32 v21, v19;
	v21 =	vadd.s32 v27, v24;
	v27 =	vadd.s32 v25, v31;
	v25 =	vld [tilespmem:$0x1FF70]  }
0x2e2: {  	v15 =	vsel vm2, $0xFFFFFFFF, v4;
	v14 =	vsel vm1, $0x2, v6;
	vm6 =	vgt.u32 v19, $0x1;
	v19 =	vld [tilespmem:$0x1FF80]  }
0x2e3: {  	s7 =	sadd.s32 $0x100, s7;
	v13 =	vsel vm13, $0x1, v4;
	v18 =	vadd.s32 v18, v23;
	vm1 =	vmneg vm12  }
0x2e4: {  	p1 =	slt.u32 s7, $0xF00;
	vm13 =	vmmov vm5;
	v20 =	vsel vm15, $0x1, v4;
	v22 =	vsel vm3, $0x1, v4  }
.Ltmp7:
0x2e5: {  	v17 =	vsel vm10, $0x1, v4;
	v23 =	vadd.s32 v20, v18;
	v18 =	vsel vm1, $0x1, v4;
	(pc) =	sbr.rel @p1 .LBB2_13-.Ltmp7, $4  }
0x2e6: {  	v20 =	vsel vm15, $0xFFFFFFFF, v4;
	vm10 =	vnez.u8 v35;
	[tilespmem:v0+s25+$0xFFFFFDC0] =	vst.idx.msk vm0, v7;
	vm0 =	vnez.u8 v25  }
0x2e7: {  	v24 =	vadd.s32 v54, v61;
	v62 =	vsel vm0, $0xFFFFFFFF, v4;
	vm0 =	vnez.u8 v19  }
0x2e8: {  	v25 =	vadd.s32 v56, v26;
	v19 =	vsel vm0, $0x2, v6;
	v26 =	vadd.s32 v63, v62  }
0x2e9: {  	s8 =	simm.s32 $0x4340;
	s15 =	smov.u32 s25;
	vm5 =	vgt.u32 v27, $0x1;
	s25 =	sadd.s32 $0x400, s25;
	v19 =	vadd.s32 v19, v26;
	v26 =	vadd.s32 v57, v58  }
0x2ea: {  	vm0 =	vgt.u32 v25, $0x1  }
0x2eb: {  	v10 =	vadd.s32 v10, v24;
	vm1 =	vgt.u32 v26, $0x1;
	vm7 =	vgt.u32 v23, $0x1  }
0x2ec: {  	vm2 =	vmneg vm8;
	v24 =	vsel vm4, $0xFFFFFFFF, v4;
	v25 =	vsel vm10, $0x1, v4  }
0x2ed: {  	v23 =	vsel vm4, $0x1, v4;
	v15 =	vadd.s32 v15, v20;
	v13 =	vadd.s32 v18, v13  }
0x2ee: {  	v11 =	vadd.s32 v11, v21;
	v16 =	vadd.s32 v16, v25;
	v13 =	vadd.s32 v17, v13  }
0x2ef: {  	[tilespmem:v0+s15+$0x0] =	vst.idx.msk vm6, v7;
	v25 =	vsel vm2, $0x1, v4;
	v12 =	vadd.s32 v12, v16;
	vm6 =	vgt.u32 v13, $0x1  }
0x2f0: {  	v16 =	vadd.s32 v25, v23;
	vm2 =	vgt.u32 v12, $0x1;
	v12 =	vadd.s32 v14, v15;
	[tilespmem:v1+s15+$0xFFFFFFC0] =	vst.idx.msk vm0, v7  }
0x2f1: {  	v14 =	vadd.s32 v22, v16;
	vm0 =	vgt.u32 v12, $0x1;
	v12 =	vsel vm10, $0x1, v5;
	[tilespmem:v1+s15+$0x0] =	vst.idx.msk vm7, v7  }
0x2f2: {  	vm4 =	vgt.u32 v14, $0x1;
	v12 =	vadd.s32 v24, v12;
	[tilespmem:v2+s15+$0xFFFFFFC0] =	vst.idx.msk vm5, v7;
	vm5 =	vgt.u32 v11, $0x1  }
0x2f3: {  	v11 =	vsel vm3, $0xFFFFFFFF, v4;
	[tilespmem:v2+s15+$0x0] =	vst.idx.msk vm1, v7;
	vm1 =	vgt.u32 v10, $0x1;
	v9 =	vadd.s32 v9, v12  }
0x2f4: {  	v8 =	vadd.s32 v8, v11;
	vm3 =	vgt.u32 v9, $0x1;
	v9 =	vsel vm13, $0x2, v6  }
0x2f5: {  	[tilespmem:v1+s15+$0xFFFFFDC0] =	vst.idx.msk vm6, v7;
	v8 =	vadd.s32 v9, v8  }
0x2f6: {  	[tilespmem:v0+s15+$0xFFFFFE00] =	vst.idx.msk vm2, v7;
	vm2 =	vgt.u32 v8, $0x1  }
0x2f7: {  	[tilespmem:v3+s15+$0x0] =	vst.idx.msk vm0, v7;
	vm0 =	vgt.u32 v19, $0x1  }
0x2f8: {  	[tilespmem:v1+s15+$0xFFFFFE00] =	vst.idx.msk vm4, v7  }
0x2f9: {  	[tilespmem:v2+s15+$0xFFFFFDC0] =	vst.idx.msk vm5, v7  }
0x2fa: {  	[tilespmem:v3+s15+$0xFFFFFDC0] =	vst.idx.msk vm1, v7  }
0x2fb: {  	[tilespmem:v2+s15+$0xFFFFFE00] =	vst.idx.msk vm3, v7  }
0x2fc: {  	[tilespmem:v3+s15+$0xFFFFFE00] =	vst.idx.msk vm2, v7  }
0x2fd: {  	[tilespmem:v3+s15+$0xFFFFFFC0] =	vst.idx.msk vm0, v7  }
0x2fe: {  	v8 =	vld.idx.msk [tilespmem:v0+s8+$0xFFFFFDC0], $0xffff  }
0x2ff: {  	v9 =	vld.idx.msk [tilespmem:v3+s8+$0xFFFFFE00], $0xffff  }
0x300: {  	v10 =	vld.idx.msk [tilespmem:v3+s8+$0xFFFFFFC0], $0xffff  }
0x301: {  	v11 =	vld.idx.msk [tilespmem:v2+s8+$0xFFFFFFC0], $0xffff  }
0x302: {  	v12 =	vld.idx.msk [tilespmem:v0+s8+$0xFFFFFFC0], $0xffff  }
0x303: {  	v15 =	vld.idx.msk [tilespmem:v2+s8+$0xFFFFFE00], $0xffff  }
0x304: {  	v18 =	vld.idx.msk [tilespmem:v1+s8+$0xFFFFFE00], $0xffff  }
0x305: {  	v16 =	vld.idx.msk [tilespmem:v1+s8+$0xFFFFFFC0], $0xffff  }
0x306: {  	v20 =	vld.idx.msk [tilespmem:v0+s8+$0xFFFFFE00], $0xffff  }
0x307: {  	v23 =	vld.idx.msk [tilespmem:v3+s8+$0xFFFFFDC0], $0xffff  }
0x308: {  	v24 =	vld.idx.msk [tilespmem:v2+s8+$0xFFFFFDC0], $0xffff  }
0x309: {  	v27 =	vld.idx.msk [tilespmem:v0+s8+$0x0], $0xffff  }
0x30a: {  	v25 =	vld.idx.msk [tilespmem:v1+s8+$0x0], $0xffff  }
0x30b: {  	v19 =	vand.u32 $0x7FFFFFFF, v8;
	v21 =	vand.u32 $0x7FFFFFFF, v10;
	v11 =	vand.u32 $0x7FFFFFFF, v11  }
0x30c: {  	v22 =	vand.u32 $0x7FFFFFFF, v9;
	v13 =	vand.u32 $0x7FFFFFFF, v12;
	v26 =	vand.u32 $0x7FFFFFFF, v15  }
0x30d: {  	v16 =	vand.u32 $0x7FFFFFFF, v16;
	v20 =	vand.u32 $0x7FFFFFFF, v20;
	v28 =	vand.u32 $0x7FFFFFFF, v18  }
0x30e: {  	v18 =	vand.u32 $0x7FFFFFFF, v23;
	v23 =	vand.u32 $0x7FFFFFFF, v24;
	v27 =	vand.u32 $0x7FFFFFFF, v27  }
0x30f: {  	v17 =	vld.idx.msk [tilespmem:v1+s8+$0xFFFFFDC0], $0xffff;
	v25 =	vand.u32 $0x7FFFFFFF, v25;
	vm1 =	vgt.f32 v21, v11;
	vm0 =	vgt.f32 v11, v13  }
0x310: {  	vm2 =	vgt.f32 v21, v13;
	vm3 =	vgt.f32 v22, v26;
	vm7 =	vgt.f32 v23, v19  }
0x311: {  	vm4 =	vgt.f32 v18, v23;
	vm5 =	vgt.f32 v18, v19;
	vm9 =	vgt.f32 v25, v27  }
0x312: {  	vm14 =	vgt.f32 v22, v28;
	v8 =	vsel vm1, $0x1, v4;
	v14 =	vsel vm0, $0x1, v4  }
0x313: {  	v12 =	vsel vm2, $0x1, v4;
	v9 =	vsel vm2, $0x2, v6;
	v10 =	vsel vm0, $0x1, v5  }
0x314: {  	vm0 =	vgt.f32 v21, v16;
	vm2 =	vgt.f32 v28, v20;
	v21 =	vand.u32 $0x7FFFFFFF, v17  }
0x315: {  	v17 =	vsel vm3, $0x1, v4;
	v29 =	vsel vm3, $0xFFFFFFFF, v4;
	vm3 =	vgt.f32 v26, v20  }
0x316: {  	v31 =	vsel vm7, $0x1, v5;
	v32 =	vsel vm9, $0x1, v4;
	v35 =	vsel vm14, $0xFFFFFFFF, v4  }
0x317: {  	v24 =	vld.idx.msk [tilespmem:v2+s8+$0x0], $0xffff;
	v37 =	vsel vm7, $0x1, v4;
	v60 =	vsel vm5, $0x2, v6;
	v15 =	vsel vm0, $0x1, v4  }
0x318: {  	vm6 =	vgt.f32 v18, v21;
	vm8 =	vgt.f32 v23, v21;
	v18 =	vsel vm3, $0x1, v5  }
0x319: {  	v30 =	vsel vm3, $0x1, v4;
	vm3 =	vmneg vm9;
	v29 =	vadd.s32 v29, v35  }
0x31a: {  	v33 =	vld.idx.msk [tilespmem:v3+s8+$0x0], $0xffff;
	vm9 =	vgt.f32 v22, v20;
	v20 =	vsel vm5, $0x1, v4;
	v23 =	vsel vm8, $0xFFFFFFFF, v4  }
0x31b: {  	v34 =	vsel vm8, $0x1, v4;
	vm8 =	vgt.f32 v21, v19;
	v21 =	vsel vm4, $0x1, v4  }
0x31c: {  	v19 =	vsel vm3, $0x1, v4;
	v24 =	vand.u32 $0x7FFFFFFF, v24;
	v36 =	vsel vm8, $0x1, v4  }
0x31d: {  	vm3 =	vmneg vm8;
	v22 =	vadd.s32 v23, v31;
	v23 =	vsel vm14, $0x1, v4  }
0x31e: {  	v56 =	vadd.s32 v36, v37;
	v57 =	vsel vm3, $0x1, v4;
	vm3 =	vgt.f32 v26, v28  }
0x31f: {  	v26 =	vand.u32 $0x7FFFFFFF, v33;
	v22 =	vadd.s32 v21, v22;
	v21 =	vsel vm6, $0x1, v4  }
0x320: {  	vm12 =	vgt.f32 v24, v27;
	vm15 =	vgt.f32 v24, v25;
	v28 =	vsel vm3, $0x1, v4  }
0x321: {  	vm7 =	vgt.f32 v26, v25;
	v31 =	vadd.s32 v57, v34;
	vm11 =	vgt.f32 v26, v27  }
0x322: {  	v20 =	vadd.s32 v20, v56;
	v25 =	vsel vm6, $0xFFFFFFFF, v4;
	vm6 =	vgt.f32 v26, v24  }
0x323: {  	v24 =	vsel vm12, $0x1, v5;
	v26 =	vsel vm4, $0xFFFFFFFF, v4;
	v27 =	vsel vm15, $0xFFFFFFFF, v4  }
0x324: {  	v31 =	vadd.s32 v21, v31;
	v21 =	vsel vm3, $0xFFFFFFFF, v4;
	v58 =	vsel vm7, $0xFFFFFFFF, v4  }
0x325: {  	vm3 =	vgt.u32 v22, $0x1;
	v22 =	vsel vm11, $0x1, v4;
	v59 =	vsel vm6, $0xFFFFFFFF, v4  }
0x326: {  	v25 =	vadd.s32 v26, v25;
	v26 =	vsel vm12, $0x1, v4;
	v24 =	vadd.s32 v27, v24  }
0x327: {  	vm5 =	vgt.u32 v20, $0x1;
	v20 =	vsel vm9, $0x2, v6;
	v27 =	vsel vm11, $0x2, v6  }
0x328: {  	v62 =	vsel vm6, $0x1, v4;
	vm8 =	vgt.u32 v31, $0x1;
	v25 =	vadd.s32 v60, v25  }
0x329: {  	v26 =	vadd.s32 v32, v26;
	v20 =	vadd.s32 v20, v29;
	v63 =	vadd.s32 v62, v24  }
0x32a: {  	v24 =	vadd.s32 v59, v58;
	vm4 =	vgt.u32 v25, $0x1;
	v25 =	vadd.s32 v22, v26  }
0x32b: {  	v26 =	vsel vm2, $0x1, v4;
	vm2 =	vmneg vm2;
	vm6 =	vgt.u32 v25, $0x1  }
0x32c: {  	v22 =	vsel vm9, $0x1, v4;
	v27 =	vadd.s32 v27, v24;
	v61 =	vsel vm2, $0x1, v4  }
0x32d: {  	v24 =	vadd.s32 v26, v30;
	vm2 =	vgt.u32 v27, $0x1;
	v25 =	vadd.s32 v61, v28  }
0x32e: {  	v26 =	vsel vm15, $0x1, v4;
	v25 =	vadd.s32 v23, v25;
	v23 =	vsel vm1, $0xFFFFFFFF, v4;
	[tilespmem:v0+s8+$0xFFFFFDC0] =	vst.idx.msk vm5, v7  }
0x32f: {  	s7 =	simm.s32 $0x0;
	s25 =	simm.s32 $0x4740;
	vm1 =	vgt.u32 v25, $0x1;
	v25 =	vsel vm7, $0x1, v4;
	vm5 =	vgt.u32 v63, $0x1;
	[tilespmem:v1+s8+$0xFFFFFDC0] =	vst.idx.msk vm8, v7  }
.LBB2_15:
0x330: {  	v27 =	vld.idx.msk [tilespmem:v0+s25+$0xFFFFFDC0], $0xffff;
	s7 =	sadd.s32 $0x100, s7;
	[tilespmem:v2+s8+$0xFFFFFDC0] =	vst.idx.msk vm3, v7;
	v18 =	vadd.s32 v21, v18;
	v19 =	vadd.s32 v19, v26;
	s15 =	simm.s32 $0x43C0  }
0x331: {  	v21 =	vld.idx.msk [tilespmem:v3+s25+$0xFFFFFE00], $0xffff;
	p1 =	slt.u32 s7, $0xF00;
	v17 =	vadd.s32 v17, v18;
	v18 =	vadd.s32 v25, v19;
	[tilespmem:v0+s8+$0x0] =	vst.idx.msk vm6, v7  }
0x332: {  	vm3 =	vgt.f32 v16, v13;
	vm7 =	vgt.f32 v11, v16;
	v19 =	vld.idx.msk [tilespmem:v1+s25+$0xFFFFFDC0], $0xffff;
	vm6 =	vgt.u32 v18, $0x1  }
0x333: {  	v11 =	vsel vm3, $0x1, v4;
	v13 =	vsel vm7, $0x1, v4;
	v18 =	vld.idx.msk [tilespmem:v2+s25+$0xFFFFFDC0], $0xffff;
	[tilespmem:v3+s8+$0xFFFFFDC0] =	vst.idx.msk vm4, v7;
	vm4 =	vmneg vm3  }
0x334: {  	v11 =	vadd.s32 v11, v14;
	vm3 =	vgt.u32 v17, $0x1;
	v16 =	vld.idx.msk [tilespmem:v3+s25+$0xFFFFFFC0], $0xffff;
	v14 =	vsel vm4, $0x1, v4  }
0x335: {  	v25 =	vsel vm0, $0xFFFFFFFF, v4;
	v11 =	vadd.s32 v12, v11;
	v17 =	vld.idx.msk [tilespmem:v2+s25+$0xFFFFFFC0], $0xffff;
	v12 =	vadd.s32 v14, v13  }
0x336: {  	vm9 =	vgt.u32 v11, $0x1;
	v26 =	vand.u32 $0x7FFFFFFF, v27;
	v13 =	vld.idx.msk [tilespmem:v0+s25+$0xFFFFFFC0], $0xffff;
	v12 =	vadd.s32 v15, v12  }
0x337: {  	v11 =	vadd.s32 v22, v24;
	v14 =	vsel vm7, $0xFFFFFFFF, v4;
	v15 =	vld.idx.msk [tilespmem:v2+s25+$0xFFFFFE00], $0xffff;
	vm0 =	vgt.u32 v12, $0x1  }
0x338: {  	vm8 =	vgt.u32 v11, $0x1;
	v11 =	vadd.s32 v23, v25;
	v10 =	vadd.s32 v14, v10;
	v22 =	vld.idx.msk [tilespmem:v1+s25+$0xFFFFFE00], $0xffff  }
0x339: {  	v9 =	vadd.s32 v9, v11;
	v8 =	vadd.s32 v8, v10;
	v23 =	vld.idx.msk [tilespmem:v1+s25+$0xFFFFFFC0], $0xffff;
	[tilespmem:v1+s8+$0x0] =	vst.idx.msk vm6, v7  }
0x33a: {  	v21 =	vand.u32 $0x7FFFFFFF, v21;
	v25 =	vand.u32 $0x7FFFFFFF, v16;
	vm6 =	vgt.u32 v8, $0x1;
	v24 =	vld.idx.msk [tilespmem:v0+s25+$0xFFFFFE00], $0xffff;
	[tilespmem:v2+s8+$0x0] =	vst.idx.msk vm5, v7  }
0x33b: {  	vm4 =	vgt.u32 v9, $0x1;
	v11 =	vand.u32 $0x7FFFFFFF, v17;
	v27 =	vld.idx.msk [tilespmem:v3+s25+$0xFFFFFDC0], $0xffff;
	[tilespmem:v3+s8+$0x0] =	vst.idx.msk vm2, v7  }
0x33c: {  	vm7 =	vgt.u32 v20, $0x1;
	v13 =	vand.u32 $0x7FFFFFFF, v13;
	vm2 =	vgt.f32 v25, v11;
	v28 =	vld.idx.msk [tilespmem:v3+s25+$0x0], $0xffff;
	[tilespmem:v0+s8+$0xFFFFFFC0] =	vst.idx.msk vm9, v7  }
0x33d: {  	vm5 =	vgt.f32 v11, v13;
	vm9 =	vgt.f32 v25, v13;
	v8 =	vsel vm2, $0x1, v4;
	v20 =	vld.idx.msk [tilespmem:v2+s25+$0x0], $0xffff  }
0x33e: {  	v14 =	vsel vm5, $0x1, v4;
	v12 =	vsel vm9, $0x1, v4;
	v9 =	vsel vm9, $0x2, v6;
	v29 =	vld.idx.msk [tilespmem:v1+s25+$0x0], $0xffff;
	[tilespmem:v0+s8+$0xFFFFFE00] =	vst.idx.msk vm8, v7  }
0x33f: {  	v30 =	vand.u32 $0x7FFFFFFF, v15;
	v10 =	vsel vm5, $0x1, v5;
	v16 =	vand.u32 $0x7FFFFFFF, v23;
	v23 =	vld.idx.msk [tilespmem:v0+s25+$0x0], $0xffff;
	[tilespmem:v1+s8+$0xFFFFFFC0] =	vst.idx.msk vm0, v7  }
0x340: {  	v22 =	vand.u32 $0x7FFFFFFF, v22;
	v24 =	vand.u32 $0x7FFFFFFF, v24;
	vm0 =	vgt.f32 v25, v16;
	[tilespmem:v1+s8+$0xFFFFFE00] =	vst.idx.msk vm1, v7  }
0x341: {  	v25 =	vand.u32 $0x7FFFFFFF, v27;
	vm1 =	vgt.f32 v22, v24;
	v15 =	vsel vm0, $0x1, v4;
	[tilespmem:v2+s8+$0xFFFFFFC0] =	vst.idx.msk vm6, v7  }
0x342: {  	v19 =	vand.u32 $0x7FFFFFFF, v19;
	v18 =	vand.u32 $0x7FFFFFFF, v18;
	vm8 =	vgt.f32 v21, v30;
	[tilespmem:v2+s8+$0xFFFFFE00] =	vst.idx.msk vm3, v7  }
0x343: {  	v17 =	vsel vm8, $0x1, v4;
	vm5 =	vgt.f32 v25, v18;
	vm3 =	vgt.f32 v18, v26;
	[tilespmem:v3+s8+$0xFFFFFFC0] =	vst.idx.msk vm4, v7  }
0x344: {  	vm6 =	vgt.f32 v25, v19;
	vm4 =	vgt.f32 v25, v26;
	v25 =	vsel vm8, $0xFFFFFFFF, v4;
	[tilespmem:v3+s8+$0xFFFFFE00] =	vst.idx.msk vm7, v7;
	s8 =	smov.u32 s25  }
0x345: {  	v27 =	vand.u32 $0x7FFFFFFF, v29;
	vm7 =	vgt.f32 v30, v24;
	v23 =	vand.u32 $0x7FFFFFFF, v23  }
0x346: {  	vm8 =	vgt.f32 v18, v19;
	v18 =	vsel vm7, $0x1, v5;
	vm9 =	vgt.f32 v27, v23  }
0x347: {  	v29 =	vsel vm8, $0xFFFFFFFF, v4;
	v31 =	vsel vm7, $0x1, v4;
	vm7 =	vmneg vm9  }
0x348: {  	vm10 =	vgt.f32 v21, v22;
	v32 =	vsel vm3, $0x1, v5;
	v33 =	vsel vm9, $0x1, v4  }
0x349: {  	v35 =	vsel vm10, $0xFFFFFFFF, v4;
	v20 =	vand.u32 $0x7FFFFFFF, v20;
	v34 =	vsel vm8, $0x1, v4  }
0x34a: {  	vm8 =	vgt.f32 v19, v26;
	v26 =	vsel vm5, $0x1, v4;
	v19 =	vsel vm7, $0x1, v4  }
0x34b: {  	v37 =	vsel vm3, $0x1, v4;
	v25 =	vadd.s32 v25, v35;
	v36 =	vsel vm8, $0x1, v4  }
0x34c: {  	vm3 =	vmneg vm8;
	v35 =	vadd.s32 v36, v37;
	vm9 =	vgt.f32 v21, v24  }
0x34d: {  	v24 =	vsel vm4, $0x1, v4;
	v21 =	vadd.s32 v29, v32;
	v29 =	vsel vm10, $0x1, v4  }
0x34e: {  	v32 =	vsel vm3, $0x1, v4;
	vm3 =	vgt.f32 v30, v22;
	v22 =	vand.u32 $0x7FFFFFFF, v28  }
0x34f: {  	v26 =	vadd.s32 v26, v21;
	v28 =	vsel vm3, $0x1, v4;
	vm7 =	vgt.f32 v22, v27  }
0x350: {  	v21 =	vsel vm6, $0x1, v4;
	v30 =	vadd.s32 v32, v34;
	vm11 =	vgt.f32 v22, v23  }
0x351: {  	v30 =	vadd.s32 v21, v30;
	v21 =	vsel vm3, $0xFFFFFFFF, v4;
	v32 =	vsel vm7, $0xFFFFFFFF, v4  }
0x352: {  	vm12 =	vgt.f32 v20, v23;
	v24 =	vadd.s32 v24, v35;
	vm8 =	vgt.u32 v30, $0x1  }
0x353: {  	vm10 =	vgt.f32 v20, v27;
	vm3 =	vgt.u32 v26, $0x1;
	v23 =	vsel vm11, $0x1, v4  }
0x354: {  	v26 =	vsel vm6, $0xFFFFFFFF, v4;
	vm6 =	vgt.f32 v22, v20;
	v20 =	vsel vm12, $0x1, v5  }
0x355: {  	v27 =	vsel vm10, $0xFFFFFFFF, v4;
	v22 =	vsel vm5, $0xFFFFFFFF, v4;
	v30 =	vsel vm6, $0xFFFFFFFF, v4  }
0x356: {  	v34 =	vsel vm4, $0x2, v6;
	v22 =	vadd.s32 v22, v26;
	v26 =	vsel vm12, $0x1, v4  }
0x357: {  	v27 =	vadd.s32 v27, v20;
	v22 =	vadd.s32 v34, v22;
	v26 =	vadd.s32 v33, v26  }
0x358: {  	vm5 =	vgt.u32 v24, $0x1;
	vm4 =	vgt.u32 v22, $0x1;
	v23 =	vadd.s32 v23, v26  }
0x359: {  	v24 =	vsel vm1, $0x1, v4;
	v20 =	vsel vm9, $0x2, v6;
	v22 =	vsel vm9, $0x1, v4  }
0x35a: {  	vm1 =	vmneg vm1;
	v20 =	vadd.s32 v20, v25;
	v25 =	vsel vm11, $0x2, v6  }
.Ltmp8:
0x35b: {  	v33 =	vsel vm6, $0x1, v4;
	v26 =	vsel vm1, $0x1, v4;
	vm6 =	vgt.u32 v23, $0x1;
	(pc) =	sbr.rel @p1 .LBB2_15-.Ltmp8, $4  }
0x35c: {  	v27 =	vadd.s32 v33, v27;
	v23 =	vadd.s32 v26, v28;
	v26 =	vadd.s32 v30, v32  }
0x35d: {  	v28 =	vadd.s32 v29, v23;
	v23 =	vsel vm2, $0xFFFFFFFF, v4;
	v25 =	vadd.s32 v25, v26  }
0x35e: {  	v24 =	vadd.s32 v24, v31;
	vm1 =	vgt.u32 v28, $0x1;
	vm2 =	vgt.u32 v25, $0x1;
	[tilespmem:v0+s25+$0xFFFFFDC0] =	vst.idx.msk vm5, v7  }
0x35f: {  	v26 =	vsel vm10, $0x1, v4;
	v25 =	vsel vm7, $0x1, v4;
	vm5 =	vgt.u32 v27, $0x1;
	s25 =	sadd.s32 $0x400, s25;
	[tilespmem:v1+s8+$0xFFFFFDC0] =	vst.idx.msk vm8, v7  }
0x360: {  	v19 =	vadd.s32 v19, v26  }
0x361: {  	vm7 =	vgt.f32 v16, v13;
	v19 =	vadd.s32 v25, v19  }
0x362: {  	v13 =	vsel vm7, $0x1, v4;
	vm8 =	vgt.u32 v19, $0x1  }
0x363: {  	vm9 =	vgt.f32 v11, v16;
	vm7 =	vmneg vm7;
	v11 =	vadd.s32 v13, v14  }
0x364: {  	v13 =	vsel vm9, $0x1, v4;
	v14 =	vsel vm7, $0x1, v4;
	v11 =	vadd.s32 v12, v11  }
0x365: {  	[tilespmem:v2+s8+$0xFFFFFDC0] =	vst.idx.msk vm3, v7;
	v12 =	vadd.s32 v14, v13;
	vm3 =	vgt.u32 v11, $0x1;
	v11 =	vadd.s32 v22, v24  }
0x366: {  	[tilespmem:v0+s8+$0x0] =	vst.idx.msk vm6, v7;
	v13 =	vsel vm9, $0xFFFFFFFF, v4;
	v12 =	vadd.s32 v15, v12;
	vm6 =	vgt.u32 v11, $0x1  }
0x367: {  	[tilespmem:v3+s8+$0xFFFFFDC0] =	vst.idx.msk vm4, v7;
	v10 =	vadd.s32 v13, v10;
	vm4 =	vgt.u32 v12, $0x1  }
0x368: {  	v11 =	vadd.s32 v21, v18;
	v12 =	vsel vm0, $0xFFFFFFFF, v4;
	v8 =	vadd.s32 v8, v10;
	[tilespmem:v1+s8+$0x0] =	vst.idx.msk vm8, v7  }
0x369: {  	v10 =	vadd.s32 v17, v11;
	v11 =	vadd.s32 v23, v12;
	vm0 =	vgt.u32 v8, $0x1;
	[tilespmem:v2+s8+$0x0] =	vst.idx.msk vm5, v7  }
0x36a: {  	v8 =	vadd.s32 v9, v11;
	vm5 =	vgt.u32 v10, $0x1;
	[tilespmem:v3+s8+$0x0] =	vst.idx.msk vm2, v7  }
0x36b: {  	vm2 =	vgt.u32 v8, $0x1;
	[tilespmem:v0+s8+$0xFFFFFFC0] =	vst.idx.msk vm3, v7  }
0x36c: {  	vm3 =	vgt.u32 v20, $0x1;
	[tilespmem:v0+s8+$0xFFFFFE00] =	vst.idx.msk vm6, v7  }
0x36d: {  	[tilespmem:v1+s8+$0xFFFFFFC0] =	vst.idx.msk vm4, v7  }
0x36e: {  	[tilespmem:v1+s8+$0xFFFFFE00] =	vst.idx.msk vm1, v7  }
0x36f: {  	[tilespmem:v2+s8+$0xFFFFFFC0] =	vst.idx.msk vm0, v7  }
0x370: {  	[tilespmem:v2+s8+$0xFFFFFE00] =	vst.idx.msk vm5, v7  }
0x371: {  	[tilespmem:v3+s8+$0xFFFFFFC0] =	vst.idx.msk vm2, v7  }
0x372: {  	[tilespmem:v3+s8+$0xFFFFFE00] =	vst.idx.msk vm3, v7  }
0x373: {  	v8 =	vld.idx.msk [tilespmem:v0+s15+$0xFFFFFDC0], $0xffff  }
0x374: {  	v9 =	vld.idx.msk [tilespmem:v3+s15+$0xFFFFFFC0], $0xffff  }
0x375: {  	v10 =	vld.idx.msk [tilespmem:v3+s15+$0xFFFFFE00], $0xffff  }
0x376: {  	v11 =	vld.idx.msk [tilespmem:v3+s15+$0xFFFFFDC0], $0xffff  }
0x377: {  	v12 =	vld.idx.msk [tilespmem:v2+s15+$0x0], $0xffff  }
0x378: {  	v13 =	vld.idx.msk [tilespmem:v2+s15+$0xFFFFFDC0], $0xffff  }
0x379: {  	v14 =	vld.idx.msk [tilespmem:v2+s15+$0xFFFFFE00], $0xffff  }
0x37a: {  	v15 =	vld.idx.msk [tilespmem:v2+s15+$0xFFFFFFC0], $0xffff  }
0x37b: {  	v16 =	vld.idx.msk [tilespmem:v1+s15+$0xFFFFFE00], $0xffff  }
0x37c: {  	v17 =	vld.idx.msk [tilespmem:v0+s15+$0xFFFFFFC0], $0xffff  }
0x37d: {  	v18 =	vld.idx.msk [tilespmem:v0+s15+$0xFFFFFE00], $0xffff  }
0x37e: {  	v32 =	vld.idx.msk [tilespmem:v0+s15+$0x0], $0xffff  }
0x37f: {  	v19 =	vand.u32 $0x7FFFFFFF, v8  }
0x380: {  	v20 =	vand.u32 $0x7FFFFFFF, v9;
	v21 =	vand.u32 $0x7FFFFFFF, v11;
	v22 =	vand.u32 $0x7FFFFFFF, v10  }
0x381: {  	v23 =	vand.u32 $0x7FFFFFFF, v12;
	v15 =	vand.u32 $0x7FFFFFFF, v15;
	v14 =	vand.u32 $0x7FFFFFFF, v14  }
0x382: {  	v16 =	vand.u32 $0x7FFFFFFF, v16;
	v47 =	vand.u32 $0x7FFFFFFF, v13;
	v13 =	vand.u32 $0x7FFFFFFF, v17  }
0x383: {  	v49 =	vand.u32 $0x7FFFFFFF, v18;
	v32 =	vand.u32 $0x7FFFFFFF, v32;
	vm2 =	vgt.f32 v20, v15  }
0x384: {  	vm5 =	vgt.f32 v22, v16;
	vm0 =	vgt.f32 v22, v14;
	vm7 =	vgt.f32 v16, v49  }
0x385: {  	v8 =	vld.idx.msk [tilespmem:v1+s15+$0xFFFFFFC0], $0xffff;
	vm1 =	vgt.f32 v20, v13;
	vm3 =	vgt.f32 v21, v47;
	vm10 =	vgt.f32 v47, v19  }
0x386: {  	v9 =	vld.idx.msk [tilespmem:v1+s15+$0xFFFFFDC0], $0xffff;
	vm13 =	vgt.f32 v14, v16;
	vm11 =	vgt.f32 v14, v49;
	v17 =	vsel vm5, $0xFFFFFFFF, v4  }
0x387: {  	v48 =	vsel vm2, $0xFFFFFFFF, v4;
	v18 =	vsel vm0, $0xFFFFFFFF, v4;
	v10 =	vsel vm1, $0x1, v4  }
0x388: {  	vm6 =	vmneg vm7;
	v12 =	vsel vm10, $0x1, v5;
	v30 =	vsel vm10, $0x1, v4  }
0x389: {  	v16 =	vld.idx.msk [tilespmem:v1+s15+$0x0], $0xffff;
	v31 =	vsel vm1, $0x2, v6;
	v50 =	vsel vm7, $0x1, v4;
	v34 =	vsel vm5, $0x1, v4  }
0x38a: {  	v35 =	vsel vm2, $0x1, v4;
	v62 =	vsel vm3, $0xFFFFFFFF, v4;
	v36 =	vsel vm6, $0x1, v4  }
0x38b: {  	vm6 =	vgt.f32 v23, v32;
	v27 =	vand.u32 $0x7FFFFFFF, v8;
	v28 =	vand.u32 $0x7FFFFFFF, v9  }
0x38c: {  	v8 =	vsel vm0, $0x1, v4;
	v9 =	vsel vm3, $0x1, v4;
	vm0 =	vgt.f32 v15, v13  }
0x38d: {  	vm8 =	vgt.f32 v28, v19;
	vm1 =	vgt.f32 v27, v13;
	vm7 =	vgt.f32 v21, v28  }
0x38e: {  	v51 =	vand.u32 $0x7FFFFFFF, v16;
	v13 =	vsel vm13, $0xFFFFFFFF, v4;
	vm9 =	vgt.f32 v20, v27  }
0x38f: {  	v20 =	vsel vm13, $0x1, v4;
	v55 =	vsel vm0, $0x1, v5;
	vm4 =	vmneg vm8  }
0x390: {  	vm12 =	vgt.f32 v23, v51;
	vm5 =	vgt.f32 v51, v32;
	v57 =	vadd.s32 v36, v20  }
0x391: {  	v60 =	vsel vm7, $0xFFFFFFFF, v4;
	v11 =	vsel vm4, $0x1, v4;
	vm4 =	vgt.f32 v21, v19  }
0x392: {  	v29 =	vld.idx.msk [tilespmem:v3+s15+$0x0], $0xffff;
	v19 =	vsel vm8, $0x1, v4;
	v53 =	vsel vm5, $0x1, v4;
	vm2 =	vmneg vm5  }
0x393: {  	v21 =	vsel vm6, $0x1, v5;
	v56 =	vsel vm12, $0x1, v4;
	v24 =	vadd.s32 v34, v57  }
0x394: {  	v33 =	vsel vm4, $0x1, v4;
	v19 =	vadd.s32 v19, v30;
	v54 =	vsel vm2, $0x1, v4  }
0x395: {  	vm2 =	vgt.f32 v15, v27;
	v15 =	vadd.s32 v18, v17;
	v18 =	vsel vm9, $0xFFFFFFFF, v4  }
0x396: {  	v17 =	vimm.s32 $0x0;
	v63 =	vsel vm4, $0x2, v6;
	v14 =	vadd.s32 v33, v19  }
0x397: {  	v19 =	vand.u32 $0x7FFFFFFF, v29;
	v17 =	vsel vm1, $0xFFFFFFFF, v17;
	v25 =	vadd.s32 v48, v18  }
0x398: {  	v18 =	vsel vm12, $0xFFFFFFFF, v4;
	vm12 =	vmmov vm11;
	vm11 =	vmmov vm2  }
0x399: {  	vm8 =	vgt.u32 v14, $0x1;
	v14 =	vsel vm0, $0x1, v4;
	vm10 =	vgt.f32 v19, v23  }
0x39a: {  	v23 =	vsel vm6, $0x1, v4;
	vm5 =	vgt.f32 v19, v51;
	vm0 =	vgt.f32 v19, v32  }
0x39b: {  	[tilespmem:$0x1FF50] =	vst v17;
	v17 =	vsel vm1, $0x1, v4;
	vm6 =	vgt.f32 v22, v49;
	v22 =	vsel vm12, $0x1, v4  }
0x39c: {  	v16 =	vsel vm10, $0x1, v4;
	v52 =	vsel vm10, $0xFFFFFFFF, v4;
	vm10 =	vgt.f32 v47, v28  }
0x39d: {  	v19 =	vadd.s32 v53, v23;
	v23 =	vsel vm2, $0xFFFFFFFF, v4;
	v20 =	vsel vm0, $0x1, v4  }
0x39e: {  	v58 =	vsel vm0, $0x2, v6;
	v59 =	vsel vm5, $0x1, v4;
	v28 =	vadd.s32 v54, v56  }
0x39f: {  	v61 =	vsel vm5, $0xFFFFFFFF, v4;
	v23 =	vadd.s32 v23, v55;
	v27 =	vadd.s32 v59, v28  }
0x3a0: {  	v32 =	vadd.s32 v52, v61;
	v28 =	vadd.s32 v62, v60;
	vm3 =	vgt.u32 v27, $0x1  }
0x3a1: {  	v26 =	vadd.s32 v58, v32;
	v27 =	vadd.s32 v63, v28;
	v23 =	vadd.s32 v35, v23  }
0x3a2: {  	vm13 =	vgt.u32 v26, $0x1;
	vm2 =	vgt.u32 v27, $0x1;
	vm4 =	vgt.u32 v23, $0x1  }
0x3a3: {  	s7 =	simm.s32 $0x0;
	s8 =	simm.s32 $0x47C0;
	v23 =	vadd.s32 v50, v22;
	v22 =	vadd.s32 v31, v25;
	[tilespmem:v0+s15+$0xFFFFFDC0] =	vst.idx.msk vm8, v7;
	vm8 =	vgt.u32 v24, $0x1  }
.LBB2_17:
0x3a4: {  	v25 =	vsel vm10, $0x1, v4  }
0x3a5: {  	v24 =	vld.idx.msk [tilespmem:v0+s8+$0xFFFFFDC0], $0xffff;
	v26 =	vsel vm6, $0x2, v6;
	v18 =	vadd.s32 v18, v21;
	v27 =	vsel vm12, $0x1, v5  }
0x3a6: {  	v21 =	vld.idx.msk [tilespmem:v3+s8+$0xFFFFFFC0], $0xffff;
	v14 =	vadd.s32 v17, v14;
	v17 =	vsel vm7, $0x1, v4;
	v15 =	vadd.s32 v26, v15  }
0x3a7: {  	v16 =	vadd.s32 v16, v18;
	v18 =	vld.idx.msk [tilespmem:v3+s8+$0xFFFFFE00], $0xffff;
	v13 =	vadd.s32 v13, v27;
	v10 =	vadd.s32 v10, v14  }
0x3a8: {  	v14 =	vsel vm10, $0xFFFFFFFF, v4;
	vm1 =	vgt.u32 v16, $0x1;
	v16 =	vld.idx.msk [tilespmem:v3+s8+$0xFFFFFDC0], $0xffff;
	v8 =	vadd.s32 v8, v13  }
0x3a9: {  	v13 =	vld.idx.msk [tilespmem:v2+s8+$0x0], $0xffff;
	vm14 =	vgt.u32 v10, $0x1;
	v12 =	vadd.s32 v14, v12;
	v14 =	vadd.s32 v20, v19  }
0x3aa: {  	v10 =	vld.idx.msk [tilespmem:v2+s8+$0xFFFFFDC0], $0xffff;
	vm0 =	vgt.u32 v15, $0x1;
	vm12 =	vgt.u32 v14, $0x1;
	v14 =	vimm.s32 $0x0  }
0x3ab: {  	vm7 =	vmmov vm4;
	v11 =	vadd.s32 v11, v25;
	v15 =	vld.idx.msk [tilespmem:v0+s8+$0xFFFFFE00], $0xffff;
	v14 =	vsel vm0, $0xFFFFFFFF, v14  }
0x3ac: {  	vm4 =	vmmov vm13;
	v11 =	vadd.s32 v17, v11;
	v9 =	vadd.s32 v9, v12;
	[tilespmem:$0x1FF20] =	vst v14;
	v14 =	vld [tilespmem:$0x1FF50]  }
0x3ad: {  	vm15 =	vgt.u32 v11, $0x1;
	vm10 =	vgt.u32 v8, $0x1;
	v8 =	vsel vm9, $0x1, v4;
	v12 =	vld.idx.msk [tilespmem:v0+s8+$0xFFFFFFC0], $0xffff  }
0x3ae: {  	v19 =	vld.idx.msk [tilespmem:v2+s8+$0xFFFFFE00], $0xffff;
	vm9 =	vgt.u32 v22, $0x1;
	v20 =	vand.u32 $0x7FFFFFFF, v21;
	v21 =	vsel vm6, $0x1, v4  }
0x3af: {  	vm13 =	vgt.u32 v9, $0x1;
	v17 =	vand.u32 $0x7FFFFFFF, v24;
	v21 =	vadd.s32 v21, v23;
	v23 =	vld.idx.msk [tilespmem:v1+s8+$0xFFFFFDC0], $0xffff  }
0x3b0: {  	v11 =	vld.idx.msk [tilespmem:v2+s8+$0xFFFFFFC0], $0xffff;
	v46 =	vand.u32 $0x7FFFFFFF, v18;
	v16 =	vand.u32 $0x7FFFFFFF, v16;
	v47 =	vand.u32 $0x7FFFFFFF, v13  }
0x3b1: {  	v9 =	vld.idx.msk [tilespmem:v1+s8+$0xFFFFFE00], $0xffff;
	v29 =	vand.u32 $0x7FFFFFFF, v15;
	[tilespmem:v0+s15+$0xFFFFFFC0] =	vst.idx.msk vm14, v7;
	vm14 =	vgt.u32 v21, $0x1;
	vm0 =	vnez.u8 v14  }
0x3b2: {  	v48 =	vand.u32 $0x7FFFFFFF, v12;
	v12 =	vimm.s32 $0x0;
	v18 =	vld.idx.msk [tilespmem:v1+s8+$0xFFFFFFC0], $0xffff;
	vm0 =	vmneg vm0  }
0x3b3: {  	[tilespmem:v1+s15+$0xFFFFFDC0] =	vst.idx.msk vm15, v7;
	vm15 =	vgt.f32 v20, v48;
	v14 =	vsel vm11, $0x1, v4;
	v22 =	vsel vm0, $0x1, v4  }
0x3b4: {  	v21 =	vld.idx.msk [tilespmem:v0+s8+$0x0], $0xffff;
	[tilespmem:v0+s15+$0x0] =	vst.idx.msk vm12, v7;
	v32 =	vsel vm15, $0x2, v6;
	v23 =	vand.u32 $0x7FFFFFFF, v23;
	v13 =	vadd.s32 v22, v14  }
0x3b5: {  	[tilespmem:v2+s15+$0xFFFFFDC0] =	vst.idx.msk vm13, v7;
	v14 =	vand.u32 $0x7FFFFFFF, v19;
	v19 =	vand.u32 $0x7FFFFFFF, v11;
	v22 =	vand.u32 $0x7FFFFFFF, v10  }
0x3b6: {  	[tilespmem:v1+s15+$0x0] =	vst.idx.msk vm3, v7;
	v10 =	vsel vm15, $0x1, v4;
	v8 =	vadd.s32 v8, v13;
	v13 =	vand.u32 $0x7FFFFFFF, v9  }
0x3b7: {  	vm6 =	vgt.f32 v20, v19;
	vm13 =	vgt.f32 v46, v14;
	v18 =	vand.u32 $0x7FFFFFFF, v18;
	[tilespmem:v0+s15+$0xFFFFFE00] =	vst.idx.msk vm14, v7  }
0x3b8: {  	vm14 =	vgt.f32 v23, v17;
	vm11 =	vgt.f32 v16, v22;
	vm3 =	vgt.f32 v22, v17  }
0x3b9: {  	vm12 =	vgt.f32 v14, v29;
	vm0 =	vgt.u32 v8, $0x1;
	vm5 =	vgt.f32 v46, v13  }
0x3ba: {  	[tilespmem:v3+s15+$0xFFFFFDC0] =	vst.idx.msk vm2, v7;
	v28 =	vsel vm6, $0xFFFFFFFF, v4;
	v15 =	vsel vm13, $0xFFFFFFFF, v4;
	vm2 =	vgt.f32 v13, v29  }
0x3bb: {  	[tilespmem:v2+s15+$0x0] =	vst.idx.msk vm1, v7;
	v8 =	vimm.s32 $0x0;
	vm1 =	vmneg vm14;
	v9 =	vsel vm11, $0x1, v4  }
0x3bc: {  	[tilespmem:v1+s15+$0xFFFFFE00] =	vst.idx.msk vm8, v7;
	vm8 =	vgt.f32 v16, v17;
	v17 =	vsel vm3, $0x1, v4;
	v53 =	vsel vm12, $0x1, v4  }
0x3bd: {  	v30 =	vld.idx.msk [tilespmem:v3+s8+$0x0], $0xffff;
	v54 =	vsel vm6, $0x1, v4;
	vm6 =	vgt.f32 v46, v29;
	v49 =	vsel vm5, $0xFFFFFFFF, v4  }
0x3be: {  	v31 =	vld.idx.msk [tilespmem:v1+s8+$0x0], $0xffff;
	v8 =	vsel vm11, $0xFFFFFFFF, v8;
	v11 =	vsel vm1, $0x1, v4;
	vm1 =	vmneg vm2  }
0x3bf: {  	v33 =	vsel vm8, $0x1, v4;
	[tilespmem:v2+s15+$0xFFFFFE00] =	vst.idx.msk vm10, v7;
	v50 =	vsel vm2, $0x1, v4;
	vm10 =	vgt.f32 v22, v23  }
0x3c0: {  	vm11 =	vgt.f32 v19, v18;
	v52 =	vsel vm5, $0x1, v4;
	v63 =	vsel vm8, $0x2, v6  }
0x3c1: {  	[tilespmem:$0x1FF40] =	vst v8;
	v8 =	vsel vm13, $0x1, v4;
	vm13 =	vgt.f32 v14, v13;
	v13 =	vsel vm14, $0x1, v4  }
0x3c2: {  	v12 =	vsel vm1, $0xFFFFFFFF, v12;
	vm1 =	vgt.f32 v18, v48;
	v13 =	vadd.s32 v13, v17  }
0x3c3: {  	v51 =	vand.u32 $0x7FFFFFFF, v31;
	v30 =	vand.u32 $0x7FFFFFFF, v30;
	v13 =	vadd.s32 v33, v13  }
0x3c4: {  	v15 =	vadd.s32 v15, v49;
	v57 =	vsel vm11, $0xFFFFFFFF, v4;
	vm15 =	vgt.u32 v13, $0x1;
	v13 =	vld [tilespmem:$0x1FF20]  }
0x3c5: {  	[tilespmem:$0x1FF30] =	vst v12;
	v12 =	vsel vm3, $0x1, v5;
	vm3 =	vgt.f32 v19, v48;
	vm14 =	vgt.f32 v47, v51  }
0x3c6: {  	[tilespmem:v3+s15+$0x0] =	vst.idx.msk vm4, v7;
	v17 =	vsel vm1, $0x1, v4;
	vm4 =	vgt.f32 v30, v51;
	v19 =	vand.u32 $0x7FFFFFFF, v21  }
0x3c7: {  	v56 =	vsel vm13, $0x1, v4;
	v14 =	vsel vm3, $0x1, v4;
	vm2 =	vgt.f32 v47, v19  }
0x3c8: {  	v58 =	vsel vm3, $0x1, v5;
	v59 =	vsel vm14, $0x1, v4;
	v60 =	vsel vm4, $0x1, v4;
	[tilespmem:v1+s15+$0xFFFFFFC0] =	vst.idx.msk vm0, v7  }
0x3c9: {  	v35 =	vsel vm4, $0xFFFFFFFF, v4;
	v29 =	vadd.s32 v57, v58;
	[tilespmem:v2+s15+$0xFFFFFFC0] =	vst.idx.msk vm7, v7;
	vm0 =	vnez.u8 v13  }
0x3ca: {  	v21 =	vsel vm2, $0x1, v4;
	v27 =	vadd.s32 v54, v29;
	[tilespmem:v3+s15+$0xFFFFFFC0] =	vst.idx.msk vm9, v7;
	vm9 =	vgt.f32 v20, v18  }
0x3cb: {  	vm7 =	vgt.f32 v16, v23;
	v16 =	vimm.s32 $0x0;
	v20 =	vsel vm9, $0xFFFFFFFF, v4  }
0x3cc: {  	vm4 =	vgt.u32 v27, $0x1;
	v16 =	vsel vm1, $0xFFFFFFFF, v16;
	v22 =	vadd.s32 v28, v20;
	v20 =	vld [tilespmem:$0x1FF30]  }
0x3cd: {  	vm1 =	vgt.f32 v51, v19;
	v18 =	vsel vm14, $0xFFFFFFFF, v4;
	v61 =	vsel vm7, $0xFFFFFFFF, v4  }
0x3ce: {  	v62 =	vld [tilespmem:$0x1FF40];
	[tilespmem:v0+s8+$0xFFFFFDC0] =	vst.idx.msk vm15, v7;
	vm15 =	vgt.f32 v30, v19;
	v19 =	vsel vm1, $0x1, v4;
	v22 =	vadd.s32 v32, v22  }
0x3cf: {  	v13 =	vsel vm13, $0xFFFFFFFF, v4;
	v19 =	vadd.s32 v19, v21;
	[tilespmem:v3+s15+$0xFFFFFE00] =	vst.idx.msk vm0, v7;
	vm0 =	vgt.f32 v30, v47  }
0x3d0: {  	[tilespmem:$0x1FF50] =	vst v16;
	v16 =	vsel vm0, $0x1, v4;
	v23 =	vsel vm0, $0xFFFFFFFF, v4;
	vm0 =	vmneg vm1  }
0x3d1: {  	s7 =	sadd.s32 $0x100, s7;
	v21 =	vsel vm2, $0x1, v5;
	v55 =	vsel vm0, $0x1, v4;
	vm0 =	vnez.u8 v20  }
0x3d2: {  	p1 =	slt.u32 s7, $0xF00;
	v34 =	vsel vm15, $0x2, v6;
	v23 =	vadd.s32 v23, v35;
	v20 =	vsel vm0, $0x1, v4  }
.Ltmp9:
0x3d3: {  	v28 =	vadd.s32 v55, v59;
	vm0 =	vnez.u8 v62;
	v23 =	vadd.s32 v34, v23;
	(pc) =	sbr.rel @p1 .LBB2_17-.Ltmp9, $4  }
0x3d4: {  	v24 =	vadd.s32 v20, v56;
	v20 =	vsel vm15, $0x1, v4;
	v30 =	vsel vm0, $0xFFFFFFFF, v4  }
0x3d5: {  	v28 =	vadd.s32 v60, v28;
	vm13 =	vgt.u32 v23, $0x1;
	v30 =	vadd.s32 v30, v61  }
0x3d6: {  	vm3 =	vgt.u32 v28, $0x1;
	v24 =	vadd.s32 v52, v24;
	v28 =	vadd.s32 v63, v30  }
0x3d7: {  	s15 =	smov.u32 s8;
	s8 =	sadd.s32 $0x400, s8;
	v23 =	vadd.s32 v50, v53;
	vm8 =	vgt.u32 v24, $0x1;
	vm2 =	vgt.u32 v28, $0x1  }
0x3d8: {  	v24 =	vsel vm10, $0x1, v4;
	v14 =	vadd.s32 v17, v14;
	v17 =	vsel vm7, $0x1, v4  }
0x3d9: {  	v10 =	vadd.s32 v10, v14;
	v11 =	vadd.s32 v11, v24;
	v14 =	vsel vm10, $0xFFFFFFFF, v4  }
0x3da: {  	vm0 =	vgt.u32 v10, $0x1;
	v10 =	vadd.s32 v17, v11;
	v11 =	vadd.s32 v14, v12  }
0x3db: {  	v9 =	vadd.s32 v9, v11;
	v11 =	vld [tilespmem:$0x1FF50]  }
0x3dc: {  	v12 =	vadd.s32 v20, v19;
	vm1 =	vgt.u32 v10, $0x1  }
0x3dd: {  	vm5 =	vgt.u32 v12, $0x1  }
0x3de: {  	vm7 =	vgt.u32 v9, $0x1  }
0x3df: {  	v9 =	vadd.s32 v18, v21  }
0x3e0: {  	v10 =	vsel vm6, $0x1, v4;
	v9 =	vadd.s32 v16, v9;
	vm14 =	vnez.u8 v11  }
0x3e1: {  	v10 =	vadd.s32 v10, v23;
	vm15 =	vgt.u32 v9, $0x1;
	[tilespmem:v0+s15+$0xFFFFFFC0] =	vst.idx.msk vm0, v7;
	vm10 =	vmneg vm14  }
0x3e2: {  	v11 =	vsel vm11, $0x1, v4;
	vm0 =	vgt.u32 v10, $0x1;
	[tilespmem:v1+s15+$0xFFFFFDC0] =	vst.idx.msk vm1, v7;
	v12 =	vsel vm10, $0x1, v4  }
0x3e3: {  	v9 =	vsel vm9, $0x1, v4;
	[tilespmem:v0+s15+$0x0] =	vst.idx.msk vm5, v7;
	v10 =	vadd.s32 v12, v11  }
0x3e4: {  	[tilespmem:v2+s15+$0xFFFFFDC0] =	vst.idx.msk vm7, v7;
	v9 =	vadd.s32 v9, v10;
	v10 =	vsel vm12, $0x1, v5  }
0x3e5: {  	[tilespmem:v1+s15+$0x0] =	vst.idx.msk vm3, v7;
	vm1 =	vgt.u32 v9, $0x1;
	v9 =	vadd.s32 v13, v10  }
0x3e6: {  	[tilespmem:v3+s15+$0xFFFFFDC0] =	vst.idx.msk vm2, v7;
	v8 =	vadd.s32 v8, v9  }
0x3e7: {  	[tilespmem:v2+s15+$0x0] =	vst.idx.msk vm15, v7;
	v9 =	vsel vm6, $0x2, v6;
	vm2 =	vgt.u32 v8, $0x1  }
0x3e8: {  	[tilespmem:v0+s15+$0xFFFFFE00] =	vst.idx.msk vm0, v7;
	vm0 =	vgt.u32 v22, $0x1;
	v8 =	vadd.s32 v9, v15  }
0x3e9: {  	[tilespmem:v3+s15+$0x0] =	vst.idx.msk vm13, v7;
	vm3 =	vgt.u32 v8, $0x1  }
0x3ea: {  	[tilespmem:v1+s15+$0xFFFFFE00] =	vst.idx.msk vm8, v7  }
0x3eb: {  	[tilespmem:v1+s15+$0xFFFFFFC0] =	vst.idx.msk vm1, v7  }
0x3ec: {  	[tilespmem:v2+s15+$0xFFFFFFC0] =	vst.idx.msk vm4, v7  }
0x3ed: {  	s7 =	sadd.s32 s0, s5;
	[tilespmem:v2+s15+$0xFFFFFE00] =	vst.idx.msk vm2, v7  }
0x3ee: {  	s7 =	sshll.u32 s7, $0x9;
	[tilespmem:v3+s15+$0xFFFFFFC0] =	vst.idx.msk vm0, v7  }
0x3ef: {  	s7 =	sadd.s32 s7, s12;
	[tilespmem:v3+s15+$0xFFFFFE00] =	vst.idx.msk vm3, v7  }
0x3f0: {  	[hbm4b:s7+s16] =	stream.strided.scatter [tilespmem:s18], [sflag:$0x6], $0x4000, s17, s16, $0x38;
	[tilespmem:$0x10000] =	vst v63  }
0x3f1: {  	s7 =	simm.s32 @!p0 $0x8  }
0x3f2: {  	_ =	swait.ge @!p0 [sflag:s7], $0x4000  }
0x3f3: {  	s1 =	sadd.s32 @!p0 s1, s6;
	[sflag:s7] =	ssyncset.done @!p0 $0x0  }
0x3f4: {  	s1 =	smov.u32 @p0 s13;
	[sflag:s7] =	ssyncadd.s32 @!p0 $0xFFFFC000  }
0x3f5: {  	[tilespmem:s22], [sflag:$0x4] =	stream.strided.gather [hbm4b:s1+s16], $0x4000, s17, s16, $0x38;
	[tilespmem:$0x10000] =	vst v63  }
0x3f6: {  	_ =	swait.ge [sflag:s23], $0x4000  }
0x3f7: {  	[sflag:s23] =	ssyncset.done $0x0  }
0x3f8: {  	s1 =	simm.s32 $0x8240;
	[sflag:s23] =	ssyncadd.s32 $0xFFFFC000  }
0x3f9: {  	v8 =	vld.idx.msk [tilespmem:v0+s1+$0xFFFFFDC0], $0xffff  }
0x3fa: {  	v9 =	vld.idx.msk [tilespmem:v3+s1+$0xFFFFFE00], $0xffff  }
0x3fb: {  	v10 =	vld.idx.msk [tilespmem:v3+s1+$0xFFFFFFC0], $0xffff  }
0x3fc: {  	v11 =	vld.idx.msk [tilespmem:v2+s1+$0xFFFFFFC0], $0xffff  }
0x3fd: {  	v12 =	vld.idx.msk [tilespmem:v0+s1+$0xFFFFFFC0], $0xffff  }
0x3fe: {  	v15 =	vld.idx.msk [tilespmem:v2+s1+$0xFFFFFE00], $0xffff  }
0x3ff: {  	v18 =	vld.idx.msk [tilespmem:v1+s1+$0xFFFFFE00], $0xffff  }
0x400: {  	v16 =	vld.idx.msk [tilespmem:v1+s1+$0xFFFFFFC0], $0xffff  }
0x401: {  	v20 =	vld.idx.msk [tilespmem:v0+s1+$0xFFFFFE00], $0xffff  }
0x402: {  	v23 =	vld.idx.msk [tilespmem:v3+s1+$0xFFFFFDC0], $0xffff  }
0x403: {  	v24 =	vld.idx.msk [tilespmem:v2+s1+$0xFFFFFDC0], $0xffff  }
0x404: {  	v27 =	vld.idx.msk [tilespmem:v0+s1+$0x0], $0xffff  }
0x405: {  	v25 =	vld.idx.msk [tilespmem:v1+s1+$0x0], $0xffff  }
0x406: {  	v19 =	vand.u32 $0x7FFFFFFF, v8;
	v21 =	vand.u32 $0x7FFFFFFF, v10;
	v11 =	vand.u32 $0x7FFFFFFF, v11  }
0x407: {  	v22 =	vand.u32 $0x7FFFFFFF, v9;
	v13 =	vand.u32 $0x7FFFFFFF, v12;
	v26 =	vand.u32 $0x7FFFFFFF, v15  }
0x408: {  	v16 =	vand.u32 $0x7FFFFFFF, v16;
	v20 =	vand.u32 $0x7FFFFFFF, v20;
	v28 =	vand.u32 $0x7FFFFFFF, v18  }
0x409: {  	v18 =	vand.u32 $0x7FFFFFFF, v23;
	v23 =	vand.u32 $0x7FFFFFFF, v24;
	v27 =	vand.u32 $0x7FFFFFFF, v27  }
0x40a: {  	v25 =	vand.u32 $0x7FFFFFFF, v25;
	vm1 =	vgt.f32 v21, v11;
	vm0 =	vgt.f32 v11, v13  }
0x40b: {  	v17 =	vld.idx.msk [tilespmem:v1+s1+$0xFFFFFDC0], $0xffff;
	vm2 =	vgt.f32 v21, v13;
	vm3 =	vgt.f32 v22, v26;
	vm7 =	vgt.f32 v23, v19  }
0x40c: {  	vm4 =	vgt.f32 v18, v23;
	vm5 =	vgt.f32 v18, v19;
	vm13 =	vgt.f32 v25, v27  }
0x40d: {  	vm14 =	vgt.f32 v22, v28;
	vm9 =	vgt.f32 v22, v20;
	v8 =	vsel vm1, $0x1, v4  }
0x40e: {  	v14 =	vsel vm0, $0x1, v4;
	v12 =	vsel vm2, $0x1, v4;
	v9 =	vsel vm2, $0x2, v6  }
0x40f: {  	v10 =	vsel vm0, $0x1, v5;
	vm0 =	vgt.f32 v21, v16;
	vm2 =	vgt.f32 v28, v20  }
0x410: {  	v21 =	vand.u32 $0x7FFFFFFF, v17;
	v17 =	vsel vm3, $0x1, v4;
	v29 =	vsel vm3, $0xFFFFFFFF, v4  }
0x411: {  	vm3 =	vgt.f32 v26, v20;
	v31 =	vsel vm7, $0x1, v5;
	v32 =	vsel vm13, $0x1, v4  }
0x412: {  	v24 =	vld.idx.msk [tilespmem:v2+s1+$0x0], $0xffff;
	v35 =	vsel vm14, $0xFFFFFFFF, v4;
	v37 =	vsel vm7, $0x1, v4;
	v20 =	vsel vm5, $0x1, v4  }
0x413: {  	v60 =	vsel vm5, $0x2, v6;
	v15 =	vsel vm0, $0x1, v4;
	vm6 =	vgt.f32 v18, v21  }
0x414: {  	vm8 =	vgt.f32 v23, v21;
	v18 =	vsel vm3, $0x1, v5;
	v30 =	vsel vm3, $0x1, v4  }
0x415: {  	v33 =	vld.idx.msk [tilespmem:v3+s1+$0x0], $0xffff;
	vm3 =	vmneg vm13;
	v29 =	vadd.s32 v29, v35;
	v23 =	vsel vm8, $0xFFFFFFFF, v4  }
0x416: {  	v34 =	vsel vm8, $0x1, v4;
	vm8 =	vgt.f32 v21, v19;
	v21 =	vsel vm4, $0x1, v4  }
0x417: {  	v19 =	vsel vm3, $0x1, v4;
	v24 =	vand.u32 $0x7FFFFFFF, v24;
	v36 =	vsel vm8, $0x1, v4  }
0x418: {  	vm3 =	vmneg vm8;
	v22 =	vadd.s32 v23, v31;
	v23 =	vsel vm14, $0x1, v4  }
0x419: {  	v56 =	vadd.s32 v36, v37;
	v57 =	vsel vm3, $0x1, v4;
	vm3 =	vgt.f32 v26, v28  }
0x41a: {  	v26 =	vand.u32 $0x7FFFFFFF, v33;
	v22 =	vadd.s32 v21, v22;
	v21 =	vsel vm6, $0x1, v4  }
0x41b: {  	vm12 =	vgt.f32 v24, v27;
	vm15 =	vgt.f32 v24, v25;
	v28 =	vsel vm3, $0x1, v4  }
0x41c: {  	vm7 =	vgt.f32 v26, v25;
	v31 =	vadd.s32 v57, v34;
	vm11 =	vgt.f32 v26, v27  }
0x41d: {  	v20 =	vadd.s32 v20, v56;
	v25 =	vsel vm6, $0xFFFFFFFF, v4;
	vm6 =	vgt.f32 v26, v24  }
0x41e: {  	v24 =	vsel vm12, $0x1, v5;
	v26 =	vsel vm4, $0xFFFFFFFF, v4;
	v27 =	vsel vm15, $0xFFFFFFFF, v4  }
0x41f: {  	v31 =	vadd.s32 v21, v31;
	v21 =	vsel vm3, $0xFFFFFFFF, v4;
	v58 =	vsel vm7, $0xFFFFFFFF, v4  }
0x420: {  	vm3 =	vgt.u32 v22, $0x1;
	v22 =	vsel vm11, $0x1, v4;
	v59 =	vsel vm6, $0xFFFFFFFF, v4  }
0x421: {  	v25 =	vadd.s32 v26, v25;
	v26 =	vsel vm12, $0x1, v4;
	v24 =	vadd.s32 v27, v24  }
0x422: {  	vm5 =	vgt.u32 v20, $0x1;
	v20 =	vsel vm9, $0x2, v6;
	v27 =	vsel vm11, $0x2, v6  }
0x423: {  	v62 =	vsel vm6, $0x1, v4;
	vm8 =	vgt.u32 v31, $0x1;
	v25 =	vadd.s32 v60, v25  }
0x424: {  	v26 =	vadd.s32 v32, v26;
	v20 =	vadd.s32 v20, v29;
	v63 =	vadd.s32 v62, v24  }
0x425: {  	v24 =	vadd.s32 v59, v58;
	vm4 =	vgt.u32 v25, $0x1;
	v25 =	vadd.s32 v22, v26  }
0x426: {  	v26 =	vsel vm2, $0x1, v4;
	vm2 =	vmneg vm2;
	vm6 =	vgt.u32 v25, $0x1  }
0x427: {  	v22 =	vsel vm9, $0x1, v4;
	v27 =	vadd.s32 v27, v24;
	v61 =	vsel vm2, $0x1, v4  }
0x428: {  	v24 =	vadd.s32 v26, v30;
	vm2 =	vgt.u32 v27, $0x1;
	v25 =	vadd.s32 v61, v28  }
0x429: {  	v26 =	vsel vm15, $0x1, v4;
	v25 =	vadd.s32 v23, v25;
	v23 =	vsel vm1, $0xFFFFFFFF, v4;
	[tilespmem:v0+s1+$0xFFFFFDC0] =	vst.idx.msk vm5, v7  }
0x42a: {  	s15 =	simm.s32 $0x8640;
	s7 =	simm.s32 $0x0;
	vm1 =	vgt.u32 v25, $0x1;
	v25 =	vsel vm7, $0x1, v4;
	vm5 =	vgt.u32 v63, $0x1;
	[tilespmem:v1+s1+$0xFFFFFDC0] =	vst.idx.msk vm8, v7  }
.LBB2_19:
0x42b: {  	v27 =	vld.idx.msk [tilespmem:v0+s15+$0xFFFFFDC0], $0xffff;
	s7 =	sadd.s32 $0x100, s7;
	[tilespmem:v2+s1+$0xFFFFFDC0] =	vst.idx.msk vm3, v7;
	v18 =	vadd.s32 v21, v18;
	v19 =	vadd.s32 v19, v26;
	s8 =	simm.s32 $0x82C0  }
0x42c: {  	v21 =	vld.idx.msk [tilespmem:v3+s15+$0xFFFFFE00], $0xffff;
	p0 =	slt.u32 s7, $0xF00;
	v17 =	vadd.s32 v17, v18;
	v18 =	vadd.s32 v25, v19;
	[tilespmem:v0+s1+$0x0] =	vst.idx.msk vm6, v7  }
0x42d: {  	vm3 =	vgt.f32 v16, v13;
	vm7 =	vgt.f32 v11, v16;
	v19 =	vld.idx.msk [tilespmem:v1+s15+$0xFFFFFDC0], $0xffff;
	vm6 =	vgt.u32 v18, $0x1  }
0x42e: {  	v11 =	vsel vm3, $0x1, v4;
	v13 =	vsel vm7, $0x1, v4;
	v18 =	vld.idx.msk [tilespmem:v2+s15+$0xFFFFFDC0], $0xffff;
	[tilespmem:v3+s1+$0xFFFFFDC0] =	vst.idx.msk vm4, v7;
	vm4 =	vmneg vm3  }
0x42f: {  	v11 =	vadd.s32 v11, v14;
	vm3 =	vgt.u32 v17, $0x1;
	v16 =	vld.idx.msk [tilespmem:v3+s15+$0xFFFFFFC0], $0xffff;
	v14 =	vsel vm4, $0x1, v4  }
0x430: {  	v25 =	vsel vm0, $0xFFFFFFFF, v4;
	v11 =	vadd.s32 v12, v11;
	v17 =	vld.idx.msk [tilespmem:v2+s15+$0xFFFFFFC0], $0xffff;
	v12 =	vadd.s32 v14, v13  }
0x431: {  	vm9 =	vgt.u32 v11, $0x1;
	v26 =	vand.u32 $0x7FFFFFFF, v27;
	v13 =	vld.idx.msk [tilespmem:v0+s15+$0xFFFFFFC0], $0xffff;
	v12 =	vadd.s32 v15, v12  }
0x432: {  	v11 =	vadd.s32 v22, v24;
	v14 =	vsel vm7, $0xFFFFFFFF, v4;
	v15 =	vld.idx.msk [tilespmem:v2+s15+$0xFFFFFE00], $0xffff;
	vm0 =	vgt.u32 v12, $0x1  }
0x433: {  	vm8 =	vgt.u32 v11, $0x1;
	v11 =	vadd.s32 v23, v25;
	v10 =	vadd.s32 v14, v10;
	v22 =	vld.idx.msk [tilespmem:v1+s15+$0xFFFFFE00], $0xffff  }
0x434: {  	v9 =	vadd.s32 v9, v11;
	v8 =	vadd.s32 v8, v10;
	v23 =	vld.idx.msk [tilespmem:v1+s15+$0xFFFFFFC0], $0xffff;
	[tilespmem:v1+s1+$0x0] =	vst.idx.msk vm6, v7  }
0x435: {  	v21 =	vand.u32 $0x7FFFFFFF, v21;
	v25 =	vand.u32 $0x7FFFFFFF, v16;
	vm6 =	vgt.u32 v8, $0x1;
	v24 =	vld.idx.msk [tilespmem:v0+s15+$0xFFFFFE00], $0xffff;
	[tilespmem:v2+s1+$0x0] =	vst.idx.msk vm5, v7  }
0x436: {  	vm4 =	vgt.u32 v9, $0x1;
	v11 =	vand.u32 $0x7FFFFFFF, v17;
	v27 =	vld.idx.msk [tilespmem:v3+s15+$0xFFFFFDC0], $0xffff;
	[tilespmem:v3+s1+$0x0] =	vst.idx.msk vm2, v7  }
0x437: {  	vm7 =	vgt.u32 v20, $0x1;
	v13 =	vand.u32 $0x7FFFFFFF, v13;
	vm2 =	vgt.f32 v25, v11;
	v28 =	vld.idx.msk [tilespmem:v3+s15+$0x0], $0xffff;
	[tilespmem:v0+s1+$0xFFFFFFC0] =	vst.idx.msk vm9, v7  }
0x438: {  	vm5 =	vgt.f32 v11, v13;
	vm9 =	vgt.f32 v25, v13;
	v8 =	vsel vm2, $0x1, v4;
	v20 =	vld.idx.msk [tilespmem:v2+s15+$0x0], $0xffff  }
0x439: {  	v14 =	vsel vm5, $0x1, v4;
	v12 =	vsel vm9, $0x1, v4;
	v9 =	vsel vm9, $0x2, v6;
	v29 =	vld.idx.msk [tilespmem:v1+s15+$0x0], $0xffff;
	[tilespmem:v0+s1+$0xFFFFFE00] =	vst.idx.msk vm8, v7  }
0x43a: {  	v30 =	vand.u32 $0x7FFFFFFF, v15;
	v10 =	vsel vm5, $0x1, v5;
	v16 =	vand.u32 $0x7FFFFFFF, v23;
	v23 =	vld.idx.msk [tilespmem:v0+s15+$0x0], $0xffff;
	[tilespmem:v1+s1+$0xFFFFFFC0] =	vst.idx.msk vm0, v7  }
0x43b: {  	v22 =	vand.u32 $0x7FFFFFFF, v22;
	v24 =	vand.u32 $0x7FFFFFFF, v24;
	vm0 =	vgt.f32 v25, v16;
	[tilespmem:v1+s1+$0xFFFFFE00] =	vst.idx.msk vm1, v7  }
0x43c: {  	v25 =	vand.u32 $0x7FFFFFFF, v27;
	vm1 =	vgt.f32 v22, v24;
	v15 =	vsel vm0, $0x1, v4;
	[tilespmem:v2+s1+$0xFFFFFFC0] =	vst.idx.msk vm6, v7  }
0x43d: {  	v19 =	vand.u32 $0x7FFFFFFF, v19;
	v18 =	vand.u32 $0x7FFFFFFF, v18;
	vm8 =	vgt.f32 v21, v30;
	[tilespmem:v2+s1+$0xFFFFFE00] =	vst.idx.msk vm3, v7  }
0x43e: {  	v17 =	vsel vm8, $0x1, v4;
	vm5 =	vgt.f32 v25, v18;
	vm3 =	vgt.f32 v18, v26;
	[tilespmem:v3+s1+$0xFFFFFFC0] =	vst.idx.msk vm4, v7  }
0x43f: {  	vm6 =	vgt.f32 v25, v19;
	vm4 =	vgt.f32 v25, v26;
	v25 =	vsel vm8, $0xFFFFFFFF, v4;
	[tilespmem:v3+s1+$0xFFFFFE00] =	vst.idx.msk vm7, v7;
	s1 =	smov.u32 s15  }
0x440: {  	v27 =	vand.u32 $0x7FFFFFFF, v29;
	vm7 =	vgt.f32 v30, v24;
	v23 =	vand.u32 $0x7FFFFFFF, v23  }
0x441: {  	vm8 =	vgt.f32 v18, v19;
	v18 =	vsel vm7, $0x1, v5;
	vm9 =	vgt.f32 v27, v23  }
0x442: {  	v29 =	vsel vm8, $0xFFFFFFFF, v4;
	v31 =	vsel vm7, $0x1, v4;
	vm7 =	vmneg vm9  }
0x443: {  	vm10 =	vgt.f32 v21, v22;
	v32 =	vsel vm3, $0x1, v5;
	v33 =	vsel vm9, $0x1, v4  }
0x444: {  	v35 =	vsel vm10, $0xFFFFFFFF, v4;
	v20 =	vand.u32 $0x7FFFFFFF, v20;
	v34 =	vsel vm8, $0x1, v4  }
0x445: {  	vm8 =	vgt.f32 v19, v26;
	v26 =	vsel vm5, $0x1, v4;
	v19 =	vsel vm7, $0x1, v4  }
0x446: {  	v37 =	vsel vm3, $0x1, v4;
	v25 =	vadd.s32 v25, v35;
	v36 =	vsel vm8, $0x1, v4  }
0x447: {  	vm3 =	vmneg vm8;
	v35 =	vadd.s32 v36, v37;
	vm9 =	vgt.f32 v21, v24  }
0x448: {  	v24 =	vsel vm4, $0x1, v4;
	v21 =	vadd.s32 v29, v32;
	v29 =	vsel vm10, $0x1, v4  }
0x449: {  	v32 =	vsel vm3, $0x1, v4;
	vm3 =	vgt.f32 v30, v22;
	v22 =	vand.u32 $0x7FFFFFFF, v28  }
0x44a: {  	v26 =	vadd.s32 v26, v21;
	v28 =	vsel vm3, $0x1, v4;
	vm7 =	vgt.f32 v22, v27  }
0x44b: {  	v21 =	vsel vm6, $0x1, v4;
	v30 =	vadd.s32 v32, v34;
	vm11 =	vgt.f32 v22, v23  }
0x44c: {  	v30 =	vadd.s32 v21, v30;
	v21 =	vsel vm3, $0xFFFFFFFF, v4;
	v32 =	vsel vm7, $0xFFFFFFFF, v4  }
0x44d: {  	vm12 =	vgt.f32 v20, v23;
	v24 =	vadd.s32 v24, v35;
	vm8 =	vgt.u32 v30, $0x1  }
0x44e: {  	vm10 =	vgt.f32 v20, v27;
	vm3 =	vgt.u32 v26, $0x1;
	v23 =	vsel vm11, $0x1, v4  }
0x44f: {  	v26 =	vsel vm6, $0xFFFFFFFF, v4;
	vm6 =	vgt.f32 v22, v20;
	v20 =	vsel vm12, $0x1, v5  }
0x450: {  	v27 =	vsel vm10, $0xFFFFFFFF, v4;
	v22 =	vsel vm5, $0xFFFFFFFF, v4;
	v30 =	vsel vm6, $0xFFFFFFFF, v4  }
0x451: {  	v34 =	vsel vm4, $0x2, v6;
	v22 =	vadd.s32 v22, v26;
	v26 =	vsel vm12, $0x1, v4  }
0x452: {  	v27 =	vadd.s32 v27, v20;
	v22 =	vadd.s32 v34, v22;
	v26 =	vadd.s32 v33, v26  }
0x453: {  	vm5 =	vgt.u32 v24, $0x1;
	vm4 =	vgt.u32 v22, $0x1;
	v23 =	vadd.s32 v23, v26  }
0x454: {  	v24 =	vsel vm1, $0x1, v4;
	v20 =	vsel vm9, $0x2, v6;
	v22 =	vsel vm9, $0x1, v4  }
0x455: {  	vm1 =	vmneg vm1;
	v20 =	vadd.s32 v20, v25;
	v25 =	vsel vm11, $0x2, v6  }
.Ltmp10:
0x456: {  	v33 =	vsel vm6, $0x1, v4;
	v26 =	vsel vm1, $0x1, v4;
	vm6 =	vgt.u32 v23, $0x1;
	(pc) =	sbr.rel @p0 .LBB2_19-.Ltmp10, $4  }
0x457: {  	v27 =	vadd.s32 v33, v27;
	v23 =	vadd.s32 v26, v28;
	v26 =	vadd.s32 v30, v32  }
0x458: {  	v28 =	vadd.s32 v29, v23;
	v23 =	vsel vm2, $0xFFFFFFFF, v4;
	v25 =	vadd.s32 v25, v26  }
0x459: {  	v24 =	vadd.s32 v24, v31;
	vm1 =	vgt.u32 v28, $0x1;
	vm2 =	vgt.u32 v25, $0x1;
	[tilespmem:v0+s15+$0xFFFFFDC0] =	vst.idx.msk vm5, v7  }
0x45a: {  	v26 =	vsel vm10, $0x1, v4;
	v25 =	vsel vm7, $0x1, v4;
	vm5 =	vgt.u32 v27, $0x1;
	s15 =	sadd.s32 $0x400, s15;
	[tilespmem:v1+s1+$0xFFFFFDC0] =	vst.idx.msk vm8, v7  }
0x45b: {  	v19 =	vadd.s32 v19, v26  }
0x45c: {  	vm7 =	vgt.f32 v16, v13;
	v19 =	vadd.s32 v25, v19  }
0x45d: {  	v13 =	vsel vm7, $0x1, v4;
	vm8 =	vgt.u32 v19, $0x1  }
0x45e: {  	vm9 =	vgt.f32 v11, v16;
	vm7 =	vmneg vm7;
	v11 =	vadd.s32 v13, v14  }
0x45f: {  	v13 =	vsel vm7, $0x1, v4;
	v14 =	vsel vm9, $0x1, v4;
	v11 =	vadd.s32 v12, v11  }
0x460: {  	[tilespmem:v2+s1+$0xFFFFFDC0] =	vst.idx.msk vm3, v7;
	v12 =	vadd.s32 v13, v14;
	vm3 =	vgt.u32 v11, $0x1;
	v11 =	vadd.s32 v22, v24  }
0x461: {  	[tilespmem:v0+s1+$0x0] =	vst.idx.msk vm6, v7;
	v13 =	vsel vm9, $0xFFFFFFFF, v4;
	v12 =	vadd.s32 v15, v12;
	vm6 =	vgt.u32 v11, $0x1  }
0x462: {  	[tilespmem:v3+s1+$0xFFFFFDC0] =	vst.idx.msk vm4, v7;
	v10 =	vadd.s32 v13, v10;
	vm4 =	vgt.u32 v12, $0x1  }
0x463: {  	v11 =	vsel vm0, $0xFFFFFFFF, v4;
	v12 =	vadd.s32 v21, v18;
	v8 =	vadd.s32 v8, v10;
	[tilespmem:v1+s1+$0x0] =	vst.idx.msk vm8, v7  }
0x464: {  	v10 =	vadd.s32 v17, v12;
	v11 =	vadd.s32 v23, v11;
	vm0 =	vgt.u32 v8, $0x1;
	[tilespmem:v2+s1+$0x0] =	vst.idx.msk vm5, v7  }
0x465: {  	v8 =	vadd.s32 v9, v11;
	vm5 =	vgt.u32 v10, $0x1;
	[tilespmem:v3+s1+$0x0] =	vst.idx.msk vm2, v7  }
0x466: {  	vm2 =	vgt.u32 v8, $0x1;
	[tilespmem:v0+s1+$0xFFFFFFC0] =	vst.idx.msk vm3, v7  }
0x467: {  	vm3 =	vgt.u32 v20, $0x1;
	[tilespmem:v0+s1+$0xFFFFFE00] =	vst.idx.msk vm6, v7  }
0x468: {  	[tilespmem:v1+s1+$0xFFFFFFC0] =	vst.idx.msk vm4, v7  }
0x469: {  	[tilespmem:v1+s1+$0xFFFFFE00] =	vst.idx.msk vm1, v7  }
0x46a: {  	[tilespmem:v2+s1+$0xFFFFFFC0] =	vst.idx.msk vm0, v7  }
0x46b: {  	[tilespmem:v2+s1+$0xFFFFFE00] =	vst.idx.msk vm5, v7  }
0x46c: {  	[tilespmem:v3+s1+$0xFFFFFFC0] =	vst.idx.msk vm2, v7  }
0x46d: {  	[tilespmem:v3+s1+$0xFFFFFE00] =	vst.idx.msk vm3, v7  }
0x46e: {  	v8 =	vld.idx.msk [tilespmem:v0+s8+$0xFFFFFDC0], $0xffff  }
0x46f: {  	v9 =	vld.idx.msk [tilespmem:v3+s8+$0xFFFFFFC0], $0xffff  }
0x470: {  	v10 =	vld.idx.msk [tilespmem:v3+s8+$0xFFFFFE00], $0xffff  }
0x471: {  	v11 =	vld.idx.msk [tilespmem:v3+s8+$0xFFFFFDC0], $0xffff  }
0x472: {  	v12 =	vld.idx.msk [tilespmem:v2+s8+$0x0], $0xffff  }
0x473: {  	v13 =	vld.idx.msk [tilespmem:v2+s8+$0xFFFFFDC0], $0xffff  }
0x474: {  	v14 =	vld.idx.msk [tilespmem:v2+s8+$0xFFFFFE00], $0xffff  }
0x475: {  	v15 =	vld.idx.msk [tilespmem:v0+s8+$0xFFFFFFC0], $0xffff  }
0x476: {  	v16 =	vld.idx.msk [tilespmem:v1+s8+$0xFFFFFE00], $0xffff  }
0x477: {  	v20 =	vld.idx.msk [tilespmem:v2+s8+$0xFFFFFFC0], $0xffff  }
0x478: {  	v22 =	vld.idx.msk [tilespmem:v1+s8+$0xFFFFFFC0], $0xffff  }
0x479: {  	v24 =	vld.idx.msk [tilespmem:v1+s8+$0x0], $0xffff  }
0x47a: {  	v17 =	vand.u32 $0x7FFFFFFF, v8  }
0x47b: {  	v18 =	vand.u32 $0x7FFFFFFF, v11;
	v19 =	vand.u32 $0x7FFFFFFF, v9;
	v21 =	vand.u32 $0x7FFFFFFF, v10  }
0x47c: {  	v23 =	vand.u32 $0x7FFFFFFF, v14;
	v12 =	vand.u32 $0x7FFFFFFF, v12;
	v13 =	vand.u32 $0x7FFFFFFF, v13  }
0x47d: {  	v25 =	vand.u32 $0x7FFFFFFF, v15;
	v16 =	vand.u32 $0x7FFFFFFF, v16;
	v20 =	vand.u32 $0x7FFFFFFF, v20  }
0x47e: {  	v22 =	vand.u32 $0x7FFFFFFF, v22;
	v24 =	vand.u32 $0x7FFFFFFF, v24;
	vm2 =	vgt.f32 v18, v17  }
0x47f: {  	vm0 =	vgt.f32 v21, v23;
	vm4 =	vgt.f32 v18, v13;
	vm5 =	vgt.f32 v19, v25  }
0x480: {  	v11 =	vld.idx.msk [tilespmem:v0+s8+$0xFFFFFE00], $0xffff;
	vm6 =	vgt.f32 v13, v17;
	vm3 =	vgt.f32 v19, v22;
	vm7 =	vgt.f32 v19, v20  }
0x481: {  	v14 =	vld.idx.msk [tilespmem:v0+s8+$0x0], $0xffff;
	v10 =	vsel vm2, $0x2, v6;
	v8 =	vsel vm0, $0xFFFFFFFF, v4;
	v9 =	vsel vm0, $0x1, v4  }
0x482: {  	v15 =	vld.idx.msk [tilespmem:v3+s8+$0x0], $0xffff;
	v27 =	vsel vm4, $0xFFFFFFFF, v4;
	v28 =	vsel vm2, $0x1, v4;
	vm2 =	vgt.f32 v22, v25  }
0x483: {  	v30 =	vsel vm6, $0x1, v4;
	v32 =	vsel vm6, $0x1, v5;
	v59 =	vsel vm3, $0x1, v4  }
0x484: {  	v60 =	vsel vm3, $0xFFFFFFFF, v4;
	vm3 =	vgt.f32 v21, v16;
	v61 =	vsel vm7, $0x1, v4  }
0x485: {  	v44 =	vsel vm7, $0xFFFFFFFF, v4;
	v31 =	vsel vm2, $0x1, v4;
	vm2 =	vmneg vm2  }
0x486: {  	v62 =	vsel vm5, $0x2, v6;
	v33 =	vsel vm2, $0x1, v4;
	v26 =	vand.u32 $0x7FFFFFFF, v11  }
0x487: {  	v29 =	vld.idx.msk [tilespmem:v1+s8+$0xFFFFFDC0], $0xffff;
	v14 =	vand.u32 $0x7FFFFFFF, v14;
	v11 =	vsel vm4, $0x1, v4;
	v34 =	vand.u32 $0x7FFFFFFF, v15  }
0x488: {  	vm8 =	vgt.f32 v16, v26;
	vm13 =	vgt.f32 v21, v26;
	vm6 =	vgt.f32 v24, v14  }
0x489: {  	vm4 =	vgt.f32 v12, v14;
	vm10 =	vgt.f32 v23, v26;
	vm2 =	vmneg vm6  }
0x48a: {  	v35 =	vsel vm4, $0x1, v4;
	v37 =	vsel vm4, $0x1, v5;
	vm4 =	vgt.f32 v34, v12  }
0x48b: {  	v43 =	vsel vm6, $0x1, v4;
	v36 =	vsel vm2, $0x1, v4;
	vm2 =	vgt.f32 v12, v24  }
0x48c: {  	v12 =	vand.u32 $0x7FFFFFFF, v29;
	v38 =	vsel vm4, $0x1, v4;
	v15 =	vsel vm4, $0xFFFFFFFF, v4  }
0x48d: {  	vm4 =	vgt.f32 v34, v14;
	v58 =	vsel vm2, $0xFFFFFFFF, v4;
	v39 =	vsel vm2, $0x1, v4  }
0x48e: {  	vm2 =	vgt.f32 v13, v12;
	v40 =	vsel vm4, $0x1, v4;
	v14 =	vsel vm4, $0x2, v6  }
0x48f: {  	vm4 =	vgt.f32 v20, v22;
	v13 =	vsel vm2, $0x1, v4;
	v22 =	vsel vm2, $0xFFFFFFFF, v4  }
0x490: {  	vm2 =	vgt.f32 v20, v25;
	v25 =	vsel vm4, $0x1, v4;
	v41 =	vsel vm4, $0xFFFFFFFF, v4  }
0x491: {  	vm4 =	vgt.f32 v18, v12;
	v29 =	vadd.s32 v58, v37;
	v19 =	vsel vm2, $0x1, v4  }
0x492: {  	v42 =	vsel vm2, $0x1, v5;
	vm2 =	vgt.f32 v12, v17;
	v26 =	vsel vm4, $0xFFFFFFFF, v4  }
0x493: {  	v25 =	vadd.s32 v33, v25;
	v17 =	vsel vm2, $0x1, v4;
	vm2 =	vmneg vm2  }
0x494: {  	v12 =	vadd.s32 v31, v19;
	v19 =	vsel vm5, $0x1, v4;
	v18 =	vsel vm2, $0x1, v4  }
0x495: {  	vm2 =	vgt.f32 v34, v24;
	v12 =	vadd.s32 v19, v12;
	v24 =	vadd.s32 v17, v30  }
0x496: {  	v21 =	vadd.s32 v22, v32;
	vm6 =	vgt.u32 v12, $0x1;
	v12 =	vadd.s32 v28, v24  }
0x497: {  	v22 =	vsel vm3, $0x1, v4;
	v25 =	vadd.s32 v59, v25;
	vm5 =	vgt.u32 v12, $0x1  }
0x498: {  	v17 =	vsel vm4, $0x1, v4;
	vm4 =	vgt.f32 v23, v16;
	v16 =	vadd.s32 v36, v39  }
0x499: {  	v19 =	vsel vm2, $0x1, v4;
	v20 =	vsel vm2, $0xFFFFFFFF, v4;
	v24 =	vadd.s32 v27, v26  }
0x49a: {  	v23 =	vadd.s32 v19, v16;
	v16 =	vadd.s32 v43, v35;
	v19 =	vadd.s32 v41, v42  }
0x49b: {  	v12 =	vsel vm13, $0x1, v4;
	v26 =	vadd.s32 v61, v19;
	v19 =	vadd.s32 v44, v60  }
0x49c: {  	v63 =	vadd.s32 v40, v16;
	v16 =	vsel vm8, $0x1, v4;
	v19 =	vadd.s32 v62, v19;
	[tilespmem:v0+s8+$0xFFFFFFC0] =	vst.idx.msk vm6, v7  }
0x49d: {  	s7 =	simm.s32 $0x0;
	s15 =	simm.s32 $0x86C0;
	vm6 =	vgt.u32 v63, $0x1;
	[tilespmem:v0+s8+$0xFFFFFDC0] =	vst.idx.msk vm5, v7;
	vm5 =	vgt.u32 v26, $0x1;
	v26 =	vadd.s32 v38, v29  }
.LBB2_21:
0x49e: {  	v24 =	vadd.s32 v10, v24  }
0x49f: {  	vm9 =	vgt.u32 v25, $0x1;
	vm7 =	vgt.u32 v26, $0x1;
	vm8 =	vmneg vm8  }
0x4a0: {  	v27 =	vld.idx.msk [tilespmem:v0+s15+$0xFFFFFDC0], $0xffff;
	v25 =	vsel vm4, $0xFFFFFFFF, v4;
	vm1 =	vgt.u32 v23, $0x1;
	v26 =	vsel vm10, $0x1, v4  }
0x4a1: {  	v10 =	vld.idx.msk [tilespmem:v3+s15+$0xFFFFFFC0], $0xffff;
	v28 =	vsel vm4, $0x1, v4;
	v52 =	vsel vm10, $0x1, v5;
	v29 =	vsel vm8, $0x1, v4  }
0x4a2: {  	v30 =	vld.idx.msk [tilespmem:v3+s15+$0xFFFFFDC0], $0xffff;
	v13 =	vadd.s32 v18, v13;
	v16 =	vadd.s32 v16, v26;
	v26 =	vadd.s32 v29, v28  }
0x4a3: {  	v23 =	vld.idx.msk [tilespmem:v3+s15+$0xFFFFFE00], $0xffff;
	v12 =	vadd.s32 v12, v16;
	v16 =	vadd.s32 v22, v26;
	v22 =	vadd.s32 v25, v52  }
0x4a4: {  	v53 =	vld.idx.msk [tilespmem:v2+s15+$0x0], $0xffff;
	vm11 =	vgt.u32 v12, $0x1;
	v12 =	vadd.s32 v15, v20;
	v9 =	vadd.s32 v9, v22  }
0x4a5: {  	v25 =	vld.idx.msk [tilespmem:v2+s15+$0xFFFFFDC0], $0xffff;
	vm8 =	vgt.u32 v16, $0x1;
	v15 =	vand.u32 $0x7FFFFFFF, v27;
	vm4 =	vgt.u32 v9, $0x1  }
0x4a6: {  	v20 =	vld.idx.msk [tilespmem:v2+s15+$0xFFFFFE00], $0xffff;
	v22 =	vand.u32 $0x7FFFFFFF, v10;
	v10 =	vadd.s32 v11, v21;
	v11 =	vadd.s32 v14, v12  }
0x4a7: {  	[tilespmem:v0+s8+$0x0] =	vst.idx.msk vm6, v7;
	v16 =	vld.idx.msk [tilespmem:v0+s15+$0xFFFFFE00], $0xffff;
	vm10 =	vgt.u32 v10, $0x1;
	vm12 =	vgt.u32 v11, $0x1;
	v11 =	vand.u32 $0x7FFFFFFF, v30  }
0x4a8: {  	v12 =	vld.idx.msk [tilespmem:v1+s15+$0xFFFFFE00], $0xffff;
	[tilespmem:v1+s8+$0xFFFFFFC0] =	vst.idx.msk vm9, v7;
	v10 =	vadd.s32 v17, v13;
	v13 =	vsel vm3, $0xFFFFFFFF, v4;
	vm9 =	vgt.u32 v19, $0x1  }
0x4a9: {  	v17 =	vand.u32 $0x7FFFFFFF, v23;
	[tilespmem:v1+s8+$0x0] =	vst.idx.msk vm1, v7;
	v9 =	vld.idx.msk [tilespmem:v0+s15+$0xFFFFFFC0], $0xffff;
	vm2 =	vgt.f32 v11, v15;
	vm6 =	vgt.u32 v10, $0x1  }
0x4aa: {  	v14 =	vld.idx.msk [tilespmem:v2+s15+$0xFFFFFFC0], $0xffff;
	v10 =	vsel vm13, $0x2, v6;
	v8 =	vadd.s32 v8, v13;
	[tilespmem:v2+s8+$0x0] =	vst.idx.msk vm7, v7;
	vm7 =	vgt.u32 v24, $0x1  }
0x4ab: {  	[tilespmem:v2+s8+$0xFFFFFFC0] =	vst.idx.msk vm5, v7;
	v13 =	vld.idx.msk [tilespmem:v1+s15+$0xFFFFFDC0], $0xffff;
	v19 =	vand.u32 $0x7FFFFFFF, v20;
	v20 =	vand.u32 $0x7FFFFFFF, v53;
	v8 =	vadd.s32 v10, v8  }
0x4ac: {  	v18 =	vld.idx.msk [tilespmem:v1+s15+$0xFFFFFFC0], $0xffff;
	v10 =	vsel vm2, $0x2, v6;
	v23 =	vand.u32 $0x7FFFFFFF, v25;
	v33 =	vsel vm2, $0x1, v4  }
0x4ad: {  	vm0 =	vgt.f32 v17, v19;
	[tilespmem:v0+s8+$0xFFFFFE00] =	vst.idx.msk vm11, v7;
	vm11 =	vgt.u32 v8, $0x1;
	vm3 =	vgt.f32 v11, v23  }
0x4ae: {  	v25 =	vld.idx.msk [tilespmem:v0+s15+$0x0], $0xffff;
	v26 =	vand.u32 $0x7FFFFFFF, v16;
	v16 =	vimm.s32 $0x0;
	v8 =	vsel vm0, $0xFFFFFFFF, v4  }
0x4af: {  	v21 =	vld.idx.msk [tilespmem:v1+s15+$0x0], $0xffff;
	[tilespmem:v1+s8+$0xFFFFFE00] =	vst.idx.msk vm8, v7;
	v27 =	vand.u32 $0x7FFFFFFF, v12;
	v12 =	vimm.s32 $0x0;
	v54 =	vsel vm3, $0xFFFFFFFF, v4  }
0x4b0: {  	vm5 =	vgt.f32 v17, v26;
	[tilespmem:v2+s8+$0xFFFFFE00] =	vst.idx.msk vm4, v7;
	vm4 =	vgt.f32 v19, v27;
	v24 =	vand.u32 $0x7FFFFFFF, v9  }
0x4b1: {  	[tilespmem:v3+s8+$0x0] =	vst.idx.msk vm12, v7;
	v9 =	vsel vm0, $0x1, v4;
	v14 =	vand.u32 $0x7FFFFFFF, v14;
	vm12 =	vgt.f32 v23, v15  }
0x4b2: {  	v13 =	vand.u32 $0x7FFFFFFF, v13;
	[tilespmem:v1+s8+$0xFFFFFDC0] =	vst.idx.msk vm6, v7;
	vm6 =	vgt.f32 v27, v26;
	vm0 =	vgt.f32 v22, v24  }
0x4b3: {  	v18 =	vand.u32 $0x7FFFFFFF, v18;
	v25 =	vand.u32 $0x7FFFFFFF, v25;
	vm8 =	vgt.f32 v14, v24  }
0x4b4: {  	v21 =	vand.u32 $0x7FFFFFFF, v21;
	v31 =	vsel vm12, $0x1, v4;
	vm13 =	vgt.f32 v23, v13  }
0x4b5: {  	[tilespmem:v3+s8+$0xFFFFFFC0] =	vst.idx.msk vm9, v7;
	v12 =	vsel vm0, $0xFFFFFFFF, v12;
	vm1 =	vgt.f32 v22, v18;
	vm14 =	vgt.f32 v20, v25  }
0x4b6: {  	[tilespmem:v2+s8+$0xFFFFFDC0] =	vst.idx.msk vm10, v7;
	v32 =	vsel vm0, $0x1, v4;
	vm9 =	vgt.f32 v14, v18;
	vm10 =	vgt.f32 v18, v24  }
0x4b7: {  	vm0 =	vgt.f32 v19, v26;
	v18 =	vimm.s32 $0x0;
	v19 =	vsel vm8, $0x1, v4  }
0x4b8: {  	v24 =	vsel vm12, $0x1, v5;
	vm12 =	vgt.f32 v13, v15;
	v60 =	vsel vm8, $0x1, v5  }
0x4b9: {  	vm8 =	vmmov vm6;
	[tilespmem:$0x1FF10] =	vst v12;
	v12 =	vsel vm5, $0x1, v4;
	v16 =	vsel vm1, $0xFFFFFFFF, v16  }
0x4ba: {  	[tilespmem:v3+s8+$0xFFFFFDC0] =	vst.idx.msk vm7, v7;
	v56 =	vsel vm1, $0x1, v4;
	vm7 =	vgt.f32 v22, v14;
	v18 =	vsel vm0, $0xFFFFFFFF, v18  }
0x4bb: {  	[tilespmem:v3+s8+$0xFFFFFE00] =	vst.idx.msk vm11, v7;
	vm15 =	vmneg vm10;
	vm11 =	vgt.f32 v21, v25;
	vm0 =	vgt.f32 v20, v21  }
0x4bc: {  	v55 =	vld.idx.msk [tilespmem:v3+s15+$0x0], $0xffff;
	v15 =	vsel vm9, $0x1, v4;
	v59 =	vsel vm9, $0xFFFFFFFF, v4;
	[tilespmem:$0x1FF00] =	vst v16;
	v16 =	vsel vm6, $0x1, v4  }
0x4bd: {  	[tilespmem:$0x1FEF0] =	vst v18;
	v18 =	vsel vm10, $0x1, v4;
	vm10 =	vgt.f32 v11, v13;
	v11 =	vsel vm3, $0x1, v4  }
0x4be: {  	vm1 =	vmneg vm11;
	v23 =	vsel vm0, $0x1, v4;
	v18 =	vadd.s32 v18, v19  }
0x4bf: {  	v34 =	vsel vm11, $0x1, v4;
	v63 =	vsel vm7, $0xFFFFFFFF, v4;
	v13 =	vadd.s32 v32, v18  }
0x4c0: {  	v19 =	vsel vm14, $0x1, v4;
	v61 =	vsel vm10, $0xFFFFFFFF, v4;
	vm3 =	vgt.u32 v13, $0x1  }
0x4c1: {  	v14 =	vand.u32 $0x7FFFFFFF, v55;
	v18 =	vsel vm15, $0x1, v4;
	v19 =	vadd.s32 v34, v19  }
0x4c2: {  	v13 =	vsel vm0, $0xFFFFFFFF, v4;
	vm2 =	vgt.f32 v14, v20;
	vm15 =	vgt.f32 v14, v21  }
0x4c3: {  	v26 =	vadd.s32 v18, v15;
	v18 =	vsel vm1, $0x1, v4;
	v15 =	vsel vm14, $0x1, v5  }
0x4c4: {  	vm1 =	vgt.f32 v14, v25;
	v20 =	vsel vm12, $0x1, v4;
	v25 =	vsel vm7, $0x1, v4  }
0x4c5: {  	v57 =	vsel vm2, $0x1, v4;
	v58 =	vadd.s32 v13, v15;
	v20 =	vadd.s32 v20, v31  }
0x4c6: {  	v21 =	vsel vm1, $0x1, v4;
	[tilespmem:v0+s15+$0xFFFFFFC0] =	vst.idx.msk vm3, v7;
	vm3 =	vgt.f32 v17, v27;
	v17 =	vadd.s32 v33, v20  }
0x4c7: {  	v35 =	vld [tilespmem:$0x1FEF0];
	v31 =	vadd.s32 v59, v60;
	v27 =	vsel vm13, $0xFFFFFFFF, v4;
	vm0 =	vgt.u32 v17, $0x1  }
0x4c8: {  	v19 =	vadd.s32 v21, v19;
	v21 =	vadd.s32 v27, v24;
	v27 =	vadd.s32 v25, v31;
	v25 =	vld [tilespmem:$0x1FF00]  }
0x4c9: {  	v15 =	vsel vm2, $0xFFFFFFFF, v4;
	v14 =	vsel vm1, $0x2, v6;
	vm6 =	vgt.u32 v19, $0x1;
	v19 =	vld [tilespmem:$0x1FF10]  }
0x4ca: {  	s7 =	sadd.s32 $0x100, s7;
	v13 =	vsel vm13, $0x1, v4;
	v18 =	vadd.s32 v18, v23;
	vm1 =	vmneg vm12  }
0x4cb: {  	p0 =	slt.u32 s7, $0xF00;
	vm13 =	vmmov vm5;
	v20 =	vsel vm15, $0x1, v4;
	v22 =	vsel vm3, $0x1, v4  }
.Ltmp11:
0x4cc: {  	v17 =	vsel vm10, $0x1, v4;
	v23 =	vadd.s32 v20, v18;
	v18 =	vsel vm1, $0x1, v4;
	(pc) =	sbr.rel @p0 .LBB2_21-.Ltmp11, $4  }
0x4cd: {  	v20 =	vsel vm15, $0xFFFFFFFF, v4;
	vm10 =	vnez.u8 v35;
	[tilespmem:v0+s15+$0xFFFFFDC0] =	vst.idx.msk vm0, v7;
	vm0 =	vnez.u8 v25  }
0x4ce: {  	v24 =	vadd.s32 v54, v61;
	v62 =	vsel vm0, $0xFFFFFFFF, v4;
	vm0 =	vnez.u8 v19  }
0x4cf: {  	v25 =	vadd.s32 v56, v26;
	v19 =	vsel vm0, $0x2, v6;
	v26 =	vadd.s32 v63, v62  }
0x4d0: {  	s1 =	simm.s32 $0x8340;
	s8 =	smov.u32 s15;
	vm5 =	vgt.u32 v27, $0x1;
	s15 =	sadd.s32 $0x400, s15;
	v19 =	vadd.s32 v19, v26;
	v26 =	vadd.s32 v57, v58  }
0x4d1: {  	vm0 =	vgt.u32 v25, $0x1  }
0x4d2: {  	v10 =	vadd.s32 v10, v24;
	vm1 =	vgt.u32 v26, $0x1;
	vm7 =	vgt.u32 v23, $0x1  }
0x4d3: {  	vm2 =	vmneg vm8;
	v24 =	vsel vm4, $0xFFFFFFFF, v4;
	v25 =	vsel vm10, $0x1, v4  }
0x4d4: {  	v23 =	vsel vm4, $0x1, v4;
	v15 =	vadd.s32 v15, v20;
	v13 =	vadd.s32 v18, v13  }
0x4d5: {  	v11 =	vadd.s32 v11, v21;
	v16 =	vadd.s32 v16, v25;
	v13 =	vadd.s32 v17, v13  }
0x4d6: {  	[tilespmem:v0+s8+$0x0] =	vst.idx.msk vm6, v7;
	v25 =	vsel vm2, $0x1, v4;
	v12 =	vadd.s32 v12, v16;
	vm6 =	vgt.u32 v13, $0x1  }
0x4d7: {  	v16 =	vadd.s32 v25, v23;
	vm2 =	vgt.u32 v12, $0x1;
	v12 =	vadd.s32 v14, v15;
	[tilespmem:v1+s8+$0xFFFFFFC0] =	vst.idx.msk vm0, v7  }
0x4d8: {  	v14 =	vadd.s32 v22, v16;
	vm0 =	vgt.u32 v12, $0x1;
	v12 =	vsel vm10, $0x1, v5;
	[tilespmem:v1+s8+$0x0] =	vst.idx.msk vm7, v7  }
0x4d9: {  	vm4 =	vgt.u32 v14, $0x1;
	v12 =	vadd.s32 v24, v12;
	[tilespmem:v2+s8+$0xFFFFFFC0] =	vst.idx.msk vm5, v7;
	vm5 =	vgt.u32 v11, $0x1  }
0x4da: {  	v11 =	vsel vm3, $0xFFFFFFFF, v4;
	[tilespmem:v2+s8+$0x0] =	vst.idx.msk vm1, v7;
	vm1 =	vgt.u32 v10, $0x1;
	v9 =	vadd.s32 v9, v12  }
0x4db: {  	v8 =	vadd.s32 v8, v11;
	vm3 =	vgt.u32 v9, $0x1;
	v9 =	vsel vm13, $0x2, v6  }
0x4dc: {  	[tilespmem:v1+s8+$0xFFFFFDC0] =	vst.idx.msk vm6, v7;
	v8 =	vadd.s32 v9, v8  }
0x4dd: {  	[tilespmem:v0+s8+$0xFFFFFE00] =	vst.idx.msk vm2, v7;
	vm2 =	vgt.u32 v8, $0x1  }
0x4de: {  	[tilespmem:v3+s8+$0x0] =	vst.idx.msk vm0, v7;
	vm0 =	vgt.u32 v19, $0x1  }
0x4df: {  	[tilespmem:v1+s8+$0xFFFFFE00] =	vst.idx.msk vm4, v7  }
0x4e0: {  	[tilespmem:v2+s8+$0xFFFFFDC0] =	vst.idx.msk vm5, v7  }
0x4e1: {  	[tilespmem:v3+s8+$0xFFFFFDC0] =	vst.idx.msk vm1, v7  }
0x4e2: {  	[tilespmem:v2+s8+$0xFFFFFE00] =	vst.idx.msk vm3, v7  }
0x4e3: {  	[tilespmem:v3+s8+$0xFFFFFE00] =	vst.idx.msk vm2, v7  }
0x4e4: {  	[tilespmem:v3+s8+$0xFFFFFFC0] =	vst.idx.msk vm0, v7  }
0x4e5: {  	v8 =	vld.idx.msk [tilespmem:v0+s1+$0xFFFFFDC0], $0xffff  }
0x4e6: {  	v9 =	vld.idx.msk [tilespmem:v3+s1+$0xFFFFFE00], $0xffff  }
0x4e7: {  	v10 =	vld.idx.msk [tilespmem:v3+s1+$0xFFFFFFC0], $0xffff  }
0x4e8: {  	v11 =	vld.idx.msk [tilespmem:v2+s1+$0xFFFFFFC0], $0xffff  }
0x4e9: {  	v12 =	vld.idx.msk [tilespmem:v0+s1+$0xFFFFFFC0], $0xffff  }
0x4ea: {  	v15 =	vld.idx.msk [tilespmem:v2+s1+$0xFFFFFE00], $0xffff  }
0x4eb: {  	v18 =	vld.idx.msk [tilespmem:v1+s1+$0xFFFFFE00], $0xffff  }
0x4ec: {  	v16 =	vld.idx.msk [tilespmem:v1+s1+$0xFFFFFFC0], $0xffff  }
0x4ed: {  	v20 =	vld.idx.msk [tilespmem:v0+s1+$0xFFFFFE00], $0xffff  }
0x4ee: {  	v23 =	vld.idx.msk [tilespmem:v3+s1+$0xFFFFFDC0], $0xffff  }
0x4ef: {  	v24 =	vld.idx.msk [tilespmem:v2+s1+$0xFFFFFDC0], $0xffff  }
0x4f0: {  	v27 =	vld.idx.msk [tilespmem:v0+s1+$0x0], $0xffff  }
0x4f1: {  	v25 =	vld.idx.msk [tilespmem:v1+s1+$0x0], $0xffff  }
0x4f2: {  	v19 =	vand.u32 $0x7FFFFFFF, v8;
	v21 =	vand.u32 $0x7FFFFFFF, v10;
	v11 =	vand.u32 $0x7FFFFFFF, v11  }
0x4f3: {  	v22 =	vand.u32 $0x7FFFFFFF, v9;
	v13 =	vand.u32 $0x7FFFFFFF, v12;
	v26 =	vand.u32 $0x7FFFFFFF, v15  }
0x4f4: {  	v16 =	vand.u32 $0x7FFFFFFF, v16;
	v20 =	vand.u32 $0x7FFFFFFF, v20;
	v28 =	vand.u32 $0x7FFFFFFF, v18  }
0x4f5: {  	v18 =	vand.u32 $0x7FFFFFFF, v23;
	v23 =	vand.u32 $0x7FFFFFFF, v24;
	v27 =	vand.u32 $0x7FFFFFFF, v27  }
0x4f6: {  	v17 =	vld.idx.msk [tilespmem:v1+s1+$0xFFFFFDC0], $0xffff;
	v25 =	vand.u32 $0x7FFFFFFF, v25;
	vm1 =	vgt.f32 v21, v11;
	vm0 =	vgt.f32 v11, v13  }
0x4f7: {  	vm2 =	vgt.f32 v21, v13;
	vm3 =	vgt.f32 v22, v26;
	vm7 =	vgt.f32 v23, v19  }
0x4f8: {  	vm4 =	vgt.f32 v18, v23;
	vm5 =	vgt.f32 v18, v19;
	vm9 =	vgt.f32 v25, v27  }
0x4f9: {  	vm14 =	vgt.f32 v22, v28;
	v8 =	vsel vm1, $0x1, v4;
	v14 =	vsel vm0, $0x1, v4  }
0x4fa: {  	v12 =	vsel vm2, $0x1, v4;
	v9 =	vsel vm2, $0x2, v6;
	v10 =	vsel vm0, $0x1, v5  }
0x4fb: {  	vm0 =	vgt.f32 v21, v16;
	vm2 =	vgt.f32 v28, v20;
	v21 =	vand.u32 $0x7FFFFFFF, v17  }
0x4fc: {  	v17 =	vsel vm3, $0x1, v4;
	v29 =	vsel vm3, $0xFFFFFFFF, v4;
	vm3 =	vgt.f32 v26, v20  }
0x4fd: {  	v31 =	vsel vm7, $0x1, v5;
	v32 =	vsel vm9, $0x1, v4;
	v35 =	vsel vm14, $0xFFFFFFFF, v4  }
0x4fe: {  	v24 =	vld.idx.msk [tilespmem:v2+s1+$0x0], $0xffff;
	v37 =	vsel vm7, $0x1, v4;
	v60 =	vsel vm5, $0x2, v6;
	v15 =	vsel vm0, $0x1, v4  }
0x4ff: {  	vm6 =	vgt.f32 v18, v21;
	vm8 =	vgt.f32 v23, v21;
	v18 =	vsel vm3, $0x1, v5  }
0x500: {  	v30 =	vsel vm3, $0x1, v4;
	vm3 =	vmneg vm9;
	v29 =	vadd.s32 v29, v35  }
0x501: {  	v33 =	vld.idx.msk [tilespmem:v3+s1+$0x0], $0xffff;
	vm9 =	vgt.f32 v22, v20;
	v20 =	vsel vm5, $0x1, v4;
	v23 =	vsel vm8, $0xFFFFFFFF, v4  }
0x502: {  	v34 =	vsel vm8, $0x1, v4;
	vm8 =	vgt.f32 v21, v19;
	v21 =	vsel vm4, $0x1, v4  }
0x503: {  	v19 =	vsel vm3, $0x1, v4;
	v24 =	vand.u32 $0x7FFFFFFF, v24;
	v36 =	vsel vm8, $0x1, v4  }
0x504: {  	vm3 =	vmneg vm8;
	v22 =	vadd.s32 v23, v31;
	v23 =	vsel vm14, $0x1, v4  }
0x505: {  	v56 =	vadd.s32 v36, v37;
	v57 =	vsel vm3, $0x1, v4;
	vm3 =	vgt.f32 v26, v28  }
0x506: {  	v26 =	vand.u32 $0x7FFFFFFF, v33;
	v22 =	vadd.s32 v21, v22;
	v21 =	vsel vm6, $0x1, v4  }
0x507: {  	vm12 =	vgt.f32 v24, v27;
	vm15 =	vgt.f32 v24, v25;
	v28 =	vsel vm3, $0x1, v4  }
0x508: {  	vm7 =	vgt.f32 v26, v25;
	v31 =	vadd.s32 v57, v34;
	vm11 =	vgt.f32 v26, v27  }
0x509: {  	v20 =	vadd.s32 v20, v56;
	v25 =	vsel vm6, $0xFFFFFFFF, v4;
	vm6 =	vgt.f32 v26, v24  }
0x50a: {  	v24 =	vsel vm12, $0x1, v5;
	v26 =	vsel vm4, $0xFFFFFFFF, v4;
	v27 =	vsel vm15, $0xFFFFFFFF, v4  }
0x50b: {  	v31 =	vadd.s32 v21, v31;
	v21 =	vsel vm3, $0xFFFFFFFF, v4;
	v58 =	vsel vm7, $0xFFFFFFFF, v4  }
0x50c: {  	vm3 =	vgt.u32 v22, $0x1;
	v22 =	vsel vm11, $0x1, v4;
	v59 =	vsel vm6, $0xFFFFFFFF, v4  }
0x50d: {  	v25 =	vadd.s32 v26, v25;
	v26 =	vsel vm12, $0x1, v4;
	v24 =	vadd.s32 v27, v24  }
0x50e: {  	vm5 =	vgt.u32 v20, $0x1;
	v20 =	vsel vm9, $0x2, v6;
	v27 =	vsel vm11, $0x2, v6  }
0x50f: {  	v62 =	vsel vm6, $0x1, v4;
	vm8 =	vgt.u32 v31, $0x1;
	v25 =	vadd.s32 v60, v25  }
0x510: {  	v26 =	vadd.s32 v32, v26;
	v20 =	vadd.s32 v20, v29;
	v63 =	vadd.s32 v62, v24  }
0x511: {  	v24 =	vadd.s32 v59, v58;
	vm4 =	vgt.u32 v25, $0x1;
	v25 =	vadd.s32 v22, v26  }
0x512: {  	v26 =	vsel vm2, $0x1, v4;
	vm2 =	vmneg vm2;
	vm6 =	vgt.u32 v25, $0x1  }
0x513: {  	v22 =	vsel vm9, $0x1, v4;
	v27 =	vadd.s32 v27, v24;
	v61 =	vsel vm2, $0x1, v4  }
0x514: {  	v24 =	vadd.s32 v26, v30;
	vm2 =	vgt.u32 v27, $0x1;
	v25 =	vadd.s32 v61, v28  }
0x515: {  	v26 =	vsel vm15, $0x1, v4;
	v25 =	vadd.s32 v23, v25;
	v23 =	vsel vm1, $0xFFFFFFFF, v4;
	[tilespmem:v0+s1+$0xFFFFFDC0] =	vst.idx.msk vm5, v7  }
0x516: {  	s7 =	simm.s32 $0x0;
	s15 =	simm.s32 $0x8740;
	vm1 =	vgt.u32 v25, $0x1;
	v25 =	vsel vm7, $0x1, v4;
	vm5 =	vgt.u32 v63, $0x1;
	[tilespmem:v1+s1+$0xFFFFFDC0] =	vst.idx.msk vm8, v7  }
.LBB2_23:
0x517: {  	v27 =	vld.idx.msk [tilespmem:v0+s15+$0xFFFFFDC0], $0xffff;
	s7 =	sadd.s32 $0x100, s7;
	[tilespmem:v2+s1+$0xFFFFFDC0] =	vst.idx.msk vm3, v7;
	v18 =	vadd.s32 v21, v18;
	v19 =	vadd.s32 v19, v26;
	s8 =	simm.s32 $0x83C0  }
0x518: {  	v21 =	vld.idx.msk [tilespmem:v3+s15+$0xFFFFFE00], $0xffff;
	p0 =	slt.u32 s7, $0xF00;
	v17 =	vadd.s32 v17, v18;
	v18 =	vadd.s32 v25, v19;
	[tilespmem:v0+s1+$0x0] =	vst.idx.msk vm6, v7  }
0x519: {  	vm3 =	vgt.f32 v16, v13;
	vm7 =	vgt.f32 v11, v16;
	v19 =	vld.idx.msk [tilespmem:v1+s15+$0xFFFFFDC0], $0xffff;
	vm6 =	vgt.u32 v18, $0x1  }
0x51a: {  	v11 =	vsel vm3, $0x1, v4;
	v13 =	vsel vm7, $0x1, v4;
	v18 =	vld.idx.msk [tilespmem:v2+s15+$0xFFFFFDC0], $0xffff;
	[tilespmem:v3+s1+$0xFFFFFDC0] =	vst.idx.msk vm4, v7;
	vm4 =	vmneg vm3  }
0x51b: {  	v11 =	vadd.s32 v11, v14;
	vm3 =	vgt.u32 v17, $0x1;
	v16 =	vld.idx.msk [tilespmem:v3+s15+$0xFFFFFFC0], $0xffff;
	v14 =	vsel vm4, $0x1, v4  }
0x51c: {  	v25 =	vsel vm0, $0xFFFFFFFF, v4;
	v11 =	vadd.s32 v12, v11;
	v17 =	vld.idx.msk [tilespmem:v2+s15+$0xFFFFFFC0], $0xffff;
	v12 =	vadd.s32 v14, v13  }
0x51d: {  	vm9 =	vgt.u32 v11, $0x1;
	v26 =	vand.u32 $0x7FFFFFFF, v27;
	v13 =	vld.idx.msk [tilespmem:v0+s15+$0xFFFFFFC0], $0xffff;
	v12 =	vadd.s32 v15, v12  }
0x51e: {  	v11 =	vadd.s32 v22, v24;
	v14 =	vsel vm7, $0xFFFFFFFF, v4;
	v15 =	vld.idx.msk [tilespmem:v2+s15+$0xFFFFFE00], $0xffff;
	vm0 =	vgt.u32 v12, $0x1  }
0x51f: {  	vm8 =	vgt.u32 v11, $0x1;
	v11 =	vadd.s32 v23, v25;
	v10 =	vadd.s32 v14, v10;
	v22 =	vld.idx.msk [tilespmem:v1+s15+$0xFFFFFE00], $0xffff  }
0x520: {  	v9 =	vadd.s32 v9, v11;
	v8 =	vadd.s32 v8, v10;
	v23 =	vld.idx.msk [tilespmem:v1+s15+$0xFFFFFFC0], $0xffff;
	[tilespmem:v1+s1+$0x0] =	vst.idx.msk vm6, v7  }
0x521: {  	v21 =	vand.u32 $0x7FFFFFFF, v21;
	v25 =	vand.u32 $0x7FFFFFFF, v16;
	vm6 =	vgt.u32 v8, $0x1;
	v24 =	vld.idx.msk [tilespmem:v0+s15+$0xFFFFFE00], $0xffff;
	[tilespmem:v2+s1+$0x0] =	vst.idx.msk vm5, v7  }
0x522: {  	vm4 =	vgt.u32 v9, $0x1;
	v11 =	vand.u32 $0x7FFFFFFF, v17;
	v27 =	vld.idx.msk [tilespmem:v3+s15+$0xFFFFFDC0], $0xffff;
	[tilespmem:v3+s1+$0x0] =	vst.idx.msk vm2, v7  }
0x523: {  	vm7 =	vgt.u32 v20, $0x1;
	v13 =	vand.u32 $0x7FFFFFFF, v13;
	vm2 =	vgt.f32 v25, v11;
	v28 =	vld.idx.msk [tilespmem:v3+s15+$0x0], $0xffff;
	[tilespmem:v0+s1+$0xFFFFFFC0] =	vst.idx.msk vm9, v7  }
0x524: {  	vm5 =	vgt.f32 v11, v13;
	vm9 =	vgt.f32 v25, v13;
	v8 =	vsel vm2, $0x1, v4;
	v20 =	vld.idx.msk [tilespmem:v2+s15+$0x0], $0xffff  }
0x525: {  	v14 =	vsel vm5, $0x1, v4;
	v12 =	vsel vm9, $0x1, v4;
	v9 =	vsel vm9, $0x2, v6;
	v29 =	vld.idx.msk [tilespmem:v1+s15+$0x0], $0xffff;
	[tilespmem:v0+s1+$0xFFFFFE00] =	vst.idx.msk vm8, v7  }
0x526: {  	v30 =	vand.u32 $0x7FFFFFFF, v15;
	v10 =	vsel vm5, $0x1, v5;
	v16 =	vand.u32 $0x7FFFFFFF, v23;
	v23 =	vld.idx.msk [tilespmem:v0+s15+$0x0], $0xffff;
	[tilespmem:v1+s1+$0xFFFFFFC0] =	vst.idx.msk vm0, v7  }
0x527: {  	v22 =	vand.u32 $0x7FFFFFFF, v22;
	v24 =	vand.u32 $0x7FFFFFFF, v24;
	vm0 =	vgt.f32 v25, v16;
	[tilespmem:v1+s1+$0xFFFFFE00] =	vst.idx.msk vm1, v7  }
0x528: {  	v25 =	vand.u32 $0x7FFFFFFF, v27;
	vm1 =	vgt.f32 v22, v24;
	v15 =	vsel vm0, $0x1, v4;
	[tilespmem:v2+s1+$0xFFFFFFC0] =	vst.idx.msk vm6, v7  }
0x529: {  	v19 =	vand.u32 $0x7FFFFFFF, v19;
	v18 =	vand.u32 $0x7FFFFFFF, v18;
	vm8 =	vgt.f32 v21, v30;
	[tilespmem:v2+s1+$0xFFFFFE00] =	vst.idx.msk vm3, v7  }
0x52a: {  	v17 =	vsel vm8, $0x1, v4;
	vm5 =	vgt.f32 v25, v18;
	vm3 =	vgt.f32 v18, v26;
	[tilespmem:v3+s1+$0xFFFFFFC0] =	vst.idx.msk vm4, v7  }
0x52b: {  	vm6 =	vgt.f32 v25, v19;
	vm4 =	vgt.f32 v25, v26;
	v25 =	vsel vm8, $0xFFFFFFFF, v4;
	[tilespmem:v3+s1+$0xFFFFFE00] =	vst.idx.msk vm7, v7;
	s1 =	smov.u32 s15  }
0x52c: {  	v27 =	vand.u32 $0x7FFFFFFF, v29;
	vm7 =	vgt.f32 v30, v24;
	v23 =	vand.u32 $0x7FFFFFFF, v23  }
0x52d: {  	vm8 =	vgt.f32 v18, v19;
	v18 =	vsel vm7, $0x1, v5;
	vm9 =	vgt.f32 v27, v23  }
0x52e: {  	v29 =	vsel vm8, $0xFFFFFFFF, v4;
	v31 =	vsel vm7, $0x1, v4;
	vm7 =	vmneg vm9  }
0x52f: {  	vm10 =	vgt.f32 v21, v22;
	v32 =	vsel vm3, $0x1, v5;
	v33 =	vsel vm9, $0x1, v4  }
0x530: {  	v35 =	vsel vm10, $0xFFFFFFFF, v4;
	v20 =	vand.u32 $0x7FFFFFFF, v20;
	v34 =	vsel vm8, $0x1, v4  }
0x531: {  	vm8 =	vgt.f32 v19, v26;
	v26 =	vsel vm5, $0x1, v4;
	v19 =	vsel vm7, $0x1, v4  }
0x532: {  	v37 =	vsel vm3, $0x1, v4;
	v25 =	vadd.s32 v25, v35;
	v36 =	vsel vm8, $0x1, v4  }
0x533: {  	vm3 =	vmneg vm8;
	v35 =	vadd.s32 v36, v37;
	vm9 =	vgt.f32 v21, v24  }
0x534: {  	v24 =	vsel vm4, $0x1, v4;
	v21 =	vadd.s32 v29, v32;
	v29 =	vsel vm10, $0x1, v4  }
0x535: {  	v32 =	vsel vm3, $0x1, v4;
	vm3 =	vgt.f32 v30, v22;
	v22 =	vand.u32 $0x7FFFFFFF, v28  }
0x536: {  	v26 =	vadd.s32 v26, v21;
	v28 =	vsel vm3, $0x1, v4;
	vm7 =	vgt.f32 v22, v27  }
0x537: {  	v21 =	vsel vm6, $0x1, v4;
	v30 =	vadd.s32 v32, v34;
	vm11 =	vgt.f32 v22, v23  }
0x538: {  	v30 =	vadd.s32 v21, v30;
	v21 =	vsel vm3, $0xFFFFFFFF, v4;
	v32 =	vsel vm7, $0xFFFFFFFF, v4  }
0x539: {  	vm12 =	vgt.f32 v20, v23;
	v24 =	vadd.s32 v24, v35;
	vm8 =	vgt.u32 v30, $0x1  }
0x53a: {  	vm10 =	vgt.f32 v20, v27;
	vm3 =	vgt.u32 v26, $0x1;
	v23 =	vsel vm11, $0x1, v4  }
0x53b: {  	v26 =	vsel vm6, $0xFFFFFFFF, v4;
	vm6 =	vgt.f32 v22, v20;
	v20 =	vsel vm12, $0x1, v5  }
0x53c: {  	v27 =	vsel vm10, $0xFFFFFFFF, v4;
	v22 =	vsel vm5, $0xFFFFFFFF, v4;
	v30 =	vsel vm6, $0xFFFFFFFF, v4  }
0x53d: {  	v34 =	vsel vm4, $0x2, v6;
	v22 =	vadd.s32 v22, v26;
	v26 =	vsel vm12, $0x1, v4  }
0x53e: {  	v27 =	vadd.s32 v27, v20;
	v22 =	vadd.s32 v34, v22;
	v26 =	vadd.s32 v33, v26  }
0x53f: {  	vm5 =	vgt.u32 v24, $0x1;
	vm4 =	vgt.u32 v22, $0x1;
	v23 =	vadd.s32 v23, v26  }
0x540: {  	v24 =	vsel vm1, $0x1, v4;
	v20 =	vsel vm9, $0x2, v6;
	v22 =	vsel vm9, $0x1, v4  }
0x541: {  	vm1 =	vmneg vm1;
	v20 =	vadd.s32 v20, v25;
	v25 =	vsel vm11, $0x2, v6  }
.Ltmp12:
0x542: {  	v33 =	vsel vm6, $0x1, v4;
	v26 =	vsel vm1, $0x1, v4;
	vm6 =	vgt.u32 v23, $0x1;
	(pc) =	sbr.rel @p0 .LBB2_23-.Ltmp12, $4  }
0x543: {  	v27 =	vadd.s32 v33, v27;
	v23 =	vadd.s32 v26, v28;
	v26 =	vadd.s32 v30, v32  }
0x544: {  	v28 =	vadd.s32 v29, v23;
	v23 =	vsel vm2, $0xFFFFFFFF, v4;
	v25 =	vadd.s32 v25, v26  }
0x545: {  	v24 =	vadd.s32 v24, v31;
	vm1 =	vgt.u32 v28, $0x1;
	vm2 =	vgt.u32 v25, $0x1;
	[tilespmem:v0+s15+$0xFFFFFDC0] =	vst.idx.msk vm5, v7  }
0x546: {  	v26 =	vsel vm10, $0x1, v4;
	v25 =	vsel vm7, $0x1, v4;
	vm5 =	vgt.u32 v27, $0x1;
	s15 =	sadd.s32 $0x400, s15;
	[tilespmem:v1+s1+$0xFFFFFDC0] =	vst.idx.msk vm8, v7  }
0x547: {  	v19 =	vadd.s32 v19, v26  }
0x548: {  	vm7 =	vgt.f32 v16, v13;
	v19 =	vadd.s32 v25, v19  }
0x549: {  	v13 =	vsel vm7, $0x1, v4;
	vm8 =	vgt.u32 v19, $0x1  }
0x54a: {  	vm9 =	vgt.f32 v11, v16;
	vm7 =	vmneg vm7;
	v11 =	vadd.s32 v13, v14  }
0x54b: {  	v13 =	vsel vm9, $0x1, v4;
	v14 =	vsel vm7, $0x1, v4;
	v11 =	vadd.s32 v12, v11  }
0x54c: {  	[tilespmem:v2+s1+$0xFFFFFDC0] =	vst.idx.msk vm3, v7;
	v12 =	vadd.s32 v14, v13;
	vm3 =	vgt.u32 v11, $0x1;
	v11 =	vadd.s32 v22, v24  }
0x54d: {  	[tilespmem:v0+s1+$0x0] =	vst.idx.msk vm6, v7;
	v13 =	vsel vm9, $0xFFFFFFFF, v4;
	v12 =	vadd.s32 v15, v12;
	vm6 =	vgt.u32 v11, $0x1  }
0x54e: {  	[tilespmem:v3+s1+$0xFFFFFDC0] =	vst.idx.msk vm4, v7;
	v10 =	vadd.s32 v13, v10;
	vm4 =	vgt.u32 v12, $0x1  }
0x54f: {  	v11 =	vadd.s32 v21, v18;
	v12 =	vsel vm0, $0xFFFFFFFF, v4;
	v8 =	vadd.s32 v8, v10;
	[tilespmem:v1+s1+$0x0] =	vst.idx.msk vm8, v7  }
0x550: {  	v10 =	vadd.s32 v17, v11;
	v11 =	vadd.s32 v23, v12;
	vm0 =	vgt.u32 v8, $0x1;
	[tilespmem:v2+s1+$0x0] =	vst.idx.msk vm5, v7  }
0x551: {  	v8 =	vadd.s32 v9, v11;
	vm5 =	vgt.u32 v10, $0x1;
	[tilespmem:v3+s1+$0x0] =	vst.idx.msk vm2, v7  }
0x552: {  	vm2 =	vgt.u32 v8, $0x1;
	[tilespmem:v0+s1+$0xFFFFFFC0] =	vst.idx.msk vm3, v7  }
0x553: {  	vm3 =	vgt.u32 v20, $0x1;
	[tilespmem:v0+s1+$0xFFFFFE00] =	vst.idx.msk vm6, v7  }
0x554: {  	[tilespmem:v1+s1+$0xFFFFFFC0] =	vst.idx.msk vm4, v7  }
0x555: {  	[tilespmem:v1+s1+$0xFFFFFE00] =	vst.idx.msk vm1, v7  }
0x556: {  	[tilespmem:v2+s1+$0xFFFFFFC0] =	vst.idx.msk vm0, v7  }
0x557: {  	[tilespmem:v2+s1+$0xFFFFFE00] =	vst.idx.msk vm5, v7  }
0x558: {  	[tilespmem:v3+s1+$0xFFFFFFC0] =	vst.idx.msk vm2, v7  }
0x559: {  	[tilespmem:v3+s1+$0xFFFFFE00] =	vst.idx.msk vm3, v7  }
0x55a: {  	v8 =	vld.idx.msk [tilespmem:v0+s8+$0xFFFFFDC0], $0xffff  }
0x55b: {  	v9 =	vld.idx.msk [tilespmem:v3+s8+$0xFFFFFFC0], $0xffff  }
0x55c: {  	v10 =	vld.idx.msk [tilespmem:v3+s8+$0xFFFFFE00], $0xffff  }
0x55d: {  	v11 =	vld.idx.msk [tilespmem:v3+s8+$0xFFFFFDC0], $0xffff  }
0x55e: {  	v12 =	vld.idx.msk [tilespmem:v2+s8+$0x0], $0xffff  }
0x55f: {  	v13 =	vld.idx.msk [tilespmem:v2+s8+$0xFFFFFDC0], $0xffff  }
0x560: {  	v14 =	vld.idx.msk [tilespmem:v2+s8+$0xFFFFFE00], $0xffff  }
0x561: {  	v15 =	vld.idx.msk [tilespmem:v2+s8+$0xFFFFFFC0], $0xffff  }
0x562: {  	v16 =	vld.idx.msk [tilespmem:v1+s8+$0xFFFFFE00], $0xffff  }
0x563: {  	v17 =	vld.idx.msk [tilespmem:v0+s8+$0xFFFFFFC0], $0xffff  }
0x564: {  	v18 =	vld.idx.msk [tilespmem:v0+s8+$0xFFFFFE00], $0xffff  }
0x565: {  	v32 =	vld.idx.msk [tilespmem:v0+s8+$0x0], $0xffff  }
0x566: {  	v19 =	vand.u32 $0x7FFFFFFF, v8  }
0x567: {  	v20 =	vand.u32 $0x7FFFFFFF, v9;
	v21 =	vand.u32 $0x7FFFFFFF, v11;
	v22 =	vand.u32 $0x7FFFFFFF, v10  }
0x568: {  	v23 =	vand.u32 $0x7FFFFFFF, v12;
	v15 =	vand.u32 $0x7FFFFFFF, v15;
	v14 =	vand.u32 $0x7FFFFFFF, v14  }
0x569: {  	v16 =	vand.u32 $0x7FFFFFFF, v16;
	v47 =	vand.u32 $0x7FFFFFFF, v13;
	v13 =	vand.u32 $0x7FFFFFFF, v17  }
0x56a: {  	v49 =	vand.u32 $0x7FFFFFFF, v18;
	v32 =	vand.u32 $0x7FFFFFFF, v32;
	vm2 =	vgt.f32 v20, v15  }
0x56b: {  	vm5 =	vgt.f32 v22, v16;
	vm0 =	vgt.f32 v22, v14;
	vm7 =	vgt.f32 v16, v49  }
0x56c: {  	v8 =	vld.idx.msk [tilespmem:v1+s8+$0xFFFFFFC0], $0xffff;
	vm1 =	vgt.f32 v20, v13;
	vm3 =	vgt.f32 v21, v47;
	vm10 =	vgt.f32 v47, v19  }
0x56d: {  	v9 =	vld.idx.msk [tilespmem:v1+s8+$0xFFFFFDC0], $0xffff;
	vm13 =	vgt.f32 v14, v16;
	vm11 =	vgt.f32 v14, v49;
	v17 =	vsel vm5, $0xFFFFFFFF, v4  }
0x56e: {  	v48 =	vsel vm2, $0xFFFFFFFF, v4;
	v18 =	vsel vm0, $0xFFFFFFFF, v4;
	v10 =	vsel vm1, $0x1, v4  }
0x56f: {  	vm6 =	vmneg vm7;
	v12 =	vsel vm10, $0x1, v5;
	v30 =	vsel vm10, $0x1, v4  }
0x570: {  	v16 =	vld.idx.msk [tilespmem:v1+s8+$0x0], $0xffff;
	v31 =	vsel vm1, $0x2, v6;
	v50 =	vsel vm7, $0x1, v4;
	v34 =	vsel vm5, $0x1, v4  }
0x571: {  	v35 =	vsel vm2, $0x1, v4;
	v62 =	vsel vm3, $0xFFFFFFFF, v4;
	v36 =	vsel vm6, $0x1, v4  }
0x572: {  	vm6 =	vgt.f32 v23, v32;
	v27 =	vand.u32 $0x7FFFFFFF, v8;
	v28 =	vand.u32 $0x7FFFFFFF, v9  }
0x573: {  	v8 =	vsel vm0, $0x1, v4;
	v9 =	vsel vm3, $0x1, v4;
	vm0 =	vgt.f32 v15, v13  }
0x574: {  	vm8 =	vgt.f32 v28, v19;
	vm1 =	vgt.f32 v27, v13;
	vm7 =	vgt.f32 v21, v28  }
0x575: {  	v51 =	vand.u32 $0x7FFFFFFF, v16;
	v13 =	vsel vm13, $0xFFFFFFFF, v4;
	vm9 =	vgt.f32 v20, v27  }
0x576: {  	v20 =	vsel vm13, $0x1, v4;
	v55 =	vsel vm0, $0x1, v5;
	vm4 =	vmneg vm8  }
0x577: {  	vm12 =	vgt.f32 v23, v51;
	vm5 =	vgt.f32 v51, v32;
	v57 =	vadd.s32 v36, v20  }
0x578: {  	v60 =	vsel vm7, $0xFFFFFFFF, v4;
	v11 =	vsel vm4, $0x1, v4;
	vm4 =	vgt.f32 v21, v19  }
0x579: {  	v29 =	vld.idx.msk [tilespmem:v3+s8+$0x0], $0xffff;
	v19 =	vsel vm8, $0x1, v4;
	v53 =	vsel vm5, $0x1, v4;
	vm2 =	vmneg vm5  }
0x57a: {  	v21 =	vsel vm6, $0x1, v5;
	v56 =	vsel vm12, $0x1, v4;
	v24 =	vadd.s32 v34, v57  }
0x57b: {  	v33 =	vsel vm4, $0x1, v4;
	v19 =	vadd.s32 v19, v30;
	v54 =	vsel vm2, $0x1, v4  }
0x57c: {  	vm2 =	vgt.f32 v15, v27;
	v15 =	vadd.s32 v18, v17;
	v18 =	vsel vm9, $0xFFFFFFFF, v4  }
0x57d: {  	v17 =	vimm.s32 $0x0;
	v63 =	vsel vm4, $0x2, v6;
	v14 =	vadd.s32 v33, v19  }
0x57e: {  	v19 =	vand.u32 $0x7FFFFFFF, v29;
	v17 =	vsel vm1, $0xFFFFFFFF, v17;
	v25 =	vadd.s32 v48, v18  }
0x57f: {  	v18 =	vsel vm12, $0xFFFFFFFF, v4;
	vm12 =	vmmov vm11;
	vm11 =	vmmov vm2  }
0x580: {  	vm8 =	vgt.u32 v14, $0x1;
	v14 =	vsel vm0, $0x1, v4;
	vm10 =	vgt.f32 v19, v23  }
0x581: {  	v23 =	vsel vm6, $0x1, v4;
	vm5 =	vgt.f32 v19, v51;
	vm0 =	vgt.f32 v19, v32  }
0x582: {  	[tilespmem:$0x1FEE0] =	vst v17;
	v17 =	vsel vm1, $0x1, v4;
	vm6 =	vgt.f32 v22, v49;
	v22 =	vsel vm12, $0x1, v4  }
0x583: {  	v16 =	vsel vm10, $0x1, v4;
	v52 =	vsel vm10, $0xFFFFFFFF, v4;
	vm10 =	vgt.f32 v47, v28  }
0x584: {  	v19 =	vadd.s32 v53, v23;
	v23 =	vsel vm2, $0xFFFFFFFF, v4;
	v20 =	vsel vm0, $0x1, v4  }
0x585: {  	v58 =	vsel vm0, $0x2, v6;
	v59 =	vsel vm5, $0x1, v4;
	v28 =	vadd.s32 v54, v56  }
0x586: {  	v61 =	vsel vm5, $0xFFFFFFFF, v4;
	v23 =	vadd.s32 v23, v55;
	v27 =	vadd.s32 v59, v28  }
0x587: {  	v32 =	vadd.s32 v52, v61;
	v28 =	vadd.s32 v62, v60;
	vm3 =	vgt.u32 v27, $0x1  }
0x588: {  	v26 =	vadd.s32 v58, v32;
	v27 =	vadd.s32 v63, v28;
	v23 =	vadd.s32 v35, v23  }
0x589: {  	vm13 =	vgt.u32 v26, $0x1;
	vm2 =	vgt.u32 v27, $0x1;
	vm4 =	vgt.u32 v23, $0x1  }
0x58a: {  	s7 =	simm.s32 $0x87C0;
	s1 =	simm.s32 $0x0;
	v23 =	vadd.s32 v50, v22;
	v22 =	vadd.s32 v31, v25;
	[tilespmem:v0+s8+$0xFFFFFDC0] =	vst.idx.msk vm8, v7;
	vm8 =	vgt.u32 v24, $0x1  }
.LBB2_25:
0x58b: {  	v25 =	vsel vm10, $0x1, v4  }
0x58c: {  	v24 =	vld.idx.msk [tilespmem:v0+s7+$0xFFFFFDC0], $0xffff;
	v26 =	vsel vm6, $0x2, v6;
	v18 =	vadd.s32 v18, v21;
	v27 =	vsel vm12, $0x1, v5  }
0x58d: {  	v21 =	vld.idx.msk [tilespmem:v3+s7+$0xFFFFFFC0], $0xffff;
	v14 =	vadd.s32 v17, v14;
	v17 =	vsel vm7, $0x1, v4;
	v15 =	vadd.s32 v26, v15  }
0x58e: {  	v16 =	vadd.s32 v16, v18;
	v18 =	vld.idx.msk [tilespmem:v3+s7+$0xFFFFFE00], $0xffff;
	v13 =	vadd.s32 v13, v27;
	v10 =	vadd.s32 v10, v14  }
0x58f: {  	v14 =	vsel vm10, $0xFFFFFFFF, v4;
	vm1 =	vgt.u32 v16, $0x1;
	v16 =	vld.idx.msk [tilespmem:v3+s7+$0xFFFFFDC0], $0xffff;
	v8 =	vadd.s32 v8, v13  }
0x590: {  	v13 =	vld.idx.msk [tilespmem:v2+s7+$0x0], $0xffff;
	vm14 =	vgt.u32 v10, $0x1;
	v12 =	vadd.s32 v14, v12;
	v14 =	vadd.s32 v20, v19  }
0x591: {  	v10 =	vld.idx.msk [tilespmem:v2+s7+$0xFFFFFDC0], $0xffff;
	vm0 =	vgt.u32 v15, $0x1;
	vm12 =	vgt.u32 v14, $0x1;
	v14 =	vimm.s32 $0x0  }
0x592: {  	vm7 =	vmmov vm4;
	v11 =	vadd.s32 v11, v25;
	v15 =	vld.idx.msk [tilespmem:v0+s7+$0xFFFFFE00], $0xffff;
	v14 =	vsel vm0, $0xFFFFFFFF, v14  }
0x593: {  	vm4 =	vmmov vm13;
	v11 =	vadd.s32 v17, v11;
	v9 =	vadd.s32 v9, v12;
	[tilespmem:$0x1FEB0] =	vst v14;
	v14 =	vld [tilespmem:$0x1FEE0]  }
0x594: {  	vm15 =	vgt.u32 v11, $0x1;
	vm10 =	vgt.u32 v8, $0x1;
	v8 =	vsel vm9, $0x1, v4;
	v12 =	vld.idx.msk [tilespmem:v0+s7+$0xFFFFFFC0], $0xffff  }
0x595: {  	v19 =	vld.idx.msk [tilespmem:v2+s7+$0xFFFFFE00], $0xffff;
	vm9 =	vgt.u32 v22, $0x1;
	v20 =	vand.u32 $0x7FFFFFFF, v21;
	v21 =	vsel vm6, $0x1, v4  }
0x596: {  	vm13 =	vgt.u32 v9, $0x1;
	v17 =	vand.u32 $0x7FFFFFFF, v24;
	v21 =	vadd.s32 v21, v23;
	v23 =	vld.idx.msk [tilespmem:v1+s7+$0xFFFFFDC0], $0xffff  }
0x597: {  	v11 =	vld.idx.msk [tilespmem:v2+s7+$0xFFFFFFC0], $0xffff;
	v46 =	vand.u32 $0x7FFFFFFF, v18;
	v16 =	vand.u32 $0x7FFFFFFF, v16;
	v47 =	vand.u32 $0x7FFFFFFF, v13  }
0x598: {  	v9 =	vld.idx.msk [tilespmem:v1+s7+$0xFFFFFE00], $0xffff;
	v29 =	vand.u32 $0x7FFFFFFF, v15;
	[tilespmem:v0+s8+$0xFFFFFFC0] =	vst.idx.msk vm14, v7;
	vm14 =	vgt.u32 v21, $0x1;
	vm0 =	vnez.u8 v14  }
0x599: {  	v48 =	vand.u32 $0x7FFFFFFF, v12;
	v12 =	vimm.s32 $0x0;
	v18 =	vld.idx.msk [tilespmem:v1+s7+$0xFFFFFFC0], $0xffff;
	vm0 =	vmneg vm0  }
0x59a: {  	[tilespmem:v1+s8+$0xFFFFFDC0] =	vst.idx.msk vm15, v7;
	vm15 =	vgt.f32 v20, v48;
	v14 =	vsel vm11, $0x1, v4;
	v22 =	vsel vm0, $0x1, v4  }
0x59b: {  	v21 =	vld.idx.msk [tilespmem:v0+s7+$0x0], $0xffff;
	[tilespmem:v0+s8+$0x0] =	vst.idx.msk vm12, v7;
	v32 =	vsel vm15, $0x2, v6;
	v23 =	vand.u32 $0x7FFFFFFF, v23;
	v13 =	vadd.s32 v22, v14  }
0x59c: {  	[tilespmem:v2+s8+$0xFFFFFDC0] =	vst.idx.msk vm13, v7;
	v14 =	vand.u32 $0x7FFFFFFF, v19;
	v19 =	vand.u32 $0x7FFFFFFF, v11;
	v22 =	vand.u32 $0x7FFFFFFF, v10  }
0x59d: {  	[tilespmem:v1+s8+$0x0] =	vst.idx.msk vm3, v7;
	v10 =	vsel vm15, $0x1, v4;
	v8 =	vadd.s32 v8, v13;
	v13 =	vand.u32 $0x7FFFFFFF, v9  }
0x59e: {  	vm6 =	vgt.f32 v20, v19;
	vm13 =	vgt.f32 v46, v14;
	v18 =	vand.u32 $0x7FFFFFFF, v18;
	[tilespmem:v0+s8+$0xFFFFFE00] =	vst.idx.msk vm14, v7  }
0x59f: {  	vm14 =	vgt.f32 v23, v17;
	vm11 =	vgt.f32 v16, v22;
	vm3 =	vgt.f32 v22, v17  }
0x5a0: {  	vm12 =	vgt.f32 v14, v29;
	vm0 =	vgt.u32 v8, $0x1;
	vm5 =	vgt.f32 v46, v13  }
0x5a1: {  	[tilespmem:v3+s8+$0xFFFFFDC0] =	vst.idx.msk vm2, v7;
	v28 =	vsel vm6, $0xFFFFFFFF, v4;
	v15 =	vsel vm13, $0xFFFFFFFF, v4;
	vm2 =	vgt.f32 v13, v29  }
0x5a2: {  	[tilespmem:v2+s8+$0x0] =	vst.idx.msk vm1, v7;
	v8 =	vimm.s32 $0x0;
	vm1 =	vmneg vm14;
	v9 =	vsel vm11, $0x1, v4  }
0x5a3: {  	[tilespmem:v1+s8+$0xFFFFFE00] =	vst.idx.msk vm8, v7;
	vm8 =	vgt.f32 v16, v17;
	v17 =	vsel vm3, $0x1, v4;
	v53 =	vsel vm12, $0x1, v4  }
0x5a4: {  	v30 =	vld.idx.msk [tilespmem:v3+s7+$0x0], $0xffff;
	v54 =	vsel vm6, $0x1, v4;
	vm6 =	vgt.f32 v46, v29;
	v49 =	vsel vm5, $0xFFFFFFFF, v4  }
0x5a5: {  	v31 =	vld.idx.msk [tilespmem:v1+s7+$0x0], $0xffff;
	v8 =	vsel vm11, $0xFFFFFFFF, v8;
	v11 =	vsel vm1, $0x1, v4;
	vm1 =	vmneg vm2  }
0x5a6: {  	v33 =	vsel vm8, $0x1, v4;
	[tilespmem:v2+s8+$0xFFFFFE00] =	vst.idx.msk vm10, v7;
	v50 =	vsel vm2, $0x1, v4;
	vm10 =	vgt.f32 v22, v23  }
0x5a7: {  	vm11 =	vgt.f32 v19, v18;
	v52 =	vsel vm5, $0x1, v4;
	v63 =	vsel vm8, $0x2, v6  }
0x5a8: {  	[tilespmem:$0x1FED0] =	vst v8;
	v8 =	vsel vm13, $0x1, v4;
	vm13 =	vgt.f32 v14, v13;
	v13 =	vsel vm14, $0x1, v4  }
0x5a9: {  	v12 =	vsel vm1, $0xFFFFFFFF, v12;
	vm1 =	vgt.f32 v18, v48;
	v13 =	vadd.s32 v13, v17  }
0x5aa: {  	v51 =	vand.u32 $0x7FFFFFFF, v31;
	v30 =	vand.u32 $0x7FFFFFFF, v30;
	v13 =	vadd.s32 v33, v13  }
0x5ab: {  	v15 =	vadd.s32 v15, v49;
	v57 =	vsel vm11, $0xFFFFFFFF, v4;
	vm15 =	vgt.u32 v13, $0x1;
	v13 =	vld [tilespmem:$0x1FEB0]  }
0x5ac: {  	[tilespmem:$0x1FEC0] =	vst v12;
	v12 =	vsel vm3, $0x1, v5;
	vm3 =	vgt.f32 v19, v48;
	vm14 =	vgt.f32 v47, v51  }
0x5ad: {  	[tilespmem:v3+s8+$0x0] =	vst.idx.msk vm4, v7;
	v17 =	vsel vm1, $0x1, v4;
	vm4 =	vgt.f32 v30, v51;
	v19 =	vand.u32 $0x7FFFFFFF, v21  }
0x5ae: {  	v56 =	vsel vm13, $0x1, v4;
	v14 =	vsel vm3, $0x1, v4;
	vm2 =	vgt.f32 v47, v19  }
0x5af: {  	v58 =	vsel vm3, $0x1, v5;
	v59 =	vsel vm14, $0x1, v4;
	v60 =	vsel vm4, $0x1, v4;
	[tilespmem:v1+s8+$0xFFFFFFC0] =	vst.idx.msk vm0, v7  }
0x5b0: {  	v35 =	vsel vm4, $0xFFFFFFFF, v4;
	v29 =	vadd.s32 v57, v58;
	[tilespmem:v2+s8+$0xFFFFFFC0] =	vst.idx.msk vm7, v7;
	vm0 =	vnez.u8 v13  }
0x5b1: {  	v21 =	vsel vm2, $0x1, v4;
	v27 =	vadd.s32 v54, v29;
	[tilespmem:v3+s8+$0xFFFFFFC0] =	vst.idx.msk vm9, v7;
	vm9 =	vgt.f32 v20, v18  }
0x5b2: {  	vm7 =	vgt.f32 v16, v23;
	v16 =	vimm.s32 $0x0;
	v20 =	vsel vm9, $0xFFFFFFFF, v4  }
0x5b3: {  	vm4 =	vgt.u32 v27, $0x1;
	v16 =	vsel vm1, $0xFFFFFFFF, v16;
	v22 =	vadd.s32 v28, v20;
	v20 =	vld [tilespmem:$0x1FEC0]  }
0x5b4: {  	vm1 =	vgt.f32 v51, v19;
	v18 =	vsel vm14, $0xFFFFFFFF, v4;
	v61 =	vsel vm7, $0xFFFFFFFF, v4  }
0x5b5: {  	v62 =	vld [tilespmem:$0x1FED0];
	[tilespmem:v0+s7+$0xFFFFFDC0] =	vst.idx.msk vm15, v7;
	vm15 =	vgt.f32 v30, v19;
	v19 =	vsel vm1, $0x1, v4;
	v22 =	vadd.s32 v32, v22  }
0x5b6: {  	v13 =	vsel vm13, $0xFFFFFFFF, v4;
	v19 =	vadd.s32 v19, v21;
	[tilespmem:v3+s8+$0xFFFFFE00] =	vst.idx.msk vm0, v7;
	vm0 =	vgt.f32 v30, v47  }
0x5b7: {  	[tilespmem:$0x1FEE0] =	vst v16;
	v16 =	vsel vm0, $0x1, v4;
	v23 =	vsel vm0, $0xFFFFFFFF, v4;
	vm0 =	vmneg vm1  }
0x5b8: {  	s1 =	sadd.s32 $0x100, s1;
	v21 =	vsel vm2, $0x1, v5;
	v55 =	vsel vm0, $0x1, v4;
	vm0 =	vnez.u8 v20  }
0x5b9: {  	p0 =	slt.u32 s1, $0xF00;
	v34 =	vsel vm15, $0x2, v6;
	v23 =	vadd.s32 v23, v35;
	v20 =	vsel vm0, $0x1, v4  }
.Ltmp13:
0x5ba: {  	v28 =	vadd.s32 v55, v59;
	vm0 =	vnez.u8 v62;
	v23 =	vadd.s32 v34, v23;
	(pc) =	sbr.rel @p0 .LBB2_25-.Ltmp13, $4  }
0x5bb: {  	v24 =	vadd.s32 v20, v56;
	v20 =	vsel vm15, $0x1, v4;
	v30 =	vsel vm0, $0xFFFFFFFF, v4  }
0x5bc: {  	v28 =	vadd.s32 v60, v28;
	vm13 =	vgt.u32 v23, $0x1;
	v30 =	vadd.s32 v30, v61  }
0x5bd: {  	vm3 =	vgt.u32 v28, $0x1;
	v24 =	vadd.s32 v52, v24;
	v28 =	vadd.s32 v63, v30  }
0x5be: {  	s8 =	smov.u32 s7;
	s7 =	sadd.s32 $0x400, s7;
	v23 =	vadd.s32 v50, v53;
	vm8 =	vgt.u32 v24, $0x1;
	vm2 =	vgt.u32 v28, $0x1  }
0x5bf: {  	v24 =	vsel vm10, $0x1, v4;
	v14 =	vadd.s32 v17, v14;
	v17 =	vsel vm7, $0x1, v4  }
0x5c0: {  	v10 =	vadd.s32 v10, v14;
	v11 =	vadd.s32 v11, v24;
	v14 =	vsel vm10, $0xFFFFFFFF, v4  }
0x5c1: {  	vm0 =	vgt.u32 v10, $0x1;
	v10 =	vadd.s32 v17, v11;
	v11 =	vadd.s32 v14, v12  }
0x5c2: {  	v9 =	vadd.s32 v9, v11;
	v11 =	vld [tilespmem:$0x1FEE0]  }
0x5c3: {  	v12 =	vadd.s32 v20, v19;
	vm1 =	vgt.u32 v10, $0x1  }
0x5c4: {  	vm5 =	vgt.u32 v12, $0x1  }
0x5c5: {  	vm7 =	vgt.u32 v9, $0x1  }
0x5c6: {  	v9 =	vadd.s32 v18, v21  }
0x5c7: {  	v10 =	vsel vm6, $0x1, v4;
	v9 =	vadd.s32 v16, v9;
	vm14 =	vnez.u8 v11  }
0x5c8: {  	v10 =	vadd.s32 v10, v23;
	vm15 =	vgt.u32 v9, $0x1;
	[tilespmem:v0+s8+$0xFFFFFFC0] =	vst.idx.msk vm0, v7;
	vm10 =	vmneg vm14  }
0x5c9: {  	v11 =	vsel vm11, $0x1, v4;
	vm0 =	vgt.u32 v10, $0x1;
	[tilespmem:v1+s8+$0xFFFFFDC0] =	vst.idx.msk vm1, v7;
	v12 =	vsel vm10, $0x1, v4  }
0x5ca: {  	v9 =	vsel vm9, $0x1, v4;
	[tilespmem:v0+s8+$0x0] =	vst.idx.msk vm5, v7;
	v10 =	vadd.s32 v12, v11  }
0x5cb: {  	[tilespmem:v2+s8+$0xFFFFFDC0] =	vst.idx.msk vm7, v7;
	v9 =	vadd.s32 v9, v10;
	v10 =	vsel vm12, $0x1, v5  }
0x5cc: {  	[tilespmem:v1+s8+$0x0] =	vst.idx.msk vm3, v7;
	vm1 =	vgt.u32 v9, $0x1;
	v9 =	vadd.s32 v13, v10  }
0x5cd: {  	[tilespmem:v3+s8+$0xFFFFFDC0] =	vst.idx.msk vm2, v7;
	v8 =	vadd.s32 v8, v9  }
0x5ce: {  	[tilespmem:v2+s8+$0x0] =	vst.idx.msk vm15, v7;
	v9 =	vsel vm6, $0x2, v6;
	vm2 =	vgt.u32 v8, $0x1  }
0x5cf: {  	[tilespmem:v0+s8+$0xFFFFFE00] =	vst.idx.msk vm0, v7;
	vm0 =	vgt.u32 v22, $0x1;
	v8 =	vadd.s32 v9, v15  }
0x5d0: {  	[tilespmem:v3+s8+$0x0] =	vst.idx.msk vm13, v7;
	vm3 =	vgt.u32 v8, $0x1  }
0x5d1: {  	[tilespmem:v1+s8+$0xFFFFFE00] =	vst.idx.msk vm8, v7  }
0x5d2: {  	[tilespmem:v1+s8+$0xFFFFFFC0] =	vst.idx.msk vm1, v7  }
0x5d3: {  	s1 =	sadd.s32 s0, s10;
	[tilespmem:v2+s8+$0xFFFFFFC0] =	vst.idx.msk vm4, v7  }
0x5d4: {  	s1 =	sshll.u32 s1, $0x9;
	[tilespmem:v2+s8+$0xFFFFFE00] =	vst.idx.msk vm2, v7  }
0x5d5: {  	s1 =	sand.u32 $0x1FFFF000, s1;
	[tilespmem:v3+s8+$0xFFFFFFC0] =	vst.idx.msk vm0, v7  }
0x5d6: {  	p0 =	seq.s32 s31, $0x13;
	s7 =	sadd.s32 s3, s1;
	[tilespmem:v3+s8+$0xFFFFFE00] =	vst.idx.msk vm3, v7  }
0x5d7: {  	[hbm4b:s7+s16] =	stream.strided.scatter [tilespmem:s20], [sflag:$0x7], $0x4000, s17, s16, $0x38;
	[tilespmem:$0x10000] =	vst v63  }
0x5d8: {  	s8 =	sadd.s32 @!p0 s0, s14;
	s7 =	simm.s32 @!p0 $0x5  }
0x5d9: {  	s15 =	simm.s32 @!p0 $0x400;
	s8 =	sshll.u32 @!p0 s8, $0x9;
	_ =	swait.ge @!p0 [sflag:s7], $0x4000  }
0x5da: {  	s25 =	simm.s32 @!p0 $0x0;
	s8 =	sand.u32 @!p0 $0x1FFFE000, s8;
	[sflag:s7] =	ssyncset.done @!p0 $0x0  }
0x5db: {  	[sflag:s7] =	ssyncadd.s32 @!p0 $0xFFFFC000;
	s7 =	sadd.s32 @!p0 s2, s8;
	s8 =	simm.s32 @!p0 $0x200  }
0x5dc: {  	[tilespmem:s25], [sflag:$0x1] =	stream.strided.gather @!p0 [hbm4b:s7+s8], $0x4000, s15, s8, $0x38;
	[tilespmem:$0x10000] =	vst v63  }
0x5dd: {  	_ =	swait.ge [sflag:s24], $0x4000  }
0x5de: {  	[sflag:s24] =	ssyncset.done $0x0  }
0x5df: {  	s8 =	simm.s32 $0xC240;
	[sflag:s24] =	ssyncadd.s32 $0xFFFFC000  }
0x5e0: {  	v8 =	vld.idx.msk [tilespmem:v0+s8+$0xFFFFFDC0], $0xffff  }
0x5e1: {  	v9 =	vld.idx.msk [tilespmem:v3+s8+$0xFFFFFE00], $0xffff  }
0x5e2: {  	v10 =	vld.idx.msk [tilespmem:v3+s8+$0xFFFFFFC0], $0xffff  }
0x5e3: {  	v11 =	vld.idx.msk [tilespmem:v2+s8+$0xFFFFFFC0], $0xffff  }
0x5e4: {  	v12 =	vld.idx.msk [tilespmem:v0+s8+$0xFFFFFFC0], $0xffff  }
0x5e5: {  	v15 =	vld.idx.msk [tilespmem:v2+s8+$0xFFFFFE00], $0xffff  }
0x5e6: {  	v18 =	vld.idx.msk [tilespmem:v1+s8+$0xFFFFFE00], $0xffff  }
0x5e7: {  	v16 =	vld.idx.msk [tilespmem:v1+s8+$0xFFFFFFC0], $0xffff  }
0x5e8: {  	v20 =	vld.idx.msk [tilespmem:v0+s8+$0xFFFFFE00], $0xffff  }
0x5e9: {  	v23 =	vld.idx.msk [tilespmem:v3+s8+$0xFFFFFDC0], $0xffff  }
0x5ea: {  	v24 =	vld.idx.msk [tilespmem:v2+s8+$0xFFFFFDC0], $0xffff  }
0x5eb: {  	v27 =	vld.idx.msk [tilespmem:v0+s8+$0x0], $0xffff  }
0x5ec: {  	v25 =	vld.idx.msk [tilespmem:v1+s8+$0x0], $0xffff  }
0x5ed: {  	v19 =	vand.u32 $0x7FFFFFFF, v8;
	v21 =	vand.u32 $0x7FFFFFFF, v10;
	v11 =	vand.u32 $0x7FFFFFFF, v11  }
0x5ee: {  	v22 =	vand.u32 $0x7FFFFFFF, v9;
	v13 =	vand.u32 $0x7FFFFFFF, v12;
	v26 =	vand.u32 $0x7FFFFFFF, v15  }
0x5ef: {  	v16 =	vand.u32 $0x7FFFFFFF, v16;
	v20 =	vand.u32 $0x7FFFFFFF, v20;
	v28 =	vand.u32 $0x7FFFFFFF, v18  }
0x5f0: {  	v18 =	vand.u32 $0x7FFFFFFF, v23;
	v23 =	vand.u32 $0x7FFFFFFF, v24;
	v27 =	vand.u32 $0x7FFFFFFF, v27  }
0x5f1: {  	v25 =	vand.u32 $0x7FFFFFFF, v25;
	vm1 =	vgt.f32 v21, v11;
	vm0 =	vgt.f32 v11, v13  }
0x5f2: {  	v17 =	vld.idx.msk [tilespmem:v1+s8+$0xFFFFFDC0], $0xffff;
	vm2 =	vgt.f32 v21, v13;
	vm3 =	vgt.f32 v22, v26;
	vm7 =	vgt.f32 v23, v19  }
0x5f3: {  	vm4 =	vgt.f32 v18, v23;
	vm5 =	vgt.f32 v18, v19;
	vm13 =	vgt.f32 v25, v27  }
0x5f4: {  	vm14 =	vgt.f32 v22, v28;
	vm9 =	vgt.f32 v22, v20;
	v8 =	vsel vm1, $0x1, v4  }
0x5f5: {  	v14 =	vsel vm0, $0x1, v4;
	v12 =	vsel vm2, $0x1, v4;
	v9 =	vsel vm2, $0x2, v6  }
0x5f6: {  	v10 =	vsel vm0, $0x1, v5;
	vm0 =	vgt.f32 v21, v16;
	vm2 =	vgt.f32 v28, v20  }
0x5f7: {  	v21 =	vand.u32 $0x7FFFFFFF, v17;
	v17 =	vsel vm3, $0x1, v4;
	v29 =	vsel vm3, $0xFFFFFFFF, v4  }
0x5f8: {  	vm3 =	vgt.f32 v26, v20;
	v31 =	vsel vm7, $0x1, v5;
	v32 =	vsel vm13, $0x1, v4  }
0x5f9: {  	v24 =	vld.idx.msk [tilespmem:v2+s8+$0x0], $0xffff;
	v35 =	vsel vm14, $0xFFFFFFFF, v4;
	v37 =	vsel vm7, $0x1, v4;
	v20 =	vsel vm5, $0x1, v4  }
0x5fa: {  	v60 =	vsel vm5, $0x2, v6;
	v15 =	vsel vm0, $0x1, v4;
	vm6 =	vgt.f32 v18, v21  }
0x5fb: {  	vm8 =	vgt.f32 v23, v21;
	v18 =	vsel vm3, $0x1, v5;
	v30 =	vsel vm3, $0x1, v4  }
0x5fc: {  	v33 =	vld.idx.msk [tilespmem:v3+s8+$0x0], $0xffff;
	vm3 =	vmneg vm13;
	v29 =	vadd.s32 v29, v35;
	v23 =	vsel vm8, $0xFFFFFFFF, v4  }
0x5fd: {  	v34 =	vsel vm8, $0x1, v4;
	vm8 =	vgt.f32 v21, v19;
	v21 =	vsel vm4, $0x1, v4  }
0x5fe: {  	v19 =	vsel vm3, $0x1, v4;
	v24 =	vand.u32 $0x7FFFFFFF, v24;
	v36 =	vsel vm8, $0x1, v4  }
0x5ff: {  	vm3 =	vmneg vm8;
	v22 =	vadd.s32 v23, v31;
	v23 =	vsel vm14, $0x1, v4  }
0x600: {  	v56 =	vadd.s32 v36, v37;
	v57 =	vsel vm3, $0x1, v4;
	vm3 =	vgt.f32 v26, v28  }
0x601: {  	v26 =	vand.u32 $0x7FFFFFFF, v33;
	v22 =	vadd.s32 v21, v22;
	v21 =	vsel vm6, $0x1, v4  }
0x602: {  	vm12 =	vgt.f32 v24, v27;
	vm15 =	vgt.f32 v24, v25;
	v28 =	vsel vm3, $0x1, v4  }
0x603: {  	vm7 =	vgt.f32 v26, v25;
	v31 =	vadd.s32 v57, v34;
	vm11 =	vgt.f32 v26, v27  }
0x604: {  	v20 =	vadd.s32 v20, v56;
	v25 =	vsel vm6, $0xFFFFFFFF, v4;
	vm6 =	vgt.f32 v26, v24  }
0x605: {  	v24 =	vsel vm12, $0x1, v5;
	v26 =	vsel vm4, $0xFFFFFFFF, v4;
	v27 =	vsel vm15, $0xFFFFFFFF, v4  }
0x606: {  	v31 =	vadd.s32 v21, v31;
	v21 =	vsel vm3, $0xFFFFFFFF, v4;
	v58 =	vsel vm7, $0xFFFFFFFF, v4  }
0x607: {  	vm3 =	vgt.u32 v22, $0x1;
	v22 =	vsel vm11, $0x1, v4;
	v59 =	vsel vm6, $0xFFFFFFFF, v4  }
0x608: {  	v25 =	vadd.s32 v26, v25;
	v26 =	vsel vm12, $0x1, v4;
	v24 =	vadd.s32 v27, v24  }
0x609: {  	vm5 =	vgt.u32 v20, $0x1;
	v20 =	vsel vm9, $0x2, v6;
	v27 =	vsel vm11, $0x2, v6  }
0x60a: {  	v62 =	vsel vm6, $0x1, v4;
	vm8 =	vgt.u32 v31, $0x1;
	v25 =	vadd.s32 v60, v25  }
0x60b: {  	v26 =	vadd.s32 v32, v26;
	v20 =	vadd.s32 v20, v29;
	v63 =	vadd.s32 v62, v24  }
0x60c: {  	v24 =	vadd.s32 v59, v58;
	vm4 =	vgt.u32 v25, $0x1;
	v25 =	vadd.s32 v22, v26  }
0x60d: {  	v26 =	vsel vm2, $0x1, v4;
	vm2 =	vmneg vm2;
	vm6 =	vgt.u32 v25, $0x1  }
0x60e: {  	v22 =	vsel vm9, $0x1, v4;
	v27 =	vadd.s32 v27, v24;
	v61 =	vsel vm2, $0x1, v4  }
0x60f: {  	v24 =	vadd.s32 v26, v30;
	vm2 =	vgt.u32 v27, $0x1;
	v25 =	vadd.s32 v61, v28  }
0x610: {  	v26 =	vsel vm15, $0x1, v4;
	v25 =	vadd.s32 v23, v25;
	v23 =	vsel vm1, $0xFFFFFFFF, v4;
	[tilespmem:v0+s8+$0xFFFFFDC0] =	vst.idx.msk vm5, v7  }
0x611: {  	s7 =	simm.s32 $0x0;
	s25 =	simm.s32 $0xC640;
	vm1 =	vgt.u32 v25, $0x1;
	v25 =	vsel vm7, $0x1, v4;
	vm5 =	vgt.u32 v63, $0x1;
	[tilespmem:v1+s8+$0xFFFFFDC0] =	vst.idx.msk vm8, v7  }
.LBB2_27:
0x612: {  	v27 =	vld.idx.msk [tilespmem:v0+s25+$0xFFFFFDC0], $0xffff;
	s7 =	sadd.s32 $0x100, s7;
	[tilespmem:v2+s8+$0xFFFFFDC0] =	vst.idx.msk vm3, v7;
	v18 =	vadd.s32 v21, v18;
	v19 =	vadd.s32 v19, v26;
	s15 =	simm.s32 $0xC2C0  }
0x613: {  	v21 =	vld.idx.msk [tilespmem:v3+s25+$0xFFFFFE00], $0xffff;
	p1 =	slt.u32 s7, $0xF00;
	v17 =	vadd.s32 v17, v18;
	v18 =	vadd.s32 v25, v19;
	[tilespmem:v0+s8+$0x0] =	vst.idx.msk vm6, v7  }
0x614: {  	vm3 =	vgt.f32 v16, v13;
	vm7 =	vgt.f32 v11, v16;
	v19 =	vld.idx.msk [tilespmem:v1+s25+$0xFFFFFDC0], $0xffff;
	vm6 =	vgt.u32 v18, $0x1  }
0x615: {  	v11 =	vsel vm3, $0x1, v4;
	v13 =	vsel vm7, $0x1, v4;
	v18 =	vld.idx.msk [tilespmem:v2+s25+$0xFFFFFDC0], $0xffff;
	[tilespmem:v3+s8+$0xFFFFFDC0] =	vst.idx.msk vm4, v7;
	vm4 =	vmneg vm3  }
0x616: {  	v11 =	vadd.s32 v11, v14;
	vm3 =	vgt.u32 v17, $0x1;
	v16 =	vld.idx.msk [tilespmem:v3+s25+$0xFFFFFFC0], $0xffff;
	v14 =	vsel vm4, $0x1, v4  }
0x617: {  	v25 =	vsel vm0, $0xFFFFFFFF, v4;
	v11 =	vadd.s32 v12, v11;
	v17 =	vld.idx.msk [tilespmem:v2+s25+$0xFFFFFFC0], $0xffff;
	v12 =	vadd.s32 v14, v13  }
0x618: {  	vm9 =	vgt.u32 v11, $0x1;
	v26 =	vand.u32 $0x7FFFFFFF, v27;
	v13 =	vld.idx.msk [tilespmem:v0+s25+$0xFFFFFFC0], $0xffff;
	v12 =	vadd.s32 v15, v12  }
0x619: {  	v11 =	vadd.s32 v22, v24;
	v14 =	vsel vm7, $0xFFFFFFFF, v4;
	v15 =	vld.idx.msk [tilespmem:v2+s25+$0xFFFFFE00], $0xffff;
	vm0 =	vgt.u32 v12, $0x1  }
0x61a: {  	vm8 =	vgt.u32 v11, $0x1;
	v11 =	vadd.s32 v23, v25;
	v10 =	vadd.s32 v14, v10;
	v22 =	vld.idx.msk [tilespmem:v1+s25+$0xFFFFFE00], $0xffff  }
0x61b: {  	v9 =	vadd.s32 v9, v11;
	v8 =	vadd.s32 v8, v10;
	v23 =	vld.idx.msk [tilespmem:v1+s25+$0xFFFFFFC0], $0xffff;
	[tilespmem:v1+s8+$0x0] =	vst.idx.msk vm6, v7  }
0x61c: {  	v21 =	vand.u32 $0x7FFFFFFF, v21;
	v25 =	vand.u32 $0x7FFFFFFF, v16;
	vm6 =	vgt.u32 v8, $0x1;
	v24 =	vld.idx.msk [tilespmem:v0+s25+$0xFFFFFE00], $0xffff;
	[tilespmem:v2+s8+$0x0] =	vst.idx.msk vm5, v7  }
0x61d: {  	vm4 =	vgt.u32 v9, $0x1;
	v11 =	vand.u32 $0x7FFFFFFF, v17;
	v27 =	vld.idx.msk [tilespmem:v3+s25+$0xFFFFFDC0], $0xffff;
	[tilespmem:v3+s8+$0x0] =	vst.idx.msk vm2, v7  }
0x61e: {  	vm7 =	vgt.u32 v20, $0x1;
	v13 =	vand.u32 $0x7FFFFFFF, v13;
	vm2 =	vgt.f32 v25, v11;
	v28 =	vld.idx.msk [tilespmem:v3+s25+$0x0], $0xffff;
	[tilespmem:v0+s8+$0xFFFFFFC0] =	vst.idx.msk vm9, v7  }
0x61f: {  	vm5 =	vgt.f32 v11, v13;
	vm9 =	vgt.f32 v25, v13;
	v8 =	vsel vm2, $0x1, v4;
	v20 =	vld.idx.msk [tilespmem:v2+s25+$0x0], $0xffff  }
0x620: {  	v14 =	vsel vm5, $0x1, v4;
	v12 =	vsel vm9, $0x1, v4;
	v9 =	vsel vm9, $0x2, v6;
	v29 =	vld.idx.msk [tilespmem:v1+s25+$0x0], $0xffff;
	[tilespmem:v0+s8+$0xFFFFFE00] =	vst.idx.msk vm8, v7  }
0x621: {  	v30 =	vand.u32 $0x7FFFFFFF, v15;
	v10 =	vsel vm5, $0x1, v5;
	v16 =	vand.u32 $0x7FFFFFFF, v23;
	v23 =	vld.idx.msk [tilespmem:v0+s25+$0x0], $0xffff;
	[tilespmem:v1+s8+$0xFFFFFFC0] =	vst.idx.msk vm0, v7  }
0x622: {  	v22 =	vand.u32 $0x7FFFFFFF, v22;
	v24 =	vand.u32 $0x7FFFFFFF, v24;
	vm0 =	vgt.f32 v25, v16;
	[tilespmem:v1+s8+$0xFFFFFE00] =	vst.idx.msk vm1, v7  }
0x623: {  	v25 =	vand.u32 $0x7FFFFFFF, v27;
	vm1 =	vgt.f32 v22, v24;
	v15 =	vsel vm0, $0x1, v4;
	[tilespmem:v2+s8+$0xFFFFFFC0] =	vst.idx.msk vm6, v7  }
0x624: {  	v19 =	vand.u32 $0x7FFFFFFF, v19;
	v18 =	vand.u32 $0x7FFFFFFF, v18;
	vm8 =	vgt.f32 v21, v30;
	[tilespmem:v2+s8+$0xFFFFFE00] =	vst.idx.msk vm3, v7  }
0x625: {  	v17 =	vsel vm8, $0x1, v4;
	vm5 =	vgt.f32 v25, v18;
	vm3 =	vgt.f32 v18, v26;
	[tilespmem:v3+s8+$0xFFFFFFC0] =	vst.idx.msk vm4, v7  }
0x626: {  	vm6 =	vgt.f32 v25, v19;
	vm4 =	vgt.f32 v25, v26;
	v25 =	vsel vm8, $0xFFFFFFFF, v4;
	[tilespmem:v3+s8+$0xFFFFFE00] =	vst.idx.msk vm7, v7;
	s8 =	smov.u32 s25  }
0x627: {  	v27 =	vand.u32 $0x7FFFFFFF, v29;
	vm7 =	vgt.f32 v30, v24;
	v23 =	vand.u32 $0x7FFFFFFF, v23  }
0x628: {  	vm8 =	vgt.f32 v18, v19;
	v18 =	vsel vm7, $0x1, v5;
	vm9 =	vgt.f32 v27, v23  }
0x629: {  	v29 =	vsel vm8, $0xFFFFFFFF, v4;
	v31 =	vsel vm7, $0x1, v4;
	vm7 =	vmneg vm9  }
0x62a: {  	vm10 =	vgt.f32 v21, v22;
	v32 =	vsel vm3, $0x1, v5;
	v33 =	vsel vm9, $0x1, v4  }
0x62b: {  	v35 =	vsel vm10, $0xFFFFFFFF, v4;
	v20 =	vand.u32 $0x7FFFFFFF, v20;
	v34 =	vsel vm8, $0x1, v4  }
0x62c: {  	vm8 =	vgt.f32 v19, v26;
	v26 =	vsel vm5, $0x1, v4;
	v19 =	vsel vm7, $0x1, v4  }
0x62d: {  	v37 =	vsel vm3, $0x1, v4;
	v25 =	vadd.s32 v25, v35;
	v36 =	vsel vm8, $0x1, v4  }
0x62e: {  	vm3 =	vmneg vm8;
	v35 =	vadd.s32 v36, v37;
	vm9 =	vgt.f32 v21, v24  }
0x62f: {  	v24 =	vsel vm4, $0x1, v4;
	v21 =	vadd.s32 v29, v32;
	v29 =	vsel vm10, $0x1, v4  }
0x630: {  	v32 =	vsel vm3, $0x1, v4;
	vm3 =	vgt.f32 v30, v22;
	v22 =	vand.u32 $0x7FFFFFFF, v28  }
0x631: {  	v26 =	vadd.s32 v26, v21;
	v28 =	vsel vm3, $0x1, v4;
	vm7 =	vgt.f32 v22, v27  }
0x632: {  	v21 =	vsel vm6, $0x1, v4;
	v30 =	vadd.s32 v32, v34;
	vm11 =	vgt.f32 v22, v23  }
0x633: {  	v30 =	vadd.s32 v21, v30;
	v21 =	vsel vm3, $0xFFFFFFFF, v4;
	v32 =	vsel vm7, $0xFFFFFFFF, v4  }
0x634: {  	vm12 =	vgt.f32 v20, v23;
	v24 =	vadd.s32 v24, v35;
	vm8 =	vgt.u32 v30, $0x1  }
0x635: {  	vm10 =	vgt.f32 v20, v27;
	vm3 =	vgt.u32 v26, $0x1;
	v23 =	vsel vm11, $0x1, v4  }
0x636: {  	v26 =	vsel vm6, $0xFFFFFFFF, v4;
	vm6 =	vgt.f32 v22, v20;
	v20 =	vsel vm12, $0x1, v5  }
0x637: {  	v27 =	vsel vm10, $0xFFFFFFFF, v4;
	v22 =	vsel vm5, $0xFFFFFFFF, v4;
	v30 =	vsel vm6, $0xFFFFFFFF, v4  }
0x638: {  	v34 =	vsel vm4, $0x2, v6;
	v22 =	vadd.s32 v22, v26;
	v26 =	vsel vm12, $0x1, v4  }
0x639: {  	v27 =	vadd.s32 v27, v20;
	v22 =	vadd.s32 v34, v22;
	v26 =	vadd.s32 v33, v26  }
0x63a: {  	vm5 =	vgt.u32 v24, $0x1;
	vm4 =	vgt.u32 v22, $0x1;
	v23 =	vadd.s32 v23, v26  }
0x63b: {  	v24 =	vsel vm1, $0x1, v4;
	v20 =	vsel vm9, $0x2, v6;
	v22 =	vsel vm9, $0x1, v4  }
0x63c: {  	vm1 =	vmneg vm1;
	v20 =	vadd.s32 v20, v25;
	v25 =	vsel vm11, $0x2, v6  }
.Ltmp14:
0x63d: {  	v33 =	vsel vm6, $0x1, v4;
	v26 =	vsel vm1, $0x1, v4;
	vm6 =	vgt.u32 v23, $0x1;
	(pc) =	sbr.rel @p1 .LBB2_27-.Ltmp14, $4  }
0x63e: {  	v27 =	vadd.s32 v33, v27;
	v23 =	vadd.s32 v26, v28;
	v26 =	vadd.s32 v30, v32  }
0x63f: {  	v28 =	vadd.s32 v29, v23;
	v23 =	vsel vm2, $0xFFFFFFFF, v4;
	v25 =	vadd.s32 v25, v26  }
0x640: {  	v24 =	vadd.s32 v24, v31;
	vm1 =	vgt.u32 v28, $0x1;
	vm2 =	vgt.u32 v25, $0x1;
	[tilespmem:v0+s25+$0xFFFFFDC0] =	vst.idx.msk vm5, v7  }
0x641: {  	v26 =	vsel vm10, $0x1, v4;
	v25 =	vsel vm7, $0x1, v4;
	vm5 =	vgt.u32 v27, $0x1;
	s25 =	sadd.s32 $0x400, s25;
	[tilespmem:v1+s8+$0xFFFFFDC0] =	vst.idx.msk vm8, v7  }
0x642: {  	v19 =	vadd.s32 v19, v26  }
0x643: {  	vm7 =	vgt.f32 v16, v13;
	v19 =	vadd.s32 v25, v19  }
0x644: {  	v13 =	vsel vm7, $0x1, v4;
	vm8 =	vgt.u32 v19, $0x1  }
0x645: {  	vm9 =	vgt.f32 v11, v16;
	vm7 =	vmneg vm7;
	v11 =	vadd.s32 v13, v14  }
0x646: {  	v13 =	vsel vm7, $0x1, v4;
	v14 =	vsel vm9, $0x1, v4;
	v11 =	vadd.s32 v12, v11  }
0x647: {  	[tilespmem:v2+s8+$0xFFFFFDC0] =	vst.idx.msk vm3, v7;
	v12 =	vadd.s32 v13, v14;
	vm3 =	vgt.u32 v11, $0x1;
	v11 =	vadd.s32 v22, v24  }
0x648: {  	[tilespmem:v0+s8+$0x0] =	vst.idx.msk vm6, v7;
	v13 =	vsel vm9, $0xFFFFFFFF, v4;
	v12 =	vadd.s32 v15, v12;
	vm6 =	vgt.u32 v11, $0x1  }
0x649: {  	[tilespmem:v3+s8+$0xFFFFFDC0] =	vst.idx.msk vm4, v7;
	v10 =	vadd.s32 v13, v10;
	vm4 =	vgt.u32 v12, $0x1  }
0x64a: {  	v11 =	vsel vm0, $0xFFFFFFFF, v4;
	v12 =	vadd.s32 v21, v18;
	v8 =	vadd.s32 v8, v10;
	[tilespmem:v1+s8+$0x0] =	vst.idx.msk vm8, v7  }
0x64b: {  	v10 =	vadd.s32 v17, v12;
	v11 =	vadd.s32 v23, v11;
	vm0 =	vgt.u32 v8, $0x1;
	[tilespmem:v2+s8+$0x0] =	vst.idx.msk vm5, v7  }
0x64c: {  	v8 =	vadd.s32 v9, v11;
	vm5 =	vgt.u32 v10, $0x1;
	[tilespmem:v3+s8+$0x0] =	vst.idx.msk vm2, v7  }
0x64d: {  	vm2 =	vgt.u32 v8, $0x1;
	[tilespmem:v0+s8+$0xFFFFFFC0] =	vst.idx.msk vm3, v7  }
0x64e: {  	vm3 =	vgt.u32 v20, $0x1;
	[tilespmem:v0+s8+$0xFFFFFE00] =	vst.idx.msk vm6, v7  }
0x64f: {  	[tilespmem:v1+s8+$0xFFFFFFC0] =	vst.idx.msk vm4, v7  }
0x650: {  	[tilespmem:v1+s8+$0xFFFFFE00] =	vst.idx.msk vm1, v7  }
0x651: {  	[tilespmem:v2+s8+$0xFFFFFFC0] =	vst.idx.msk vm0, v7  }
0x652: {  	[tilespmem:v2+s8+$0xFFFFFE00] =	vst.idx.msk vm5, v7  }
0x653: {  	[tilespmem:v3+s8+$0xFFFFFFC0] =	vst.idx.msk vm2, v7  }
0x654: {  	[tilespmem:v3+s8+$0xFFFFFE00] =	vst.idx.msk vm3, v7  }
0x655: {  	v8 =	vld.idx.msk [tilespmem:v0+s15+$0xFFFFFDC0], $0xffff  }
0x656: {  	v9 =	vld.idx.msk [tilespmem:v3+s15+$0xFFFFFFC0], $0xffff  }
0x657: {  	v10 =	vld.idx.msk [tilespmem:v3+s15+$0xFFFFFE00], $0xffff  }
0x658: {  	v11 =	vld.idx.msk [tilespmem:v3+s15+$0xFFFFFDC0], $0xffff  }
0x659: {  	v12 =	vld.idx.msk [tilespmem:v2+s15+$0x0], $0xffff  }
0x65a: {  	v13 =	vld.idx.msk [tilespmem:v2+s15+$0xFFFFFDC0], $0xffff  }
0x65b: {  	v14 =	vld.idx.msk [tilespmem:v2+s15+$0xFFFFFE00], $0xffff  }
0x65c: {  	v15 =	vld.idx.msk [tilespmem:v0+s15+$0xFFFFFFC0], $0xffff  }
0x65d: {  	v16 =	vld.idx.msk [tilespmem:v1+s15+$0xFFFFFE00], $0xffff  }
0x65e: {  	v20 =	vld.idx.msk [tilespmem:v2+s15+$0xFFFFFFC0], $0xffff  }
0x65f: {  	v22 =	vld.idx.msk [tilespmem:v1+s15+$0xFFFFFFC0], $0xffff  }
0x660: {  	v24 =	vld.idx.msk [tilespmem:v1+s15+$0x0], $0xffff  }
0x661: {  	v17 =	vand.u32 $0x7FFFFFFF, v8  }
0x662: {  	v18 =	vand.u32 $0x7FFFFFFF, v11;
	v19 =	vand.u32 $0x7FFFFFFF, v9;
	v21 =	vand.u32 $0x7FFFFFFF, v10  }
0x663: {  	v23 =	vand.u32 $0x7FFFFFFF, v14;
	v12 =	vand.u32 $0x7FFFFFFF, v12;
	v13 =	vand.u32 $0x7FFFFFFF, v13  }
0x664: {  	v25 =	vand.u32 $0x7FFFFFFF, v15;
	v16 =	vand.u32 $0x7FFFFFFF, v16;
	v20 =	vand.u32 $0x7FFFFFFF, v20  }
0x665: {  	v22 =	vand.u32 $0x7FFFFFFF, v22;
	v24 =	vand.u32 $0x7FFFFFFF, v24;
	vm2 =	vgt.f32 v18, v17  }
0x666: {  	vm0 =	vgt.f32 v21, v23;
	vm4 =	vgt.f32 v18, v13;
	vm5 =	vgt.f32 v19, v25  }
0x667: {  	v11 =	vld.idx.msk [tilespmem:v0+s15+$0xFFFFFE00], $0xffff;
	vm6 =	vgt.f32 v13, v17;
	vm3 =	vgt.f32 v19, v22;
	vm7 =	vgt.f32 v19, v20  }
0x668: {  	v14 =	vld.idx.msk [tilespmem:v0+s15+$0x0], $0xffff;
	v10 =	vsel vm2, $0x2, v6;
	v8 =	vsel vm0, $0xFFFFFFFF, v4;
	v9 =	vsel vm0, $0x1, v4  }
0x669: {  	v15 =	vld.idx.msk [tilespmem:v3+s15+$0x0], $0xffff;
	v27 =	vsel vm4, $0xFFFFFFFF, v4;
	v28 =	vsel vm2, $0x1, v4;
	vm2 =	vgt.f32 v22, v25  }
0x66a: {  	v30 =	vsel vm6, $0x1, v4;
	v32 =	vsel vm6, $0x1, v5;
	v59 =	vsel vm3, $0x1, v4  }
0x66b: {  	v60 =	vsel vm3, $0xFFFFFFFF, v4;
	vm3 =	vgt.f32 v21, v16;
	v61 =	vsel vm7, $0x1, v4  }
0x66c: {  	v44 =	vsel vm7, $0xFFFFFFFF, v4;
	v31 =	vsel vm2, $0x1, v4;
	vm2 =	vmneg vm2  }
0x66d: {  	v62 =	vsel vm5, $0x2, v6;
	v33 =	vsel vm2, $0x1, v4;
	v26 =	vand.u32 $0x7FFFFFFF, v11  }
0x66e: {  	v29 =	vld.idx.msk [tilespmem:v1+s15+$0xFFFFFDC0], $0xffff;
	v14 =	vand.u32 $0x7FFFFFFF, v14;
	v11 =	vsel vm4, $0x1, v4;
	v34 =	vand.u32 $0x7FFFFFFF, v15  }
0x66f: {  	vm8 =	vgt.f32 v16, v26;
	vm13 =	vgt.f32 v21, v26;
	vm6 =	vgt.f32 v24, v14  }
0x670: {  	vm4 =	vgt.f32 v12, v14;
	vm10 =	vgt.f32 v23, v26;
	vm2 =	vmneg vm6  }
0x671: {  	v35 =	vsel vm4, $0x1, v4;
	v37 =	vsel vm4, $0x1, v5;
	vm4 =	vgt.f32 v34, v12  }
0x672: {  	v43 =	vsel vm6, $0x1, v4;
	v36 =	vsel vm2, $0x1, v4;
	vm2 =	vgt.f32 v12, v24  }
0x673: {  	v12 =	vand.u32 $0x7FFFFFFF, v29;
	v38 =	vsel vm4, $0x1, v4;
	v15 =	vsel vm4, $0xFFFFFFFF, v4  }
0x674: {  	vm4 =	vgt.f32 v34, v14;
	v58 =	vsel vm2, $0xFFFFFFFF, v4;
	v39 =	vsel vm2, $0x1, v4  }
0x675: {  	vm2 =	vgt.f32 v13, v12;
	v40 =	vsel vm4, $0x1, v4;
	v14 =	vsel vm4, $0x2, v6  }
0x676: {  	vm4 =	vgt.f32 v20, v22;
	v13 =	vsel vm2, $0x1, v4;
	v22 =	vsel vm2, $0xFFFFFFFF, v4  }
0x677: {  	vm2 =	vgt.f32 v20, v25;
	v25 =	vsel vm4, $0x1, v4;
	v41 =	vsel vm4, $0xFFFFFFFF, v4  }
0x678: {  	vm4 =	vgt.f32 v18, v12;
	v29 =	vadd.s32 v58, v37;
	v19 =	vsel vm2, $0x1, v4  }
0x679: {  	v42 =	vsel vm2, $0x1, v5;
	vm2 =	vgt.f32 v12, v17;
	v26 =	vsel vm4, $0xFFFFFFFF, v4  }
0x67a: {  	v25 =	vadd.s32 v33, v25;
	v17 =	vsel vm2, $0x1, v4;
	vm2 =	vmneg vm2  }
0x67b: {  	v12 =	vadd.s32 v31, v19;
	v19 =	vsel vm5, $0x1, v4;
	v18 =	vsel vm2, $0x1, v4  }
0x67c: {  	vm2 =	vgt.f32 v34, v24;
	v12 =	vadd.s32 v19, v12;
	v24 =	vadd.s32 v17, v30  }
0x67d: {  	v21 =	vadd.s32 v22, v32;
	vm6 =	vgt.u32 v12, $0x1;
	v12 =	vadd.s32 v28, v24  }
0x67e: {  	v22 =	vsel vm3, $0x1, v4;
	v25 =	vadd.s32 v59, v25;
	vm5 =	vgt.u32 v12, $0x1  }
0x67f: {  	v17 =	vsel vm4, $0x1, v4;
	vm4 =	vgt.f32 v23, v16;
	v16 =	vadd.s32 v36, v39  }
0x680: {  	v19 =	vsel vm2, $0x1, v4;
	v20 =	vsel vm2, $0xFFFFFFFF, v4;
	v24 =	vadd.s32 v27, v26  }
0x681: {  	v23 =	vadd.s32 v19, v16;
	v16 =	vadd.s32 v43, v35;
	v19 =	vadd.s32 v41, v42  }
0x682: {  	v12 =	vsel vm13, $0x1, v4;
	v26 =	vadd.s32 v61, v19;
	v19 =	vadd.s32 v44, v60  }
0x683: {  	v63 =	vadd.s32 v40, v16;
	v16 =	vsel vm8, $0x1, v4;
	v19 =	vadd.s32 v62, v19;
	[tilespmem:v0+s15+$0xFFFFFFC0] =	vst.idx.msk vm6, v7  }
0x684: {  	s7 =	simm.s32 $0x0;
	s25 =	simm.s32 $0xC6C0;
	vm6 =	vgt.u32 v63, $0x1;
	[tilespmem:v0+s15+$0xFFFFFDC0] =	vst.idx.msk vm5, v7;
	vm5 =	vgt.u32 v26, $0x1;
	v26 =	vadd.s32 v38, v29  }
.LBB2_29:
0x685: {  	v24 =	vadd.s32 v10, v24  }
0x686: {  	vm9 =	vgt.u32 v25, $0x1;
	vm7 =	vgt.u32 v26, $0x1;
	vm8 =	vmneg vm8  }
0x687: {  	v27 =	vld.idx.msk [tilespmem:v0+s25+$0xFFFFFDC0], $0xffff;
	v25 =	vsel vm4, $0xFFFFFFFF, v4;
	vm1 =	vgt.u32 v23, $0x1;
	v26 =	vsel vm10, $0x1, v4  }
0x688: {  	v10 =	vld.idx.msk [tilespmem:v3+s25+$0xFFFFFFC0], $0xffff;
	v28 =	vsel vm4, $0x1, v4;
	v52 =	vsel vm10, $0x1, v5;
	v29 =	vsel vm8, $0x1, v4  }
0x689: {  	v30 =	vld.idx.msk [tilespmem:v3+s25+$0xFFFFFDC0], $0xffff;
	v13 =	vadd.s32 v18, v13;
	v16 =	vadd.s32 v16, v26;
	v26 =	vadd.s32 v29, v28  }
0x68a: {  	v23 =	vld.idx.msk [tilespmem:v3+s25+$0xFFFFFE00], $0xffff;
	v12 =	vadd.s32 v12, v16;
	v16 =	vadd.s32 v22, v26;
	v22 =	vadd.s32 v25, v52  }
0x68b: {  	v53 =	vld.idx.msk [tilespmem:v2+s25+$0x0], $0xffff;
	vm11 =	vgt.u32 v12, $0x1;
	v12 =	vadd.s32 v15, v20;
	v9 =	vadd.s32 v9, v22  }
0x68c: {  	v25 =	vld.idx.msk [tilespmem:v2+s25+$0xFFFFFDC0], $0xffff;
	vm8 =	vgt.u32 v16, $0x1;
	v15 =	vand.u32 $0x7FFFFFFF, v27;
	vm4 =	vgt.u32 v9, $0x1  }
0x68d: {  	v20 =	vld.idx.msk [tilespmem:v2+s25+$0xFFFFFE00], $0xffff;
	v22 =	vand.u32 $0x7FFFFFFF, v10;
	v10 =	vadd.s32 v11, v21;
	v11 =	vadd.s32 v14, v12  }
0x68e: {  	[tilespmem:v0+s15+$0x0] =	vst.idx.msk vm6, v7;
	v16 =	vld.idx.msk [tilespmem:v0+s25+$0xFFFFFE00], $0xffff;
	vm10 =	vgt.u32 v10, $0x1;
	vm12 =	vgt.u32 v11, $0x1;
	v11 =	vand.u32 $0x7FFFFFFF, v30  }
0x68f: {  	v12 =	vld.idx.msk [tilespmem:v1+s25+$0xFFFFFE00], $0xffff;
	[tilespmem:v1+s15+$0xFFFFFFC0] =	vst.idx.msk vm9, v7;
	v10 =	vadd.s32 v17, v13;
	v13 =	vsel vm3, $0xFFFFFFFF, v4;
	vm9 =	vgt.u32 v19, $0x1  }
0x690: {  	v17 =	vand.u32 $0x7FFFFFFF, v23;
	[tilespmem:v1+s15+$0x0] =	vst.idx.msk vm1, v7;
	v9 =	vld.idx.msk [tilespmem:v0+s25+$0xFFFFFFC0], $0xffff;
	vm2 =	vgt.f32 v11, v15;
	vm6 =	vgt.u32 v10, $0x1  }
0x691: {  	v14 =	vld.idx.msk [tilespmem:v2+s25+$0xFFFFFFC0], $0xffff;
	v10 =	vsel vm13, $0x2, v6;
	v8 =	vadd.s32 v8, v13;
	[tilespmem:v2+s15+$0x0] =	vst.idx.msk vm7, v7;
	vm7 =	vgt.u32 v24, $0x1  }
0x692: {  	[tilespmem:v2+s15+$0xFFFFFFC0] =	vst.idx.msk vm5, v7;
	v13 =	vld.idx.msk [tilespmem:v1+s25+$0xFFFFFDC0], $0xffff;
	v19 =	vand.u32 $0x7FFFFFFF, v20;
	v20 =	vand.u32 $0x7FFFFFFF, v53;
	v8 =	vadd.s32 v10, v8  }
0x693: {  	v18 =	vld.idx.msk [tilespmem:v1+s25+$0xFFFFFFC0], $0xffff;
	v10 =	vsel vm2, $0x2, v6;
	v23 =	vand.u32 $0x7FFFFFFF, v25;
	v33 =	vsel vm2, $0x1, v4  }
0x694: {  	vm0 =	vgt.f32 v17, v19;
	[tilespmem:v0+s15+$0xFFFFFE00] =	vst.idx.msk vm11, v7;
	vm11 =	vgt.u32 v8, $0x1;
	vm3 =	vgt.f32 v11, v23  }
0x695: {  	v25 =	vld.idx.msk [tilespmem:v0+s25+$0x0], $0xffff;
	v26 =	vand.u32 $0x7FFFFFFF, v16;
	v16 =	vimm.s32 $0x0;
	v8 =	vsel vm0, $0xFFFFFFFF, v4  }
0x696: {  	v21 =	vld.idx.msk [tilespmem:v1+s25+$0x0], $0xffff;
	[tilespmem:v1+s15+$0xFFFFFE00] =	vst.idx.msk vm8, v7;
	v27 =	vand.u32 $0x7FFFFFFF, v12;
	v12 =	vimm.s32 $0x0;
	v54 =	vsel vm3, $0xFFFFFFFF, v4  }
0x697: {  	vm5 =	vgt.f32 v17, v26;
	[tilespmem:v2+s15+$0xFFFFFE00] =	vst.idx.msk vm4, v7;
	vm4 =	vgt.f32 v19, v27;
	v24 =	vand.u32 $0x7FFFFFFF, v9  }
0x698: {  	[tilespmem:v3+s15+$0x0] =	vst.idx.msk vm12, v7;
	v9 =	vsel vm0, $0x1, v4;
	v14 =	vand.u32 $0x7FFFFFFF, v14;
	vm12 =	vgt.f32 v23, v15  }
0x699: {  	v13 =	vand.u32 $0x7FFFFFFF, v13;
	[tilespmem:v1+s15+$0xFFFFFDC0] =	vst.idx.msk vm6, v7;
	vm6 =	vgt.f32 v27, v26;
	vm0 =	vgt.f32 v22, v24  }
0x69a: {  	v18 =	vand.u32 $0x7FFFFFFF, v18;
	v25 =	vand.u32 $0x7FFFFFFF, v25;
	vm8 =	vgt.f32 v14, v24  }
0x69b: {  	v21 =	vand.u32 $0x7FFFFFFF, v21;
	v31 =	vsel vm12, $0x1, v4;
	vm13 =	vgt.f32 v23, v13  }
0x69c: {  	[tilespmem:v3+s15+$0xFFFFFFC0] =	vst.idx.msk vm9, v7;
	v12 =	vsel vm0, $0xFFFFFFFF, v12;
	vm1 =	vgt.f32 v22, v18;
	vm14 =	vgt.f32 v20, v25  }
0x69d: {  	[tilespmem:v2+s15+$0xFFFFFDC0] =	vst.idx.msk vm10, v7;
	v32 =	vsel vm0, $0x1, v4;
	vm9 =	vgt.f32 v14, v18;
	vm10 =	vgt.f32 v18, v24  }
0x69e: {  	vm0 =	vgt.f32 v19, v26;
	v18 =	vimm.s32 $0x0;
	v19 =	vsel vm8, $0x1, v4  }
0x69f: {  	v24 =	vsel vm12, $0x1, v5;
	vm12 =	vgt.f32 v13, v15;
	v60 =	vsel vm8, $0x1, v5  }
0x6a0: {  	vm8 =	vmmov vm6;
	[tilespmem:$0x1FEA0] =	vst v12;
	v12 =	vsel vm5, $0x1, v4;
	v16 =	vsel vm1, $0xFFFFFFFF, v16  }
0x6a1: {  	[tilespmem:v3+s15+$0xFFFFFDC0] =	vst.idx.msk vm7, v7;
	v56 =	vsel vm1, $0x1, v4;
	vm7 =	vgt.f32 v22, v14;
	v18 =	vsel vm0, $0xFFFFFFFF, v18  }
0x6a2: {  	[tilespmem:v3+s15+$0xFFFFFE00] =	vst.idx.msk vm11, v7;
	vm15 =	vmneg vm10;
	vm11 =	vgt.f32 v21, v25;
	vm0 =	vgt.f32 v20, v21  }
0x6a3: {  	v55 =	vld.idx.msk [tilespmem:v3+s25+$0x0], $0xffff;
	v15 =	vsel vm9, $0x1, v4;
	v59 =	vsel vm9, $0xFFFFFFFF, v4;
	[tilespmem:$0x1FE90] =	vst v16;
	v16 =	vsel vm6, $0x1, v4  }
0x6a4: {  	[tilespmem:$0x1FE80] =	vst v18;
	v18 =	vsel vm10, $0x1, v4;
	vm10 =	vgt.f32 v11, v13;
	v11 =	vsel vm3, $0x1, v4  }
0x6a5: {  	vm1 =	vmneg vm11;
	v23 =	vsel vm0, $0x1, v4;
	v18 =	vadd.s32 v18, v19  }
0x6a6: {  	v34 =	vsel vm11, $0x1, v4;
	v63 =	vsel vm7, $0xFFFFFFFF, v4;
	v13 =	vadd.s32 v32, v18  }
0x6a7: {  	v19 =	vsel vm14, $0x1, v4;
	v61 =	vsel vm10, $0xFFFFFFFF, v4;
	vm3 =	vgt.u32 v13, $0x1  }
0x6a8: {  	v14 =	vand.u32 $0x7FFFFFFF, v55;
	v18 =	vsel vm15, $0x1, v4;
	v19 =	vadd.s32 v34, v19  }
0x6a9: {  	v13 =	vsel vm0, $0xFFFFFFFF, v4;
	vm2 =	vgt.f32 v14, v20;
	vm15 =	vgt.f32 v14, v21  }
0x6aa: {  	v26 =	vadd.s32 v18, v15;
	v18 =	vsel vm1, $0x1, v4;
	v15 =	vsel vm14, $0x1, v5  }
0x6ab: {  	vm1 =	vgt.f32 v14, v25;
	v20 =	vsel vm12, $0x1, v4;
	v25 =	vsel vm7, $0x1, v4  }
0x6ac: {  	v57 =	vsel vm2, $0x1, v4;
	v58 =	vadd.s32 v13, v15;
	v20 =	vadd.s32 v20, v31  }
0x6ad: {  	v21 =	vsel vm1, $0x1, v4;
	[tilespmem:v0+s25+$0xFFFFFFC0] =	vst.idx.msk vm3, v7;
	vm3 =	vgt.f32 v17, v27;
	v17 =	vadd.s32 v33, v20  }
0x6ae: {  	v35 =	vld [tilespmem:$0x1FE80];
	v31 =	vadd.s32 v59, v60;
	v27 =	vsel vm13, $0xFFFFFFFF, v4;
	vm0 =	vgt.u32 v17, $0x1  }
0x6af: {  	v19 =	vadd.s32 v21, v19;
	v21 =	vadd.s32 v27, v24;
	v27 =	vadd.s32 v25, v31;
	v25 =	vld [tilespmem:$0x1FE90]  }
0x6b0: {  	v15 =	vsel vm2, $0xFFFFFFFF, v4;
	v14 =	vsel vm1, $0x2, v6;
	vm6 =	vgt.u32 v19, $0x1;
	v19 =	vld [tilespmem:$0x1FEA0]  }
0x6b1: {  	s7 =	sadd.s32 $0x100, s7;
	v13 =	vsel vm13, $0x1, v4;
	v18 =	vadd.s32 v18, v23;
	vm1 =	vmneg vm12  }
0x6b2: {  	p1 =	slt.u32 s7, $0xF00;
	vm13 =	vmmov vm5;
	v20 =	vsel vm15, $0x1, v4;
	v22 =	vsel vm3, $0x1, v4  }
.Ltmp15:
0x6b3: {  	v17 =	vsel vm10, $0x1, v4;
	v23 =	vadd.s32 v20, v18;
	v18 =	vsel vm1, $0x1, v4;
	(pc) =	sbr.rel @p1 .LBB2_29-.Ltmp15, $4  }
0x6b4: {  	v20 =	vsel vm15, $0xFFFFFFFF, v4;
	vm10 =	vnez.u8 v35;
	[tilespmem:v0+s25+$0xFFFFFDC0] =	vst.idx.msk vm0, v7;
	vm0 =	vnez.u8 v25  }
0x6b5: {  	v24 =	vadd.s32 v54, v61;
	v62 =	vsel vm0, $0xFFFFFFFF, v4;
	vm0 =	vnez.u8 v19  }
0x6b6: {  	v25 =	vadd.s32 v56, v26;
	v19 =	vsel vm0, $0x2, v6;
	v26 =	vadd.s32 v63, v62  }
0x6b7: {  	s8 =	simm.s32 $0xC340;
	s15 =	smov.u32 s25;
	vm5 =	vgt.u32 v27, $0x1;
	s25 =	sadd.s32 $0x400, s25;
	v19 =	vadd.s32 v19, v26;
	v26 =	vadd.s32 v57, v58  }
0x6b8: {  	vm0 =	vgt.u32 v25, $0x1  }
0x6b9: {  	v10 =	vadd.s32 v10, v24;
	vm1 =	vgt.u32 v26, $0x1;
	vm7 =	vgt.u32 v23, $0x1  }
0x6ba: {  	vm2 =	vmneg vm8;
	v24 =	vsel vm4, $0xFFFFFFFF, v4;
	v25 =	vsel vm10, $0x1, v4  }
0x6bb: {  	v23 =	vsel vm4, $0x1, v4;
	v15 =	vadd.s32 v15, v20;
	v13 =	vadd.s32 v18, v13  }
0x6bc: {  	v11 =	vadd.s32 v11, v21;
	v16 =	vadd.s32 v16, v25;
	v13 =	vadd.s32 v17, v13  }
0x6bd: {  	[tilespmem:v0+s15+$0x0] =	vst.idx.msk vm6, v7;
	v25 =	vsel vm2, $0x1, v4;
	v12 =	vadd.s32 v12, v16;
	vm6 =	vgt.u32 v13, $0x1  }
0x6be: {  	v16 =	vadd.s32 v25, v23;
	vm2 =	vgt.u32 v12, $0x1;
	v12 =	vadd.s32 v14, v15;
	[tilespmem:v1+s15+$0xFFFFFFC0] =	vst.idx.msk vm0, v7  }
0x6bf: {  	v14 =	vadd.s32 v22, v16;
	vm0 =	vgt.u32 v12, $0x1;
	v12 =	vsel vm10, $0x1, v5;
	[tilespmem:v1+s15+$0x0] =	vst.idx.msk vm7, v7  }
0x6c0: {  	vm4 =	vgt.u32 v14, $0x1;
	v12 =	vadd.s32 v24, v12;
	[tilespmem:v2+s15+$0xFFFFFFC0] =	vst.idx.msk vm5, v7;
	vm5 =	vgt.u32 v11, $0x1  }
0x6c1: {  	v11 =	vsel vm3, $0xFFFFFFFF, v4;
	[tilespmem:v2+s15+$0x0] =	vst.idx.msk vm1, v7;
	vm1 =	vgt.u32 v10, $0x1;
	v9 =	vadd.s32 v9, v12  }
0x6c2: {  	v8 =	vadd.s32 v8, v11;
	vm3 =	vgt.u32 v9, $0x1;
	v9 =	vsel vm13, $0x2, v6  }
0x6c3: {  	[tilespmem:v1+s15+$0xFFFFFDC0] =	vst.idx.msk vm6, v7;
	v8 =	vadd.s32 v9, v8  }
0x6c4: {  	[tilespmem:v0+s15+$0xFFFFFE00] =	vst.idx.msk vm2, v7;
	vm2 =	vgt.u32 v8, $0x1  }
0x6c5: {  	[tilespmem:v3+s15+$0x0] =	vst.idx.msk vm0, v7;
	vm0 =	vgt.u32 v19, $0x1  }
0x6c6: {  	[tilespmem:v1+s15+$0xFFFFFE00] =	vst.idx.msk vm4, v7  }
0x6c7: {  	[tilespmem:v2+s15+$0xFFFFFDC0] =	vst.idx.msk vm5, v7  }
0x6c8: {  	[tilespmem:v3+s15+$0xFFFFFDC0] =	vst.idx.msk vm1, v7  }
0x6c9: {  	[tilespmem:v2+s15+$0xFFFFFE00] =	vst.idx.msk vm3, v7  }
0x6ca: {  	[tilespmem:v3+s15+$0xFFFFFE00] =	vst.idx.msk vm2, v7  }
0x6cb: {  	[tilespmem:v3+s15+$0xFFFFFFC0] =	vst.idx.msk vm0, v7  }
0x6cc: {  	v8 =	vld.idx.msk [tilespmem:v0+s8+$0xFFFFFDC0], $0xffff  }
0x6cd: {  	v9 =	vld.idx.msk [tilespmem:v3+s8+$0xFFFFFE00], $0xffff  }
0x6ce: {  	v10 =	vld.idx.msk [tilespmem:v3+s8+$0xFFFFFFC0], $0xffff  }
0x6cf: {  	v11 =	vld.idx.msk [tilespmem:v2+s8+$0xFFFFFFC0], $0xffff  }
0x6d0: {  	v12 =	vld.idx.msk [tilespmem:v0+s8+$0xFFFFFFC0], $0xffff  }
0x6d1: {  	v15 =	vld.idx.msk [tilespmem:v2+s8+$0xFFFFFE00], $0xffff  }
0x6d2: {  	v18 =	vld.idx.msk [tilespmem:v1+s8+$0xFFFFFE00], $0xffff  }
0x6d3: {  	v16 =	vld.idx.msk [tilespmem:v1+s8+$0xFFFFFFC0], $0xffff  }
0x6d4: {  	v20 =	vld.idx.msk [tilespmem:v0+s8+$0xFFFFFE00], $0xffff  }
0x6d5: {  	v23 =	vld.idx.msk [tilespmem:v3+s8+$0xFFFFFDC0], $0xffff  }
0x6d6: {  	v24 =	vld.idx.msk [tilespmem:v2+s8+$0xFFFFFDC0], $0xffff  }
0x6d7: {  	v27 =	vld.idx.msk [tilespmem:v0+s8+$0x0], $0xffff  }
0x6d8: {  	v25 =	vld.idx.msk [tilespmem:v1+s8+$0x0], $0xffff  }
0x6d9: {  	v19 =	vand.u32 $0x7FFFFFFF, v8;
	v21 =	vand.u32 $0x7FFFFFFF, v10;
	v11 =	vand.u32 $0x7FFFFFFF, v11  }
0x6da: {  	v22 =	vand.u32 $0x7FFFFFFF, v9;
	v13 =	vand.u32 $0x7FFFFFFF, v12;
	v26 =	vand.u32 $0x7FFFFFFF, v15  }
0x6db: {  	v16 =	vand.u32 $0x7FFFFFFF, v16;
	v20 =	vand.u32 $0x7FFFFFFF, v20;
	v28 =	vand.u32 $0x7FFFFFFF, v18  }
0x6dc: {  	v18 =	vand.u32 $0x7FFFFFFF, v23;
	v23 =	vand.u32 $0x7FFFFFFF, v24;
	v27 =	vand.u32 $0x7FFFFFFF, v27  }
0x6dd: {  	v17 =	vld.idx.msk [tilespmem:v1+s8+$0xFFFFFDC0], $0xffff;
	v25 =	vand.u32 $0x7FFFFFFF, v25;
	vm1 =	vgt.f32 v21, v11;
	vm0 =	vgt.f32 v11, v13  }
0x6de: {  	vm2 =	vgt.f32 v21, v13;
	vm3 =	vgt.f32 v22, v26;
	vm7 =	vgt.f32 v23, v19  }
0x6df: {  	vm4 =	vgt.f32 v18, v23;
	vm5 =	vgt.f32 v18, v19;
	vm9 =	vgt.f32 v25, v27  }
0x6e0: {  	vm14 =	vgt.f32 v22, v28;
	v8 =	vsel vm1, $0x1, v4;
	v14 =	vsel vm0, $0x1, v4  }
0x6e1: {  	v12 =	vsel vm2, $0x1, v4;
	v9 =	vsel vm2, $0x2, v6;
	v10 =	vsel vm0, $0x1, v5  }
0x6e2: {  	vm0 =	vgt.f32 v21, v16;
	vm2 =	vgt.f32 v28, v20;
	v21 =	vand.u32 $0x7FFFFFFF, v17  }
0x6e3: {  	v17 =	vsel vm3, $0x1, v4;
	v29 =	vsel vm3, $0xFFFFFFFF, v4;
	vm3 =	vgt.f32 v26, v20  }
0x6e4: {  	v31 =	vsel vm7, $0x1, v5;
	v32 =	vsel vm9, $0x1, v4;
	v35 =	vsel vm14, $0xFFFFFFFF, v4  }
0x6e5: {  	v24 =	vld.idx.msk [tilespmem:v2+s8+$0x0], $0xffff;
	v37 =	vsel vm7, $0x1, v4;
	v60 =	vsel vm5, $0x2, v6;
	v15 =	vsel vm0, $0x1, v4  }
0x6e6: {  	vm6 =	vgt.f32 v18, v21;
	vm8 =	vgt.f32 v23, v21;
	v18 =	vsel vm3, $0x1, v5  }
0x6e7: {  	v30 =	vsel vm3, $0x1, v4;
	vm3 =	vmneg vm9;
	v29 =	vadd.s32 v29, v35  }
0x6e8: {  	v33 =	vld.idx.msk [tilespmem:v3+s8+$0x0], $0xffff;
	vm9 =	vgt.f32 v22, v20;
	v20 =	vsel vm5, $0x1, v4;
	v23 =	vsel vm8, $0xFFFFFFFF, v4  }
0x6e9: {  	v34 =	vsel vm8, $0x1, v4;
	vm8 =	vgt.f32 v21, v19;
	v21 =	vsel vm4, $0x1, v4  }
0x6ea: {  	v19 =	vsel vm3, $0x1, v4;
	v24 =	vand.u32 $0x7FFFFFFF, v24;
	v36 =	vsel vm8, $0x1, v4  }
0x6eb: {  	vm3 =	vmneg vm8;
	v22 =	vadd.s32 v23, v31;
	v23 =	vsel vm14, $0x1, v4  }
0x6ec: {  	v56 =	vadd.s32 v36, v37;
	v57 =	vsel vm3, $0x1, v4;
	vm3 =	vgt.f32 v26, v28  }
0x6ed: {  	v26 =	vand.u32 $0x7FFFFFFF, v33;
	v22 =	vadd.s32 v21, v22;
	v21 =	vsel vm6, $0x1, v4  }
0x6ee: {  	vm12 =	vgt.f32 v24, v27;
	vm15 =	vgt.f32 v24, v25;
	v28 =	vsel vm3, $0x1, v4  }
0x6ef: {  	vm7 =	vgt.f32 v26, v25;
	v31 =	vadd.s32 v57, v34;
	vm11 =	vgt.f32 v26, v27  }
0x6f0: {  	v20 =	vadd.s32 v20, v56;
	v25 =	vsel vm6, $0xFFFFFFFF, v4;
	vm6 =	vgt.f32 v26, v24  }
0x6f1: {  	v24 =	vsel vm12, $0x1, v5;
	v26 =	vsel vm4, $0xFFFFFFFF, v4;
	v27 =	vsel vm15, $0xFFFFFFFF, v4  }
0x6f2: {  	v31 =	vadd.s32 v21, v31;
	v21 =	vsel vm3, $0xFFFFFFFF, v4;
	v58 =	vsel vm7, $0xFFFFFFFF, v4  }
0x6f3: {  	vm3 =	vgt.u32 v22, $0x1;
	v22 =	vsel vm11, $0x1, v4;
	v59 =	vsel vm6, $0xFFFFFFFF, v4  }
0x6f4: {  	v25 =	vadd.s32 v26, v25;
	v26 =	vsel vm12, $0x1, v4;
	v24 =	vadd.s32 v27, v24  }
0x6f5: {  	vm5 =	vgt.u32 v20, $0x1;
	v20 =	vsel vm9, $0x2, v6;
	v27 =	vsel vm11, $0x2, v6  }
0x6f6: {  	v62 =	vsel vm6, $0x1, v4;
	vm8 =	vgt.u32 v31, $0x1;
	v25 =	vadd.s32 v60, v25  }
0x6f7: {  	v26 =	vadd.s32 v32, v26;
	v20 =	vadd.s32 v20, v29;
	v63 =	vadd.s32 v62, v24  }
0x6f8: {  	v24 =	vadd.s32 v59, v58;
	vm4 =	vgt.u32 v25, $0x1;
	v25 =	vadd.s32 v22, v26  }
0x6f9: {  	v26 =	vsel vm2, $0x1, v4;
	vm2 =	vmneg vm2;
	vm6 =	vgt.u32 v25, $0x1  }
0x6fa: {  	v22 =	vsel vm9, $0x1, v4;
	v27 =	vadd.s32 v27, v24;
	v61 =	vsel vm2, $0x1, v4  }
0x6fb: {  	v24 =	vadd.s32 v26, v30;
	vm2 =	vgt.u32 v27, $0x1;
	v25 =	vadd.s32 v61, v28  }
0x6fc: {  	v26 =	vsel vm15, $0x1, v4;
	v25 =	vadd.s32 v23, v25;
	v23 =	vsel vm1, $0xFFFFFFFF, v4;
	[tilespmem:v0+s8+$0xFFFFFDC0] =	vst.idx.msk vm5, v7  }
0x6fd: {  	s7 =	simm.s32 $0x0;
	s25 =	simm.s32 $0xC740;
	vm1 =	vgt.u32 v25, $0x1;
	v25 =	vsel vm7, $0x1, v4;
	vm5 =	vgt.u32 v63, $0x1;
	[tilespmem:v1+s8+$0xFFFFFDC0] =	vst.idx.msk vm8, v7  }
.LBB2_31:
0x6fe: {  	v27 =	vld.idx.msk [tilespmem:v0+s25+$0xFFFFFDC0], $0xffff;
	s7 =	sadd.s32 $0x100, s7;
	[tilespmem:v2+s8+$0xFFFFFDC0] =	vst.idx.msk vm3, v7;
	v18 =	vadd.s32 v21, v18;
	v19 =	vadd.s32 v19, v26;
	s15 =	simm.s32 $0xC3C0  }
0x6ff: {  	v21 =	vld.idx.msk [tilespmem:v3+s25+$0xFFFFFE00], $0xffff;
	p1 =	slt.u32 s7, $0xF00;
	v17 =	vadd.s32 v17, v18;
	v18 =	vadd.s32 v25, v19;
	[tilespmem:v0+s8+$0x0] =	vst.idx.msk vm6, v7  }
0x700: {  	vm3 =	vgt.f32 v16, v13;
	vm7 =	vgt.f32 v11, v16;
	v19 =	vld.idx.msk [tilespmem:v1+s25+$0xFFFFFDC0], $0xffff;
	vm6 =	vgt.u32 v18, $0x1  }
0x701: {  	v11 =	vsel vm3, $0x1, v4;
	v13 =	vsel vm7, $0x1, v4;
	v18 =	vld.idx.msk [tilespmem:v2+s25+$0xFFFFFDC0], $0xffff;
	[tilespmem:v3+s8+$0xFFFFFDC0] =	vst.idx.msk vm4, v7;
	vm4 =	vmneg vm3  }
0x702: {  	v11 =	vadd.s32 v11, v14;
	vm3 =	vgt.u32 v17, $0x1;
	v16 =	vld.idx.msk [tilespmem:v3+s25+$0xFFFFFFC0], $0xffff;
	v14 =	vsel vm4, $0x1, v4  }
0x703: {  	v25 =	vsel vm0, $0xFFFFFFFF, v4;
	v11 =	vadd.s32 v12, v11;
	v17 =	vld.idx.msk [tilespmem:v2+s25+$0xFFFFFFC0], $0xffff;
	v12 =	vadd.s32 v14, v13  }
0x704: {  	vm9 =	vgt.u32 v11, $0x1;
	v26 =	vand.u32 $0x7FFFFFFF, v27;
	v13 =	vld.idx.msk [tilespmem:v0+s25+$0xFFFFFFC0], $0xffff;
	v12 =	vadd.s32 v15, v12  }
0x705: {  	v11 =	vadd.s32 v22, v24;
	v14 =	vsel vm7, $0xFFFFFFFF, v4;
	v15 =	vld.idx.msk [tilespmem:v2+s25+$0xFFFFFE00], $0xffff;
	vm0 =	vgt.u32 v12, $0x1  }
0x706: {  	vm8 =	vgt.u32 v11, $0x1;
	v11 =	vadd.s32 v23, v25;
	v10 =	vadd.s32 v14, v10;
	v22 =	vld.idx.msk [tilespmem:v1+s25+$0xFFFFFE00], $0xffff  }
0x707: {  	v9 =	vadd.s32 v9, v11;
	v8 =	vadd.s32 v8, v10;
	v23 =	vld.idx.msk [tilespmem:v1+s25+$0xFFFFFFC0], $0xffff;
	[tilespmem:v1+s8+$0x0] =	vst.idx.msk vm6, v7  }
0x708: {  	v21 =	vand.u32 $0x7FFFFFFF, v21;
	v25 =	vand.u32 $0x7FFFFFFF, v16;
	vm6 =	vgt.u32 v8, $0x1;
	v24 =	vld.idx.msk [tilespmem:v0+s25+$0xFFFFFE00], $0xffff;
	[tilespmem:v2+s8+$0x0] =	vst.idx.msk vm5, v7  }
0x709: {  	vm4 =	vgt.u32 v9, $0x1;
	v11 =	vand.u32 $0x7FFFFFFF, v17;
	v27 =	vld.idx.msk [tilespmem:v3+s25+$0xFFFFFDC0], $0xffff;
	[tilespmem:v3+s8+$0x0] =	vst.idx.msk vm2, v7  }
0x70a: {  	vm7 =	vgt.u32 v20, $0x1;
	v13 =	vand.u32 $0x7FFFFFFF, v13;
	vm2 =	vgt.f32 v25, v11;
	v28 =	vld.idx.msk [tilespmem:v3+s25+$0x0], $0xffff;
	[tilespmem:v0+s8+$0xFFFFFFC0] =	vst.idx.msk vm9, v7  }
0x70b: {  	vm5 =	vgt.f32 v11, v13;
	vm9 =	vgt.f32 v25, v13;
	v8 =	vsel vm2, $0x1, v4;
	v20 =	vld.idx.msk [tilespmem:v2+s25+$0x0], $0xffff  }
0x70c: {  	v14 =	vsel vm5, $0x1, v4;
	v12 =	vsel vm9, $0x1, v4;
	v9 =	vsel vm9, $0x2, v6;
	v29 =	vld.idx.msk [tilespmem:v1+s25+$0x0], $0xffff;
	[tilespmem:v0+s8+$0xFFFFFE00] =	vst.idx.msk vm8, v7  }
0x70d: {  	v30 =	vand.u32 $0x7FFFFFFF, v15;
	v10 =	vsel vm5, $0x1, v5;
	v16 =	vand.u32 $0x7FFFFFFF, v23;
	v23 =	vld.idx.msk [tilespmem:v0+s25+$0x0], $0xffff;
	[tilespmem:v1+s8+$0xFFFFFFC0] =	vst.idx.msk vm0, v7  }
0x70e: {  	v22 =	vand.u32 $0x7FFFFFFF, v22;
	v24 =	vand.u32 $0x7FFFFFFF, v24;
	vm0 =	vgt.f32 v25, v16;
	[tilespmem:v1+s8+$0xFFFFFE00] =	vst.idx.msk vm1, v7  }
0x70f: {  	v25 =	vand.u32 $0x7FFFFFFF, v27;
	vm1 =	vgt.f32 v22, v24;
	v15 =	vsel vm0, $0x1, v4;
	[tilespmem:v2+s8+$0xFFFFFFC0] =	vst.idx.msk vm6, v7  }
0x710: {  	v19 =	vand.u32 $0x7FFFFFFF, v19;
	v18 =	vand.u32 $0x7FFFFFFF, v18;
	vm8 =	vgt.f32 v21, v30;
	[tilespmem:v2+s8+$0xFFFFFE00] =	vst.idx.msk vm3, v7  }
0x711: {  	v17 =	vsel vm8, $0x1, v4;
	vm5 =	vgt.f32 v25, v18;
	vm3 =	vgt.f32 v18, v26;
	[tilespmem:v3+s8+$0xFFFFFFC0] =	vst.idx.msk vm4, v7  }
0x712: {  	vm6 =	vgt.f32 v25, v19;
	vm4 =	vgt.f32 v25, v26;
	v25 =	vsel vm8, $0xFFFFFFFF, v4;
	[tilespmem:v3+s8+$0xFFFFFE00] =	vst.idx.msk vm7, v7;
	s8 =	smov.u32 s25  }
0x713: {  	v27 =	vand.u32 $0x7FFFFFFF, v29;
	vm7 =	vgt.f32 v30, v24;
	v23 =	vand.u32 $0x7FFFFFFF, v23  }
0x714: {  	vm8 =	vgt.f32 v18, v19;
	v18 =	vsel vm7, $0x1, v5;
	vm9 =	vgt.f32 v27, v23  }
0x715: {  	v29 =	vsel vm8, $0xFFFFFFFF, v4;
	v31 =	vsel vm7, $0x1, v4;
	vm7 =	vmneg vm9  }
0x716: {  	vm10 =	vgt.f32 v21, v22;
	v32 =	vsel vm3, $0x1, v5;
	v33 =	vsel vm9, $0x1, v4  }
0x717: {  	v35 =	vsel vm10, $0xFFFFFFFF, v4;
	v20 =	vand.u32 $0x7FFFFFFF, v20;
	v34 =	vsel vm8, $0x1, v4  }
0x718: {  	vm8 =	vgt.f32 v19, v26;
	v26 =	vsel vm5, $0x1, v4;
	v19 =	vsel vm7, $0x1, v4  }
0x719: {  	v37 =	vsel vm3, $0x1, v4;
	v25 =	vadd.s32 v25, v35;
	v36 =	vsel vm8, $0x1, v4  }
0x71a: {  	vm3 =	vmneg vm8;
	v35 =	vadd.s32 v36, v37;
	vm9 =	vgt.f32 v21, v24  }
0x71b: {  	v24 =	vsel vm4, $0x1, v4;
	v21 =	vadd.s32 v29, v32;
	v29 =	vsel vm10, $0x1, v4  }
0x71c: {  	v32 =	vsel vm3, $0x1, v4;
	vm3 =	vgt.f32 v30, v22;
	v22 =	vand.u32 $0x7FFFFFFF, v28  }
0x71d: {  	v26 =	vadd.s32 v26, v21;
	v28 =	vsel vm3, $0x1, v4;
	vm7 =	vgt.f32 v22, v27  }
0x71e: {  	v21 =	vsel vm6, $0x1, v4;
	v30 =	vadd.s32 v32, v34;
	vm11 =	vgt.f32 v22, v23  }
0x71f: {  	v30 =	vadd.s32 v21, v30;
	v21 =	vsel vm3, $0xFFFFFFFF, v4;
	v32 =	vsel vm7, $0xFFFFFFFF, v4  }
0x720: {  	vm12 =	vgt.f32 v20, v23;
	v24 =	vadd.s32 v24, v35;
	vm8 =	vgt.u32 v30, $0x1  }
0x721: {  	vm10 =	vgt.f32 v20, v27;
	vm3 =	vgt.u32 v26, $0x1;
	v23 =	vsel vm11, $0x1, v4  }
0x722: {  	v26 =	vsel vm6, $0xFFFFFFFF, v4;
	vm6 =	vgt.f32 v22, v20;
	v20 =	vsel vm12, $0x1, v5  }
0x723: {  	v27 =	vsel vm10, $0xFFFFFFFF, v4;
	v22 =	vsel vm5, $0xFFFFFFFF, v4;
	v30 =	vsel vm6, $0xFFFFFFFF, v4  }
0x724: {  	v34 =	vsel vm4, $0x2, v6;
	v22 =	vadd.s32 v22, v26;
	v26 =	vsel vm12, $0x1, v4  }
0x725: {  	v27 =	vadd.s32 v27, v20;
	v22 =	vadd.s32 v34, v22;
	v26 =	vadd.s32 v33, v26  }
0x726: {  	vm5 =	vgt.u32 v24, $0x1;
	vm4 =	vgt.u32 v22, $0x1;
	v23 =	vadd.s32 v23, v26  }
0x727: {  	v24 =	vsel vm1, $0x1, v4;
	v20 =	vsel vm9, $0x2, v6;
	v22 =	vsel vm9, $0x1, v4  }
0x728: {  	vm1 =	vmneg vm1;
	v20 =	vadd.s32 v20, v25;
	v25 =	vsel vm11, $0x2, v6  }
.Ltmp16:
0x729: {  	v33 =	vsel vm6, $0x1, v4;
	v26 =	vsel vm1, $0x1, v4;
	vm6 =	vgt.u32 v23, $0x1;
	(pc) =	sbr.rel @p1 .LBB2_31-.Ltmp16, $4  }
0x72a: {  	v27 =	vadd.s32 v33, v27;
	v23 =	vadd.s32 v26, v28;
	v26 =	vadd.s32 v30, v32  }
0x72b: {  	v28 =	vadd.s32 v29, v23;
	v23 =	vsel vm2, $0xFFFFFFFF, v4;
	v25 =	vadd.s32 v25, v26  }
0x72c: {  	v24 =	vadd.s32 v24, v31;
	vm1 =	vgt.u32 v28, $0x1;
	vm2 =	vgt.u32 v25, $0x1;
	[tilespmem:v0+s25+$0xFFFFFDC0] =	vst.idx.msk vm5, v7  }
0x72d: {  	v26 =	vsel vm10, $0x1, v4;
	v25 =	vsel vm7, $0x1, v4;
	vm5 =	vgt.u32 v27, $0x1;
	s25 =	sadd.s32 $0x400, s25;
	[tilespmem:v1+s8+$0xFFFFFDC0] =	vst.idx.msk vm8, v7  }
0x72e: {  	v19 =	vadd.s32 v19, v26  }
0x72f: {  	vm7 =	vgt.f32 v16, v13;
	v19 =	vadd.s32 v25, v19  }
0x730: {  	v13 =	vsel vm7, $0x1, v4;
	vm8 =	vgt.u32 v19, $0x1  }
0x731: {  	vm9 =	vgt.f32 v11, v16;
	vm7 =	vmneg vm7;
	v11 =	vadd.s32 v13, v14  }
0x732: {  	v13 =	vsel vm9, $0x1, v4;
	v14 =	vsel vm7, $0x1, v4;
	v11 =	vadd.s32 v12, v11  }
0x733: {  	[tilespmem:v2+s8+$0xFFFFFDC0] =	vst.idx.msk vm3, v7;
	v12 =	vadd.s32 v14, v13;
	vm3 =	vgt.u32 v11, $0x1;
	v11 =	vadd.s32 v22, v24  }
0x734: {  	[tilespmem:v0+s8+$0x0] =	vst.idx.msk vm6, v7;
	v13 =	vsel vm9, $0xFFFFFFFF, v4;
	v12 =	vadd.s32 v15, v12;
	vm6 =	vgt.u32 v11, $0x1  }
0x735: {  	[tilespmem:v3+s8+$0xFFFFFDC0] =	vst.idx.msk vm4, v7;
	v10 =	vadd.s32 v13, v10;
	vm4 =	vgt.u32 v12, $0x1  }
0x736: {  	v11 =	vadd.s32 v21, v18;
	v12 =	vsel vm0, $0xFFFFFFFF, v4;
	v8 =	vadd.s32 v8, v10;
	[tilespmem:v1+s8+$0x0] =	vst.idx.msk vm8, v7  }
0x737: {  	v10 =	vadd.s32 v17, v11;
	v11 =	vadd.s32 v23, v12;
	vm0 =	vgt.u32 v8, $0x1;
	[tilespmem:v2+s8+$0x0] =	vst.idx.msk vm5, v7  }
0x738: {  	v8 =	vadd.s32 v9, v11;
	vm5 =	vgt.u32 v10, $0x1;
	[tilespmem:v3+s8+$0x0] =	vst.idx.msk vm2, v7  }
0x739: {  	vm2 =	vgt.u32 v8, $0x1;
	[tilespmem:v0+s8+$0xFFFFFFC0] =	vst.idx.msk vm3, v7  }
0x73a: {  	vm3 =	vgt.u32 v20, $0x1;
	[tilespmem:v0+s8+$0xFFFFFE00] =	vst.idx.msk vm6, v7  }
0x73b: {  	[tilespmem:v1+s8+$0xFFFFFFC0] =	vst.idx.msk vm4, v7  }
0x73c: {  	[tilespmem:v1+s8+$0xFFFFFE00] =	vst.idx.msk vm1, v7  }
0x73d: {  	[tilespmem:v2+s8+$0xFFFFFFC0] =	vst.idx.msk vm0, v7  }
0x73e: {  	[tilespmem:v2+s8+$0xFFFFFE00] =	vst.idx.msk vm5, v7  }
0x73f: {  	[tilespmem:v3+s8+$0xFFFFFFC0] =	vst.idx.msk vm2, v7  }
0x740: {  	[tilespmem:v3+s8+$0xFFFFFE00] =	vst.idx.msk vm3, v7  }
0x741: {  	v8 =	vld.idx.msk [tilespmem:v0+s15+$0xFFFFFDC0], $0xffff  }
0x742: {  	v9 =	vld.idx.msk [tilespmem:v3+s15+$0xFFFFFFC0], $0xffff  }
0x743: {  	v10 =	vld.idx.msk [tilespmem:v3+s15+$0xFFFFFE00], $0xffff  }
0x744: {  	v11 =	vld.idx.msk [tilespmem:v3+s15+$0xFFFFFDC0], $0xffff  }
0x745: {  	v12 =	vld.idx.msk [tilespmem:v2+s15+$0x0], $0xffff  }
0x746: {  	v13 =	vld.idx.msk [tilespmem:v2+s15+$0xFFFFFDC0], $0xffff  }
0x747: {  	v14 =	vld.idx.msk [tilespmem:v2+s15+$0xFFFFFE00], $0xffff  }
0x748: {  	v15 =	vld.idx.msk [tilespmem:v2+s15+$0xFFFFFFC0], $0xffff  }
0x749: {  	v16 =	vld.idx.msk [tilespmem:v1+s15+$0xFFFFFE00], $0xffff  }
0x74a: {  	v17 =	vld.idx.msk [tilespmem:v0+s15+$0xFFFFFFC0], $0xffff  }
0x74b: {  	v18 =	vld.idx.msk [tilespmem:v0+s15+$0xFFFFFE00], $0xffff  }
0x74c: {  	v32 =	vld.idx.msk [tilespmem:v0+s15+$0x0], $0xffff  }
0x74d: {  	v19 =	vand.u32 $0x7FFFFFFF, v8  }
0x74e: {  	v20 =	vand.u32 $0x7FFFFFFF, v9;
	v21 =	vand.u32 $0x7FFFFFFF, v11;
	v22 =	vand.u32 $0x7FFFFFFF, v10  }
0x74f: {  	v23 =	vand.u32 $0x7FFFFFFF, v12;
	v15 =	vand.u32 $0x7FFFFFFF, v15;
	v14 =	vand.u32 $0x7FFFFFFF, v14  }
0x750: {  	v16 =	vand.u32 $0x7FFFFFFF, v16;
	v47 =	vand.u32 $0x7FFFFFFF, v13;
	v13 =	vand.u32 $0x7FFFFFFF, v17  }
0x751: {  	v49 =	vand.u32 $0x7FFFFFFF, v18;
	v32 =	vand.u32 $0x7FFFFFFF, v32;
	vm2 =	vgt.f32 v20, v15  }
0x752: {  	vm5 =	vgt.f32 v22, v16;
	vm0 =	vgt.f32 v22, v14;
	vm7 =	vgt.f32 v16, v49  }
0x753: {  	v8 =	vld.idx.msk [tilespmem:v1+s15+$0xFFFFFFC0], $0xffff;
	vm1 =	vgt.f32 v20, v13;
	vm3 =	vgt.f32 v21, v47;
	vm10 =	vgt.f32 v47, v19  }
0x754: {  	v9 =	vld.idx.msk [tilespmem:v1+s15+$0xFFFFFDC0], $0xffff;
	vm13 =	vgt.f32 v14, v16;
	vm11 =	vgt.f32 v14, v49;
	v17 =	vsel vm5, $0xFFFFFFFF, v4  }
0x755: {  	v48 =	vsel vm2, $0xFFFFFFFF, v4;
	v18 =	vsel vm0, $0xFFFFFFFF, v4;
	v10 =	vsel vm1, $0x1, v4  }
0x756: {  	vm6 =	vmneg vm7;
	v12 =	vsel vm10, $0x1, v5;
	v30 =	vsel vm10, $0x1, v4  }
0x757: {  	v16 =	vld.idx.msk [tilespmem:v1+s15+$0x0], $0xffff;
	v31 =	vsel vm1, $0x2, v6;
	v50 =	vsel vm7, $0x1, v4;
	v34 =	vsel vm5, $0x1, v4  }
0x758: {  	v35 =	vsel vm2, $0x1, v4;
	v62 =	vsel vm3, $0xFFFFFFFF, v4;
	v36 =	vsel vm6, $0x1, v4  }
0x759: {  	vm6 =	vgt.f32 v23, v32;
	v27 =	vand.u32 $0x7FFFFFFF, v8;
	v28 =	vand.u32 $0x7FFFFFFF, v9  }
0x75a: {  	v8 =	vsel vm0, $0x1, v4;
	v9 =	vsel vm3, $0x1, v4;
	vm0 =	vgt.f32 v15, v13  }
0x75b: {  	vm8 =	vgt.f32 v28, v19;
	vm1 =	vgt.f32 v27, v13;
	vm7 =	vgt.f32 v21, v28  }
0x75c: {  	v51 =	vand.u32 $0x7FFFFFFF, v16;
	v13 =	vsel vm13, $0xFFFFFFFF, v4;
	vm9 =	vgt.f32 v20, v27  }
0x75d: {  	v20 =	vsel vm13, $0x1, v4;
	v55 =	vsel vm0, $0x1, v5;
	vm4 =	vmneg vm8  }
0x75e: {  	vm12 =	vgt.f32 v23, v51;
	vm5 =	vgt.f32 v51, v32;
	v57 =	vadd.s32 v36, v20  }
0x75f: {  	v60 =	vsel vm7, $0xFFFFFFFF, v4;
	v11 =	vsel vm4, $0x1, v4;
	vm4 =	vgt.f32 v21, v19  }
0x760: {  	v29 =	vld.idx.msk [tilespmem:v3+s15+$0x0], $0xffff;
	v19 =	vsel vm8, $0x1, v4;
	v53 =	vsel vm5, $0x1, v4;
	vm2 =	vmneg vm5  }
0x761: {  	v21 =	vsel vm6, $0x1, v5;
	v56 =	vsel vm12, $0x1, v4;
	v24 =	vadd.s32 v34, v57  }
0x762: {  	v33 =	vsel vm4, $0x1, v4;
	v19 =	vadd.s32 v19, v30;
	v54 =	vsel vm2, $0x1, v4  }
0x763: {  	vm2 =	vgt.f32 v15, v27;
	v15 =	vadd.s32 v18, v17;
	v18 =	vsel vm9, $0xFFFFFFFF, v4  }
0x764: {  	v17 =	vimm.s32 $0x0;
	v63 =	vsel vm4, $0x2, v6;
	v14 =	vadd.s32 v33, v19  }
0x765: {  	v19 =	vand.u32 $0x7FFFFFFF, v29;
	v17 =	vsel vm1, $0xFFFFFFFF, v17;
	v25 =	vadd.s32 v48, v18  }
0x766: {  	v18 =	vsel vm12, $0xFFFFFFFF, v4;
	vm12 =	vmmov vm11;
	vm11 =	vmmov vm2  }
0x767: {  	vm8 =	vgt.u32 v14, $0x1;
	v14 =	vsel vm0, $0x1, v4;
	vm10 =	vgt.f32 v19, v23  }
0x768: {  	v23 =	vsel vm6, $0x1, v4;
	vm5 =	vgt.f32 v19, v51;
	vm0 =	vgt.f32 v19, v32  }
0x769: {  	[tilespmem:$0x1FE70] =	vst v17;
	v17 =	vsel vm1, $0x1, v4;
	vm6 =	vgt.f32 v22, v49;
	v22 =	vsel vm12, $0x1, v4  }
0x76a: {  	v16 =	vsel vm10, $0x1, v4;
	v52 =	vsel vm10, $0xFFFFFFFF, v4;
	vm10 =	vgt.f32 v47, v28  }
0x76b: {  	v19 =	vadd.s32 v53, v23;
	v23 =	vsel vm2, $0xFFFFFFFF, v4;
	v20 =	vsel vm0, $0x1, v4  }
0x76c: {  	v58 =	vsel vm0, $0x2, v6;
	v59 =	vsel vm5, $0x1, v4;
	v28 =	vadd.s32 v54, v56  }
0x76d: {  	v61 =	vsel vm5, $0xFFFFFFFF, v4;
	v23 =	vadd.s32 v23, v55;
	v27 =	vadd.s32 v59, v28  }
0x76e: {  	v32 =	vadd.s32 v52, v61;
	v28 =	vadd.s32 v62, v60;
	vm3 =	vgt.u32 v27, $0x1  }
0x76f: {  	v26 =	vadd.s32 v58, v32;
	v27 =	vadd.s32 v63, v28;
	v23 =	vadd.s32 v35, v23  }
0x770: {  	vm13 =	vgt.u32 v26, $0x1;
	vm2 =	vgt.u32 v27, $0x1;
	vm4 =	vgt.u32 v23, $0x1  }
0x771: {  	s7 =	simm.s32 $0x0;
	s8 =	simm.s32 $0xC7C0;
	v23 =	vadd.s32 v50, v22;
	v22 =	vadd.s32 v31, v25;
	[tilespmem:v0+s15+$0xFFFFFDC0] =	vst.idx.msk vm8, v7;
	vm8 =	vgt.u32 v24, $0x1  }
.LBB2_33:
0x772: {  	v25 =	vsel vm10, $0x1, v4  }
0x773: {  	v24 =	vld.idx.msk [tilespmem:v0+s8+$0xFFFFFDC0], $0xffff;
	v26 =	vsel vm6, $0x2, v6;
	v18 =	vadd.s32 v18, v21;
	v27 =	vsel vm12, $0x1, v5  }
0x774: {  	v21 =	vld.idx.msk [tilespmem:v3+s8+$0xFFFFFFC0], $0xffff;
	v14 =	vadd.s32 v17, v14;
	v17 =	vsel vm7, $0x1, v4;
	v15 =	vadd.s32 v26, v15  }
0x775: {  	v16 =	vadd.s32 v16, v18;
	v18 =	vld.idx.msk [tilespmem:v3+s8+$0xFFFFFE00], $0xffff;
	v13 =	vadd.s32 v13, v27;
	v10 =	vadd.s32 v10, v14  }
0x776: {  	v14 =	vsel vm10, $0xFFFFFFFF, v4;
	vm1 =	vgt.u32 v16, $0x1;
	v16 =	vld.idx.msk [tilespmem:v3+s8+$0xFFFFFDC0], $0xffff;
	v8 =	vadd.s32 v8, v13  }
0x777: {  	v13 =	vld.idx.msk [tilespmem:v2+s8+$0x0], $0xffff;
	vm14 =	vgt.u32 v10, $0x1;
	v12 =	vadd.s32 v14, v12;
	v14 =	vadd.s32 v20, v19  }
0x778: {  	v10 =	vld.idx.msk [tilespmem:v2+s8+$0xFFFFFDC0], $0xffff;
	vm0 =	vgt.u32 v15, $0x1;
	vm12 =	vgt.u32 v14, $0x1;
	v14 =	vimm.s32 $0x0  }
0x779: {  	vm7 =	vmmov vm4;
	v11 =	vadd.s32 v11, v25;
	v15 =	vld.idx.msk [tilespmem:v0+s8+$0xFFFFFE00], $0xffff;
	v14 =	vsel vm0, $0xFFFFFFFF, v14  }
0x77a: {  	vm4 =	vmmov vm13;
	v11 =	vadd.s32 v17, v11;
	v9 =	vadd.s32 v9, v12;
	[tilespmem:$0x1FE40] =	vst v14;
	v14 =	vld [tilespmem:$0x1FE70]  }
0x77b: {  	vm15 =	vgt.u32 v11, $0x1;
	vm10 =	vgt.u32 v8, $0x1;
	v8 =	vsel vm9, $0x1, v4;
	v12 =	vld.idx.msk [tilespmem:v0+s8+$0xFFFFFFC0], $0xffff  }
0x77c: {  	v19 =	vld.idx.msk [tilespmem:v2+s8+$0xFFFFFE00], $0xffff;
	vm9 =	vgt.u32 v22, $0x1;
	v20 =	vand.u32 $0x7FFFFFFF, v21;
	v21 =	vsel vm6, $0x1, v4  }
0x77d: {  	vm13 =	vgt.u32 v9, $0x1;
	v17 =	vand.u32 $0x7FFFFFFF, v24;
	v21 =	vadd.s32 v21, v23;
	v23 =	vld.idx.msk [tilespmem:v1+s8+$0xFFFFFDC0], $0xffff  }
0x77e: {  	v11 =	vld.idx.msk [tilespmem:v2+s8+$0xFFFFFFC0], $0xffff;
	v46 =	vand.u32 $0x7FFFFFFF, v18;
	v16 =	vand.u32 $0x7FFFFFFF, v16;
	v47 =	vand.u32 $0x7FFFFFFF, v13  }
0x77f: {  	v9 =	vld.idx.msk [tilespmem:v1+s8+$0xFFFFFE00], $0xffff;
	v29 =	vand.u32 $0x7FFFFFFF, v15;
	[tilespmem:v0+s15+$0xFFFFFFC0] =	vst.idx.msk vm14, v7;
	vm14 =	vgt.u32 v21, $0x1;
	vm0 =	vnez.u8 v14  }
0x780: {  	v48 =	vand.u32 $0x7FFFFFFF, v12;
	v12 =	vimm.s32 $0x0;
	v18 =	vld.idx.msk [tilespmem:v1+s8+$0xFFFFFFC0], $0xffff;
	vm0 =	vmneg vm0  }
0x781: {  	[tilespmem:v1+s15+$0xFFFFFDC0] =	vst.idx.msk vm15, v7;
	vm15 =	vgt.f32 v20, v48;
	v14 =	vsel vm11, $0x1, v4;
	v22 =	vsel vm0, $0x1, v4  }
0x782: {  	v21 =	vld.idx.msk [tilespmem:v0+s8+$0x0], $0xffff;
	[tilespmem:v0+s15+$0x0] =	vst.idx.msk vm12, v7;
	v32 =	vsel vm15, $0x2, v6;
	v23 =	vand.u32 $0x7FFFFFFF, v23;
	v13 =	vadd.s32 v22, v14  }
0x783: {  	[tilespmem:v2+s15+$0xFFFFFDC0] =	vst.idx.msk vm13, v7;
	v14 =	vand.u32 $0x7FFFFFFF, v19;
	v19 =	vand.u32 $0x7FFFFFFF, v11;
	v22 =	vand.u32 $0x7FFFFFFF, v10  }
0x784: {  	[tilespmem:v1+s15+$0x0] =	vst.idx.msk vm3, v7;
	v10 =	vsel vm15, $0x1, v4;
	v8 =	vadd.s32 v8, v13;
	v13 =	vand.u32 $0x7FFFFFFF, v9  }
0x785: {  	vm6 =	vgt.f32 v20, v19;
	vm13 =	vgt.f32 v46, v14;
	v18 =	vand.u32 $0x7FFFFFFF, v18;
	[tilespmem:v0+s15+$0xFFFFFE00] =	vst.idx.msk vm14, v7  }
0x786: {  	vm14 =	vgt.f32 v23, v17;
	vm11 =	vgt.f32 v16, v22;
	vm3 =	vgt.f32 v22, v17  }
0x787: {  	vm12 =	vgt.f32 v14, v29;
	vm0 =	vgt.u32 v8, $0x1;
	vm5 =	vgt.f32 v46, v13  }
0x788: {  	[tilespmem:v3+s15+$0xFFFFFDC0] =	vst.idx.msk vm2, v7;
	v28 =	vsel vm6, $0xFFFFFFFF, v4;
	v15 =	vsel vm13, $0xFFFFFFFF, v4;
	vm2 =	vgt.f32 v13, v29  }
0x789: {  	[tilespmem:v2+s15+$0x0] =	vst.idx.msk vm1, v7;
	v8 =	vimm.s32 $0x0;
	vm1 =	vmneg vm14;
	v9 =	vsel vm11, $0x1, v4  }
0x78a: {  	[tilespmem:v1+s15+$0xFFFFFE00] =	vst.idx.msk vm8, v7;
	vm8 =	vgt.f32 v16, v17;
	v17 =	vsel vm3, $0x1, v4;
	v53 =	vsel vm12, $0x1, v4  }
0x78b: {  	v30 =	vld.idx.msk [tilespmem:v3+s8+$0x0], $0xffff;
	v54 =	vsel vm6, $0x1, v4;
	vm6 =	vgt.f32 v46, v29;
	v49 =	vsel vm5, $0xFFFFFFFF, v4  }
0x78c: {  	v31 =	vld.idx.msk [tilespmem:v1+s8+$0x0], $0xffff;
	v8 =	vsel vm11, $0xFFFFFFFF, v8;
	v11 =	vsel vm1, $0x1, v4;
	vm1 =	vmneg vm2  }
0x78d: {  	v33 =	vsel vm8, $0x1, v4;
	[tilespmem:v2+s15+$0xFFFFFE00] =	vst.idx.msk vm10, v7;
	v50 =	vsel vm2, $0x1, v4;
	vm10 =	vgt.f32 v22, v23  }
0x78e: {  	vm11 =	vgt.f32 v19, v18;
	v52 =	vsel vm5, $0x1, v4;
	v63 =	vsel vm8, $0x2, v6  }
0x78f: {  	[tilespmem:$0x1FE60] =	vst v8;
	v8 =	vsel vm13, $0x1, v4;
	vm13 =	vgt.f32 v14, v13;
	v13 =	vsel vm14, $0x1, v4  }
0x790: {  	v12 =	vsel vm1, $0xFFFFFFFF, v12;
	vm1 =	vgt.f32 v18, v48;
	v13 =	vadd.s32 v13, v17  }
0x791: {  	v51 =	vand.u32 $0x7FFFFFFF, v31;
	v30 =	vand.u32 $0x7FFFFFFF, v30;
	v13 =	vadd.s32 v33, v13  }
0x792: {  	v15 =	vadd.s32 v15, v49;
	v57 =	vsel vm11, $0xFFFFFFFF, v4;
	vm15 =	vgt.u32 v13, $0x1;
	v13 =	vld [tilespmem:$0x1FE40]  }
0x793: {  	[tilespmem:$0x1FE50] =	vst v12;
	v12 =	vsel vm3, $0x1, v5;
	vm3 =	vgt.f32 v19, v48;
	vm14 =	vgt.f32 v47, v51  }
0x794: {  	[tilespmem:v3+s15+$0x0] =	vst.idx.msk vm4, v7;
	v17 =	vsel vm1, $0x1, v4;
	vm4 =	vgt.f32 v30, v51;
	v19 =	vand.u32 $0x7FFFFFFF, v21  }
0x795: {  	v56 =	vsel vm13, $0x1, v4;
	v14 =	vsel vm3, $0x1, v4;
	vm2 =	vgt.f32 v47, v19  }
0x796: {  	v58 =	vsel vm3, $0x1, v5;
	v59 =	vsel vm14, $0x1, v4;
	v60 =	vsel vm4, $0x1, v4;
	[tilespmem:v1+s15+$0xFFFFFFC0] =	vst.idx.msk vm0, v7  }
0x797: {  	v35 =	vsel vm4, $0xFFFFFFFF, v4;
	v29 =	vadd.s32 v57, v58;
	[tilespmem:v2+s15+$0xFFFFFFC0] =	vst.idx.msk vm7, v7;
	vm0 =	vnez.u8 v13  }
0x798: {  	v21 =	vsel vm2, $0x1, v4;
	v27 =	vadd.s32 v54, v29;
	[tilespmem:v3+s15+$0xFFFFFFC0] =	vst.idx.msk vm9, v7;
	vm9 =	vgt.f32 v20, v18  }
0x799: {  	vm7 =	vgt.f32 v16, v23;
	v16 =	vimm.s32 $0x0;
	v20 =	vsel vm9, $0xFFFFFFFF, v4  }
0x79a: {  	vm4 =	vgt.u32 v27, $0x1;
	v16 =	vsel vm1, $0xFFFFFFFF, v16;
	v22 =	vadd.s32 v28, v20;
	v20 =	vld [tilespmem:$0x1FE50]  }
0x79b: {  	vm1 =	vgt.f32 v51, v19;
	v18 =	vsel vm14, $0xFFFFFFFF, v4;
	v61 =	vsel vm7, $0xFFFFFFFF, v4  }
0x79c: {  	v62 =	vld [tilespmem:$0x1FE60];
	[tilespmem:v0+s8+$0xFFFFFDC0] =	vst.idx.msk vm15, v7;
	vm15 =	vgt.f32 v30, v19;
	v19 =	vsel vm1, $0x1, v4;
	v22 =	vadd.s32 v32, v22  }
0x79d: {  	v13 =	vsel vm13, $0xFFFFFFFF, v4;
	v19 =	vadd.s32 v19, v21;
	[tilespmem:v3+s15+$0xFFFFFE00] =	vst.idx.msk vm0, v7;
	vm0 =	vgt.f32 v30, v47  }
0x79e: {  	[tilespmem:$0x1FE70] =	vst v16;
	v16 =	vsel vm0, $0x1, v4;
	v23 =	vsel vm0, $0xFFFFFFFF, v4;
	vm0 =	vmneg vm1  }
0x79f: {  	s7 =	sadd.s32 $0x100, s7;
	v21 =	vsel vm2, $0x1, v5;
	v55 =	vsel vm0, $0x1, v4;
	vm0 =	vnez.u8 v20  }
0x7a0: {  	p1 =	slt.u32 s7, $0xF00;
	v34 =	vsel vm15, $0x2, v6;
	v23 =	vadd.s32 v23, v35;
	v20 =	vsel vm0, $0x1, v4  }
.Ltmp17:
0x7a1: {  	v28 =	vadd.s32 v55, v59;
	vm0 =	vnez.u8 v62;
	v23 =	vadd.s32 v34, v23;
	(pc) =	sbr.rel @p1 .LBB2_33-.Ltmp17, $4  }
0x7a2: {  	v24 =	vadd.s32 v20, v56;
	v20 =	vsel vm15, $0x1, v4;
	v30 =	vsel vm0, $0xFFFFFFFF, v4  }
0x7a3: {  	v28 =	vadd.s32 v60, v28;
	vm13 =	vgt.u32 v23, $0x1;
	v30 =	vadd.s32 v30, v61  }
0x7a4: {  	vm3 =	vgt.u32 v28, $0x1;
	v24 =	vadd.s32 v52, v24;
	v28 =	vadd.s32 v63, v30  }
0x7a5: {  	s15 =	smov.u32 s8;
	s8 =	sadd.s32 $0x400, s8;
	v23 =	vadd.s32 v50, v53;
	vm8 =	vgt.u32 v24, $0x1;
	vm2 =	vgt.u32 v28, $0x1  }
0x7a6: {  	v14 =	vadd.s32 v17, v14;
	v53 =	vadd.s32 v20, v19  }
0x7a7: {  	v24 =	vsel vm10, $0x1, v4;
	v10 =	vadd.s32 v10, v14;
	vm5 =	vgt.u32 v53, $0x1  }
0x7a8: {  	v49 =	vsel vm7, $0x1, v4;
	v56 =	vld [tilespmem:$0x1FE70];
	v11 =	vadd.s32 v11, v24;
	vm0 =	vgt.u32 v10, $0x1  }
0x7a9: {  	v50 =	vsel vm10, $0xFFFFFFFF, v4;
	v55 =	vsel vm6, $0x1, v4;
	v51 =	vadd.s32 v49, v11  }
0x7aa: {  	v52 =	vadd.s32 v50, v12;
	v10 =	vadd.s32 v55, v23;
	vm1 =	vgt.u32 v51, $0x1  }
0x7ab: {  	v9 =	vadd.s32 v9, v52;
	vm14 =	vgt.u32 v10, $0x1  }
0x7ac: {  	v54 =	vadd.s32 v18, v21;
	vm7 =	vgt.u32 v9, $0x1  }
0x7ad: {  	v57 =	vsel vm11, $0x1, v4;
	v61 =	vsel vm12, $0x1, v5;
	vm15 =	vnez.u8 v56;
	[tilespmem:v0+s15+$0x0] =	vst.idx.msk vm5, v7  }
0x7ae: {  	v62 =	vadd.s32 v13, v61;
	v9 =	vadd.s32 v16, v54;
	vm10 =	vmneg vm15;
	[tilespmem:v0+s15+$0xFFFFFFC0] =	vst.idx.msk vm0, v7  }
0x7af: {  	v8 =	vadd.s32 v8, v62;
	vm15 =	vgt.u32 v9, $0x1;
	v58 =	vsel vm10, $0x1, v4;
	[tilespmem:v1+s15+$0x0] =	vst.idx.msk vm3, v7  }
0x7b0: {  	v59 =	vsel vm9, $0x1, v4;
	vm12 =	vgt.u32 v8, $0x1;
	v60 =	vadd.s32 v58, v57;
	[tilespmem:v1+s15+$0xFFFFFDC0] =	vst.idx.msk vm1, v7  }
0x7b1: {  	v9 =	vadd.s32 v59, v60;
	[tilespmem:v0+s15+$0xFFFFFE00] =	vst.idx.msk vm14, v7  }
0x7b2: {  	vm11 =	vgt.u32 v9, $0x1;
	[tilespmem:v2+s15+$0xFFFFFDC0] =	vst.idx.msk vm7, v7  }
0x7b3: {  	v63 =	vsel vm6, $0x2, v6;
	[tilespmem:v1+s15+$0xFFFFFE00] =	vst.idx.msk vm8, v7  }
0x7b4: {  	v8 =	vadd.s32 v63, v15;
	vm14 =	vgt.u32 v22, $0x1;
	[tilespmem:v3+s15+$0xFFFFFDC0] =	vst.idx.msk vm2, v7  }
0x7b5: {  	[tilespmem:v2+s15+$0x0] =	vst.idx.msk vm15, v7;
	vm15 =	vgt.u32 v8, $0x1  }
0x7b6: {  	[tilespmem:v2+s15+$0xFFFFFE00] =	vst.idx.msk vm12, v7  }
0x7b7: {  	[tilespmem:v3+s15+$0x0] =	vst.idx.msk vm13, v7  }
.Ltmp18:
0x7b8: {  	[tilespmem:v1+s15+$0xFFFFFFC0] =	vst.idx.msk vm11, v7;
	(pc) =	sbr.rel @p0 .LBB2_36-.Ltmp18, $4  }
0x7b9: {  	[tilespmem:v2+s15+$0xFFFFFFC0] =	vst.idx.msk vm4, v7  }
0x7ba: {  	[tilespmem:v3+s15+$0xFFFFFFC0] =	vst.idx.msk vm14, v7  }
0x7bb: {  	s1 =	sadd.s32 s1, s12;
	[tilespmem:v3+s15+$0xFFFFFE00] =	vst.idx.msk vm15, v7  }
0x7bc: {  	[hbm4b:s1+s16] =	stream.strided.scatter [tilespmem:s22], [sflag:$0x8], $0x4000, s17, s16, $0x38;
	[tilespmem:$0x10000] =	vst v63  }
.Ltmp19:
0x7bd: {  	s0 =	sadd.s32 s0, s14;
	(pc) =	sbr.rel .LBB2_2-.Ltmp19, $4  }
0x7be: {  	_ =	swait.ge [sflag:s26], $0x4000;
	s0 =	sshll.u32 s0, $0x9  }
0x7bf: {  	[sflag:s26] =	ssyncset.done $0x0;
	s0 =	sand.u32 $0x1FFFE000, s0  }
0x7c0: {  	s31 =	sadd.s32 $0x1, s31;
	[sflag:s26] =	ssyncadd.s32 $0xFFFFC000;
	s0 =	sadd.s32 s0, s6  }
0x7c1: {  	[tilespmem:s18], [sflag:$0x2] =	stream.strided.gather [hbm4b:s0+s16], $0x4000, s17, s16, $0x38;
	[tilespmem:$0x10000] =	vst v63  }
.LBB2_37:
0x7c2: {  	_ =	sfence.sel $0x180000  }
0x7c3: {  	[bflag:$0x0] =	sbarrier.arrive $0xFFFF  }
0x7c4: {  	_ =	strace $0x90000047  }
0x7c5: {  	s0 =	stileid.u32;
	[bflag:$0x2] =	sbarrier.arrive $0xFFFF  }
0x7c6: {  	p0 =	sne.s32 s0, $0x0;
	s0 =	rddreg [dreg:$0x2]  }
0x7c7: {  	s0 =	sadd.s32 @!p0 $0x100000, s0  }
0x7c8: {  	[sflag:s0] =	ssyncadd.tile.s32 @!p0 $0x1;
	_ =	shalt  }
.Lfunc_end2:
_tile_overlayer_lowered:
.L_overlay_start_2:
0x7c9: {  	(tag) =	ssettag $0x2  }
0x7ca: {  	s0 =	rddreg [dreg:$0x0];
	s2 =	stileid.u32  }
0x7cb: {  	s1 =	rddreg [dreg:$0x1];
	p0 =	sne.s32 s2, $0x0  }
0x7cc: {  	s3 =	rddreg [dreg:$0x2];
	[bflag:$0x3] =	sbarrier.arrive $0xFFFF;
	s2 =	simm.s32 @!p0 $0x1C09  }
0x7cd: {  	[timem:s3], [sflag:s2] =	dma.local @!p0 [hbm:s0], s1  }
0x7ce: {  	s0 =	simm.s32 @!p0 $0x9  }
0x7cf: {  	_ =	swait.ge @!p0 [sflag:s0], s1  }
0x7d0: {  	s1 =	ssub.s32 @!p0 $0x0, s1;
	[sflag:s0] =	ssyncset.done @!p0 $0x0  }
0x7d1: {  	[sflag:s0] =	ssyncadd.s32 @!p0 s1  }
0x7d2: {  	[bflag:$0x3] =	sbarrier.arrive $0xFFFF  }
0x7d3: {  	_ =	shalt  }

</sc_bundles>
